<compile_context>
chip_gen: v7x
topology: tpu7x:2x2x1
jax: 0.10.2.dev20260603
libtpu: 0.0.44.dev20260713+nightly
codegen_flags: <defaults>
</compile_context>

<pallas_src>
import functools

import jax
import jax.numpy as jnp
from jax import lax
from jax.experimental import pallas as pl
from jax.experimental.pallas import tpu as pltpu
from jax.experimental.pallas import tpu_sc as plsc

B = 16384
L = 50
D = 32
VOCAB_ROWS = 1000000
NUM_CLASSES = 2

NC = 2
NS = 16
NW = NC * NS

SPW = B // NW
CS = 32
NCH = SPW // CS
IDX_PER_CHUNK = CS * L
GW = 64
NG = IDX_PER_CHUNK // GW


def _body(idx_hbm, table_hbm, wb_hbm, out_hbm,
          idx_a, idx_b, rows_a, rows_b, sums_v, out_v, wb_v, sem_a, sem_b):
    wid = lax.axis_index("c") * NS + lax.axis_index("s")

    def stage(ci, idx_v, rows_v, sem):
        pltpu.sync_copy(idx_hbm.at[wid * NCH + ci], idx_v)
        for j in range(NG):
            pltpu.async_copy(table_hbm.at[idx_v.at[j]],
                             rows_v.at[pl.ds(j * GW, GW)], sem)

    def drain(rows_v, sem):
        for j in range(NG):
            pltpu.make_async_copy(table_hbm.at[idx_a.at[0]],
                                  rows_v.at[pl.ds(j * GW, GW)], sem).wait()

    def accum(ci, rows_v):
        def sample_body(s, carry2):
            r0 = s * L
            a0 = rows_v[r0, pl.ds(0, 16)]
            a1 = rows_v[r0, pl.ds(16, 16)]
            for l in range(1, L):
                a0 = a0 + rows_v[r0 + l, pl.ds(0, 16)]
                a1 = a1 + rows_v[r0 + l, pl.ds(16, 16)]
            sums_v[ci * CS + s, pl.ds(0, 16)] = a0
            sums_v[ci * CS + s, pl.ds(16, 16)] = a1
            return carry2

        lax.fori_loop(0, CS, sample_body, 0)

    stage(0, idx_a, rows_a, sem_a)
    stage(1, idx_b, rows_b, sem_b)

    def pair_body(k, carry):
        ci = 2 * k

        drain(rows_a, sem_a)
        accum(ci, rows_a)

        @pl.when(ci + 2 < NCH)
        def _():
            stage(ci + 2, idx_a, rows_a, sem_a)

        drain(rows_b, sem_b)
        accum(ci + 1, rows_b)

        @pl.when(ci + 3 < NCH)
        def _():
            stage(ci + 3, idx_b, rows_b, sem_b)

        return carry

    lax.fori_loop(0, NCH // 2, pair_body, 0)

    pltpu.sync_copy(wb_hbm, wb_v)
    wvecs = [wb_v[pl.ds(k * 16, 16)] for k in range(5)]
    w0 = [wvecs[d // 16][d % 16] for d in range(D)]
    w1 = [wvecs[2 + d // 16][d % 16] for d in range(D)]
    b0 = wvecs[4][0]
    b1 = wvecs[4][1]
    lane = lax.iota(jnp.int32, 16)
    inv_l = jnp.float32(1.0 / L)

    def fc_body(g, carry):
        rows = g * 16 + lane
        l0 = jnp.zeros((16,), jnp.float32)
        l1 = jnp.zeros((16,), jnp.float32)
        for d in range(D):
            col = jnp.full((16,), d, jnp.int32)
            x = plsc.load_gather(sums_v, [rows, col])
            l0 = l0 + x * w0[d]
            l1 = l1 + x * w1[d]
        l0 = l0 * inv_l + b0
        l1 = l1 * inv_l + b1
        plsc.store_scatter(out_v, [rows * 2], l0)
        plsc.store_scatter(out_v, [rows * 2 + 1], l1)
        return carry

    lax.fori_loop(0, SPW // 16, fc_body, 0)
    pltpu.sync_copy(out_v, out_hbm.at[pl.ds(wid * SPW * NUM_CLASSES,
                                            SPW * NUM_CLASSES)])


@jax.jit
def _run(idx2d, table, wb):
    mesh = plsc.VectorSubcoreMesh(core_axis_name="c", subcore_axis_name="s")
    kfn = functools.partial(
        pl.kernel,
        mesh=mesh,
        compiler_params=pltpu.CompilerParams(
            needs_layout_passes=False, use_tc_tiling_on_sc=False),
        out_type=jax.ShapeDtypeStruct((B * NUM_CLASSES,), jnp.float32),
        scratch_types=[
            pltpu.VMEM((NG, GW), jnp.int32),
            pltpu.VMEM((NG, GW), jnp.int32),
            pltpu.VMEM((IDX_PER_CHUNK, D), jnp.float32),
            pltpu.VMEM((IDX_PER_CHUNK, D), jnp.float32),
            pltpu.VMEM((SPW, D), jnp.float32),
            pltpu.VMEM((SPW * NUM_CLASSES,), jnp.float32),
            pltpu.VMEM((80,), jnp.float32),
            pltpu.SemaphoreType.DMA,
            pltpu.SemaphoreType.DMA,
        ],
    )(_body)
    return kfn(idx2d, table, wb)


def kernel(input_ids, embed_table, fc_w, fc_b):
    idx2d = input_ids.astype(jnp.int32).reshape(NW * NCH, NG, GW)
    b_pad = jnp.zeros((16,), jnp.float32).at[:NUM_CLASSES].set(fc_b)
    wb = jnp.concatenate([fc_w[:, 0], fc_w[:, 1], b_pad])
    out = _run(idx2d, embed_table, wb)
    return out.reshape(B, NUM_CLASSES)

# --- scband reference (transcript-rebuilt; emitter-appended) ---
"""Pipeline reference for scband-simple-classifier-13743895347642 (READ-ONLY COPY).

The authoritative reference and input builder live on the scoring server;
editing this copy changes nothing except your own understanding.
"""

import jax, jax.numpy as jnp
import numpy as np

VOCAB = 1000000
SEQ_LEN = 50
EMBED_DIM = 32
NUM_CLASSES = 2
BATCH = 16384


def setup_inputs(seed: int = 0) -> dict:
    key = jax.random.key(seed)
    k1, k2, k3, k4 = jax.random.split(key, 4)
    input_ids = jax.random.randint(k1, (BATCH, SEQ_LEN), 0, VOCAB, dtype=jnp.int64 if jax.config.jax_enable_x64 else jnp.int32)
    embed_table = jax.random.normal(k2, (VOCAB, EMBED_DIM), dtype=jnp.float32)
    fc_w = jax.random.normal(k3, (EMBED_DIM, NUM_CLASSES), dtype=jnp.float32) * (1.0 / np.sqrt(EMBED_DIM))
    fc_b = jax.random.normal(k4, (NUM_CLASSES,), dtype=jnp.float32) * 0.01
    return {"input_ids": input_ids, "embed_table": embed_table, "fc_w": fc_w, "fc_b": fc_b}


def reference(input_ids, embed_table, fc_w, fc_b):
    # x = self.embed(input_ids): [B, L, D] gather
    x = jnp.take(embed_table, input_ids, axis=0)
    # permute(0,2,1) + AdaptiveAvgPool1d(1) + squeeze == mean over sequence dim
    x = jnp.mean(x, axis=1)
    # logits = self.fc(x)
    logits = x @ fc_w + fc_b
    return logits

if __name__ == "__main__":
    import jax
    _d = setup_inputs()
    print(jax.jit(kernel)(*tuple(_d.values())))

</pallas_src>

<mosaic_0001>
#map = affine_map<(d0, d1) -> (0, 0, 0)>
#map1 = affine_map<(d0, d1) -> (0, 0)>
#map2 = affine_map<(d0, d1) -> (0)>
module attributes {stable_mosaic.version = 14 : i64} {
  func.func @_body(%arg0: i32, %arg1: i32, %arg2: memref<512x25x64xi32, #tpu.memory_space<hbm>>, %arg3: memref<1000000x32xf32, #tpu.memory_space<hbm>>, %arg4: memref<80xf32, #tpu.memory_space<hbm>>, %arg5: memref<32768xf32, #tpu.memory_space<hbm>>, %arg6: memref<25x64xi32, #tpu.memory_space<vmem>>, %arg7: memref<25x64xi32, #tpu.memory_space<vmem>>, %arg8: memref<1600x32xf32, #tpu.memory_space<vmem>>, %arg9: memref<1600x32xf32, #tpu.memory_space<vmem>>, %arg10: memref<512x32xf32, #tpu.memory_space<vmem>>, %arg11: memref<1024xf32, #tpu.memory_space<vmem>>, %arg12: memref<80xf32, #tpu.memory_space<vmem>>, %arg13: memref<!tpu.dma_semaphore, #tpu.memory_space<semaphore_mem>>, %arg14: memref<!tpu.dma_semaphore, #tpu.memory_space<semaphore_mem>>) attributes {dimension_semantics = [#tpu.dimension_semantics<core_parallel>, #tpu.dimension_semantics<subcore_parallel>], iteration_bounds = array<i64: 2, 16>, scalar_prefetch = 0 : i64, scratch_operands = 9 : i64, tpu.core_type = #tpu.core_type<sc_vector_subcore>, window_params = [{transform_indices = #map}, {transform_indices = #map1}, {transform_indices = #map2}, {transform_indices = #map2}]} {
    %mul3A = arith.constant 16 : i32
    %mul3A_0 = arith.muli %arg0, %mul3A : i32
    %add3A = arith.addi %mul3A_0, %arg1 : i32
    %mul3A_1 = arith.constant 16 : i32
    %mul3A_2 = arith.muli %add3A, %mul3A_1 : i32
    %add3A_3 = arith.constant 0 : i32
    %add3A_4 = arith.addi %mul3A_2, %add3A_3 : i32
    "tpu.region"() ({
      %run_scoped3A = tpu.sem_alloc : memref<!tpu.dma_semaphore, #tpu.memory_space<semaphore_mem>>
      %dma_start3A_663 = arith.constant 0 : i32
      %dma_start3A_664 = arith.constant 0 : i32
      %dma_start3A_665 = tpu.memref_slice %arg2[%add3A_4, %dma_start3A_663, %dma_start3A_664] : memref<512x25x64xi32, #tpu.memory_space<hbm>> -> memref<1x25x64xi32, #tpu.memory_space<hbm>>
      %dma_start3A_666 = tpu.memref_squeeze %dma_start3A_665 : memref<1x25x64xi32, #tpu.memory_space<hbm>> -> memref<25x64xi32, #tpu.memory_space<hbm>>
      %dma_start3A_667 = arith.constant 0 : i32
      %dma_start3A_668 = arith.constant 0 : i32
      %dma_start3A_669 = tpu.memref_slice %arg2[%add3A_4, %dma_start3A_667, %dma_start3A_668] : memref<512x25x64xi32, #tpu.memory_space<hbm>> -> memref<1x25x64xi32, #tpu.memory_space<hbm>>
      %dma_start3A_670 = tpu.memref_squeeze %dma_start3A_669 : memref<1x25x64xi32, #tpu.memory_space<hbm>> -> memref<25x64xi32, #tpu.memory_space<hbm>>
      tpu.enqueue_dma source(%dma_start3A_670 : memref<25x64xi32, #tpu.memory_space<hbm>>) target(%arg6 : memref<25x64xi32, #tpu.memory_space<vmem>>) target_semaphore(%run_scoped3A : memref<!tpu.dma_semaphore, #tpu.memory_space<semaphore_mem>>)
      %dma_wait3A = arith.constant 0 : i32
      %dma_wait3A_671 = arith.constant 0 : i32
      %dma_wait3A_672 = tpu.memref_slice %arg2[%add3A_4, %dma_wait3A, %dma_wait3A_671] : memref<512x25x64xi32, #tpu.memory_space<hbm>> -> memref<1x25x64xi32, #tpu.memory_space<hbm>>
      %dma_wait3A_673 = tpu.memref_squeeze %dma_wait3A_672 : memref<1x25x64xi32, #tpu.memory_space<hbm>> -> memref<25x64xi32, #tpu.memory_space<hbm>>
      %dma_wait3A_674 = arith.constant 0 : i32
      %dma_wait3A_675 = arith.constant 0 : i32
      %dma_wait3A_676 = tpu.memref_slice %arg2[%add3A_4, %dma_wait3A_674, %dma_wait3A_675] : memref<512x25x64xi32, #tpu.memory_space<hbm>> -> memref<1x25x64xi32, #tpu.memory_space<hbm>>
      %dma_wait3A_677 = tpu.memref_squeeze %dma_wait3A_676 : memref<1x25x64xi32, #tpu.memory_space<hbm>> -> memref<25x64xi32, #tpu.memory_space<hbm>>
      tpu.wait_dma2 semaphore(%run_scoped3A : memref<!tpu.dma_semaphore, #tpu.memory_space<semaphore_mem>>) src(%dma_wait3A_677 : memref<25x64xi32, #tpu.memory_space<hbm>>) dst(%arg6 : memref<25x64xi32, #tpu.memory_space<vmem>>)
      tpu.yield
    }) : () -> ()
    %dma_start3A = arith.constant 0 : i32
    %dma_start3A_5 = arith.constant 0 : i32
    %dma_start3A_6 = arith.constant 0 : i32
    %dma_start3A_7 = tpu.memref_slice %arg8[%dma_start3A_5, %dma_start3A_6] : memref<1600x32xf32, #tpu.memory_space<vmem>> -> memref<64x32xf32, #tpu.memory_space<vmem>>
    %dma_start3A_8 = arith.constant 0 : i32
    %dma_start3A_9 = tpu.memref_slice %arg6[%dma_start3A, %dma_start3A_8] : memref<25x64xi32, #tpu.memory_space<vmem>> -> memref<1x64xi32, #tpu.memory_space<vmem>>
    %dma_start3A_10 = tpu.memref_squeeze %dma_start3A_9 : memref<1x64xi32, #tpu.memory_space<vmem>> -> memref<64xi32, #tpu.memory_space<vmem>>
    %dma_start3A_11 = arith.constant 0 : i32
    %dma_start3A_12 = arith.constant 0 : i32
    %dma_start3A_13 = tpu.memref_slice %arg3[%dma_start3A_11, %dma_start3A_12] : memref<1000000x32xf32, #tpu.memory_space<hbm>> -> memref<1000000x32xf32, #tpu.memory_space<hbm>>
    tpu.enqueue_indirect_dma source(%dma_start3A_13 : memref<1000000x32xf32, #tpu.memory_space<hbm>>) target(%dma_start3A_7 : memref<64x32xf32, #tpu.memory_space<vmem>>) offsets(%dma_start3A_10 : memref<64xi32, #tpu.memory_space<vmem>>) semaphore(%arg13 : memref<!tpu.dma_semaphore, #tpu.memory_space<semaphore_mem>>)
    %dma_start3A_14 = arith.constant 1 : i32
    %dma_start3A_15 = arith.constant 64 : i32
    %dma_start3A_16 = arith.constant 0 : i32
    %dma_start3A_17 = tpu.memref_slice %arg8[%dma_start3A_15, %dma_start3A_16] : memref<1600x32xf32, #tpu.memory_space<vmem>> -> memref<64x32xf32, #tpu.memory_space<vmem>>
    %dma_start3A_18 = arith.constant 0 : i32
    %dma_start3A_19 = tpu.memref_slice %arg6[%dma_start3A_14, %dma_start3A_18] : memref<25x64xi32, #tpu.memory_space<vmem>> -> memref<1x64xi32, #tpu.memory_space<vmem>>
    %dma_start3A_20 = tpu.memref_squeeze %dma_start3A_19 : memref<1x64xi32, #tpu.memory_space<vmem>> -> memref<64xi32, #tpu.memory_space<vmem>>
    %dma_start3A_21 = arith.constant 0 : i32
    %dma_start3A_22 = arith.constant 0 : i32
    %dma_start3A_23 = tpu.memref_slice %arg3[%dma_start3A_21, %dma_start3A_22] : memref<1000000x32xf32, #tpu.memory_space<hbm>> -> memref<1000000x32xf32, #tpu.memory_space<hbm>>
    tpu.enqueue_indirect_dma source(%dma_start3A_23 : memref<1000000x32xf32, #tpu.memory_space<hbm>>) target(%dma_start3A_17 : memref<64x32xf32, #tpu.memory_space<vmem>>) offsets(%dma_start3A_20 : memref<64xi32, #tpu.memory_space<vmem>>) semaphore(%arg13 : memref<!tpu.dma_semaphore, #tpu.memory_space<semaphore_mem>>)
    %dma_start3A_24 = arith.constant 2 : i32
    %dma_start3A_25 = arith.constant 128 : i32
    %dma_start3A_26 = arith.constant 0 : i32
    %dma_start3A_27 = tpu.memref_slice %arg8[%dma_start3A_25, %dma_start3A_26] : memref<1600x32xf32, #tpu.memory_space<vmem>> -> memref<64x32xf32, #tpu.memory_space<vmem>>
    %dma_start3A_28 = arith.constant 0 : i32
    %dma_start3A_29 = tpu.memref_slice %arg6[%dma_start3A_24, %dma_start3A_28] : memref<25x64xi32, #tpu.memory_space<vmem>> -> memref<1x64xi32, #tpu.memory_space<vmem>>
    %dma_start3A_30 = tpu.memref_squeeze %dma_start3A_29 : memref<1x64xi32, #tpu.memory_space<vmem>> -> memref<64xi32, #tpu.memory_space<vmem>>
    %dma_start3A_31 = arith.constant 0 : i32
    %dma_start3A_32 = arith.constant 0 : i32
    %dma_start3A_33 = tpu.memref_slice %arg3[%dma_start3A_31, %dma_start3A_32] : memref<1000000x32xf32, #tpu.memory_space<hbm>> -> memref<1000000x32xf32, #tpu.memory_space<hbm>>
    tpu.enqueue_indirect_dma source(%dma_start3A_33 : memref<1000000x32xf32, #tpu.memory_space<hbm>>) target(%dma_start3A_27 : memref<64x32xf32, #tpu.memory_space<vmem>>) offsets(%dma_start3A_30 : memref<64xi32, #tpu.memory_space<vmem>>) semaphore(%arg13 : memref<!tpu.dma_semaphore, #tpu.memory_space<semaphore_mem>>)
    %dma_start3A_34 = arith.constant 3 : i32
    %dma_start3A_35 = arith.constant 192 : i32
    %dma_start3A_36 = arith.constant 0 : i32
    %dma_start3A_37 = tpu.memref_slice %arg8[%dma_start3A_35, %dma_start3A_36] : memref<1600x32xf32, #tpu.memory_space<vmem>> -> memref<64x32xf32, #tpu.memory_space<vmem>>
    %dma_start3A_38 = arith.constant 0 : i32
    %dma_start3A_39 = tpu.memref_slice %arg6[%dma_start3A_34, %dma_start3A_38] : memref<25x64xi32, #tpu.memory_space<vmem>> -> memref<1x64xi32, #tpu.memory_space<vmem>>
    %dma_start3A_40 = tpu.memref_squeeze %dma_start3A_39 : memref<1x64xi32, #tpu.memory_space<vmem>> -> memref<64xi32, #tpu.memory_space<vmem>>
    %dma_start3A_41 = arith.constant 0 : i32
    %dma_start3A_42 = arith.constant 0 : i32
    %dma_start3A_43 = tpu.memref_slice %arg3[%dma_start3A_41, %dma_start3A_42] : memref<1000000x32xf32, #tpu.memory_space<hbm>> -> memref<1000000x32xf32, #tpu.memory_space<hbm>>
    tpu.enqueue_indirect_dma source(%dma_start3A_43 : memref<1000000x32xf32, #tpu.memory_space<hbm>>) target(%dma_start3A_37 : memref<64x32xf32, #tpu.memory_space<vmem>>) offsets(%dma_start3A_40 : memref<64xi32, #tpu.memory_space<vmem>>) semaphore(%arg13 : memref<!tpu.dma_semaphore, #tpu.memory_space<semaphore_mem>>)
    %dma_start3A_44 = arith.constant 4 : i32
    %dma_start3A_45 = arith.constant 256 : i32
    %dma_start3A_46 = arith.constant 0 : i32
    %dma_start3A_47 = tpu.memref_slice %arg8[%dma_start3A_45, %dma_start3A_46] : memref<1600x32xf32, #tpu.memory_space<vmem>> -> memref<64x32xf32, #tpu.memory_space<vmem>>
    %dma_start3A_48 = arith.constant 0 : i32
    %dma_start3A_49 = tpu.memref_slice %arg6[%dma_start3A_44, %dma_start3A_48] : memref<25x64xi32, #tpu.memory_space<vmem>> -> memref<1x64xi32, #tpu.memory_space<vmem>>
    %dma_start3A_50 = tpu.memref_squeeze %dma_start3A_49 : memref<1x64xi32, #tpu.memory_space<vmem>> -> memref<64xi32, #tpu.memory_space<vmem>>
    %dma_start3A_51 = arith.constant 0 : i32
    %dma_start3A_52 = arith.constant 0 : i32
    %dma_start3A_53 = tpu.memref_slice %arg3[%dma_start3A_51, %dma_start3A_52] : memref<1000000x32xf32, #tpu.memory_space<hbm>> -> memref<1000000x32xf32, #tpu.memory_space<hbm>>
    tpu.enqueue_indirect_dma source(%dma_start3A_53 : memref<1000000x32xf32, #tpu.memory_space<hbm>>) target(%dma_start3A_47 : memref<64x32xf32, #tpu.memory_space<vmem>>) offsets(%dma_start3A_50 : memref<64xi32, #tpu.memory_space<vmem>>) semaphore(%arg13 : memref<!tpu.dma_semaphore, #tpu.memory_space<semaphore_mem>>)
    %dma_start3A_54 = arith.constant 5 : i32
    %dma_start3A_55 = arith.constant 320 : i32
    %dma_start3A_56 = arith.constant 0 : i32
    %dma_start3A_57 = tpu.memref_slice %arg8[%dma_start3A_55, %dma_start3A_56] : memref<1600x32xf32, #tpu.memory_space<vmem>> -> memref<64x32xf32, #tpu.memory_space<vmem>>
    %dma_start3A_58 = arith.constant 0 : i32
    %dma_start3A_59 = tpu.memref_slice %arg6[%dma_start3A_54, %dma_start3A_58] : memref<25x64xi32, #tpu.memory_space<vmem>> -> memref<1x64xi32, #tpu.memory_space<vmem>>
    %dma_start3A_60 = tpu.memref_squeeze %dma_start3A_59 : memref<1x64xi32, #tpu.memory_space<vmem>> -> memref<64xi32, #tpu.memory_space<vmem>>
    %dma_start3A_61 = arith.constant 0 : i32
    %dma_start3A_62 = arith.constant 0 : i32
    %dma_start3A_63 = tpu.memref_slice %arg3[%dma_start3A_61, %dma_start3A_62] : memref<1000000x32xf32, #tpu.memory_space<hbm>> -> memref<1000000x32xf32, #tpu.memory_space<hbm>>
    tpu.enqueue_indirect_dma source(%dma_start3A_63 : memref<1000000x32xf32, #tpu.memory_space<hbm>>) target(%dma_start3A_57 : memref<64x32xf32, #tpu.memory_space<vmem>>) offsets(%dma_start3A_60 : memref<64xi32, #tpu.memory_space<vmem>>) semaphore(%arg13 : memref<!tpu.dma_semaphore, #tpu.memory_space<semaphore_mem>>)
    %dma_start3A_64 = arith.constant 6 : i32
    %dma_start3A_65 = arith.constant 384 : i32
    %dma_start3A_66 = arith.constant 0 : i32
    %dma_start3A_67 = tpu.memref_slice %arg8[%dma_start3A_65, %dma_start3A_66] : memref<1600x32xf32, #tpu.memory_space<vmem>> -> memref<64x32xf32, #tpu.memory_space<vmem>>
    %dma_start3A_68 = arith.constant 0 : i32
    %dma_start3A_69 = tpu.memref_slice %arg6[%dma_start3A_64, %dma_start3A_68] : memref<25x64xi32, #tpu.memory_space<vmem>> -> memref<1x64xi32, #tpu.memory_space<vmem>>
    %dma_start3A_70 = tpu.memref_squeeze %dma_start3A_69 : memref<1x64xi32, #tpu.memory_space<vmem>> -> memref<64xi32, #tpu.memory_space<vmem>>
    %dma_start3A_71 = arith.constant 0 : i32
    %dma_start3A_72 = arith.constant 0 : i32
    %dma_start3A_73 = tpu.memref_slice %arg3[%dma_start3A_71, %dma_start3A_72] : memref<1000000x32xf32, #tpu.memory_space<hbm>> -> memref<1000000x32xf32, #tpu.memory_space<hbm>>
    tpu.enqueue_indirect_dma source(%dma_start3A_73 : memref<1000000x32xf32, #tpu.memory_space<hbm>>) target(%dma_start3A_67 : memref<64x32xf32, #tpu.memory_space<vmem>>) offsets(%dma_start3A_70 : memref<64xi32, #tpu.memory_space<vmem>>) semaphore(%arg13 : memref<!tpu.dma_semaphore, #tpu.memory_space<semaphore_mem>>)
    %dma_start3A_74 = arith.constant 7 : i32
    %dma_start3A_75 = arith.constant 448 : i32
    %dma_start3A_76 = arith.constant 0 : i32
    %dma_start3A_77 = tpu.memref_slice %arg8[%dma_start3A_75, %dma_start3A_76] : memref<1600x32xf32, #tpu.memory_space<vmem>> -> memref<64x32xf32, #tpu.memory_space<vmem>>
    %dma_start3A_78 = arith.constant 0 : i32
    %dma_start3A_79 = tpu.memref_slice %arg6[%dma_start3A_74, %dma_start3A_78] : memref<25x64xi32, #tpu.memory_space<vmem>> -> memref<1x64xi32, #tpu.memory_space<vmem>>
    %dma_start3A_80 = tpu.memref_squeeze %dma_start3A_79 : memref<1x64xi32, #tpu.memory_space<vmem>> -> memref<64xi32, #tpu.memory_space<vmem>>
    %dma_start3A_81 = arith.constant 0 : i32
    %dma_start3A_82 = arith.constant 0 : i32
    %dma_start3A_83 = tpu.memref_slice %arg3[%dma_start3A_81, %dma_start3A_82] : memref<1000000x32xf32, #tpu.memory_space<hbm>> -> memref<1000000x32xf32, #tpu.memory_space<hbm>>
    tpu.enqueue_indirect_dma source(%dma_start3A_83 : memref<1000000x32xf32, #tpu.memory_space<hbm>>) target(%dma_start3A_77 : memref<64x32xf32, #tpu.memory_space<vmem>>) offsets(%dma_start3A_80 : memref<64xi32, #tpu.memory_space<vmem>>) semaphore(%arg13 : memref<!tpu.dma_semaphore, #tpu.memory_space<semaphore_mem>>)
    %dma_start3A_84 = arith.constant 8 : i32
    %dma_start3A_85 = arith.constant 512 : i32
    %dma_start3A_86 = arith.constant 0 : i32
    %dma_start3A_87 = tpu.memref_slice %arg8[%dma_start3A_85, %dma_start3A_86] : memref<1600x32xf32, #tpu.memory_space<vmem>> -> memref<64x32xf32, #tpu.memory_space<vmem>>
    %dma_start3A_88 = arith.constant 0 : i32
    %dma_start3A_89 = tpu.memref_slice %arg6[%dma_start3A_84, %dma_start3A_88] : memref<25x64xi32, #tpu.memory_space<vmem>> -> memref<1x64xi32, #tpu.memory_space<vmem>>
    %dma_start3A_90 = tpu.memref_squeeze %dma_start3A_89 : memref<1x64xi32, #tpu.memory_space<vmem>> -> memref<64xi32, #tpu.memory_space<vmem>>
    %dma_start3A_91 = arith.constant 0 : i32
    %dma_start3A_92 = arith.constant 0 : i32
    %dma_start3A_93 = tpu.memref_slice %arg3[%dma_start3A_91, %dma_start3A_92] : memref<1000000x32xf32, #tpu.memory_space<hbm>> -> memref<1000000x32xf32, #tpu.memory_space<hbm>>
    tpu.enqueue_indirect_dma source(%dma_start3A_93 : memref<1000000x32xf32, #tpu.memory_space<hbm>>) target(%dma_start3A_87 : memref<64x32xf32, #tpu.memory_space<vmem>>) offsets(%dma_start3A_90 : memref<64xi32, #tpu.memory_space<vmem>>) semaphore(%arg13 : memref<!tpu.dma_semaphore, #tpu.memory_space<semaphore_mem>>)
    %dma_start3A_94 = arith.constant 9 : i32
    %dma_start3A_95 = arith.constant 576 : i32
    %dma_start3A_96 = arith.constant 0 : i32
    %dma_start3A_97 = tpu.memref_slice %arg8[%dma_start3A_95, %dma_start3A_96] : memref<1600x32xf32, #tpu.memory_space<vmem>> -> memref<64x32xf32, #tpu.memory_space<vmem>>
    %dma_start3A_98 = arith.constant 0 : i32
    %dma_start3A_99 = tpu.memref_slice %arg6[%dma_start3A_94, %dma_start3A_98] : memref<25x64xi32, #tpu.memory_space<vmem>> -> memref<1x64xi32, #tpu.memory_space<vmem>>
    %dma_start3A_100 = tpu.memref_squeeze %dma_start3A_99 : memref<1x64xi32, #tpu.memory_space<vmem>> -> memref<64xi32, #tpu.memory_space<vmem>>
    %dma_start3A_101 = arith.constant 0 : i32
    %dma_start3A_102 = arith.constant 0 : i32
    %dma_start3A_103 = tpu.memref_slice %arg3[%dma_start3A_101, %dma_start3A_102] : memref<1000000x32xf32, #tpu.memory_space<hbm>> -> memref<1000000x32xf32, #tpu.memory_space<hbm>>
    tpu.enqueue_indirect_dma source(%dma_start3A_103 : memref<1000000x32xf32, #tpu.memory_space<hbm>>) target(%dma_start3A_97 : memref<64x32xf32, #tpu.memory_space<vmem>>) offsets(%dma_start3A_100 : memref<64xi32, #tpu.memory_space<vmem>>) semaphore(%arg13 : memref<!tpu.dma_semaphore, #tpu.memory_space<semaphore_mem>>)
    %dma_start3A_104 = arith.constant 10 : i32
    %dma_start3A_105 = arith.constant 640 : i32
    %dma_start3A_106 = arith.constant 0 : i32
    %dma_start3A_107 = tpu.memref_slice %arg8[%dma_start3A_105, %dma_start3A_106] : memref<1600x32xf32, #tpu.memory_space<vmem>> -> memref<64x32xf32, #tpu.memory_space<vmem>>
    %dma_start3A_108 = arith.constant 0 : i32
    %dma_start3A_109 = tpu.memref_slice %arg6[%dma_start3A_104, %dma_start3A_108] : memref<25x64xi32, #tpu.memory_space<vmem>> -> memref<1x64xi32, #tpu.memory_space<vmem>>
    %dma_start3A_110 = tpu.memref_squeeze %dma_start3A_109 : memref<1x64xi32, #tpu.memory_space<vmem>> -> memref<64xi32, #tpu.memory_space<vmem>>
    %dma_start3A_111 = arith.constant 0 : i32
    %dma_start3A_112 = arith.constant 0 : i32
    %dma_start3A_113 = tpu.memref_slice %arg3[%dma_start3A_111, %dma_start3A_112] : memref<1000000x32xf32, #tpu.memory_space<hbm>> -> memref<1000000x32xf32, #tpu.memory_space<hbm>>
    tpu.enqueue_indirect_dma source(%dma_start3A_113 : memref<1000000x32xf32, #tpu.memory_space<hbm>>) target(%dma_start3A_107 : memref<64x32xf32, #tpu.memory_space<vmem>>) offsets(%dma_start3A_110 : memref<64xi32, #tpu.memory_space<vmem>>) semaphore(%arg13 : memref<!tpu.dma_semaphore, #tpu.memory_space<semaphore_mem>>)
    %dma_start3A_114 = arith.constant 11 : i32
    %dma_start3A_115 = arith.constant 704 : i32
    %dma_start3A_116 = arith.constant 0 : i32
    %dma_start3A_117 = tpu.memref_slice %arg8[%dma_start3A_115, %dma_start3A_116] : memref<1600x32xf32, #tpu.memory_space<vmem>> -> memref<64x32xf32, #tpu.memory_space<vmem>>
    %dma_start3A_118 = arith.constant 0 : i32
    %dma_start3A_119 = tpu.memref_slice %arg6[%dma_start3A_114, %dma_start3A_118] : memref<25x64xi32, #tpu.memory_space<vmem>> -> memref<1x64xi32, #tpu.memory_space<vmem>>
    %dma_start3A_120 = tpu.memref_squeeze %dma_start3A_119 : memref<1x64xi32, #tpu.memory_space<vmem>> -> memref<64xi32, #tpu.memory_space<vmem>>
    %dma_start3A_121 = arith.constant 0 : i32
    %dma_start3A_122 = arith.constant 0 : i32
    %dma_start3A_123 = tpu.memref_slice %arg3[%dma_start3A_121, %dma_start3A_122] : memref<1000000x32xf32, #tpu.memory_space<hbm>> -> memref<1000000x32xf32, #tpu.memory_space<hbm>>
    tpu.enqueue_indirect_dma source(%dma_start3A_123 : memref<1000000x32xf32, #tpu.memory_space<hbm>>) target(%dma_start3A_117 : memref<64x32xf32, #tpu.memory_space<vmem>>) offsets(%dma_start3A_120 : memref<64xi32, #tpu.memory_space<vmem>>) semaphore(%arg13 : memref<!tpu.dma_semaphore, #tpu.memory_space<semaphore_mem>>)
    %dma_start3A_124 = arith.constant 12 : i32
    %dma_start3A_125 = arith.constant 768 : i32
    %dma_start3A_126 = arith.constant 0 : i32
    %dma_start3A_127 = tpu.memref_slice %arg8[%dma_start3A_125, %dma_start3A_126] : memref<1600x32xf32, #tpu.memory_space<vmem>> -> memref<64x32xf32, #tpu.memory_space<vmem>>
    %dma_start3A_128 = arith.constant 0 : i32
    %dma_start3A_129 = tpu.memref_slice %arg6[%dma_start3A_124, %dma_start3A_128] : memref<25x64xi32, #tpu.memory_space<vmem>> -> memref<1x64xi32, #tpu.memory_space<vmem>>
    %dma_start3A_130 = tpu.memref_squeeze %dma_start3A_129 : memref<1x64xi32, #tpu.memory_space<vmem>> -> memref<64xi32, #tpu.memory_space<vmem>>
    %dma_start3A_131 = arith.constant 0 : i32
    %dma_start3A_132 = arith.constant 0 : i32
    %dma_start3A_133 = tpu.memref_slice %arg3[%dma_start3A_131, %dma_start3A_132] : memref<1000000x32xf32, #tpu.memory_space<hbm>> -> memref<1000000x32xf32, #tpu.memory_space<hbm>>
    tpu.enqueue_indirect_dma source(%dma_start3A_133 : memref<1000000x32xf32, #tpu.memory_space<hbm>>) target(%dma_start3A_127 : memref<64x32xf32, #tpu.memory_space<vmem>>) offsets(%dma_start3A_130 : memref<64xi32, #tpu.memory_space<vmem>>) semaphore(%arg13 : memref<!tpu.dma_semaphore, #tpu.memory_space<semaphore_mem>>)
    %dma_start3A_134 = arith.constant 13 : i32
    %dma_start3A_135 = arith.constant 832 : i32
    %dma_start3A_136 = arith.constant 0 : i32
    %dma_start3A_137 = tpu.memref_slice %arg8[%dma_start3A_135, %dma_start3A_136] : memref<1600x32xf32, #tpu.memory_space<vmem>> -> memref<64x32xf32, #tpu.memory_space<vmem>>
    %dma_start3A_138 = arith.constant 0 : i32
    %dma_start3A_139 = tpu.memref_slice %arg6[%dma_start3A_134, %dma_start3A_138] : memref<25x64xi32, #tpu.memory_space<vmem>> -> memref<1x64xi32, #tpu.memory_space<vmem>>
    %dma_start3A_140 = tpu.memref_squeeze %dma_start3A_139 : memref<1x64xi32, #tpu.memory_space<vmem>> -> memref<64xi32, #tpu.memory_space<vmem>>
    %dma_start3A_141 = arith.constant 0 : i32
    %dma_start3A_142 = arith.constant 0 : i32
    %dma_start3A_143 = tpu.memref_slice %arg3[%dma_start3A_141, %dma_start3A_142] : memref<1000000x32xf32, #tpu.memory_space<hbm>> -> memref<1000000x32xf32, #tpu.memory_space<hbm>>
    tpu.enqueue_indirect_dma source(%dma_start3A_143 : memref<1000000x32xf32, #tpu.memory_space<hbm>>) target(%dma_start3A_137 : memref<64x32xf32, #tpu.memory_space<vmem>>) offsets(%dma_start3A_140 : memref<64xi32, #tpu.memory_space<vmem>>) semaphore(%arg13 : memref<!tpu.dma_semaphore, #tpu.memory_space<semaphore_mem>>)
    %dma_start3A_144 = arith.constant 14 : i32
    %dma_start3A_145 = arith.constant 896 : i32
    %dma_start3A_146 = arith.constant 0 : i32
    %dma_start3A_147 = tpu.memref_slice %arg8[%dma_start3A_145, %dma_start3A_146] : memref<1600x32xf32, #tpu.memory_space<vmem>> -> memref<64x32xf32, #tpu.memory_space<vmem>>
    %dma_start3A_148 = arith.constant 0 : i32
    %dma_start3A_149 = tpu.memref_slice %arg6[%dma_start3A_144, %dma_start3A_148] : memref<25x64xi32, #tpu.memory_space<vmem>> -> memref<1x64xi32, #tpu.memory_space<vmem>>
    %dma_start3A_150 = tpu.memref_squeeze %dma_start3A_149 : memref<1x64xi32, #tpu.memory_space<vmem>> -> memref<64xi32, #tpu.memory_space<vmem>>
    %dma_start3A_151 = arith.constant 0 : i32
    %dma_start3A_152 = arith.constant 0 : i32
    %dma_start3A_153 = tpu.memref_slice %arg3[%dma_start3A_151, %dma_start3A_152] : memref<1000000x32xf32, #tpu.memory_space<hbm>> -> memref<1000000x32xf32, #tpu.memory_space<hbm>>
    tpu.enqueue_indirect_dma source(%dma_start3A_153 : memref<1000000x32xf32, #tpu.memory_space<hbm>>) target(%dma_start3A_147 : memref<64x32xf32, #tpu.memory_space<vmem>>) offsets(%dma_start3A_150 : memref<64xi32, #tpu.memory_space<vmem>>) semaphore(%arg13 : memref<!tpu.dma_semaphore, #tpu.memory_space<semaphore_mem>>)
    %dma_start3A_154 = arith.constant 15 : i32
    %dma_start3A_155 = arith.constant 960 : i32
    %dma_start3A_156 = arith.constant 0 : i32
    %dma_start3A_157 = tpu.memref_slice %arg8[%dma_start3A_155, %dma_start3A_156] : memref<1600x32xf32, #tpu.memory_space<vmem>> -> memref<64x32xf32, #tpu.memory_space<vmem>>
    %dma_start3A_158 = arith.constant 0 : i32
    %dma_start3A_159 = tpu.memref_slice %arg6[%dma_start3A_154, %dma_start3A_158] : memref<25x64xi32, #tpu.memory_space<vmem>> -> memref<1x64xi32, #tpu.memory_space<vmem>>
    %dma_start3A_160 = tpu.memref_squeeze %dma_start3A_159 : memref<1x64xi32, #tpu.memory_space<vmem>> -> memref<64xi32, #tpu.memory_space<vmem>>
    %dma_start3A_161 = arith.constant 0 : i32
    %dma_start3A_162 = arith.constant 0 : i32
    %dma_start3A_163 = tpu.memref_slice %arg3[%dma_start3A_161, %dma_start3A_162] : memref<1000000x32xf32, #tpu.memory_space<hbm>> -> memref<1000000x32xf32, #tpu.memory_space<hbm>>
    tpu.enqueue_indirect_dma source(%dma_start3A_163 : memref<1000000x32xf32, #tpu.memory_space<hbm>>) target(%dma_start3A_157 : memref<64x32xf32, #tpu.memory_space<vmem>>) offsets(%dma_start3A_160 : memref<64xi32, #tpu.memory_space<vmem>>) semaphore(%arg13 : memref<!tpu.dma_semaphore, #tpu.memory_space<semaphore_mem>>)
    %dma_start3A_164 = arith.constant 16 : i32
    %dma_start3A_165 = arith.constant 1024 : i32
    %dma_start3A_166 = arith.constant 0 : i32
    %dma_start3A_167 = tpu.memref_slice %arg8[%dma_start3A_165, %dma_start3A_166] : memref<1600x32xf32, #tpu.memory_space<vmem>> -> memref<64x32xf32, #tpu.memory_space<vmem>>
    %dma_start3A_168 = arith.constant 0 : i32
    %dma_start3A_169 = tpu.memref_slice %arg6[%dma_start3A_164, %dma_start3A_168] : memref<25x64xi32, #tpu.memory_space<vmem>> -> memref<1x64xi32, #tpu.memory_space<vmem>>
    %dma_start3A_170 = tpu.memref_squeeze %dma_start3A_169 : memref<1x64xi32, #tpu.memory_space<vmem>> -> memref<64xi32, #tpu.memory_space<vmem>>
    %dma_start3A_171 = arith.constant 0 : i32
    %dma_start3A_172 = arith.constant 0 : i32
    %dma_start3A_173 = tpu.memref_slice %arg3[%dma_start3A_171, %dma_start3A_172] : memref<1000000x32xf32, #tpu.memory_space<hbm>> -> memref<1000000x32xf32, #tpu.memory_space<hbm>>
    tpu.enqueue_indirect_dma source(%dma_start3A_173 : memref<1000000x32xf32, #tpu.memory_space<hbm>>) target(%dma_start3A_167 : memref<64x32xf32, #tpu.memory_space<vmem>>) offsets(%dma_start3A_170 : memref<64xi32, #tpu.memory_space<vmem>>) semaphore(%arg13 : memref<!tpu.dma_semaphore, #tpu.memory_space<semaphore_mem>>)
    %dma_start3A_174 = arith.constant 17 : i32
    %dma_start3A_175 = arith.constant 1088 : i32
    %dma_start3A_176 = arith.constant 0 : i32
    %dma_start3A_177 = tpu.memref_slice %arg8[%dma_start3A_175, %dma_start3A_176] : memref<1600x32xf32, #tpu.memory_space<vmem>> -> memref<64x32xf32, #tpu.memory_space<vmem>>
    %dma_start3A_178 = arith.constant 0 : i32
    %dma_start3A_179 = tpu.memref_slice %arg6[%dma_start3A_174, %dma_start3A_178] : memref<25x64xi32, #tpu.memory_space<vmem>> -> memref<1x64xi32, #tpu.memory_space<vmem>>
    %dma_start3A_180 = tpu.memref_squeeze %dma_start3A_179 : memref<1x64xi32, #tpu.memory_space<vmem>> -> memref<64xi32, #tpu.memory_space<vmem>>
    %dma_start3A_181 = arith.constant 0 : i32
    %dma_start3A_182 = arith.constant 0 : i32
    %dma_start3A_183 = tpu.memref_slice %arg3[%dma_start3A_181, %dma_start3A_182] : memref<1000000x32xf32, #tpu.memory_space<hbm>> -> memref<1000000x32xf32, #tpu.memory_space<hbm>>
    tpu.enqueue_indirect_dma source(%dma_start3A_183 : memref<1000000x32xf32, #tpu.memory_space<hbm>>) target(%dma_start3A_177 : memref<64x32xf32, #tpu.memory_space<vmem>>) offsets(%dma_start3A_180 : memref<64xi32, #tpu.memory_space<vmem>>) semaphore(%arg13 : memref<!tpu.dma_semaphore, #tpu.memory_space<semaphore_mem>>)
    %dma_start3A_184 = arith.constant 18 : i32
    %dma_start3A_185 = arith.constant 1152 : i32
    %dma_start3A_186 = arith.constant 0 : i32
    %dma_start3A_187 = tpu.memref_slice %arg8[%dma_start3A_185, %dma_start3A_186] : memref<1600x32xf32, #tpu.memory_space<vmem>> -> memref<64x32xf32, #tpu.memory_space<vmem>>
    %dma_start3A_188 = arith.constant 0 : i32
    %dma_start3A_189 = tpu.memref_slice %arg6[%dma_start3A_184, %dma_start3A_188] : memref<25x64xi32, #tpu.memory_space<vmem>> -> memref<1x64xi32, #tpu.memory_space<vmem>>
    %dma_start3A_190 = tpu.memref_squeeze %dma_start3A_189 : memref<1x64xi32, #tpu.memory_space<vmem>> -> memref<64xi32, #tpu.memory_space<vmem>>
    %dma_start3A_191 = arith.constant 0 : i32
    %dma_start3A_192 = arith.constant 0 : i32
    %dma_start3A_193 = tpu.memref_slice %arg3[%dma_start3A_191, %dma_start3A_192] : memref<1000000x32xf32, #tpu.memory_space<hbm>> -> memref<1000000x32xf32, #tpu.memory_space<hbm>>
    tpu.enqueue_indirect_dma source(%dma_start3A_193 : memref<1000000x32xf32, #tpu.memory_space<hbm>>) target(%dma_start3A_187 : memref<64x32xf32, #tpu.memory_space<vmem>>) offsets(%dma_start3A_190 : memref<64xi32, #tpu.memory_space<vmem>>) semaphore(%arg13 : memref<!tpu.dma_semaphore, #tpu.memory_space<semaphore_mem>>)
    %dma_start3A_194 = arith.constant 19 : i32
    %dma_start3A_195 = arith.constant 1216 : i32
    %dma_start3A_196 = arith.constant 0 : i32
    %dma_start3A_197 = tpu.memref_slice %arg8[%dma_start3A_195, %dma_start3A_196] : memref<1600x32xf32, #tpu.memory_space<vmem>> -> memref<64x32xf32, #tpu.memory_space<vmem>>
    %dma_start3A_198 = arith.constant 0 : i32
    %dma_start3A_199 = tpu.memref_slice %arg6[%dma_start3A_194, %dma_start3A_198] : memref<25x64xi32, #tpu.memory_space<vmem>> -> memref<1x64xi32, #tpu.memory_space<vmem>>
    %dma_start3A_200 = tpu.memref_squeeze %dma_start3A_199 : memref<1x64xi32, #tpu.memory_space<vmem>> -> memref<64xi32, #tpu.memory_space<vmem>>
    %dma_start3A_201 = arith.constant 0 : i32
    %dma_start3A_202 = arith.constant 0 : i32
    %dma_start3A_203 = tpu.memref_slice %arg3[%dma_start3A_201, %dma_start3A_202] : memref<1000000x32xf32, #tpu.memory_space<hbm>> -> memref<1000000x32xf32, #tpu.memory_space<hbm>>
    tpu.enqueue_indirect_dma source(%dma_start3A_203 : memref<1000000x32xf32, #tpu.memory_space<hbm>>) target(%dma_start3A_197 : memref<64x32xf32, #tpu.memory_space<vmem>>) offsets(%dma_start3A_200 : memref<64xi32, #tpu.memory_space<vmem>>) semaphore(%arg13 : memref<!tpu.dma_semaphore, #tpu.memory_space<semaphore_mem>>)
    %dma_start3A_204 = arith.constant 20 : i32
    %dma_start3A_205 = arith.constant 1280 : i32
    %dma_start3A_206 = arith.constant 0 : i32
    %dma_start3A_207 = tpu.memref_slice %arg8[%dma_start3A_205, %dma_start3A_206] : memref<1600x32xf32, #tpu.memory_space<vmem>> -> memref<64x32xf32, #tpu.memory_space<vmem>>
    %dma_start3A_208 = arith.constant 0 : i32
    %dma_start3A_209 = tpu.memref_slice %arg6[%dma_start3A_204, %dma_start3A_208] : memref<25x64xi32, #tpu.memory_space<vmem>> -> memref<1x64xi32, #tpu.memory_space<vmem>>
    %dma_start3A_210 = tpu.memref_squeeze %dma_start3A_209 : memref<1x64xi32, #tpu.memory_space<vmem>> -> memref<64xi32, #tpu.memory_space<vmem>>
    %dma_start3A_211 = arith.constant 0 : i32
    %dma_start3A_212 = arith.constant 0 : i32
    %dma_start3A_213 = tpu.memref_slice %arg3[%dma_start3A_211, %dma_start3A_212] : memref<1000000x32xf32, #tpu.memory_space<hbm>> -> memref<1000000x32xf32, #tpu.memory_space<hbm>>
    tpu.enqueue_indirect_dma source(%dma_start3A_213 : memref<1000000x32xf32, #tpu.memory_space<hbm>>) target(%dma_start3A_207 : memref<64x32xf32, #tpu.memory_space<vmem>>) offsets(%dma_start3A_210 : memref<64xi32, #tpu.memory_space<vmem>>) semaphore(%arg13 : memref<!tpu.dma_semaphore, #tpu.memory_space<semaphore_mem>>)
    %dma_start3A_214 = arith.constant 21 : i32
    %dma_start3A_215 = arith.constant 1344 : i32
    %dma_start3A_216 = arith.constant 0 : i32
    %dma_start3A_217 = tpu.memref_slice %arg8[%dma_start3A_215, %dma_start3A_216] : memref<1600x32xf32, #tpu.memory_space<vmem>> -> memref<64x32xf32, #tpu.memory_space<vmem>>
    %dma_start3A_218 = arith.constant 0 : i32
    %dma_start3A_219 = tpu.memref_slice %arg6[%dma_start3A_214, %dma_start3A_218] : memref<25x64xi32, #tpu.memory_space<vmem>> -> memref<1x64xi32, #tpu.memory_space<vmem>>
    %dma_start3A_220 = tpu.memref_squeeze %dma_start3A_219 : memref<1x64xi32, #tpu.memory_space<vmem>> -> memref<64xi32, #tpu.memory_space<vmem>>
    %dma_start3A_221 = arith.constant 0 : i32
    %dma_start3A_222 = arith.constant 0 : i32
    %dma_start3A_223 = tpu.memref_slice %arg3[%dma_start3A_221, %dma_start3A_222] : memref<1000000x32xf32, #tpu.memory_space<hbm>> -> memref<1000000x32xf32, #tpu.memory_space<hbm>>
    tpu.enqueue_indirect_dma source(%dma_start3A_223 : memref<1000000x32xf32, #tpu.memory_space<hbm>>) target(%dma_start3A_217 : memref<64x32xf32, #tpu.memory_space<vmem>>) offsets(%dma_start3A_220 : memref<64xi32, #tpu.memory_space<vmem>>) semaphore(%arg13 : memref<!tpu.dma_semaphore, #tpu.memory_space<semaphore_mem>>)
    %dma_start3A_224 = arith.constant 22 : i32
    %dma_start3A_225 = arith.constant 1408 : i32
    %dma_start3A_226 = arith.constant 0 : i32
    %dma_start3A_227 = tpu.memref_slice %arg8[%dma_start3A_225, %dma_start3A_226] : memref<1600x32xf32, #tpu.memory_space<vmem>> -> memref<64x32xf32, #tpu.memory_space<vmem>>
    %dma_start3A_228 = arith.constant 0 : i32
    %dma_start3A_229 = tpu.memref_slice %arg6[%dma_start3A_224, %dma_start3A_228] : memref<25x64xi32, #tpu.memory_space<vmem>> -> memref<1x64xi32, #tpu.memory_space<vmem>>
    %dma_start3A_230 = tpu.memref_squeeze %dma_start3A_229 : memref<1x64xi32, #tpu.memory_space<vmem>> -> memref<64xi32, #tpu.memory_space<vmem>>
    %dma_start3A_231 = arith.constant 0 : i32
    %dma_start3A_232 = arith.constant 0 : i32
    %dma_start3A_233 = tpu.memref_slice %arg3[%dma_start3A_231, %dma_start3A_232] : memref<1000000x32xf32, #tpu.memory_space<hbm>> -> memref<1000000x32xf32, #tpu.memory_space<hbm>>
    tpu.enqueue_indirect_dma source(%dma_start3A_233 : memref<1000000x32xf32, #tpu.memory_space<hbm>>) target(%dma_start3A_227 : memref<64x32xf32, #tpu.memory_space<vmem>>) offsets(%dma_start3A_230 : memref<64xi32, #tpu.memory_space<vmem>>) semaphore(%arg13 : memref<!tpu.dma_semaphore, #tpu.memory_space<semaphore_mem>>)
    %dma_start3A_234 = arith.constant 23 : i32
    %dma_start3A_235 = arith.constant 1472 : i32
    %dma_start3A_236 = arith.constant 0 : i32
    %dma_start3A_237 = tpu.memref_slice %arg8[%dma_start3A_235, %dma_start3A_236] : memref<1600x32xf32, #tpu.memory_space<vmem>> -> memref<64x32xf32, #tpu.memory_space<vmem>>
    %dma_start3A_238 = arith.constant 0 : i32
    %dma_start3A_239 = tpu.memref_slice %arg6[%dma_start3A_234, %dma_start3A_238] : memref<25x64xi32, #tpu.memory_space<vmem>> -> memref<1x64xi32, #tpu.memory_space<vmem>>
    %dma_start3A_240 = tpu.memref_squeeze %dma_start3A_239 : memref<1x64xi32, #tpu.memory_space<vmem>> -> memref<64xi32, #tpu.memory_space<vmem>>
    %dma_start3A_241 = arith.constant 0 : i32
    %dma_start3A_242 = arith.constant 0 : i32
    %dma_start3A_243 = tpu.memref_slice %arg3[%dma_start3A_241, %dma_start3A_242] : memref<1000000x32xf32, #tpu.memory_space<hbm>> -> memref<1000000x32xf32, #tpu.memory_space<hbm>>
    tpu.enqueue_indirect_dma source(%dma_start3A_243 : memref<1000000x32xf32, #tpu.memory_space<hbm>>) target(%dma_start3A_237 : memref<64x32xf32, #tpu.memory_space<vmem>>) offsets(%dma_start3A_240 : memref<64xi32, #tpu.memory_space<vmem>>) semaphore(%arg13 : memref<!tpu.dma_semaphore, #tpu.memory_space<semaphore_mem>>)
    %dma_start3A_244 = arith.constant 24 : i32
    %dma_start3A_245 = arith.constant 1536 : i32
    %dma_start3A_246 = arith.constant 0 : i32
    %dma_start3A_247 = tpu.memref_slice %arg8[%dma_start3A_245, %dma_start3A_246] : memref<1600x32xf32, #tpu.memory_space<vmem>> -> memref<64x32xf32, #tpu.memory_space<vmem>>
    %dma_start3A_248 = arith.constant 0 : i32
    %dma_start3A_249 = tpu.memref_slice %arg6[%dma_start3A_244, %dma_start3A_248] : memref<25x64xi32, #tpu.memory_space<vmem>> -> memref<1x64xi32, #tpu.memory_space<vmem>>
    %dma_start3A_250 = tpu.memref_squeeze %dma_start3A_249 : memref<1x64xi32, #tpu.memory_space<vmem>> -> memref<64xi32, #tpu.memory_space<vmem>>
    %dma_start3A_251 = arith.constant 0 : i32
    %dma_start3A_252 = arith.constant 0 : i32
    %dma_start3A_253 = tpu.memref_slice %arg3[%dma_start3A_251, %dma_start3A_252] : memref<1000000x32xf32, #tpu.memory_space<hbm>> -> memref<1000000x32xf32, #tpu.memory_space<hbm>>
    tpu.enqueue_indirect_dma source(%dma_start3A_253 : memref<1000000x32xf32, #tpu.memory_space<hbm>>) target(%dma_start3A_247 : memref<64x32xf32, #tpu.memory_space<vmem>>) offsets(%dma_start3A_250 : memref<64xi32, #tpu.memory_space<vmem>>) semaphore(%arg13 : memref<!tpu.dma_semaphore, #tpu.memory_space<semaphore_mem>>)
    %mul3A_254 = arith.constant 16 : i32
    %mul3A_255 = arith.muli %add3A, %mul3A_254 : i32
    %add3A_256 = arith.constant 1 : i32
    %add3A_257 = arith.addi %mul3A_255, %add3A_256 : i32
    "tpu.region"() ({
      %run_scoped3A = tpu.sem_alloc : memref<!tpu.dma_semaphore, #tpu.memory_space<semaphore_mem>>
      %dma_start3A_663 = arith.constant 0 : i32
      %dma_start3A_664 = arith.constant 0 : i32
      %dma_start3A_665 = tpu.memref_slice %arg2[%add3A_257, %dma_start3A_663, %dma_start3A_664] : memref<512x25x64xi32, #tpu.memory_space<hbm>> -> memref<1x25x64xi32, #tpu.memory_space<hbm>>
      %dma_start3A_666 = tpu.memref_squeeze %dma_start3A_665 : memref<1x25x64xi32, #tpu.memory_space<hbm>> -> memref<25x64xi32, #tpu.memory_space<hbm>>
      %dma_start3A_667 = arith.constant 0 : i32
      %dma_start3A_668 = arith.constant 0 : i32
      %dma_start3A_669 = tpu.memref_slice %arg2[%add3A_257, %dma_start3A_667, %dma_start3A_668] : memref<512x25x64xi32, #tpu.memory_space<hbm>> -> memref<1x25x64xi32, #tpu.memory_space<hbm>>
      %dma_start3A_670 = tpu.memref_squeeze %dma_start3A_669 : memref<1x25x64xi32, #tpu.memory_space<hbm>> -> memref<25x64xi32, #tpu.memory_space<hbm>>
      tpu.enqueue_dma source(%dma_start3A_670 : memref<25x64xi32, #tpu.memory_space<hbm>>) target(%arg7 : memref<25x64xi32, #tpu.memory_space<vmem>>) target_semaphore(%run_scoped3A : memref<!tpu.dma_semaphore, #tpu.memory_space<semaphore_mem>>)
      %dma_wait3A = arith.constant 0 : i32
      %dma_wait3A_671 = arith.constant 0 : i32
      %dma_wait3A_672 = tpu.memref_slice %arg2[%add3A_257, %dma_wait3A, %dma_wait3A_671] : memref<512x25x64xi32, #tpu.memory_space<hbm>> -> memref<1x25x64xi32, #tpu.memory_space<hbm>>
      %dma_wait3A_673 = tpu.memref_squeeze %dma_wait3A_672 : memref<1x25x64xi32, #tpu.memory_space<hbm>> -> memref<25x64xi32, #tpu.memory_space<hbm>>
      %dma_wait3A_674 = arith.constant 0 : i32
      %dma_wait3A_675 = arith.constant 0 : i32
      %dma_wait3A_676 = tpu.memref_slice %arg2[%add3A_257, %dma_wait3A_674, %dma_wait3A_675] : memref<512x25x64xi32, #tpu.memory_space<hbm>> -> memref<1x25x64xi32, #tpu.memory_space<hbm>>
      %dma_wait3A_677 = tpu.memref_squeeze %dma_wait3A_676 : memref<1x25x64xi32, #tpu.memory_space<hbm>> -> memref<25x64xi32, #tpu.memory_space<hbm>>
      tpu.wait_dma2 semaphore(%run_scoped3A : memref<!tpu.dma_semaphore, #tpu.memory_space<semaphore_mem>>) src(%dma_wait3A_677 : memref<25x64xi32, #tpu.memory_space<hbm>>) dst(%arg7 : memref<25x64xi32, #tpu.memory_space<vmem>>)
      tpu.yield
    }) : () -> ()
    %dma_start3A_258 = arith.constant 0 : i32
    %dma_start3A_259 = arith.constant 0 : i32
    %dma_start3A_260 = arith.constant 0 : i32
    %dma_start3A_261 = tpu.memref_slice %arg9[%dma_start3A_259, %dma_start3A_260] : memref<1600x32xf32, #tpu.memory_space<vmem>> -> memref<64x32xf32, #tpu.memory_space<vmem>>
    %dma_start3A_262 = arith.constant 0 : i32
    %dma_start3A_263 = tpu.memref_slice %arg7[%dma_start3A_258, %dma_start3A_262] : memref<25x64xi32, #tpu.memory_space<vmem>> -> memref<1x64xi32, #tpu.memory_space<vmem>>
    %dma_start3A_264 = tpu.memref_squeeze %dma_start3A_263 : memref<1x64xi32, #tpu.memory_space<vmem>> -> memref<64xi32, #tpu.memory_space<vmem>>
    %dma_start3A_265 = arith.constant 0 : i32
    %dma_start3A_266 = arith.constant 0 : i32
    %dma_start3A_267 = tpu.memref_slice %arg3[%dma_start3A_265, %dma_start3A_266] : memref<1000000x32xf32, #tpu.memory_space<hbm>> -> memref<1000000x32xf32, #tpu.memory_space<hbm>>
    tpu.enqueue_indirect_dma source(%dma_start3A_267 : memref<1000000x32xf32, #tpu.memory_space<hbm>>) target(%dma_start3A_261 : memref<64x32xf32, #tpu.memory_space<vmem>>) offsets(%dma_start3A_264 : memref<64xi32, #tpu.memory_space<vmem>>) semaphore(%arg14 : memref<!tpu.dma_semaphore, #tpu.memory_space<semaphore_mem>>)
    %dma_start3A_268 = arith.constant 1 : i32
    %dma_start3A_269 = arith.constant 64 : i32
    %dma_start3A_270 = arith.constant 0 : i32
    %dma_start3A_271 = tpu.memref_slice %arg9[%dma_start3A_269, %dma_start3A_270] : memref<1600x32xf32, #tpu.memory_space<vmem>> -> memref<64x32xf32, #tpu.memory_space<vmem>>
    %dma_start3A_272 = arith.constant 0 : i32
    %dma_start3A_273 = tpu.memref_slice %arg7[%dma_start3A_268, %dma_start3A_272] : memref<25x64xi32, #tpu.memory_space<vmem>> -> memref<1x64xi32, #tpu.memory_space<vmem>>
    %dma_start3A_274 = tpu.memref_squeeze %dma_start3A_273 : memref<1x64xi32, #tpu.memory_space<vmem>> -> memref<64xi32, #tpu.memory_space<vmem>>
    %dma_start3A_275 = arith.constant 0 : i32
    %dma_start3A_276 = arith.constant 0 : i32
    %dma_start3A_277 = tpu.memref_slice %arg3[%dma_start3A_275, %dma_start3A_276] : memref<1000000x32xf32, #tpu.memory_space<hbm>> -> memref<1000000x32xf32, #tpu.memory_space<hbm>>
    tpu.enqueue_indirect_dma source(%dma_start3A_277 : memref<1000000x32xf32, #tpu.memory_space<hbm>>) target(%dma_start3A_271 : memref<64x32xf32, #tpu.memory_space<vmem>>) offsets(%dma_start3A_274 : memref<64xi32, #tpu.memory_space<vmem>>) semaphore(%arg14 : memref<!tpu.dma_semaphore, #tpu.memory_space<semaphore_mem>>)
    %dma_start3A_278 = arith.constant 2 : i32
    %dma_start3A_279 = arith.constant 128 : i32
    %dma_start3A_280 = arith.constant 0 : i32
    %dma_start3A_281 = tpu.memref_slice %arg9[%dma_start3A_279, %dma_start3A_280] : memref<1600x32xf32, #tpu.memory_space<vmem>> -> memref<64x32xf32, #tpu.memory_space<vmem>>
    %dma_start3A_282 = arith.constant 0 : i32
    %dma_start3A_283 = tpu.memref_slice %arg7[%dma_start3A_278, %dma_start3A_282] : memref<25x64xi32, #tpu.memory_space<vmem>> -> memref<1x64xi32, #tpu.memory_space<vmem>>
    %dma_start3A_284 = tpu.memref_squeeze %dma_start3A_283 : memref<1x64xi32, #tpu.memory_space<vmem>> -> memref<64xi32, #tpu.memory_space<vmem>>
    %dma_start3A_285 = arith.constant 0 : i32
    %dma_start3A_286 = arith.constant 0 : i32
    %dma_start3A_287 = tpu.memref_slice %arg3[%dma_start3A_285, %dma_start3A_286] : memref<1000000x32xf32, #tpu.memory_space<hbm>> -> memref<1000000x32xf32, #tpu.memory_space<hbm>>
    tpu.enqueue_indirect_dma source(%dma_start3A_287 : memref<1000000x32xf32, #tpu.memory_space<hbm>>) target(%dma_start3A_281 : memref<64x32xf32, #tpu.memory_space<vmem>>) offsets(%dma_start3A_284 : memref<64xi32, #tpu.memory_space<vmem>>) semaphore(%arg14 : memref<!tpu.dma_semaphore, #tpu.memory_space<semaphore_mem>>)
    %dma_start3A_288 = arith.constant 3 : i32
    %dma_start3A_289 = arith.constant 192 : i32
    %dma_start3A_290 = arith.constant 0 : i32
    %dma_start3A_291 = tpu.memref_slice %arg9[%dma_start3A_289, %dma_start3A_290] : memref<1600x32xf32, #tpu.memory_space<vmem>> -> memref<64x32xf32, #tpu.memory_space<vmem>>
    %dma_start3A_292 = arith.constant 0 : i32
    %dma_start3A_293 = tpu.memref_slice %arg7[%dma_start3A_288, %dma_start3A_292] : memref<25x64xi32, #tpu.memory_space<vmem>> -> memref<1x64xi32, #tpu.memory_space<vmem>>
    %dma_start3A_294 = tpu.memref_squeeze %dma_start3A_293 : memref<1x64xi32, #tpu.memory_space<vmem>> -> memref<64xi32, #tpu.memory_space<vmem>>
    %dma_start3A_295 = arith.constant 0 : i32
    %dma_start3A_296 = arith.constant 0 : i32
    %dma_start3A_297 = tpu.memref_slice %arg3[%dma_start3A_295, %dma_start3A_296] : memref<1000000x32xf32, #tpu.memory_space<hbm>> -> memref<1000000x32xf32, #tpu.memory_space<hbm>>
    tpu.enqueue_indirect_dma source(%dma_start3A_297 : memref<1000000x32xf32, #tpu.memory_space<hbm>>) target(%dma_start3A_291 : memref<64x32xf32, #tpu.memory_space<vmem>>) offsets(%dma_start3A_294 : memref<64xi32, #tpu.memory_space<vmem>>) semaphore(%arg14 : memref<!tpu.dma_semaphore, #tpu.memory_space<semaphore_mem>>)
    %dma_start3A_298 = arith.constant 4 : i32
    %dma_start3A_299 = arith.constant 256 : i32
    %dma_start3A_300 = arith.constant 0 : i32
    %dma_start3A_301 = tpu.memref_slice %arg9[%dma_start3A_299, %dma_start3A_300] : memref<1600x32xf32, #tpu.memory_space<vmem>> -> memref<64x32xf32, #tpu.memory_space<vmem>>
    %dma_start3A_302 = arith.constant 0 : i32
    %dma_start3A_303 = tpu.memref_slice %arg7[%dma_start3A_298, %dma_start3A_302] : memref<25x64xi32, #tpu.memory_space<vmem>> -> memref<1x64xi32, #tpu.memory_space<vmem>>
    %dma_start3A_304 = tpu.memref_squeeze %dma_start3A_303 : memref<1x64xi32, #tpu.memory_space<vmem>> -> memref<64xi32, #tpu.memory_space<vmem>>
    %dma_start3A_305 = arith.constant 0 : i32
    %dma_start3A_306 = arith.constant 0 : i32
    %dma_start3A_307 = tpu.memref_slice %arg3[%dma_start3A_305, %dma_start3A_306] : memref<1000000x32xf32, #tpu.memory_space<hbm>> -> memref<1000000x32xf32, #tpu.memory_space<hbm>>
    tpu.enqueue_indirect_dma source(%dma_start3A_307 : memref<1000000x32xf32, #tpu.memory_space<hbm>>) target(%dma_start3A_301 : memref<64x32xf32, #tpu.memory_space<vmem>>) offsets(%dma_start3A_304 : memref<64xi32, #tpu.memory_space<vmem>>) semaphore(%arg14 : memref<!tpu.dma_semaphore, #tpu.memory_space<semaphore_mem>>)
    %dma_start3A_308 = arith.constant 5 : i32
    %dma_start3A_309 = arith.constant 320 : i32
    %dma_start3A_310 = arith.constant 0 : i32
    %dma_start3A_311 = tpu.memref_slice %arg9[%dma_start3A_309, %dma_start3A_310] : memref<1600x32xf32, #tpu.memory_space<vmem>> -> memref<64x32xf32, #tpu.memory_space<vmem>>
    %dma_start3A_312 = arith.constant 0 : i32
    %dma_start3A_313 = tpu.memref_slice %arg7[%dma_start3A_308, %dma_start3A_312] : memref<25x64xi32, #tpu.memory_space<vmem>> -> memref<1x64xi32, #tpu.memory_space<vmem>>
    %dma_start3A_314 = tpu.memref_squeeze %dma_start3A_313 : memref<1x64xi32, #tpu.memory_space<vmem>> -> memref<64xi32, #tpu.memory_space<vmem>>
    %dma_start3A_315 = arith.constant 0 : i32
    %dma_start3A_316 = arith.constant 0 : i32
    %dma_start3A_317 = tpu.memref_slice %arg3[%dma_start3A_315, %dma_start3A_316] : memref<1000000x32xf32, #tpu.memory_space<hbm>> -> memref<1000000x32xf32, #tpu.memory_space<hbm>>
    tpu.enqueue_indirect_dma source(%dma_start3A_317 : memref<1000000x32xf32, #tpu.memory_space<hbm>>) target(%dma_start3A_311 : memref<64x32xf32, #tpu.memory_space<vmem>>) offsets(%dma_start3A_314 : memref<64xi32, #tpu.memory_space<vmem>>) semaphore(%arg14 : memref<!tpu.dma_semaphore, #tpu.memory_space<semaphore_mem>>)
    %dma_start3A_318 = arith.constant 6 : i32
    %dma_start3A_319 = arith.constant 384 : i32
    %dma_start3A_320 = arith.constant 0 : i32
    %dma_start3A_321 = tpu.memref_slice %arg9[%dma_start3A_319, %dma_start3A_320] : memref<1600x32xf32, #tpu.memory_space<vmem>> -> memref<64x32xf32, #tpu.memory_space<vmem>>
    %dma_start3A_322 = arith.constant 0 : i32
    %dma_start3A_323 = tpu.memref_slice %arg7[%dma_start3A_318, %dma_start3A_322] : memref<25x64xi32, #tpu.memory_space<vmem>> -> memref<1x64xi32, #tpu.memory_space<vmem>>
    %dma_start3A_324 = tpu.memref_squeeze %dma_start3A_323 : memref<1x64xi32, #tpu.memory_space<vmem>> -> memref<64xi32, #tpu.memory_space<vmem>>
    %dma_start3A_325 = arith.constant 0 : i32
    %dma_start3A_326 = arith.constant 0 : i32
    %dma_start3A_327 = tpu.memref_slice %arg3[%dma_start3A_325, %dma_start3A_326] : memref<1000000x32xf32, #tpu.memory_space<hbm>> -> memref<1000000x32xf32, #tpu.memory_space<hbm>>
    tpu.enqueue_indirect_dma source(%dma_start3A_327 : memref<1000000x32xf32, #tpu.memory_space<hbm>>) target(%dma_start3A_321 : memref<64x32xf32, #tpu.memory_space<vmem>>) offsets(%dma_start3A_324 : memref<64xi32, #tpu.memory_space<vmem>>) semaphore(%arg14 : memref<!tpu.dma_semaphore, #tpu.memory_space<semaphore_mem>>)
    %dma_start3A_328 = arith.constant 7 : i32
    %dma_start3A_329 = arith.constant 448 : i32
    %dma_start3A_330 = arith.constant 0 : i32
    %dma_start3A_331 = tpu.memref_slice %arg9[%dma_start3A_329, %dma_start3A_330] : memref<1600x32xf32, #tpu.memory_space<vmem>> -> memref<64x32xf32, #tpu.memory_space<vmem>>
    %dma_start3A_332 = arith.constant 0 : i32
    %dma_start3A_333 = tpu.memref_slice %arg7[%dma_start3A_328, %dma_start3A_332] : memref<25x64xi32, #tpu.memory_space<vmem>> -> memref<1x64xi32, #tpu.memory_space<vmem>>
    %dma_start3A_334 = tpu.memref_squeeze %dma_start3A_333 : memref<1x64xi32, #tpu.memory_space<vmem>> -> memref<64xi32, #tpu.memory_space<vmem>>
    %dma_start3A_335 = arith.constant 0 : i32
    %dma_start3A_336 = arith.constant 0 : i32
    %dma_start3A_337 = tpu.memref_slice %arg3[%dma_start3A_335, %dma_start3A_336] : memref<1000000x32xf32, #tpu.memory_space<hbm>> -> memref<1000000x32xf32, #tpu.memory_space<hbm>>
    tpu.enqueue_indirect_dma source(%dma_start3A_337 : memref<1000000x32xf32, #tpu.memory_space<hbm>>) target(%dma_start3A_331 : memref<64x32xf32, #tpu.memory_space<vmem>>) offsets(%dma_start3A_334 : memref<64xi32, #tpu.memory_space<vmem>>) semaphore(%arg14 : memref<!tpu.dma_semaphore, #tpu.memory_space<semaphore_mem>>)
    %dma_start3A_338 = arith.constant 8 : i32
    %dma_start3A_339 = arith.constant 512 : i32
    %dma_start3A_340 = arith.constant 0 : i32
    %dma_start3A_341 = tpu.memref_slice %arg9[%dma_start3A_339, %dma_start3A_340] : memref<1600x32xf32, #tpu.memory_space<vmem>> -> memref<64x32xf32, #tpu.memory_space<vmem>>
    %dma_start3A_342 = arith.constant 0 : i32
    %dma_start3A_343 = tpu.memref_slice %arg7[%dma_start3A_338, %dma_start3A_342] : memref<25x64xi32, #tpu.memory_space<vmem>> -> memref<1x64xi32, #tpu.memory_space<vmem>>
    %dma_start3A_344 = tpu.memref_squeeze %dma_start3A_343 : memref<1x64xi32, #tpu.memory_space<vmem>> -> memref<64xi32, #tpu.memory_space<vmem>>
    %dma_start3A_345 = arith.constant 0 : i32
    %dma_start3A_346 = arith.constant 0 : i32
    %dma_start3A_347 = tpu.memref_slice %arg3[%dma_start3A_345, %dma_start3A_346] : memref<1000000x32xf32, #tpu.memory_space<hbm>> -> memref<1000000x32xf32, #tpu.memory_space<hbm>>
    tpu.enqueue_indirect_dma source(%dma_start3A_347 : memref<1000000x32xf32, #tpu.memory_space<hbm>>) target(%dma_start3A_341 : memref<64x32xf32, #tpu.memory_space<vmem>>) offsets(%dma_start3A_344 : memref<64xi32, #tpu.memory_space<vmem>>) semaphore(%arg14 : memref<!tpu.dma_semaphore, #tpu.memory_space<semaphore_mem>>)
    %dma_start3A_348 = arith.constant 9 : i32
    %dma_start3A_349 = arith.constant 576 : i32
    %dma_start3A_350 = arith.constant 0 : i32
    %dma_start3A_351 = tpu.memref_slice %arg9[%dma_start3A_349, %dma_start3A_350] : memref<1600x32xf32, #tpu.memory_space<vmem>> -> memref<64x32xf32, #tpu.memory_space<vmem>>
    %dma_start3A_352 = arith.constant 0 : i32
    %dma_start3A_353 = tpu.memref_slice %arg7[%dma_start3A_348, %dma_start3A_352] : memref<25x64xi32, #tpu.memory_space<vmem>> -> memref<1x64xi32, #tpu.memory_space<vmem>>
    %dma_start3A_354 = tpu.memref_squeeze %dma_start3A_353 : memref<1x64xi32, #tpu.memory_space<vmem>> -> memref<64xi32, #tpu.memory_space<vmem>>
    %dma_start3A_355 = arith.constant 0 : i32
    %dma_start3A_356 = arith.constant 0 : i32
    %dma_start3A_357 = tpu.memref_slice %arg3[%dma_start3A_355, %dma_start3A_356] : memref<1000000x32xf32, #tpu.memory_space<hbm>> -> memref<1000000x32xf32, #tpu.memory_space<hbm>>
    tpu.enqueue_indirect_dma source(%dma_start3A_357 : memref<1000000x32xf32, #tpu.memory_space<hbm>>) target(%dma_start3A_351 : memref<64x32xf32, #tpu.memory_space<vmem>>) offsets(%dma_start3A_354 : memref<64xi32, #tpu.memory_space<vmem>>) semaphore(%arg14 : memref<!tpu.dma_semaphore, #tpu.memory_space<semaphore_mem>>)
    %dma_start3A_358 = arith.constant 10 : i32
    %dma_start3A_359 = arith.constant 640 : i32
    %dma_start3A_360 = arith.constant 0 : i32
    %dma_start3A_361 = tpu.memref_slice %arg9[%dma_start3A_359, %dma_start3A_360] : memref<1600x32xf32, #tpu.memory_space<vmem>> -> memref<64x32xf32, #tpu.memory_space<vmem>>
    %dma_start3A_362 = arith.constant 0 : i32
    %dma_start3A_363 = tpu.memref_slice %arg7[%dma_start3A_358, %dma_start3A_362] : memref<25x64xi32, #tpu.memory_space<vmem>> -> memref<1x64xi32, #tpu.memory_space<vmem>>
    %dma_start3A_364 = tpu.memref_squeeze %dma_start3A_363 : memref<1x64xi32, #tpu.memory_space<vmem>> -> memref<64xi32, #tpu.memory_space<vmem>>
    %dma_start3A_365 = arith.constant 0 : i32
    %dma_start3A_366 = arith.constant 0 : i32
    %dma_start3A_367 = tpu.memref_slice %arg3[%dma_start3A_365, %dma_start3A_366] : memref<1000000x32xf32, #tpu.memory_space<hbm>> -> memref<1000000x32xf32, #tpu.memory_space<hbm>>
    tpu.enqueue_indirect_dma source(%dma_start3A_367 : memref<1000000x32xf32, #tpu.memory_space<hbm>>) target(%dma_start3A_361 : memref<64x32xf32, #tpu.memory_space<vmem>>) offsets(%dma_start3A_364 : memref<64xi32, #tpu.memory_space<vmem>>) semaphore(%arg14 : memref<!tpu.dma_semaphore, #tpu.memory_space<semaphore_mem>>)
    %dma_start3A_368 = arith.constant 11 : i32
    %dma_start3A_369 = arith.constant 704 : i32
    %dma_start3A_370 = arith.constant 0 : i32
    %dma_start3A_371 = tpu.memref_slice %arg9[%dma_start3A_369, %dma_start3A_370] : memref<1600x32xf32, #tpu.memory_space<vmem>> -> memref<64x32xf32, #tpu.memory_space<vmem>>
    %dma_start3A_372 = arith.constant 0 : i32
    %dma_start3A_373 = tpu.memref_slice %arg7[%dma_start3A_368, %dma_start3A_372] : memref<25x64xi32, #tpu.memory_space<vmem>> -> memref<1x64xi32, #tpu.memory_space<vmem>>
    %dma_start3A_374 = tpu.memref_squeeze %dma_start3A_373 : memref<1x64xi32, #tpu.memory_space<vmem>> -> memref<64xi32, #tpu.memory_space<vmem>>
    %dma_start3A_375 = arith.constant 0 : i32
    %dma_start3A_376 = arith.constant 0 : i32
    %dma_start3A_377 = tpu.memref_slice %arg3[%dma_start3A_375, %dma_start3A_376] : memref<1000000x32xf32, #tpu.memory_space<hbm>> -> memref<1000000x32xf32, #tpu.memory_space<hbm>>
    tpu.enqueue_indirect_dma source(%dma_start3A_377 : memref<1000000x32xf32, #tpu.memory_space<hbm>>) target(%dma_start3A_371 : memref<64x32xf32, #tpu.memory_space<vmem>>) offsets(%dma_start3A_374 : memref<64xi32, #tpu.memory_space<vmem>>) semaphore(%arg14 : memref<!tpu.dma_semaphore, #tpu.memory_space<semaphore_mem>>)
    %dma_start3A_378 = arith.constant 12 : i32
    %dma_start3A_379 = arith.constant 768 : i32
    %dma_start3A_380 = arith.constant 0 : i32
    %dma_start3A_381 = tpu.memref_slice %arg9[%dma_start3A_379, %dma_start3A_380] : memref<1600x32xf32, #tpu.memory_space<vmem>> -> memref<64x32xf32, #tpu.memory_space<vmem>>
    %dma_start3A_382 = arith.constant 0 : i32
    %dma_start3A_383 = tpu.memref_slice %arg7[%dma_start3A_378, %dma_start3A_382] : memref<25x64xi32, #tpu.memory_space<vmem>> -> memref<1x64xi32, #tpu.memory_space<vmem>>
    %dma_start3A_384 = tpu.memref_squeeze %dma_start3A_383 : memref<1x64xi32, #tpu.memory_space<vmem>> -> memref<64xi32, #tpu.memory_space<vmem>>
    %dma_start3A_385 = arith.constant 0 : i32
    %dma_start3A_386 = arith.constant 0 : i32
    %dma_start3A_387 = tpu.memref_slice %arg3[%dma_start3A_385, %dma_start3A_386] : memref<1000000x32xf32, #tpu.memory_space<hbm>> -> memref<1000000x32xf32, #tpu.memory_space<hbm>>
    tpu.enqueue_indirect_dma source(%dma_start3A_387 : memref<1000000x32xf32, #tpu.memory_space<hbm>>) target(%dma_start3A_381 : memref<64x32xf32, #tpu.memory_space<vmem>>) offsets(%dma_start3A_384 : memref<64xi32, #tpu.memory_space<vmem>>) semaphore(%arg14 : memref<!tpu.dma_semaphore, #tpu.memory_space<semaphore_mem>>)
    %dma_start3A_388 = arith.constant 13 : i32
    %dma_start3A_389 = arith.constant 832 : i32
    %dma_start3A_390 = arith.constant 0 : i32
    %dma_start3A_391 = tpu.memref_slice %arg9[%dma_start3A_389, %dma_start3A_390] : memref<1600x32xf32, #tpu.memory_space<vmem>> -> memref<64x32xf32, #tpu.memory_space<vmem>>
    %dma_start3A_392 = arith.constant 0 : i32
    %dma_start3A_393 = tpu.memref_slice %arg7[%dma_start3A_388, %dma_start3A_392] : memref<25x64xi32, #tpu.memory_space<vmem>> -> memref<1x64xi32, #tpu.memory_space<vmem>>
    %dma_start3A_394 = tpu.memref_squeeze %dma_start3A_393 : memref<1x64xi32, #tpu.memory_space<vmem>> -> memref<64xi32, #tpu.memory_space<vmem>>
    %dma_start3A_395 = arith.constant 0 : i32
    %dma_start3A_396 = arith.constant 0 : i32
    %dma_start3A_397 = tpu.memref_slice %arg3[%dma_start3A_395, %dma_start3A_396] : memref<1000000x32xf32, #tpu.memory_space<hbm>> -> memref<1000000x32xf32, #tpu.memory_space<hbm>>
    tpu.enqueue_indirect_dma source(%dma_start3A_397 : memref<1000000x32xf32, #tpu.memory_space<hbm>>) target(%dma_start3A_391 : memref<64x32xf32, #tpu.memory_space<vmem>>) offsets(%dma_start3A_394 : memref<64xi32, #tpu.memory_space<vmem>>) semaphore(%arg14 : memref<!tpu.dma_semaphore, #tpu.memory_space<semaphore_mem>>)
    %dma_start3A_398 = arith.constant 14 : i32
    %dma_start3A_399 = arith.constant 896 : i32
    %dma_start3A_400 = arith.constant 0 : i32
    %dma_start3A_401 = tpu.memref_slice %arg9[%dma_start3A_399, %dma_start3A_400] : memref<1600x32xf32, #tpu.memory_space<vmem>> -> memref<64x32xf32, #tpu.memory_space<vmem>>
    %dma_start3A_402 = arith.constant 0 : i32
    %dma_start3A_403 = tpu.memref_slice %arg7[%dma_start3A_398, %dma_start3A_402] : memref<25x64xi32, #tpu.memory_space<vmem>> -> memref<1x64xi32, #tpu.memory_space<vmem>>
    %dma_start3A_404 = tpu.memref_squeeze %dma_start3A_403 : memref<1x64xi32, #tpu.memory_space<vmem>> -> memref<64xi32, #tpu.memory_space<vmem>>
    %dma_start3A_405 = arith.constant 0 : i32
    %dma_start3A_406 = arith.constant 0 : i32
    %dma_start3A_407 = tpu.memref_slice %arg3[%dma_start3A_405, %dma_start3A_406] : memref<1000000x32xf32, #tpu.memory_space<hbm>> -> memref<1000000x32xf32, #tpu.memory_space<hbm>>
    tpu.enqueue_indirect_dma source(%dma_start3A_407 : memref<1000000x32xf32, #tpu.memory_space<hbm>>) target(%dma_start3A_401 : memref<64x32xf32, #tpu.memory_space<vmem>>) offsets(%dma_start3A_404 : memref<64xi32, #tpu.memory_space<vmem>>) semaphore(%arg14 : memref<!tpu.dma_semaphore, #tpu.memory_space<semaphore_mem>>)
    %dma_start3A_408 = arith.constant 15 : i32
    %dma_start3A_409 = arith.constant 960 : i32
    %dma_start3A_410 = arith.constant 0 : i32
    %dma_start3A_411 = tpu.memref_slice %arg9[%dma_start3A_409, %dma_start3A_410] : memref<1600x32xf32, #tpu.memory_space<vmem>> -> memref<64x32xf32, #tpu.memory_space<vmem>>
    %dma_start3A_412 = arith.constant 0 : i32
    %dma_start3A_413 = tpu.memref_slice %arg7[%dma_start3A_408, %dma_start3A_412] : memref<25x64xi32, #tpu.memory_space<vmem>> -> memref<1x64xi32, #tpu.memory_space<vmem>>
    %dma_start3A_414 = tpu.memref_squeeze %dma_start3A_413 : memref<1x64xi32, #tpu.memory_space<vmem>> -> memref<64xi32, #tpu.memory_space<vmem>>
    %dma_start3A_415 = arith.constant 0 : i32
    %dma_start3A_416 = arith.constant 0 : i32
    %dma_start3A_417 = tpu.memref_slice %arg3[%dma_start3A_415, %dma_start3A_416] : memref<1000000x32xf32, #tpu.memory_space<hbm>> -> memref<1000000x32xf32, #tpu.memory_space<hbm>>
    tpu.enqueue_indirect_dma source(%dma_start3A_417 : memref<1000000x32xf32, #tpu.memory_space<hbm>>) target(%dma_start3A_411 : memref<64x32xf32, #tpu.memory_space<vmem>>) offsets(%dma_start3A_414 : memref<64xi32, #tpu.memory_space<vmem>>) semaphore(%arg14 : memref<!tpu.dma_semaphore, #tpu.memory_space<semaphore_mem>>)
    %dma_start3A_418 = arith.constant 16 : i32
    %dma_start3A_419 = arith.constant 1024 : i32
    %dma_start3A_420 = arith.constant 0 : i32
    %dma_start3A_421 = tpu.memref_slice %arg9[%dma_start3A_419, %dma_start3A_420] : memref<1600x32xf32, #tpu.memory_space<vmem>> -> memref<64x32xf32, #tpu.memory_space<vmem>>
    %dma_start3A_422 = arith.constant 0 : i32
    %dma_start3A_423 = tpu.memref_slice %arg7[%dma_start3A_418, %dma_start3A_422] : memref<25x64xi32, #tpu.memory_space<vmem>> -> memref<1x64xi32, #tpu.memory_space<vmem>>
    %dma_start3A_424 = tpu.memref_squeeze %dma_start3A_423 : memref<1x64xi32, #tpu.memory_space<vmem>> -> memref<64xi32, #tpu.memory_space<vmem>>
    %dma_start3A_425 = arith.constant 0 : i32
    %dma_start3A_426 = arith.constant 0 : i32
    %dma_start3A_427 = tpu.memref_slice %arg3[%dma_start3A_425, %dma_start3A_426] : memref<1000000x32xf32, #tpu.memory_space<hbm>> -> memref<1000000x32xf32, #tpu.memory_space<hbm>>
    tpu.enqueue_indirect_dma source(%dma_start3A_427 : memref<1000000x32xf32, #tpu.memory_space<hbm>>) target(%dma_start3A_421 : memref<64x32xf32, #tpu.memory_space<vmem>>) offsets(%dma_start3A_424 : memref<64xi32, #tpu.memory_space<vmem>>) semaphore(%arg14 : memref<!tpu.dma_semaphore, #tpu.memory_space<semaphore_mem>>)
    %dma_start3A_428 = arith.constant 17 : i32
    %dma_start3A_429 = arith.constant 1088 : i32
    %dma_start3A_430 = arith.constant 0 : i32
    %dma_start3A_431 = tpu.memref_slice %arg9[%dma_start3A_429, %dma_start3A_430] : memref<1600x32xf32, #tpu.memory_space<vmem>> -> memref<64x32xf32, #tpu.memory_space<vmem>>
    %dma_start3A_432 = arith.constant 0 : i32
    %dma_start3A_433 = tpu.memref_slice %arg7[%dma_start3A_428, %dma_start3A_432] : memref<25x64xi32, #tpu.memory_space<vmem>> -> memref<1x64xi32, #tpu.memory_space<vmem>>
    %dma_start3A_434 = tpu.memref_squeeze %dma_start3A_433 : memref<1x64xi32, #tpu.memory_space<vmem>> -> memref<64xi32, #tpu.memory_space<vmem>>
    %dma_start3A_435 = arith.constant 0 : i32
    %dma_start3A_436 = arith.constant 0 : i32
    %dma_start3A_437 = tpu.memref_slice %arg3[%dma_start3A_435, %dma_start3A_436] : memref<1000000x32xf32, #tpu.memory_space<hbm>> -> memref<1000000x32xf32, #tpu.memory_space<hbm>>
    tpu.enqueue_indirect_dma source(%dma_start3A_437 : memref<1000000x32xf32, #tpu.memory_space<hbm>>) target(%dma_start3A_431 : memref<64x32xf32, #tpu.memory_space<vmem>>) offsets(%dma_start3A_434 : memref<64xi32, #tpu.memory_space<vmem>>) semaphore(%arg14 : memref<!tpu.dma_semaphore, #tpu.memory_space<semaphore_mem>>)
    %dma_start3A_438 = arith.constant 18 : i32
    %dma_start3A_439 = arith.constant 1152 : i32
    %dma_start3A_440 = arith.constant 0 : i32
    %dma_start3A_441 = tpu.memref_slice %arg9[%dma_start3A_439, %dma_start3A_440] : memref<1600x32xf32, #tpu.memory_space<vmem>> -> memref<64x32xf32, #tpu.memory_space<vmem>>
    %dma_start3A_442 = arith.constant 0 : i32
    %dma_start3A_443 = tpu.memref_slice %arg7[%dma_start3A_438, %dma_start3A_442] : memref<25x64xi32, #tpu.memory_space<vmem>> -> memref<1x64xi32, #tpu.memory_space<vmem>>
    %dma_start3A_444 = tpu.memref_squeeze %dma_start3A_443 : memref<1x64xi32, #tpu.memory_space<vmem>> -> memref<64xi32, #tpu.memory_space<vmem>>
    %dma_start3A_445 = arith.constant 0 : i32
    %dma_start3A_446 = arith.constant 0 : i32
    %dma_start3A_447 = tpu.memref_slice %arg3[%dma_start3A_445, %dma_start3A_446] : memref<1000000x32xf32, #tpu.memory_space<hbm>> -> memref<1000000x32xf32, #tpu.memory_space<hbm>>
    tpu.enqueue_indirect_dma source(%dma_start3A_447 : memref<1000000x32xf32, #tpu.memory_space<hbm>>) target(%dma_start3A_441 : memref<64x32xf32, #tpu.memory_space<vmem>>) offsets(%dma_start3A_444 : memref<64xi32, #tpu.memory_space<vmem>>) semaphore(%arg14 : memref<!tpu.dma_semaphore, #tpu.memory_space<semaphore_mem>>)
    %dma_start3A_448 = arith.constant 19 : i32
    %dma_start3A_449 = arith.constant 1216 : i32
    %dma_start3A_450 = arith.constant 0 : i32
    %dma_start3A_451 = tpu.memref_slice %arg9[%dma_start3A_449, %dma_start3A_450] : memref<1600x32xf32, #tpu.memory_space<vmem>> -> memref<64x32xf32, #tpu.memory_space<vmem>>
    %dma_start3A_452 = arith.constant 0 : i32
    %dma_start3A_453 = tpu.memref_slice %arg7[%dma_start3A_448, %dma_start3A_452] : memref<25x64xi32, #tpu.memory_space<vmem>> -> memref<1x64xi32, #tpu.memory_space<vmem>>
    %dma_start3A_454 = tpu.memref_squeeze %dma_start3A_453 : memref<1x64xi32, #tpu.memory_space<vmem>> -> memref<64xi32, #tpu.memory_space<vmem>>
    %dma_start3A_455 = arith.constant 0 : i32
    %dma_start3A_456 = arith.constant 0 : i32
    %dma_start3A_457 = tpu.memref_slice %arg3[%dma_start3A_455, %dma_start3A_456] : memref<1000000x32xf32, #tpu.memory_space<hbm>> -> memref<1000000x32xf32, #tpu.memory_space<hbm>>
    tpu.enqueue_indirect_dma source(%dma_start3A_457 : memref<1000000x32xf32, #tpu.memory_space<hbm>>) target(%dma_start3A_451 : memref<64x32xf32, #tpu.memory_space<vmem>>) offsets(%dma_start3A_454 : memref<64xi32, #tpu.memory_space<vmem>>) semaphore(%arg14 : memref<!tpu.dma_semaphore, #tpu.memory_space<semaphore_mem>>)
    %dma_start3A_458 = arith.constant 20 : i32
    %dma_start3A_459 = arith.constant 1280 : i32
    %dma_start3A_460 = arith.constant 0 : i32
    %dma_start3A_461 = tpu.memref_slice %arg9[%dma_start3A_459, %dma_start3A_460] : memref<1600x32xf32, #tpu.memory_space<vmem>> -> memref<64x32xf32, #tpu.memory_space<vmem>>
    %dma_start3A_462 = arith.constant 0 : i32
    %dma_start3A_463 = tpu.memref_slice %arg7[%dma_start3A_458, %dma_start3A_462] : memref<25x64xi32, #tpu.memory_space<vmem>> -> memref<1x64xi32, #tpu.memory_space<vmem>>
    %dma_start3A_464 = tpu.memref_squeeze %dma_start3A_463 : memref<1x64xi32, #tpu.memory_space<vmem>> -> memref<64xi32, #tpu.memory_space<vmem>>
    %dma_start3A_465 = arith.constant 0 : i32
    %dma_start3A_466 = arith.constant 0 : i32
    %dma_start3A_467 = tpu.memref_slice %arg3[%dma_start3A_465, %dma_start3A_466] : memref<1000000x32xf32, #tpu.memory_space<hbm>> -> memref<1000000x32xf32, #tpu.memory_space<hbm>>
    tpu.enqueue_indirect_dma source(%dma_start3A_467 : memref<1000000x32xf32, #tpu.memory_space<hbm>>) target(%dma_start3A_461 : memref<64x32xf32, #tpu.memory_space<vmem>>) offsets(%dma_start3A_464 : memref<64xi32, #tpu.memory_space<vmem>>) semaphore(%arg14 : memref<!tpu.dma_semaphore, #tpu.memory_space<semaphore_mem>>)
    %dma_start3A_468 = arith.constant 21 : i32
    %dma_start3A_469 = arith.constant 1344 : i32
    %dma_start3A_470 = arith.constant 0 : i32
    %dma_start3A_471 = tpu.memref_slice %arg9[%dma_start3A_469, %dma_start3A_470] : memref<1600x32xf32, #tpu.memory_space<vmem>> -> memref<64x32xf32, #tpu.memory_space<vmem>>
    %dma_start3A_472 = arith.constant 0 : i32
    %dma_start3A_473 = tpu.memref_slice %arg7[%dma_start3A_468, %dma_start3A_472] : memref<25x64xi32, #tpu.memory_space<vmem>> -> memref<1x64xi32, #tpu.memory_space<vmem>>
    %dma_start3A_474 = tpu.memref_squeeze %dma_start3A_473 : memref<1x64xi32, #tpu.memory_space<vmem>> -> memref<64xi32, #tpu.memory_space<vmem>>
    %dma_start3A_475 = arith.constant 0 : i32
    %dma_start3A_476 = arith.constant 0 : i32
    %dma_start3A_477 = tpu.memref_slice %arg3[%dma_start3A_475, %dma_start3A_476] : memref<1000000x32xf32, #tpu.memory_space<hbm>> -> memref<1000000x32xf32, #tpu.memory_space<hbm>>
    tpu.enqueue_indirect_dma source(%dma_start3A_477 : memref<1000000x32xf32, #tpu.memory_space<hbm>>) target(%dma_start3A_471 : memref<64x32xf32, #tpu.memory_space<vmem>>) offsets(%dma_start3A_474 : memref<64xi32, #tpu.memory_space<vmem>>) semaphore(%arg14 : memref<!tpu.dma_semaphore, #tpu.memory_space<semaphore_mem>>)
    %dma_start3A_478 = arith.constant 22 : i32
    %dma_start3A_479 = arith.constant 1408 : i32
    %dma_start3A_480 = arith.constant 0 : i32
    %dma_start3A_481 = tpu.memref_slice %arg9[%dma_start3A_479, %dma_start3A_480] : memref<1600x32xf32, #tpu.memory_space<vmem>> -> memref<64x32xf32, #tpu.memory_space<vmem>>
    %dma_start3A_482 = arith.constant 0 : i32
    %dma_start3A_483 = tpu.memref_slice %arg7[%dma_start3A_478, %dma_start3A_482] : memref<25x64xi32, #tpu.memory_space<vmem>> -> memref<1x64xi32, #tpu.memory_space<vmem>>
    %dma_start3A_484 = tpu.memref_squeeze %dma_start3A_483 : memref<1x64xi32, #tpu.memory_space<vmem>> -> memref<64xi32, #tpu.memory_space<vmem>>
    %dma_start3A_485 = arith.constant 0 : i32
    %dma_start3A_486 = arith.constant 0 : i32
    %dma_start3A_487 = tpu.memref_slice %arg3[%dma_start3A_485, %dma_start3A_486] : memref<1000000x32xf32, #tpu.memory_space<hbm>> -> memref<1000000x32xf32, #tpu.memory_space<hbm>>
    tpu.enqueue_indirect_dma source(%dma_start3A_487 : memref<1000000x32xf32, #tpu.memory_space<hbm>>) target(%dma_start3A_481 : memref<64x32xf32, #tpu.memory_space<vmem>>) offsets(%dma_start3A_484 : memref<64xi32, #tpu.memory_space<vmem>>) semaphore(%arg14 : memref<!tpu.dma_semaphore, #tpu.memory_space<semaphore_mem>>)
    %dma_start3A_488 = arith.constant 23 : i32
    %dma_start3A_489 = arith.constant 1472 : i32
    %dma_start3A_490 = arith.constant 0 : i32
    %dma_start3A_491 = tpu.memref_slice %arg9[%dma_start3A_489, %dma_start3A_490] : memref<1600x32xf32, #tpu.memory_space<vmem>> -> memref<64x32xf32, #tpu.memory_space<vmem>>
    %dma_start3A_492 = arith.constant 0 : i32
    %dma_start3A_493 = tpu.memref_slice %arg7[%dma_start3A_488, %dma_start3A_492] : memref<25x64xi32, #tpu.memory_space<vmem>> -> memref<1x64xi32, #tpu.memory_space<vmem>>
    %dma_start3A_494 = tpu.memref_squeeze %dma_start3A_493 : memref<1x64xi32, #tpu.memory_space<vmem>> -> memref<64xi32, #tpu.memory_space<vmem>>
    %dma_start3A_495 = arith.constant 0 : i32
    %dma_start3A_496 = arith.constant 0 : i32
    %dma_start3A_497 = tpu.memref_slice %arg3[%dma_start3A_495, %dma_start3A_496] : memref<1000000x32xf32, #tpu.memory_space<hbm>> -> memref<1000000x32xf32, #tpu.memory_space<hbm>>
    tpu.enqueue_indirect_dma source(%dma_start3A_497 : memref<1000000x32xf32, #tpu.memory_space<hbm>>) target(%dma_start3A_491 : memref<64x32xf32, #tpu.memory_space<vmem>>) offsets(%dma_start3A_494 : memref<64xi32, #tpu.memory_space<vmem>>) semaphore(%arg14 : memref<!tpu.dma_semaphore, #tpu.memory_space<semaphore_mem>>)
    %dma_start3A_498 = arith.constant 24 : i32
    %dma_start3A_499 = arith.constant 1536 : i32
    %dma_start3A_500 = arith.constant 0 : i32
    %dma_start3A_501 = tpu.memref_slice %arg9[%dma_start3A_499, %dma_start3A_500] : memref<1600x32xf32, #tpu.memory_space<vmem>> -> memref<64x32xf32, #tpu.memory_space<vmem>>
    %dma_start3A_502 = arith.constant 0 : i32
    %dma_start3A_503 = tpu.memref_slice %arg7[%dma_start3A_498, %dma_start3A_502] : memref<25x64xi32, #tpu.memory_space<vmem>> -> memref<1x64xi32, #tpu.memory_space<vmem>>
    %dma_start3A_504 = tpu.memref_squeeze %dma_start3A_503 : memref<1x64xi32, #tpu.memory_space<vmem>> -> memref<64xi32, #tpu.memory_space<vmem>>
    %dma_start3A_505 = arith.constant 0 : i32
    %dma_start3A_506 = arith.constant 0 : i32
    %dma_start3A_507 = tpu.memref_slice %arg3[%dma_start3A_505, %dma_start3A_506] : memref<1000000x32xf32, #tpu.memory_space<hbm>> -> memref<1000000x32xf32, #tpu.memory_space<hbm>>
    tpu.enqueue_indirect_dma source(%dma_start3A_507 : memref<1000000x32xf32, #tpu.memory_space<hbm>>) target(%dma_start3A_501 : memref<64x32xf32, #tpu.memory_space<vmem>>) offsets(%dma_start3A_504 : memref<64xi32, #tpu.memory_space<vmem>>) semaphore(%arg14 : memref<!tpu.dma_semaphore, #tpu.memory_space<semaphore_mem>>)
    %scan3A = arith.constant 0 : i32
    %scan3A_508 = arith.constant 0 : i32
    %scan3A_509 = arith.constant 8 : i32
    %scan3A_510 = arith.addi %scan3A_508, %scan3A_509 : i32
    %scan3A_511 = arith.constant 1 : i32
    scf.for %scan3A_663 = %scan3A_508 to %scan3A_510 step %scan3A_511  : i32 {
      %mul3A_664 = arith.constant 2 : i32
      %mul3A_665 = arith.muli %mul3A_664, %scan3A_663 : i32
      %dma_wait3A = arith.constant 0 : i32
      %dma_wait3A_666 = arith.constant 0 : i32
      %dma_wait3A_667 = arith.constant 0 : i32
      %dma_wait3A_668 = tpu.memref_slice %arg8[%dma_wait3A_666, %dma_wait3A_667] : memref<1600x32xf32, #tpu.memory_space<vmem>> -> memref<64x32xf32, #tpu.memory_space<vmem>>
      %dma_wait3A_669 = arith.constant 0 : i32
      %dma_wait3A_670 = tpu.memref_slice %arg6[%dma_wait3A, %dma_wait3A_669] : memref<25x64xi32, #tpu.memory_space<vmem>> -> memref<1x64xi32, #tpu.memory_space<vmem>>
      %dma_wait3A_671 = tpu.memref_squeeze %dma_wait3A_670 : memref<1x64xi32, #tpu.memory_space<vmem>> -> memref<64xi32, #tpu.memory_space<vmem>>
      %dma_wait3A_672 = arith.constant 0 : i32
      %dma_wait3A_673 = arith.constant 0 : i32
      %dma_wait3A_674 = tpu.memref_slice %arg3[%dma_wait3A_672, %dma_wait3A_673] : memref<1000000x32xf32, #tpu.memory_space<hbm>> -> memref<1000000x32xf32, #tpu.memory_space<hbm>>
      tpu.wait_indirect_dma semaphore(%arg13 : memref<!tpu.dma_semaphore, #tpu.memory_space<semaphore_mem>>) src(%dma_wait3A_674 : memref<1000000x32xf32, #tpu.memory_space<hbm>>) dst(%dma_wait3A_668 : memref<64x32xf32, #tpu.memory_space<vmem>>)
      %dma_wait3A_675 = arith.constant 0 : i32
      %dma_wait3A_676 = arith.constant 64 : i32
      %dma_wait3A_677 = arith.constant 0 : i32
      %dma_wait3A_678 = tpu.memref_slice %arg8[%dma_wait3A_676, %dma_wait3A_677] : memref<1600x32xf32, #tpu.memory_space<vmem>> -> memref<64x32xf32, #tpu.memory_space<vmem>>
      %dma_wait3A_679 = arith.constant 0 : i32
      %dma_wait3A_680 = tpu.memref_slice %arg6[%dma_wait3A_675, %dma_wait3A_679] : memref<25x64xi32, #tpu.memory_space<vmem>> -> memref<1x64xi32, #tpu.memory_space<vmem>>
      %dma_wait3A_681 = tpu.memref_squeeze %dma_wait3A_680 : memref<1x64xi32, #tpu.memory_space<vmem>> -> memref<64xi32, #tpu.memory_space<vmem>>
      %dma_wait3A_682 = arith.constant 0 : i32
      %dma_wait3A_683 = arith.constant 0 : i32
      %dma_wait3A_684 = tpu.memref_slice %arg3[%dma_wait3A_682, %dma_wait3A_683] : memref<1000000x32xf32, #tpu.memory_space<hbm>> -> memref<1000000x32xf32, #tpu.memory_space<hbm>>
      tpu.wait_indirect_dma semaphore(%arg13 : memref<!tpu.dma_semaphore, #tpu.memory_space<semaphore_mem>>) src(%dma_wait3A_684 : memref<1000000x32xf32, #tpu.memory_space<hbm>>) dst(%dma_wait3A_678 : memref<64x32xf32, #tpu.memory_space<vmem>>)
      %dma_wait3A_685 = arith.constant 0 : i32
      %dma_wait3A_686 = arith.constant 128 : i32
      %dma_wait3A_687 = arith.constant 0 : i32
      %dma_wait3A_688 = tpu.memref_slice %arg8[%dma_wait3A_686, %dma_wait3A_687] : memref<1600x32xf32, #tpu.memory_space<vmem>> -> memref<64x32xf32, #tpu.memory_space<vmem>>
      %dma_wait3A_689 = arith.constant 0 : i32
      %dma_wait3A_690 = tpu.memref_slice %arg6[%dma_wait3A_685, %dma_wait3A_689] : memref<25x64xi32, #tpu.memory_space<vmem>> -> memref<1x64xi32, #tpu.memory_space<vmem>>
      %dma_wait3A_691 = tpu.memref_squeeze %dma_wait3A_690 : memref<1x64xi32, #tpu.memory_space<vmem>> -> memref<64xi32, #tpu.memory_space<vmem>>
      %dma_wait3A_692 = arith.constant 0 : i32
      %dma_wait3A_693 = arith.constant 0 : i32
      %dma_wait3A_694 = tpu.memref_slice %arg3[%dma_wait3A_692, %dma_wait3A_693] : memref<1000000x32xf32, #tpu.memory_space<hbm>> -> memref<1000000x32xf32, #tpu.memory_space<hbm>>
      tpu.wait_indirect_dma semaphore(%arg13 : memref<!tpu.dma_semaphore, #tpu.memory_space<semaphore_mem>>) src(%dma_wait3A_694 : memref<1000000x32xf32, #tpu.memory_space<hbm>>) dst(%dma_wait3A_688 : memref<64x32xf32, #tpu.memory_space<vmem>>)
      %dma_wait3A_695 = arith.constant 0 : i32
      %dma_wait3A_696 = arith.constant 192 : i32
      %dma_wait3A_697 = arith.constant 0 : i32
      %dma_wait3A_698 = tpu.memref_slice %arg8[%dma_wait3A_696, %dma_wait3A_697] : memref<1600x32xf32, #tpu.memory_space<vmem>> -> memref<64x32xf32, #tpu.memory_space<vmem>>
      %dma_wait3A_699 = arith.constant 0 : i32
      %dma_wait3A_700 = tpu.memref_slice %arg6[%dma_wait3A_695, %dma_wait3A_699] : memref<25x64xi32, #tpu.memory_space<vmem>> -> memref<1x64xi32, #tpu.memory_space<vmem>>
      %dma_wait3A_701 = tpu.memref_squeeze %dma_wait3A_700 : memref<1x64xi32, #tpu.memory_space<vmem>> -> memref<64xi32, #tpu.memory_space<vmem>>
      %dma_wait3A_702 = arith.constant 0 : i32
      %dma_wait3A_703 = arith.constant 0 : i32
      %dma_wait3A_704 = tpu.memref_slice %arg3[%dma_wait3A_702, %dma_wait3A_703] : memref<1000000x32xf32, #tpu.memory_space<hbm>> -> memref<1000000x32xf32, #tpu.memory_space<hbm>>
      tpu.wait_indirect_dma semaphore(%arg13 : memref<!tpu.dma_semaphore, #tpu.memory_space<semaphore_mem>>) src(%dma_wait3A_704 : memref<1000000x32xf32, #tpu.memory_space<hbm>>) dst(%dma_wait3A_698 : memref<64x32xf32, #tpu.memory_space<vmem>>)
      %dma_wait3A_705 = arith.constant 0 : i32
      %dma_wait3A_706 = arith.constant 256 : i32
      %dma_wait3A_707 = arith.constant 0 : i32
      %dma_wait3A_708 = tpu.memref_slice %arg8[%dma_wait3A_706, %dma_wait3A_707] : memref<1600x32xf32, #tpu.memory_space<vmem>> -> memref<64x32xf32, #tpu.memory_space<vmem>>
      %dma_wait3A_709 = arith.constant 0 : i32
      %dma_wait3A_710 = tpu.memref_slice %arg6[%dma_wait3A_705, %dma_wait3A_709] : memref<25x64xi32, #tpu.memory_space<vmem>> -> memref<1x64xi32, #tpu.memory_space<vmem>>
      %dma_wait3A_711 = tpu.memref_squeeze %dma_wait3A_710 : memref<1x64xi32, #tpu.memory_space<vmem>> -> memref<64xi32, #tpu.memory_space<vmem>>
      %dma_wait3A_712 = arith.constant 0 : i32
      %dma_wait3A_713 = arith.constant 0 : i32
      %dma_wait3A_714 = tpu.memref_slice %arg3[%dma_wait3A_712, %dma_wait3A_713] : memref<1000000x32xf32, #tpu.memory_space<hbm>> -> memref<1000000x32xf32, #tpu.memory_space<hbm>>
      tpu.wait_indirect_dma semaphore(%arg13 : memref<!tpu.dma_semaphore, #tpu.memory_space<semaphore_mem>>) src(%dma_wait3A_714 : memref<1000000x32xf32, #tpu.memory_space<hbm>>) dst(%dma_wait3A_708 : memref<64x32xf32, #tpu.memory_space<vmem>>)
      %dma_wait3A_715 = arith.constant 0 : i32
      %dma_wait3A_716 = arith.constant 320 : i32
      %dma_wait3A_717 = arith.constant 0 : i32
      %dma_wait3A_718 = tpu.memref_slice %arg8[%dma_wait3A_716, %dma_wait3A_717] : memref<1600x32xf32, #tpu.memory_space<vmem>> -> memref<64x32xf32, #tpu.memory_space<vmem>>
      %dma_wait3A_719 = arith.constant 0 : i32
      %dma_wait3A_720 = tpu.memref_slice %arg6[%dma_wait3A_715, %dma_wait3A_719] : memref<25x64xi32, #tpu.memory_space<vmem>> -> memref<1x64xi32, #tpu.memory_space<vmem>>
      %dma_wait3A_721 = tpu.memref_squeeze %dma_wait3A_720 : memref<1x64xi32, #tpu.memory_space<vmem>> -> memref<64xi32, #tpu.memory_space<vmem>>
      %dma_wait3A_722 = arith.constant 0 : i32
      %dma_wait3A_723 = arith.constant 0 : i32
      %dma_wait3A_724 = tpu.memref_slice %arg3[%dma_wait3A_722, %dma_wait3A_723] : memref<1000000x32xf32, #tpu.memory_space<hbm>> -> memref<1000000x32xf32, #tpu.memory_space<hbm>>
      tpu.wait_indirect_dma semaphore(%arg13 : memref<!tpu.dma_semaphore, #tpu.memory_space<semaphore_mem>>) src(%dma_wait3A_724 : memref<1000000x32xf32, #tpu.memory_space<hbm>>) dst(%dma_wait3A_718 : memref<64x32xf32, #tpu.memory_space<vmem>>)
      %dma_wait3A_725 = arith.constant 0 : i32
      %dma_wait3A_726 = arith.constant 384 : i32
      %dma_wait3A_727 = arith.constant 0 : i32
      %dma_wait3A_728 = tpu.memref_slice %arg8[%dma_wait3A_726, %dma_wait3A_727] : memref<1600x32xf32, #tpu.memory_space<vmem>> -> memref<64x32xf32, #tpu.memory_space<vmem>>
      %dma_wait3A_729 = arith.constant 0 : i32
      %dma_wait3A_730 = tpu.memref_slice %arg6[%dma_wait3A_725, %dma_wait3A_729] : memref<25x64xi32, #tpu.memory_space<vmem>> -> memref<1x64xi32, #tpu.memory_space<vmem>>
      %dma_wait3A_731 = tpu.memref_squeeze %dma_wait3A_730 : memref<1x64xi32, #tpu.memory_space<vmem>> -> memref<64xi32, #tpu.memory_space<vmem>>
      %dma_wait3A_732 = arith.constant 0 : i32
      %dma_wait3A_733 = arith.constant 0 : i32
      %dma_wait3A_734 = tpu.memref_slice %arg3[%dma_wait3A_732, %dma_wait3A_733] : memref<1000000x32xf32, #tpu.memory_space<hbm>> -> memref<1000000x32xf32, #tpu.memory_space<hbm>>
      tpu.wait_indirect_dma semaphore(%arg13 : memref<!tpu.dma_semaphore, #tpu.memory_space<semaphore_mem>>) src(%dma_wait3A_734 : memref<1000000x32xf32, #tpu.memory_space<hbm>>) dst(%dma_wait3A_728 : memref<64x32xf32, #tpu.memory_space<vmem>>)
      %dma_wait3A_735 = arith.constant 0 : i32
      %dma_wait3A_736 = arith.constant 448 : i32
      %dma_wait3A_737 = arith.constant 0 : i32
      %dma_wait3A_738 = tpu.memref_slice %arg8[%dma_wait3A_736, %dma_wait3A_737] : memref<1600x32xf32, #tpu.memory_space<vmem>> -> memref<64x32xf32, #tpu.memory_space<vmem>>
      %dma_wait3A_739 = arith.constant 0 : i32
      %dma_wait3A_740 = tpu.memref_slice %arg6[%dma_wait3A_735, %dma_wait3A_739] : memref<25x64xi32, #tpu.memory_space<vmem>> -> memref<1x64xi32, #tpu.memory_space<vmem>>
      %dma_wait3A_741 = tpu.memref_squeeze %dma_wait3A_740 : memref<1x64xi32, #tpu.memory_space<vmem>> -> memref<64xi32, #tpu.memory_space<vmem>>
      %dma_wait3A_742 = arith.constant 0 : i32
      %dma_wait3A_743 = arith.constant 0 : i32
      %dma_wait3A_744 = tpu.memref_slice %arg3[%dma_wait3A_742, %dma_wait3A_743] : memref<1000000x32xf32, #tpu.memory_space<hbm>> -> memref<1000000x32xf32, #tpu.memory_space<hbm>>
      tpu.wait_indirect_dma semaphore(%arg13 : memref<!tpu.dma_semaphore, #tpu.memory_space<semaphore_mem>>) src(%dma_wait3A_744 : memref<1000000x32xf32, #tpu.memory_space<hbm>>) dst(%dma_wait3A_738 : memref<64x32xf32, #tpu.memory_space<vmem>>)
      %dma_wait3A_745 = arith.constant 0 : i32
      %dma_wait3A_746 = arith.constant 512 : i32
      %dma_wait3A_747 = arith.constant 0 : i32
      %dma_wait3A_748 = tpu.memref_slice %arg8[%dma_wait3A_746, %dma_wait3A_747] : memref<1600x32xf32, #tpu.memory_space<vmem>> -> memref<64x32xf32, #tpu.memory_space<vmem>>
      %dma_wait3A_749 = arith.constant 0 : i32
      %dma_wait3A_750 = tpu.memref_slice %arg6[%dma_wait3A_745, %dma_wait3A_749] : memref<25x64xi32, #tpu.memory_space<vmem>> -> memref<1x64xi32, #tpu.memory_space<vmem>>
      %dma_wait3A_751 = tpu.memref_squeeze %dma_wait3A_750 : memref<1x64xi32, #tpu.memory_space<vmem>> -> memref<64xi32, #tpu.memory_space<vmem>>
      %dma_wait3A_752 = arith.constant 0 : i32
      %dma_wait3A_753 = arith.constant 0 : i32
      %dma_wait3A_754 = tpu.memref_slice %arg3[%dma_wait3A_752, %dma_wait3A_753] : memref<1000000x32xf32, #tpu.memory_space<hbm>> -> memref<1000000x32xf32, #tpu.memory_space<hbm>>
      tpu.wait_indirect_dma semaphore(%arg13 : memref<!tpu.dma_semaphore, #tpu.memory_space<semaphore_mem>>) src(%dma_wait3A_754 : memref<1000000x32xf32, #tpu.memory_space<hbm>>) dst(%dma_wait3A_748 : memref<64x32xf32, #tpu.memory_space<vmem>>)
      %dma_wait3A_755 = arith.constant 0 : i32
      %dma_wait3A_756 = arith.constant 576 : i32
      %dma_wait3A_757 = arith.constant 0 : i32
      %dma_wait3A_758 = tpu.memref_slice %arg8[%dma_wait3A_756, %dma_wait3A_757] : memref<1600x32xf32, #tpu.memory_space<vmem>> -> memref<64x32xf32, #tpu.memory_space<vmem>>
      %dma_wait3A_759 = arith.constant 0 : i32
      %dma_wait3A_760 = tpu.memref_slice %arg6[%dma_wait3A_755, %dma_wait3A_759] : memref<25x64xi32, #tpu.memory_space<vmem>> -> memref<1x64xi32, #tpu.memory_space<vmem>>
      %dma_wait3A_761 = tpu.memref_squeeze %dma_wait3A_760 : memref<1x64xi32, #tpu.memory_space<vmem>> -> memref<64xi32, #tpu.memory_space<vmem>>
      %dma_wait3A_762 = arith.constant 0 : i32
      %dma_wait3A_763 = arith.constant 0 : i32
      %dma_wait3A_764 = tpu.memref_slice %arg3[%dma_wait3A_762, %dma_wait3A_763] : memref<1000000x32xf32, #tpu.memory_space<hbm>> -> memref<1000000x32xf32, #tpu.memory_space<hbm>>
      tpu.wait_indirect_dma semaphore(%arg13 : memref<!tpu.dma_semaphore, #tpu.memory_space<semaphore_mem>>) src(%dma_wait3A_764 : memref<1000000x32xf32, #tpu.memory_space<hbm>>) dst(%dma_wait3A_758 : memref<64x32xf32, #tpu.memory_space<vmem>>)
      %dma_wait3A_765 = arith.constant 0 : i32
      %dma_wait3A_766 = arith.constant 640 : i32
      %dma_wait3A_767 = arith.constant 0 : i32
      %dma_wait3A_768 = tpu.memref_slice %arg8[%dma_wait3A_766, %dma_wait3A_767] : memref<1600x32xf32, #tpu.memory_space<vmem>> -> memref<64x32xf32, #tpu.memory_space<vmem>>
      %dma_wait3A_769 = arith.constant 0 : i32
      %dma_wait3A_770 = tpu.memref_slice %arg6[%dma_wait3A_765, %dma_wait3A_769] : memref<25x64xi32, #tpu.memory_space<vmem>> -> memref<1x64xi32, #tpu.memory_space<vmem>>
      %dma_wait3A_771 = tpu.memref_squeeze %dma_wait3A_770 : memref<1x64xi32, #tpu.memory_space<vmem>> -> memref<64xi32, #tpu.memory_space<vmem>>
      %dma_wait3A_772 = arith.constant 0 : i32
      %dma_wait3A_773 = arith.constant 0 : i32
      %dma_wait3A_774 = tpu.memref_slice %arg3[%dma_wait3A_772, %dma_wait3A_773] : memref<1000000x32xf32, #tpu.memory_space<hbm>> -> memref<1000000x32xf32, #tpu.memory_space<hbm>>
      tpu.wait_indirect_dma semaphore(%arg13 : memref<!tpu.dma_semaphore, #tpu.memory_space<semaphore_mem>>) src(%dma_wait3A_774 : memref<1000000x32xf32, #tpu.memory_space<hbm>>) dst(%dma_wait3A_768 : memref<64x32xf32, #tpu.memory_space<vmem>>)
      %dma_wait3A_775 = arith.constant 0 : i32
      %dma_wait3A_776 = arith.constant 704 : i32
      %dma_wait3A_777 = arith.constant 0 : i32
      %dma_wait3A_778 = tpu.memref_slice %arg8[%dma_wait3A_776, %dma_wait3A_777] : memref<1600x32xf32, #tpu.memory_space<vmem>> -> memref<64x32xf32, #tpu.memory_space<vmem>>
      %dma_wait3A_779 = arith.constant 0 : i32
      %dma_wait3A_780 = tpu.memref_slice %arg6[%dma_wait3A_775, %dma_wait3A_779] : memref<25x64xi32, #tpu.memory_space<vmem>> -> memref<1x64xi32, #tpu.memory_space<vmem>>
      %dma_wait3A_781 = tpu.memref_squeeze %dma_wait3A_780 : memref<1x64xi32, #tpu.memory_space<vmem>> -> memref<64xi32, #tpu.memory_space<vmem>>
      %dma_wait3A_782 = arith.constant 0 : i32
      %dma_wait3A_783 = arith.constant 0 : i32
      %dma_wait3A_784 = tpu.memref_slice %arg3[%dma_wait3A_782, %dma_wait3A_783] : memref<1000000x32xf32, #tpu.memory_space<hbm>> -> memref<1000000x32xf32, #tpu.memory_space<hbm>>
      tpu.wait_indirect_dma semaphore(%arg13 : memref<!tpu.dma_semaphore, #tpu.memory_space<semaphore_mem>>) src(%dma_wait3A_784 : memref<1000000x32xf32, #tpu.memory_space<hbm>>) dst(%dma_wait3A_778 : memref<64x32xf32, #tpu.memory_space<vmem>>)
      %dma_wait3A_785 = arith.constant 0 : i32
      %dma_wait3A_786 = arith.constant 768 : i32
      %dma_wait3A_787 = arith.constant 0 : i32
      %dma_wait3A_788 = tpu.memref_slice %arg8[%dma_wait3A_786, %dma_wait3A_787] : memref<1600x32xf32, #tpu.memory_space<vmem>> -> memref<64x32xf32, #tpu.memory_space<vmem>>
      %dma_wait3A_789 = arith.constant 0 : i32
      %dma_wait3A_790 = tpu.memref_slice %arg6[%dma_wait3A_785, %dma_wait3A_789] : memref<25x64xi32, #tpu.memory_space<vmem>> -> memref<1x64xi32, #tpu.memory_space<vmem>>
      %dma_wait3A_791 = tpu.memref_squeeze %dma_wait3A_790 : memref<1x64xi32, #tpu.memory_space<vmem>> -> memref<64xi32, #tpu.memory_space<vmem>>
      %dma_wait3A_792 = arith.constant 0 : i32
      %dma_wait3A_793 = arith.constant 0 : i32
      %dma_wait3A_794 = tpu.memref_slice %arg3[%dma_wait3A_792, %dma_wait3A_793] : memref<1000000x32xf32, #tpu.memory_space<hbm>> -> memref<1000000x32xf32, #tpu.memory_space<hbm>>
      tpu.wait_indirect_dma semaphore(%arg13 : memref<!tpu.dma_semaphore, #tpu.memory_space<semaphore_mem>>) src(%dma_wait3A_794 : memref<1000000x32xf32, #tpu.memory_space<hbm>>) dst(%dma_wait3A_788 : memref<64x32xf32, #tpu.memory_space<vmem>>)
      %dma_wait3A_795 = arith.constant 0 : i32
      %dma_wait3A_796 = arith.constant 832 : i32
      %dma_wait3A_797 = arith.constant 0 : i32
      %dma_wait3A_798 = tpu.memref_slice %arg8[%dma_wait3A_796, %dma_wait3A_797] : memref<1600x32xf32, #tpu.memory_space<vmem>> -> memref<64x32xf32, #tpu.memory_space<vmem>>
      %dma_wait3A_799 = arith.constant 0 : i32
      %dma_wait3A_800 = tpu.memref_slice %arg6[%dma_wait3A_795, %dma_wait3A_799] : memref<25x64xi32, #tpu.memory_space<vmem>> -> memref<1x64xi32, #tpu.memory_space<vmem>>
      %dma_wait3A_801 = tpu.memref_squeeze %dma_wait3A_800 : memref<1x64xi32, #tpu.memory_space<vmem>> -> memref<64xi32, #tpu.memory_space<vmem>>
      %dma_wait3A_802 = arith.constant 0 : i32
      %dma_wait3A_803 = arith.constant 0 : i32
      %dma_wait3A_804 = tpu.memref_slice %arg3[%dma_wait3A_802, %dma_wait3A_803] : memref<1000000x32xf32, #tpu.memory_space<hbm>> -> memref<1000000x32xf32, #tpu.memory_space<hbm>>
      tpu.wait_indirect_dma semaphore(%arg13 : memref<!tpu.dma_semaphore, #tpu.memory_space<semaphore_mem>>) src(%dma_wait3A_804 : memref<1000000x32xf32, #tpu.memory_space<hbm>>) dst(%dma_wait3A_798 : memref<64x32xf32, #tpu.memory_space<vmem>>)
      %dma_wait3A_805 = arith.constant 0 : i32
      %dma_wait3A_806 = arith.constant 896 : i32
      %dma_wait3A_807 = arith.constant 0 : i32
      %dma_wait3A_808 = tpu.memref_slice %arg8[%dma_wait3A_806, %dma_wait3A_807] : memref<1600x32xf32, #tpu.memory_space<vmem>> -> memref<64x32xf32, #tpu.memory_space<vmem>>
      %dma_wait3A_809 = arith.constant 0 : i32
      %dma_wait3A_810 = tpu.memref_slice %arg6[%dma_wait3A_805, %dma_wait3A_809] : memref<25x64xi32, #tpu.memory_space<vmem>> -> memref<1x64xi32, #tpu.memory_space<vmem>>
      %dma_wait3A_811 = tpu.memref_squeeze %dma_wait3A_810 : memref<1x64xi32, #tpu.memory_space<vmem>> -> memref<64xi32, #tpu.memory_space<vmem>>
      %dma_wait3A_812 = arith.constant 0 : i32
      %dma_wait3A_813 = arith.constant 0 : i32
      %dma_wait3A_814 = tpu.memref_slice %arg3[%dma_wait3A_812, %dma_wait3A_813] : memref<1000000x32xf32, #tpu.memory_space<hbm>> -> memref<1000000x32xf32, #tpu.memory_space<hbm>>
      tpu.wait_indirect_dma semaphore(%arg13 : memref<!tpu.dma_semaphore, #tpu.memory_space<semaphore_mem>>) src(%dma_wait3A_814 : memref<1000000x32xf32, #tpu.memory_space<hbm>>) dst(%dma_wait3A_808 : memref<64x32xf32, #tpu.memory_space<vmem>>)
      %dma_wait3A_815 = arith.constant 0 : i32
      %dma_wait3A_816 = arith.constant 960 : i32
      %dma_wait3A_817 = arith.constant 0 : i32
      %dma_wait3A_818 = tpu.memref_slice %arg8[%dma_wait3A_816, %dma_wait3A_817] : memref<1600x32xf32, #tpu.memory_space<vmem>> -> memref<64x32xf32, #tpu.memory_space<vmem>>
      %dma_wait3A_819 = arith.constant 0 : i32
      %dma_wait3A_820 = tpu.memref_slice %arg6[%dma_wait3A_815, %dma_wait3A_819] : memref<25x64xi32, #tpu.memory_space<vmem>> -> memref<1x64xi32, #tpu.memory_space<vmem>>
      %dma_wait3A_821 = tpu.memref_squeeze %dma_wait3A_820 : memref<1x64xi32, #tpu.memory_space<vmem>> -> memref<64xi32, #tpu.memory_space<vmem>>
      %dma_wait3A_822 = arith.constant 0 : i32
      %dma_wait3A_823 = arith.constant 0 : i32
      %dma_wait3A_824 = tpu.memref_slice %arg3[%dma_wait3A_822, %dma_wait3A_823] : memref<1000000x32xf32, #tpu.memory_space<hbm>> -> memref<1000000x32xf32, #tpu.memory_space<hbm>>
      tpu.wait_indirect_dma semaphore(%arg13 : memref<!tpu.dma_semaphore, #tpu.memory_space<semaphore_mem>>) src(%dma_wait3A_824 : memref<1000000x32xf32, #tpu.memory_space<hbm>>) dst(%dma_wait3A_818 : memref<64x32xf32, #tpu.memory_space<vmem>>)
      %dma_wait3A_825 = arith.constant 0 : i32
      %dma_wait3A_826 = arith.constant 1024 : i32
      %dma_wait3A_827 = arith.constant 0 : i32
      %dma_wait3A_828 = tpu.memref_slice %arg8[%dma_wait3A_826, %dma_wait3A_827] : memref<1600x32xf32, #tpu.memory_space<vmem>> -> memref<64x32xf32, #tpu.memory_space<vmem>>
      %dma_wait3A_829 = arith.constant 0 : i32
      %dma_wait3A_830 = tpu.memref_slice %arg6[%dma_wait3A_825, %dma_wait3A_829] : memref<25x64xi32, #tpu.memory_space<vmem>> -> memref<1x64xi32, #tpu.memory_space<vmem>>
      %dma_wait3A_831 = tpu.memref_squeeze %dma_wait3A_830 : memref<1x64xi32, #tpu.memory_space<vmem>> -> memref<64xi32, #tpu.memory_space<vmem>>
      %dma_wait3A_832 = arith.constant 0 : i32
      %dma_wait3A_833 = arith.constant 0 : i32
      %dma_wait3A_834 = tpu.memref_slice %arg3[%dma_wait3A_832, %dma_wait3A_833] : memref<1000000x32xf32, #tpu.memory_space<hbm>> -> memref<1000000x32xf32, #tpu.memory_space<hbm>>
      tpu.wait_indirect_dma semaphore(%arg13 : memref<!tpu.dma_semaphore, #tpu.memory_space<semaphore_mem>>) src(%dma_wait3A_834 : memref<1000000x32xf32, #tpu.memory_space<hbm>>) dst(%dma_wait3A_828 : memref<64x32xf32, #tpu.memory_space<vmem>>)
      %dma_wait3A_835 = arith.constant 0 : i32
      %dma_wait3A_836 = arith.constant 1088 : i32
      %dma_wait3A_837 = arith.constant 0 : i32
      %dma_wait3A_838 = tpu.memref_slice %arg8[%dma_wait3A_836, %dma_wait3A_837] : memref<1600x32xf32, #tpu.memory_space<vmem>> -> memref<64x32xf32, #tpu.memory_space<vmem>>
      %dma_wait3A_839 = arith.constant 0 : i32
      %dma_wait3A_840 = tpu.memref_slice %arg6[%dma_wait3A_835, %dma_wait3A_839] : memref<25x64xi32, #tpu.memory_space<vmem>> -> memref<1x64xi32, #tpu.memory_space<vmem>>
      %dma_wait3A_841 = tpu.memref_squeeze %dma_wait3A_840 : memref<1x64xi32, #tpu.memory_space<vmem>> -> memref<64xi32, #tpu.memory_space<vmem>>
      %dma_wait3A_842 = arith.constant 0 : i32
      %dma_wait3A_843 = arith.constant 0 : i32
      %dma_wait3A_844 = tpu.memref_slice %arg3[%dma_wait3A_842, %dma_wait3A_843] : memref<1000000x32xf32, #tpu.memory_space<hbm>> -> memref<1000000x32xf32, #tpu.memory_space<hbm>>
      tpu.wait_indirect_dma semaphore(%arg13 : memref<!tpu.dma_semaphore, #tpu.memory_space<semaphore_mem>>) src(%dma_wait3A_844 : memref<1000000x32xf32, #tpu.memory_space<hbm>>) dst(%dma_wait3A_838 : memref<64x32xf32, #tpu.memory_space<vmem>>)
      %dma_wait3A_845 = arith.constant 0 : i32
      %dma_wait3A_846 = arith.constant 1152 : i32
      %dma_wait3A_847 = arith.constant 0 : i32
      %dma_wait3A_848 = tpu.memref_slice %arg8[%dma_wait3A_846, %dma_wait3A_847] : memref<1600x32xf32, #tpu.memory_space<vmem>> -> memref<64x32xf32, #tpu.memory_space<vmem>>
      %dma_wait3A_849 = arith.constant 0 : i32
      %dma_wait3A_850 = tpu.memref_slice %arg6[%dma_wait3A_845, %dma_wait3A_849] : memref<25x64xi32, #tpu.memory_space<vmem>> -> memref<1x64xi32, #tpu.memory_space<vmem>>
      %dma_wait3A_851 = tpu.memref_squeeze %dma_wait3A_850 : memref<1x64xi32, #tpu.memory_space<vmem>> -> memref<64xi32, #tpu.memory_space<vmem>>
      %dma_wait3A_852 = arith.constant 0 : i32
      %dma_wait3A_853 = arith.constant 0 : i32
      %dma_wait3A_854 = tpu.memref_slice %arg3[%dma_wait3A_852, %dma_wait3A_853] : memref<1000000x32xf32, #tpu.memory_space<hbm>> -> memref<1000000x32xf32, #tpu.memory_space<hbm>>
      tpu.wait_indirect_dma semaphore(%arg13 : memref<!tpu.dma_semaphore, #tpu.memory_space<semaphore_mem>>) src(%dma_wait3A_854 : memref<1000000x32xf32, #tpu.memory_space<hbm>>) dst(%dma_wait3A_848 : memref<64x32xf32, #tpu.memory_space<vmem>>)
      %dma_wait3A_855 = arith.constant 0 : i32
      %dma_wait3A_856 = arith.constant 1216 : i32
      %dma_wait3A_857 = arith.constant 0 : i32
      %dma_wait3A_858 = tpu.memref_slice %arg8[%dma_wait3A_856, %dma_wait3A_857] : memref<1600x32xf32, #tpu.memory_space<vmem>> -> memref<64x32xf32, #tpu.memory_space<vmem>>
      %dma_wait3A_859 = arith.constant 0 : i32
      %dma_wait3A_860 = tpu.memref_slice %arg6[%dma_wait3A_855, %dma_wait3A_859] : memref<25x64xi32, #tpu.memory_space<vmem>> -> memref<1x64xi32, #tpu.memory_space<vmem>>
      %dma_wait3A_861 = tpu.memref_squeeze %dma_wait3A_860 : memref<1x64xi32, #tpu.memory_space<vmem>> -> memref<64xi32, #tpu.memory_space<vmem>>
      %dma_wait3A_862 = arith.constant 0 : i32
      %dma_wait3A_863 = arith.constant 0 : i32
      %dma_wait3A_864 = tpu.memref_slice %arg3[%dma_wait3A_862, %dma_wait3A_863] : memref<1000000x32xf32, #tpu.memory_space<hbm>> -> memref<1000000x32xf32, #tpu.memory_space<hbm>>
      tpu.wait_indirect_dma semaphore(%arg13 : memref<!tpu.dma_semaphore, #tpu.memory_space<semaphore_mem>>) src(%dma_wait3A_864 : memref<1000000x32xf32, #tpu.memory_space<hbm>>) dst(%dma_wait3A_858 : memref<64x32xf32, #tpu.memory_space<vmem>>)
      %dma_wait3A_865 = arith.constant 0 : i32
      %dma_wait3A_866 = arith.constant 1280 : i32
      %dma_wait3A_867 = arith.constant 0 : i32
      %dma_wait3A_868 = tpu.memref_slice %arg8[%dma_wait3A_866, %dma_wait3A_867] : memref<1600x32xf32, #tpu.memory_space<vmem>> -> memref<64x32xf32, #tpu.memory_space<vmem>>
      %dma_wait3A_869 = arith.constant 0 : i32
      %dma_wait3A_870 = tpu.memref_slice %arg6[%dma_wait3A_865, %dma_wait3A_869] : memref<25x64xi32, #tpu.memory_space<vmem>> -> memref<1x64xi32, #tpu.memory_space<vmem>>
      %dma_wait3A_871 = tpu.memref_squeeze %dma_wait3A_870 : memref<1x64xi32, #tpu.memory_space<vmem>> -> memref<64xi32, #tpu.memory_space<vmem>>
      %dma_wait3A_872 = arith.constant 0 : i32
      %dma_wait3A_873 = arith.constant 0 : i32
      %dma_wait3A_874 = tpu.memref_slice %arg3[%dma_wait3A_872, %dma_wait3A_873] : memref<1000000x32xf32, #tpu.memory_space<hbm>> -> memref<1000000x32xf32, #tpu.memory_space<hbm>>
      tpu.wait_indirect_dma semaphore(%arg13 : memref<!tpu.dma_semaphore, #tpu.memory_space<semaphore_mem>>) src(%dma_wait3A_874 : memref<1000000x32xf32, #tpu.memory_space<hbm>>) dst(%dma_wait3A_868 : memref<64x32xf32, #tpu.memory_space<vmem>>)
      %dma_wait3A_875 = arith.constant 0 : i32
      %dma_wait3A_876 = arith.constant 1344 : i32
      %dma_wait3A_877 = arith.constant 0 : i32
      %dma_wait3A_878 = tpu.memref_slice %arg8[%dma_wait3A_876, %dma_wait3A_877] : memref<1600x32xf32, #tpu.memory_space<vmem>> -> memref<64x32xf32, #tpu.memory_space<vmem>>
      %dma_wait3A_879 = arith.constant 0 : i32
      %dma_wait3A_880 = tpu.memref_slice %arg6[%dma_wait3A_875, %dma_wait3A_879] : memref<25x64xi32, #tpu.memory_space<vmem>> -> memref<1x64xi32, #tpu.memory_space<vmem>>
      %dma_wait3A_881 = tpu.memref_squeeze %dma_wait3A_880 : memref<1x64xi32, #tpu.memory_space<vmem>> -> memref<64xi32, #tpu.memory_space<vmem>>
      %dma_wait3A_882 = arith.constant 0 : i32
      %dma_wait3A_883 = arith.constant 0 : i32
      %dma_wait3A_884 = tpu.memref_slice %arg3[%dma_wait3A_882, %dma_wait3A_883] : memref<1000000x32xf32, #tpu.memory_space<hbm>> -> memref<1000000x32xf32, #tpu.memory_space<hbm>>
      tpu.wait_indirect_dma semaphore(%arg13 : memref<!tpu.dma_semaphore, #tpu.memory_space<semaphore_mem>>) src(%dma_wait3A_884 : memref<1000000x32xf32, #tpu.memory_space<hbm>>) dst(%dma_wait3A_878 : memref<64x32xf32, #tpu.memory_space<vmem>>)
      %dma_wait3A_885 = arith.constant 0 : i32
      %dma_wait3A_886 = arith.constant 1408 : i32
      %dma_wait3A_887 = arith.constant 0 : i32
      %dma_wait3A_888 = tpu.memref_slice %arg8[%dma_wait3A_886, %dma_wait3A_887] : memref<1600x32xf32, #tpu.memory_space<vmem>> -> memref<64x32xf32, #tpu.memory_space<vmem>>
      %dma_wait3A_889 = arith.constant 0 : i32
      %dma_wait3A_890 = tpu.memref_slice %arg6[%dma_wait3A_885, %dma_wait3A_889] : memref<25x64xi32, #tpu.memory_space<vmem>> -> memref<1x64xi32, #tpu.memory_space<vmem>>
      %dma_wait3A_891 = tpu.memref_squeeze %dma_wait3A_890 : memref<1x64xi32, #tpu.memory_space<vmem>> -> memref<64xi32, #tpu.memory_space<vmem>>
      %dma_wait3A_892 = arith.constant 0 : i32
      %dma_wait3A_893 = arith.constant 0 : i32
      %dma_wait3A_894 = tpu.memref_slice %arg3[%dma_wait3A_892, %dma_wait3A_893] : memref<1000000x32xf32, #tpu.memory_space<hbm>> -> memref<1000000x32xf32, #tpu.memory_space<hbm>>
      tpu.wait_indirect_dma semaphore(%arg13 : memref<!tpu.dma_semaphore, #tpu.memory_space<semaphore_mem>>) src(%dma_wait3A_894 : memref<1000000x32xf32, #tpu.memory_space<hbm>>) dst(%dma_wait3A_888 : memref<64x32xf32, #tpu.memory_space<vmem>>)
      %dma_wait3A_895 = arith.constant 0 : i32
      %dma_wait3A_896 = arith.constant 1472 : i32
      %dma_wait3A_897 = arith.constant 0 : i32
      %dma_wait3A_898 = tpu.memref_slice %arg8[%dma_wait3A_896, %dma_wait3A_897] : memref<1600x32xf32, #tpu.memory_space<vmem>> -> memref<64x32xf32, #tpu.memory_space<vmem>>
      %dma_wait3A_899 = arith.constant 0 : i32
      %dma_wait3A_900 = tpu.memref_slice %arg6[%dma_wait3A_895, %dma_wait3A_899] : memref<25x64xi32, #tpu.memory_space<vmem>> -> memref<1x64xi32, #tpu.memory_space<vmem>>
      %dma_wait3A_901 = tpu.memref_squeeze %dma_wait3A_900 : memref<1x64xi32, #tpu.memory_space<vmem>> -> memref<64xi32, #tpu.memory_space<vmem>>
      %dma_wait3A_902 = arith.constant 0 : i32
      %dma_wait3A_903 = arith.constant 0 : i32
      %dma_wait3A_904 = tpu.memref_slice %arg3[%dma_wait3A_902, %dma_wait3A_903] : memref<1000000x32xf32, #tpu.memory_space<hbm>> -> memref<1000000x32xf32, #tpu.memory_space<hbm>>
      tpu.wait_indirect_dma semaphore(%arg13 : memref<!tpu.dma_semaphore, #tpu.memory_space<semaphore_mem>>) src(%dma_wait3A_904 : memref<1000000x32xf32, #tpu.memory_space<hbm>>) dst(%dma_wait3A_898 : memref<64x32xf32, #tpu.memory_space<vmem>>)
      %dma_wait3A_905 = arith.constant 0 : i32
      %dma_wait3A_906 = arith.constant 1536 : i32
      %dma_wait3A_907 = arith.constant 0 : i32
      %dma_wait3A_908 = tpu.memref_slice %arg8[%dma_wait3A_906, %dma_wait3A_907] : memref<1600x32xf32, #tpu.memory_space<vmem>> -> memref<64x32xf32, #tpu.memory_space<vmem>>
      %dma_wait3A_909 = arith.constant 0 : i32
      %dma_wait3A_910 = tpu.memref_slice %arg6[%dma_wait3A_905, %dma_wait3A_909] : memref<25x64xi32, #tpu.memory_space<vmem>> -> memref<1x64xi32, #tpu.memory_space<vmem>>
      %dma_wait3A_911 = tpu.memref_squeeze %dma_wait3A_910 : memref<1x64xi32, #tpu.memory_space<vmem>> -> memref<64xi32, #tpu.memory_space<vmem>>
      %dma_wait3A_912 = arith.constant 0 : i32
      %dma_wait3A_913 = arith.constant 0 : i32
      %dma_wait3A_914 = tpu.memref_slice %arg3[%dma_wait3A_912, %dma_wait3A_913] : memref<1000000x32xf32, #tpu.memory_space<hbm>> -> memref<1000000x32xf32, #tpu.memory_space<hbm>>
      tpu.wait_indirect_dma semaphore(%arg13 : memref<!tpu.dma_semaphore, #tpu.memory_space<semaphore_mem>>) src(%dma_wait3A_914 : memref<1000000x32xf32, #tpu.memory_space<hbm>>) dst(%dma_wait3A_908 : memref<64x32xf32, #tpu.memory_space<vmem>>)
      %scan3A_915 = arith.constant 0 : i32
      %scan3A_916 = arith.constant 0 : i32
      %scan3A_917 = arith.constant 32 : i32
      %scan3A_918 = arith.addi %scan3A_916, %scan3A_917 : i32
      %scan3A_919 = arith.constant 1 : i32
      scf.for %scan3A_1190 = %scan3A_916 to %scan3A_918 step %scan3A_919  : i32 {
        %mul3A_1191 = arith.constant 50 : i32
        %mul3A_1192 = arith.muli %scan3A_1190, %mul3A_1191 : i32
        %get3A_1193 = arith.index_cast %mul3A_1192 : i32 to index
        %get3A_1194 = arith.constant 0 : index
        %get3A_1195 = tpu.vector_load %arg8[%get3A_1193, %get3A_1194] {strides = array<i32>} : memref<1600x32xf32, #tpu.memory_space<vmem>>, vector<16xf32>,
        %get3A_1196 = arith.index_cast %mul3A_1192 : i32 to index
        %get3A_1197 = arith.constant 16 : index
        %get3A_1198 = tpu.vector_load %arg8[%get3A_1196, %get3A_1197] {strides = array<i32>} : memref<1600x32xf32, #tpu.memory_space<vmem>>, vector<16xf32>,
        %add3A_1199 = arith.constant 1 : i32
        %add3A_1200 = arith.addi %mul3A_1192, %add3A_1199 : i32
        %get3A_1201 = arith.index_cast %add3A_1200 : i32 to index
        %get3A_1202 = arith.constant 0 : index
        %get3A_1203 = tpu.vector_load %arg8[%get3A_1201, %get3A_1202] {strides = array<i32>} : memref<1600x32xf32, #tpu.memory_space<vmem>>, vector<16xf32>,
        %add3A_1204 = arith.addf %get3A_1195, %get3A_1203 : vector<16xf32>
        %add3A_1205 = arith.constant 1 : i32
        %add3A_1206 = arith.addi %mul3A_1192, %add3A_1205 : i32
        %get3A_1207 = arith.index_cast %add3A_1206 : i32 to index
        %get3A_1208 = arith.constant 16 : index
        %get3A_1209 = tpu.vector_load %arg8[%get3A_1207, %get3A_1208] {strides = array<i32>} : memref<1600x32xf32, #tpu.memory_space<vmem>>, vector<16xf32>,
        %add3A_1210 = arith.addf %get3A_1198, %get3A_1209 : vector<16xf32>
        %add3A_1211 = arith.constant 2 : i32
        %add3A_1212 = arith.addi %mul3A_1192, %add3A_1211 : i32
        %get3A_1213 = arith.index_cast %add3A_1212 : i32 to index
        %get3A_1214 = arith.constant 0 : index
        %get3A_1215 = tpu.vector_load %arg8[%get3A_1213, %get3A_1214] {strides = array<i32>} : memref<1600x32xf32, #tpu.memory_space<vmem>>, vector<16xf32>,
        %add3A_1216 = arith.addf %add3A_1204, %get3A_1215 : vector<16xf32>
        %add3A_1217 = arith.constant 2 : i32
        %add3A_1218 = arith.addi %mul3A_1192, %add3A_1217 : i32
        %get3A_1219 = arith.index_cast %add3A_1218 : i32 to index
        %get3A_1220 = arith.constant 16 : index
        %get3A_1221 = tpu.vector_load %arg8[%get3A_1219, %get3A_1220] {strides = array<i32>} : memref<1600x32xf32, #tpu.memory_space<vmem>>, vector<16xf32>,
        %add3A_1222 = arith.addf %add3A_1210, %get3A_1221 : vector<16xf32>
        %add3A_1223 = arith.constant 3 : i32
        %add3A_1224 = arith.addi %mul3A_1192, %add3A_1223 : i32
        %get3A_1225 = arith.index_cast %add3A_1224 : i32 to index
        %get3A_1226 = arith.constant 0 : index
        %get3A_1227 = tpu.vector_load %arg8[%get3A_1225, %get3A_1226] {strides = array<i32>} : memref<1600x32xf32, #tpu.memory_space<vmem>>, vector<16xf32>,
        %add3A_1228 = arith.addf %add3A_1216, %get3A_1227 : vector<16xf32>
        %add3A_1229 = arith.constant 3 : i32
        %add3A_1230 = arith.addi %mul3A_1192, %add3A_1229 : i32
        %get3A_1231 = arith.index_cast %add3A_1230 : i32 to index
        %get3A_1232 = arith.constant 16 : index
        %get3A_1233 = tpu.vector_load %arg8[%get3A_1231, %get3A_1232] {strides = array<i32>} : memref<1600x32xf32, #tpu.memory_space<vmem>>, vector<16xf32>,
        %add3A_1234 = arith.addf %add3A_1222, %get3A_1233 : vector<16xf32>
        %add3A_1235 = arith.constant 4 : i32
        %add3A_1236 = arith.addi %mul3A_1192, %add3A_1235 : i32
        %get3A_1237 = arith.index_cast %add3A_1236 : i32 to index
        %get3A_1238 = arith.constant 0 : index
        %get3A_1239 = tpu.vector_load %arg8[%get3A_1237, %get3A_1238] {strides = array<i32>} : memref<1600x32xf32, #tpu.memory_space<vmem>>, vector<16xf32>,
        %add3A_1240 = arith.addf %add3A_1228, %get3A_1239 : vector<16xf32>
        %add3A_1241 = arith.constant 4 : i32
        %add3A_1242 = arith.addi %mul3A_1192, %add3A_1241 : i32
        %get3A_1243 = arith.index_cast %add3A_1242 : i32 to index
        %get3A_1244 = arith.constant 16 : index
        %get3A_1245 = tpu.vector_load %arg8[%get3A_1243, %get3A_1244] {strides = array<i32>} : memref<1600x32xf32, #tpu.memory_space<vmem>>, vector<16xf32>,
        %add3A_1246 = arith.addf %add3A_1234, %get3A_1245 : vector<16xf32>
        %add3A_1247 = arith.constant 5 : i32
        %add3A_1248 = arith.addi %mul3A_1192, %add3A_1247 : i32
        %get3A_1249 = arith.index_cast %add3A_1248 : i32 to index
        %get3A_1250 = arith.constant 0 : index
        %get3A_1251 = tpu.vector_load %arg8[%get3A_1249, %get3A_1250] {strides = array<i32>} : memref<1600x32xf32, #tpu.memory_space<vmem>>, vector<16xf32>,
        %add3A_1252 = arith.addf %add3A_1240, %get3A_1251 : vector<16xf32>
        %add3A_1253 = arith.constant 5 : i32
        %add3A_1254 = arith.addi %mul3A_1192, %add3A_1253 : i32
        %get3A_1255 = arith.index_cast %add3A_1254 : i32 to index
        %get3A_1256 = arith.constant 16 : index
        %get3A_1257 = tpu.vector_load %arg8[%get3A_1255, %get3A_1256] {strides = array<i32>} : memref<1600x32xf32, #tpu.memory_space<vmem>>, vector<16xf32>,
        %add3A_1258 = arith.addf %add3A_1246, %get3A_1257 : vector<16xf32>
        %add3A_1259 = arith.constant 6 : i32
        %add3A_1260 = arith.addi %mul3A_1192, %add3A_1259 : i32
        %get3A_1261 = arith.index_cast %add3A_1260 : i32 to index
        %get3A_1262 = arith.constant 0 : index
        %get3A_1263 = tpu.vector_load %arg8[%get3A_1261, %get3A_1262] {strides = array<i32>} : memref<1600x32xf32, #tpu.memory_space<vmem>>, vector<16xf32>,
        %add3A_1264 = arith.addf %add3A_1252, %get3A_1263 : vector<16xf32>
        %add3A_1265 = arith.constant 6 : i32
        %add3A_1266 = arith.addi %mul3A_1192, %add3A_1265 : i32
        %get3A_1267 = arith.index_cast %add3A_1266 : i32 to index
        %get3A_1268 = arith.constant 16 : index
        %get3A_1269 = tpu.vector_load %arg8[%get3A_1267, %get3A_1268] {strides = array<i32>} : memref<1600x32xf32, #tpu.memory_space<vmem>>, vector<16xf32>,
        %add3A_1270 = arith.addf %add3A_1258, %get3A_1269 : vector<16xf32>
        %add3A_1271 = arith.constant 7 : i32
        %add3A_1272 = arith.addi %mul3A_1192, %add3A_1271 : i32
        %get3A_1273 = arith.index_cast %add3A_1272 : i32 to index
        %get3A_1274 = arith.constant 0 : index
        %get3A_1275 = tpu.vector_load %arg8[%get3A_1273, %get3A_1274] {strides = array<i32>} : memref<1600x32xf32, #tpu.memory_space<vmem>>, vector<16xf32>,
        %add3A_1276 = arith.addf %add3A_1264, %get3A_1275 : vector<16xf32>
        %add3A_1277 = arith.constant 7 : i32
        %add3A_1278 = arith.addi %mul3A_1192, %add3A_1277 : i32
        %get3A_1279 = arith.index_cast %add3A_1278 : i32 to index
        %get3A_1280 = arith.constant 16 : index
        %get3A_1281 = tpu.vector_load %arg8[%get3A_1279, %get3A_1280] {strides = array<i32>} : memref<1600x32xf32, #tpu.memory_space<vmem>>, vector<16xf32>,
        %add3A_1282 = arith.addf %add3A_1270, %get3A_1281 : vector<16xf32>
        %add3A_1283 = arith.constant 8 : i32
        %add3A_1284 = arith.addi %mul3A_1192, %add3A_1283 : i32
        %get3A_1285 = arith.index_cast %add3A_1284 : i32 to index
        %get3A_1286 = arith.constant 0 : index
        %get3A_1287 = tpu.vector_load %arg8[%get3A_1285, %get3A_1286] {strides = array<i32>} : memref<1600x32xf32, #tpu.memory_space<vmem>>, vector<16xf32>,
        %add3A_1288 = arith.addf %add3A_1276, %get3A_1287 : vector<16xf32>
        %add3A_1289 = arith.constant 8 : i32
        %add3A_1290 = arith.addi %mul3A_1192, %add3A_1289 : i32
        %get3A_1291 = arith.index_cast %add3A_1290 : i32 to index
        %get3A_1292 = arith.constant 16 : index
        %get3A_1293 = tpu.vector_load %arg8[%get3A_1291, %get3A_1292] {strides = array<i32>} : memref<1600x32xf32, #tpu.memory_space<vmem>>, vector<16xf32>,
        %add3A_1294 = arith.addf %add3A_1282, %get3A_1293 : vector<16xf32>
        %add3A_1295 = arith.constant 9 : i32
        %add3A_1296 = arith.addi %mul3A_1192, %add3A_1295 : i32
        %get3A_1297 = arith.index_cast %add3A_1296 : i32 to index
        %get3A_1298 = arith.constant 0 : index
        %get3A_1299 = tpu.vector_load %arg8[%get3A_1297, %get3A_1298] {strides = array<i32>} : memref<1600x32xf32, #tpu.memory_space<vmem>>, vector<16xf32>,
        %add3A_1300 = arith.addf %add3A_1288, %get3A_1299 : vector<16xf32>
        %add3A_1301 = arith.constant 9 : i32
        %add3A_1302 = arith.addi %mul3A_1192, %add3A_1301 : i32
        %get3A_1303 = arith.index_cast %add3A_1302 : i32 to index
        %get3A_1304 = arith.constant 16 : index
        %get3A_1305 = tpu.vector_load %arg8[%get3A_1303, %get3A_1304] {strides = array<i32>} : memref<1600x32xf32, #tpu.memory_space<vmem>>, vector<16xf32>,
        %add3A_1306 = arith.addf %add3A_1294, %get3A_1305 : vector<16xf32>
        %add3A_1307 = arith.constant 10 : i32
        %add3A_1308 = arith.addi %mul3A_1192, %add3A_1307 : i32
        %get3A_1309 = arith.index_cast %add3A_1308 : i32 to index
        %get3A_1310 = arith.constant 0 : index
        %get3A_1311 = tpu.vector_load %arg8[%get3A_1309, %get3A_1310] {strides = array<i32>} : memref<1600x32xf32, #tpu.memory_space<vmem>>, vector<16xf32>,
        %add3A_1312 = arith.addf %add3A_1300, %get3A_1311 : vector<16xf32>
        %add3A_1313 = arith.constant 10 : i32
        %add3A_1314 = arith.addi %mul3A_1192, %add3A_1313 : i32
        %get3A_1315 = arith.index_cast %add3A_1314 : i32 to index
        %get3A_1316 = arith.constant 16 : index
        %get3A_1317 = tpu.vector_load %arg8[%get3A_1315, %get3A_1316] {strides = array<i32>} : memref<1600x32xf32, #tpu.memory_space<vmem>>, vector<16xf32>,
        %add3A_1318 = arith.addf %add3A_1306, %get3A_1317 : vector<16xf32>
        %add3A_1319 = arith.constant 11 : i32
        %add3A_1320 = arith.addi %mul3A_1192, %add3A_1319 : i32
        %get3A_1321 = arith.index_cast %add3A_1320 : i32 to index
        %get3A_1322 = arith.constant 0 : index
        %get3A_1323 = tpu.vector_load %arg8[%get3A_1321, %get3A_1322] {strides = array<i32>} : memref<1600x32xf32, #tpu.memory_space<vmem>>, vector<16xf32>,
        %add3A_1324 = arith.addf %add3A_1312, %get3A_1323 : vector<16xf32>
        %add3A_1325 = arith.constant 11 : i32
        %add3A_1326 = arith.addi %mul3A_1192, %add3A_1325 : i32
        %get3A_1327 = arith.index_cast %add3A_1326 : i32 to index
        %get3A_1328 = arith.constant 16 : index
        %get3A_1329 = tpu.vector_load %arg8[%get3A_1327, %get3A_1328] {strides = array<i32>} : memref<1600x32xf32, #tpu.memory_space<vmem>>, vector<16xf32>,
        %add3A_1330 = arith.addf %add3A_1318, %get3A_1329 : vector<16xf32>
        %add3A_1331 = arith.constant 12 : i32
        %add3A_1332 = arith.addi %mul3A_1192, %add3A_1331 : i32
        %get3A_1333 = arith.index_cast %add3A_1332 : i32 to index
        %get3A_1334 = arith.constant 0 : index
        %get3A_1335 = tpu.vector_load %arg8[%get3A_1333, %get3A_1334] {strides = array<i32>} : memref<1600x32xf32, #tpu.memory_space<vmem>>, vector<16xf32>,
        %add3A_1336 = arith.addf %add3A_1324, %get3A_1335 : vector<16xf32>
        %add3A_1337 = arith.constant 12 : i32
        %add3A_1338 = arith.addi %mul3A_1192, %add3A_1337 : i32
        %get3A_1339 = arith.index_cast %add3A_1338 : i32 to index
        %get3A_1340 = arith.constant 16 : index
        %get3A_1341 = tpu.vector_load %arg8[%get3A_1339, %get3A_1340] {strides = array<i32>} : memref<1600x32xf32, #tpu.memory_space<vmem>>, vector<16xf32>,
        %add3A_1342 = arith.addf %add3A_1330, %get3A_1341 : vector<16xf32>
        %add3A_1343 = arith.constant 13 : i32
        %add3A_1344 = arith.addi %mul3A_1192, %add3A_1343 : i32
        %get3A_1345 = arith.index_cast %add3A_1344 : i32 to index
        %get3A_1346 = arith.constant 0 : index
        %get3A_1347 = tpu.vector_load %arg8[%get3A_1345, %get3A_1346] {strides = array<i32>} : memref<1600x32xf32, #tpu.memory_space<vmem>>, vector<16xf32>,
        %add3A_1348 = arith.addf %add3A_1336, %get3A_1347 : vector<16xf32>
        %add3A_1349 = arith.constant 13 : i32
        %add3A_1350 = arith.addi %mul3A_1192, %add3A_1349 : i32
        %get3A_1351 = arith.index_cast %add3A_1350 : i32 to index
        %get3A_1352 = arith.constant 16 : index
        %get3A_1353 = tpu.vector_load %arg8[%get3A_1351, %get3A_1352] {strides = array<i32>} : memref<1600x32xf32, #tpu.memory_space<vmem>>, vector<16xf32>,
        %add3A_1354 = arith.addf %add3A_1342, %get3A_1353 : vector<16xf32>
        %add3A_1355 = arith.constant 14 : i32
        %add3A_1356 = arith.addi %mul3A_1192, %add3A_1355 : i32
        %get3A_1357 = arith.index_cast %add3A_1356 : i32 to index
        %get3A_1358 = arith.constant 0 : index
        %get3A_1359 = tpu.vector_load %arg8[%get3A_1357, %get3A_1358] {strides = array<i32>} : memref<1600x32xf32, #tpu.memory_space<vmem>>, vector<16xf32>,
        %add3A_1360 = arith.addf %add3A_1348, %get3A_1359 : vector<16xf32>
        %add3A_1361 = arith.constant 14 : i32
        %add3A_1362 = arith.addi %mul3A_1192, %add3A_1361 : i32
        %get3A_1363 = arith.index_cast %add3A_1362 : i32 to index
        %get3A_1364 = arith.constant 16 : index
        %get3A_1365 = tpu.vector_load %arg8[%get3A_1363, %get3A_1364] {strides = array<i32>} : memref<1600x32xf32, #tpu.memory_space<vmem>>, vector<16xf32>,
        %add3A_1366 = arith.addf %add3A_1354, %get3A_1365 : vector<16xf32>
        %add3A_1367 = arith.constant 15 : i32
        %add3A_1368 = arith.addi %mul3A_1192, %add3A_1367 : i32
        %get3A_1369 = arith.index_cast %add3A_1368 : i32 to index
        %get3A_1370 = arith.constant 0 : index
        %get3A_1371 = tpu.vector_load %arg8[%get3A_1369, %get3A_1370] {strides = array<i32>} : memref<1600x32xf32, #tpu.memory_space<vmem>>, vector<16xf32>,
        %add3A_1372 = arith.addf %add3A_1360, %get3A_1371 : vector<16xf32>
        %add3A_1373 = arith.constant 15 : i32
        %add3A_1374 = arith.addi %mul3A_1192, %add3A_1373 : i32
        %get3A_1375 = arith.index_cast %add3A_1374 : i32 to index
        %get3A_1376 = arith.constant 16 : index
        %get3A_1377 = tpu.vector_load %arg8[%get3A_1375, %get3A_1376] {strides = array<i32>} : memref<1600x32xf32, #tpu.memory_space<vmem>>, vector<16xf32>,
        %add3A_1378 = arith.addf %add3A_1366, %get3A_1377 : vector<16xf32>
        %add3A_1379 = arith.constant 16 : i32
        %add3A_1380 = arith.addi %mul3A_1192, %add3A_1379 : i32
        %get3A_1381 = arith.index_cast %add3A_1380 : i32 to index
        %get3A_1382 = arith.constant 0 : index
        %get3A_1383 = tpu.vector_load %arg8[%get3A_1381, %get3A_1382] {strides = array<i32>} : memref<1600x32xf32, #tpu.memory_space<vmem>>, vector<16xf32>,
        %add3A_1384 = arith.addf %add3A_1372, %get3A_1383 : vector<16xf32>
        %add3A_1385 = arith.constant 16 : i32
        %add3A_1386 = arith.addi %mul3A_1192, %add3A_1385 : i32
        %get3A_1387 = arith.index_cast %add3A_1386 : i32 to index
        %get3A_1388 = arith.constant 16 : index
        %get3A_1389 = tpu.vector_load %arg8[%get3A_1387, %get3A_1388] {strides = array<i32>} : memref<1600x32xf32, #tpu.memory_space<vmem>>, vector<16xf32>,
        %add3A_1390 = arith.addf %add3A_1378, %get3A_1389 : vector<16xf32>
        %add3A_1391 = arith.constant 17 : i32
        %add3A_1392 = arith.addi %mul3A_1192, %add3A_1391 : i32
        %get3A_1393 = arith.index_cast %add3A_1392 : i32 to index
        %get3A_1394 = arith.constant 0 : index
        %get3A_1395 = tpu.vector_load %arg8[%get3A_1393, %get3A_1394] {strides = array<i32>} : memref<1600x32xf32, #tpu.memory_space<vmem>>, vector<16xf32>,
        %add3A_1396 = arith.addf %add3A_1384, %get3A_1395 : vector<16xf32>
        %add3A_1397 = arith.constant 17 : i32
        %add3A_1398 = arith.addi %mul3A_1192, %add3A_1397 : i32
        %get3A_1399 = arith.index_cast %add3A_1398 : i32 to index
        %get3A_1400 = arith.constant 16 : index
        %get3A_1401 = tpu.vector_load %arg8[%get3A_1399, %get3A_1400] {strides = array<i32>} : memref<1600x32xf32, #tpu.memory_space<vmem>>, vector<16xf32>,
        %add3A_1402 = arith.addf %add3A_1390, %get3A_1401 : vector<16xf32>
        %add3A_1403 = arith.constant 18 : i32
        %add3A_1404 = arith.addi %mul3A_1192, %add3A_1403 : i32
        %get3A_1405 = arith.index_cast %add3A_1404 : i32 to index
        %get3A_1406 = arith.constant 0 : index
        %get3A_1407 = tpu.vector_load %arg8[%get3A_1405, %get3A_1406] {strides = array<i32>} : memref<1600x32xf32, #tpu.memory_space<vmem>>, vector<16xf32>,
        %add3A_1408 = arith.addf %add3A_1396, %get3A_1407 : vector<16xf32>
        %add3A_1409 = arith.constant 18 : i32
        %add3A_1410 = arith.addi %mul3A_1192, %add3A_1409 : i32
        %get3A_1411 = arith.index_cast %add3A_1410 : i32 to index
        %get3A_1412 = arith.constant 16 : index
        %get3A_1413 = tpu.vector_load %arg8[%get3A_1411, %get3A_1412] {strides = array<i32>} : memref<1600x32xf32, #tpu.memory_space<vmem>>, vector<16xf32>,
        %add3A_1414 = arith.addf %add3A_1402, %get3A_1413 : vector<16xf32>
        %add3A_1415 = arith.constant 19 : i32
        %add3A_1416 = arith.addi %mul3A_1192, %add3A_1415 : i32
        %get3A_1417 = arith.index_cast %add3A_1416 : i32 to index
        %get3A_1418 = arith.constant 0 : index
        %get3A_1419 = tpu.vector_load %arg8[%get3A_1417, %get3A_1418] {strides = array<i32>} : memref<1600x32xf32, #tpu.memory_space<vmem>>, vector<16xf32>,
        %add3A_1420 = arith.addf %add3A_1408, %get3A_1419 : vector<16xf32>
        %add3A_1421 = arith.constant 19 : i32
        %add3A_1422 = arith.addi %mul3A_1192, %add3A_1421 : i32
        %get3A_1423 = arith.index_cast %add3A_1422 : i32 to index
        %get3A_1424 = arith.constant 16 : index
        %get3A_1425 = tpu.vector_load %arg8[%get3A_1423, %get3A_1424] {strides = array<i32>} : memref<1600x32xf32, #tpu.memory_space<vmem>>, vector<16xf32>,
        %add3A_1426 = arith.addf %add3A_1414, %get3A_1425 : vector<16xf32>
        %add3A_1427 = arith.constant 20 : i32
        %add3A_1428 = arith.addi %mul3A_1192, %add3A_1427 : i32
        %get3A_1429 = arith.index_cast %add3A_1428 : i32 to index
        %get3A_1430 = arith.constant 0 : index
        %get3A_1431 = tpu.vector_load %arg8[%get3A_1429, %get3A_1430] {strides = array<i32>} : memref<1600x32xf32, #tpu.memory_space<vmem>>, vector<16xf32>,
        %add3A_1432 = arith.addf %add3A_1420, %get3A_1431 : vector<16xf32>
        %add3A_1433 = arith.constant 20 : i32
        %add3A_1434 = arith.addi %mul3A_1192, %add3A_1433 : i32
        %get3A_1435 = arith.index_cast %add3A_1434 : i32 to index
        %get3A_1436 = arith.constant 16 : index
        %get3A_1437 = tpu.vector_load %arg8[%get3A_1435, %get3A_1436] {strides = array<i32>} : memref<1600x32xf32, #tpu.memory_space<vmem>>, vector<16xf32>,
        %add3A_1438 = arith.addf %add3A_1426, %get3A_1437 : vector<16xf32>
        %add3A_1439 = arith.constant 21 : i32
        %add3A_1440 = arith.addi %mul3A_1192, %add3A_1439 : i32
        %get3A_1441 = arith.index_cast %add3A_1440 : i32 to index
        %get3A_1442 = arith.constant 0 : index
        %get3A_1443 = tpu.vector_load %arg8[%get3A_1441, %get3A_1442] {strides = array<i32>} : memref<1600x32xf32, #tpu.memory_space<vmem>>, vector<16xf32>,
        %add3A_1444 = arith.addf %add3A_1432, %get3A_1443 : vector<16xf32>
        %add3A_1445 = arith.constant 21 : i32
        %add3A_1446 = arith.addi %mul3A_1192, %add3A_1445 : i32
        %get3A_1447 = arith.index_cast %add3A_1446 : i32 to index
        %get3A_1448 = arith.constant 16 : index
        %get3A_1449 = tpu.vector_load %arg8[%get3A_1447, %get3A_1448] {strides = array<i32>} : memref<1600x32xf32, #tpu.memory_space<vmem>>, vector<16xf32>,
        %add3A_1450 = arith.addf %add3A_1438, %get3A_1449 : vector<16xf32>
        %add3A_1451 = arith.constant 22 : i32
        %add3A_1452 = arith.addi %mul3A_1192, %add3A_1451 : i32
        %get3A_1453 = arith.index_cast %add3A_1452 : i32 to index
        %get3A_1454 = arith.constant 0 : index
        %get3A_1455 = tpu.vector_load %arg8[%get3A_1453, %get3A_1454] {strides = array<i32>} : memref<1600x32xf32, #tpu.memory_space<vmem>>, vector<16xf32>,
        %add3A_1456 = arith.addf %add3A_1444, %get3A_1455 : vector<16xf32>
        %add3A_1457 = arith.constant 22 : i32
        %add3A_1458 = arith.addi %mul3A_1192, %add3A_1457 : i32
        %get3A_1459 = arith.index_cast %add3A_1458 : i32 to index
        %get3A_1460 = arith.constant 16 : index
        %get3A_1461 = tpu.vector_load %arg8[%get3A_1459, %get3A_1460] {strides = array<i32>} : memref<1600x32xf32, #tpu.memory_space<vmem>>, vector<16xf32>,
        %add3A_1462 = arith.addf %add3A_1450, %get3A_1461 : vector<16xf32>
        %add3A_1463 = arith.constant 23 : i32
        %add3A_1464 = arith.addi %mul3A_1192, %add3A_1463 : i32
        %get3A_1465 = arith.index_cast %add3A_1464 : i32 to index
        %get3A_1466 = arith.constant 0 : index
        %get3A_1467 = tpu.vector_load %arg8[%get3A_1465, %get3A_1466] {strides = array<i32>} : memref<1600x32xf32, #tpu.memory_space<vmem>>, vector<16xf32>,
        %add3A_1468 = arith.addf %add3A_1456, %get3A_1467 : vector<16xf32>
        %add3A_1469 = arith.constant 23 : i32
        %add3A_1470 = arith.addi %mul3A_1192, %add3A_1469 : i32
        %get3A_1471 = arith.index_cast %add3A_1470 : i32 to index
        %get3A_1472 = arith.constant 16 : index
        %get3A_1473 = tpu.vector_load %arg8[%get3A_1471, %get3A_1472] {strides = array<i32>} : memref<1600x32xf32, #tpu.memory_space<vmem>>, vector<16xf32>,
        %add3A_1474 = arith.addf %add3A_1462, %get3A_1473 : vector<16xf32>
        %add3A_1475 = arith.constant 24 : i32
        %add3A_1476 = arith.addi %mul3A_1192, %add3A_1475 : i32
        %get3A_1477 = arith.index_cast %add3A_1476 : i32 to index
        %get3A_1478 = arith.constant 0 : index
        %get3A_1479 = tpu.vector_load %arg8[%get3A_1477, %get3A_1478] {strides = array<i32>} : memref<1600x32xf32, #tpu.memory_space<vmem>>, vector<16xf32>,
        %add3A_1480 = arith.addf %add3A_1468, %get3A_1479 : vector<16xf32>
        %add3A_1481 = arith.constant 24 : i32
        %add3A_1482 = arith.addi %mul3A_1192, %add3A_1481 : i32
        %get3A_1483 = arith.index_cast %add3A_1482 : i32 to index
        %get3A_1484 = arith.constant 16 : index
        %get3A_1485 = tpu.vector_load %arg8[%get3A_1483, %get3A_1484] {strides = array<i32>} : memref<1600x32xf32, #tpu.memory_space<vmem>>, vector<16xf32>,
        %add3A_1486 = arith.addf %add3A_1474, %get3A_1485 : vector<16xf32>
        %add3A_1487 = arith.constant 25 : i32
        %add3A_1488 = arith.addi %mul3A_1192, %add3A_1487 : i32
        %get3A_1489 = arith.index_cast %add3A_1488 : i32 to index
        %get3A_1490 = arith.constant 0 : index
        %get3A_1491 = tpu.vector_load %arg8[%get3A_1489, %get3A_1490] {strides = array<i32>} : memref<1600x32xf32, #tpu.memory_space<vmem>>, vector<16xf32>,
        %add3A_1492 = arith.addf %add3A_1480, %get3A_1491 : vector<16xf32>
        %add3A_1493 = arith.constant 25 : i32
        %add3A_1494 = arith.addi %mul3A_1192, %add3A_1493 : i32
        %get3A_1495 = arith.index_cast %add3A_1494 : i32 to index
        %get3A_1496 = arith.constant 16 : index
        %get3A_1497 = tpu.vector_load %arg8[%get3A_1495, %get3A_1496] {strides = array<i32>} : memref<1600x32xf32, #tpu.memory_space<vmem>>, vector<16xf32>,
        %add3A_1498 = arith.addf %add3A_1486, %get3A_1497 : vector<16xf32>
        %add3A_1499 = arith.constant 26 : i32
        %add3A_1500 = arith.addi %mul3A_1192, %add3A_1499 : i32
        %get3A_1501 = arith.index_cast %add3A_1500 : i32 to index
        %get3A_1502 = arith.constant 0 : index
        %get3A_1503 = tpu.vector_load %arg8[%get3A_1501, %get3A_1502] {strides = array<i32>} : memref<1600x32xf32, #tpu.memory_space<vmem>>, vector<16xf32>,
        %add3A_1504 = arith.addf %add3A_1492, %get3A_1503 : vector<16xf32>
        %add3A_1505 = arith.constant 26 : i32
        %add3A_1506 = arith.addi %mul3A_1192, %add3A_1505 : i32
        %get3A_1507 = arith.index_cast %add3A_1506 : i32 to index
        %get3A_1508 = arith.constant 16 : index
        %get3A_1509 = tpu.vector_load %arg8[%get3A_1507, %get3A_1508] {strides = array<i32>} : memref<1600x32xf32, #tpu.memory_space<vmem>>, vector<16xf32>,
        %add3A_1510 = arith.addf %add3A_1498, %get3A_1509 : vector<16xf32>
        %add3A_1511 = arith.constant 27 : i32
        %add3A_1512 = arith.addi %mul3A_1192, %add3A_1511 : i32
        %get3A_1513 = arith.index_cast %add3A_1512 : i32 to index
        %get3A_1514 = arith.constant 0 : index
        %get3A_1515 = tpu.vector_load %arg8[%get3A_1513, %get3A_1514] {strides = array<i32>} : memref<1600x32xf32, #tpu.memory_space<vmem>>, vector<16xf32>,
        %add3A_1516 = arith.addf %add3A_1504, %get3A_1515 : vector<16xf32>
        %add3A_1517 = arith.constant 27 : i32
        %add3A_1518 = arith.addi %mul3A_1192, %add3A_1517 : i32
        %get3A_1519 = arith.index_cast %add3A_1518 : i32 to index
        %get3A_1520 = arith.constant 16 : index
        %get3A_1521 = tpu.vector_load %arg8[%get3A_1519, %get3A_1520] {strides = array<i32>} : memref<1600x32xf32, #tpu.memory_space<vmem>>, vector<16xf32>,
        %add3A_1522 = arith.addf %add3A_1510, %get3A_1521 : vector<16xf32>
        %add3A_1523 = arith.constant 28 : i32
        %add3A_1524 = arith.addi %mul3A_1192, %add3A_1523 : i32
        %get3A_1525 = arith.index_cast %add3A_1524 : i32 to index
        %get3A_1526 = arith.constant 0 : index
        %get3A_1527 = tpu.vector_load %arg8[%get3A_1525, %get3A_1526] {strides = array<i32>} : memref<1600x32xf32, #tpu.memory_space<vmem>>, vector<16xf32>,
        %add3A_1528 = arith.addf %add3A_1516, %get3A_1527 : vector<16xf32>
        %add3A_1529 = arith.constant 28 : i32
        %add3A_1530 = arith.addi %mul3A_1192, %add3A_1529 : i32
        %get3A_1531 = arith.index_cast %add3A_1530 : i32 to index
        %get3A_1532 = arith.constant 16 : index
        %get3A_1533 = tpu.vector_load %arg8[%get3A_1531, %get3A_1532] {strides = array<i32>} : memref<1600x32xf32, #tpu.memory_space<vmem>>, vector<16xf32>,
        %add3A_1534 = arith.addf %add3A_1522, %get3A_1533 : vector<16xf32>
        %add3A_1535 = arith.constant 29 : i32
        %add3A_1536 = arith.addi %mul3A_1192, %add3A_1535 : i32
        %get3A_1537 = arith.index_cast %add3A_1536 : i32 to index
        %get3A_1538 = arith.constant 0 : index
        %get3A_1539 = tpu.vector_load %arg8[%get3A_1537, %get3A_1538] {strides = array<i32>} : memref<1600x32xf32, #tpu.memory_space<vmem>>, vector<16xf32>,
        %add3A_1540 = arith.addf %add3A_1528, %get3A_1539 : vector<16xf32>
        %add3A_1541 = arith.constant 29 : i32
        %add3A_1542 = arith.addi %mul3A_1192, %add3A_1541 : i32
        %get3A_1543 = arith.index_cast %add3A_1542 : i32 to index
        %get3A_1544 = arith.constant 16 : index
        %get3A_1545 = tpu.vector_load %arg8[%get3A_1543, %get3A_1544] {strides = array<i32>} : memref<1600x32xf32, #tpu.memory_space<vmem>>, vector<16xf32>,
        %add3A_1546 = arith.addf %add3A_1534, %get3A_1545 : vector<16xf32>
        %add3A_1547 = arith.constant 30 : i32
        %add3A_1548 = arith.addi %mul3A_1192, %add3A_1547 : i32
        %get3A_1549 = arith.index_cast %add3A_1548 : i32 to index
        %get3A_1550 = arith.constant 0 : index
        %get3A_1551 = tpu.vector_load %arg8[%get3A_1549, %get3A_1550] {strides = array<i32>} : memref<1600x32xf32, #tpu.memory_space<vmem>>, vector<16xf32>,
        %add3A_1552 = arith.addf %add3A_1540, %get3A_1551 : vector<16xf32>
        %add3A_1553 = arith.constant 30 : i32
        %add3A_1554 = arith.addi %mul3A_1192, %add3A_1553 : i32
        %get3A_1555 = arith.index_cast %add3A_1554 : i32 to index
        %get3A_1556 = arith.constant 16 : index
        %get3A_1557 = tpu.vector_load %arg8[%get3A_1555, %get3A_1556] {strides = array<i32>} : memref<1600x32xf32, #tpu.memory_space<vmem>>, vector<16xf32>,
        %add3A_1558 = arith.addf %add3A_1546, %get3A_1557 : vector<16xf32>
        %add3A_1559 = arith.constant 31 : i32
        %add3A_1560 = arith.addi %mul3A_1192, %add3A_1559 : i32
        %get3A_1561 = arith.index_cast %add3A_1560 : i32 to index
        %get3A_1562 = arith.constant 0 : index
        %get3A_1563 = tpu.vector_load %arg8[%get3A_1561, %get3A_1562] {strides = array<i32>} : memref<1600x32xf32, #tpu.memory_space<vmem>>, vector<16xf32>,
        %add3A_1564 = arith.addf %add3A_1552, %get3A_1563 : vector<16xf32>
        %add3A_1565 = arith.constant 31 : i32
        %add3A_1566 = arith.addi %mul3A_1192, %add3A_1565 : i32
        %get3A_1567 = arith.index_cast %add3A_1566 : i32 to index
        %get3A_1568 = arith.constant 16 : index
        %get3A_1569 = tpu.vector_load %arg8[%get3A_1567, %get3A_1568] {strides = array<i32>} : memref<1600x32xf32, #tpu.memory_space<vmem>>, vector<16xf32>,
        %add3A_1570 = arith.addf %add3A_1558, %get3A_1569 : vector<16xf32>
        %add3A_1571 = arith.constant 32 : i32
        %add3A_1572 = arith.addi %mul3A_1192, %add3A_1571 : i32
        %get3A_1573 = arith.index_cast %add3A_1572 : i32 to index
        %get3A_1574 = arith.constant 0 : index
        %get3A_1575 = tpu.vector_load %arg8[%get3A_1573, %get3A_1574] {strides = array<i32>} : memref<1600x32xf32, #tpu.memory_space<vmem>>, vector<16xf32>,
        %add3A_1576 = arith.addf %add3A_1564, %get3A_1575 : vector<16xf32>
        %add3A_1577 = arith.constant 32 : i32
        %add3A_1578 = arith.addi %mul3A_1192, %add3A_1577 : i32
        %get3A_1579 = arith.index_cast %add3A_1578 : i32 to index
        %get3A_1580 = arith.constant 16 : index
        %get3A_1581 = tpu.vector_load %arg8[%get3A_1579, %get3A_1580] {strides = array<i32>} : memref<1600x32xf32, #tpu.memory_space<vmem>>, vector<16xf32>,
        %add3A_1582 = arith.addf %add3A_1570, %get3A_1581 : vector<16xf32>
        %add3A_1583 = arith.constant 33 : i32
        %add3A_1584 = arith.addi %mul3A_1192, %add3A_1583 : i32
        %get3A_1585 = arith.index_cast %add3A_1584 : i32 to index
        %get3A_1586 = arith.constant 0 : index
        %get3A_1587 = tpu.vector_load %arg8[%get3A_1585, %get3A_1586] {strides = array<i32>} : memref<1600x32xf32, #tpu.memory_space<vmem>>, vector<16xf32>,
        %add3A_1588 = arith.addf %add3A_1576, %get3A_1587 : vector<16xf32>
        %add3A_1589 = arith.constant 33 : i32
        %add3A_1590 = arith.addi %mul3A_1192, %add3A_1589 : i32
        %get3A_1591 = arith.index_cast %add3A_1590 : i32 to index
        %get3A_1592 = arith.constant 16 : index
        %get3A_1593 = tpu.vector_load %arg8[%get3A_1591, %get3A_1592] {strides = array<i32>} : memref<1600x32xf32, #tpu.memory_space<vmem>>, vector<16xf32>,
        %add3A_1594 = arith.addf %add3A_1582, %get3A_1593 : vector<16xf32>
        %add3A_1595 = arith.constant 34 : i32
        %add3A_1596 = arith.addi %mul3A_1192, %add3A_1595 : i32
        %get3A_1597 = arith.index_cast %add3A_1596 : i32 to index
        %get3A_1598 = arith.constant 0 : index
        %get3A_1599 = tpu.vector_load %arg8[%get3A_1597, %get3A_1598] {strides = array<i32>} : memref<1600x32xf32, #tpu.memory_space<vmem>>, vector<16xf32>,
        %add3A_1600 = arith.addf %add3A_1588, %get3A_1599 : vector<16xf32>
        %add3A_1601 = arith.constant 34 : i32
        %add3A_1602 = arith.addi %mul3A_1192, %add3A_1601 : i32
        %get3A_1603 = arith.index_cast %add3A_1602 : i32 to index
        %get3A_1604 = arith.constant 16 : index
        %get3A_1605 = tpu.vector_load %arg8[%get3A_1603, %get3A_1604] {strides = array<i32>} : memref<1600x32xf32, #tpu.memory_space<vmem>>, vector<16xf32>,
        %add3A_1606 = arith.addf %add3A_1594, %get3A_1605 : vector<16xf32>
        %add3A_1607 = arith.constant 35 : i32
        %add3A_1608 = arith.addi %mul3A_1192, %add3A_1607 : i32
        %get3A_1609 = arith.index_cast %add3A_1608 : i32 to index
        %get3A_1610 = arith.constant 0 : index
        %get3A_1611 = tpu.vector_load %arg8[%get3A_1609, %get3A_1610] {strides = array<i32>} : memref<1600x32xf32, #tpu.memory_space<vmem>>, vector<16xf32>,
        %add3A_1612 = arith.addf %add3A_1600, %get3A_1611 : vector<16xf32>
        %add3A_1613 = arith.constant 35 : i32
        %add3A_1614 = arith.addi %mul3A_1192, %add3A_1613 : i32
        %get3A_1615 = arith.index_cast %add3A_1614 : i32 to index
        %get3A_1616 = arith.constant 16 : index
        %get3A_1617 = tpu.vector_load %arg8[%get3A_1615, %get3A_1616] {strides = array<i32>} : memref<1600x32xf32, #tpu.memory_space<vmem>>, vector<16xf32>,
        %add3A_1618 = arith.addf %add3A_1606, %get3A_1617 : vector<16xf32>
        %add3A_1619 = arith.constant 36 : i32
        %add3A_1620 = arith.addi %mul3A_1192, %add3A_1619 : i32
        %get3A_1621 = arith.index_cast %add3A_1620 : i32 to index
        %get3A_1622 = arith.constant 0 : index
        %get3A_1623 = tpu.vector_load %arg8[%get3A_1621, %get3A_1622] {strides = array<i32>} : memref<1600x32xf32, #tpu.memory_space<vmem>>, vector<16xf32>,
        %add3A_1624 = arith.addf %add3A_1612, %get3A_1623 : vector<16xf32>
        %add3A_1625 = arith.constant 36 : i32
        %add3A_1626 = arith.addi %mul3A_1192, %add3A_1625 : i32
        %get3A_1627 = arith.index_cast %add3A_1626 : i32 to index
        %get3A_1628 = arith.constant 16 : index
        %get3A_1629 = tpu.vector_load %arg8[%get3A_1627, %get3A_1628] {strides = array<i32>} : memref<1600x32xf32, #tpu.memory_space<vmem>>, vector<16xf32>,
        %add3A_1630 = arith.addf %add3A_1618, %get3A_1629 : vector<16xf32>
        %add3A_1631 = arith.constant 37 : i32
        %add3A_1632 = arith.addi %mul3A_1192, %add3A_1631 : i32
        %get3A_1633 = arith.index_cast %add3A_1632 : i32 to index
        %get3A_1634 = arith.constant 0 : index
        %get3A_1635 = tpu.vector_load %arg8[%get3A_1633, %get3A_1634] {strides = array<i32>} : memref<1600x32xf32, #tpu.memory_space<vmem>>, vector<16xf32>,
        %add3A_1636 = arith.addf %add3A_1624, %get3A_1635 : vector<16xf32>
        %add3A_1637 = arith.constant 37 : i32
        %add3A_1638 = arith.addi %mul3A_1192, %add3A_1637 : i32
        %get3A_1639 = arith.index_cast %add3A_1638 : i32 to index
        %get3A_1640 = arith.constant 16 : index
        %get3A_1641 = tpu.vector_load %arg8[%get3A_1639, %get3A_1640] {strides = array<i32>} : memref<1600x32xf32, #tpu.memory_space<vmem>>, vector<16xf32>,
        %add3A_1642 = arith.addf %add3A_1630, %get3A_1641 : vector<16xf32>
        %add3A_1643 = arith.constant 38 : i32
        %add3A_1644 = arith.addi %mul3A_1192, %add3A_1643 : i32
        %get3A_1645 = arith.index_cast %add3A_1644 : i32 to index
        %get3A_1646 = arith.constant 0 : index
        %get3A_1647 = tpu.vector_load %arg8[%get3A_1645, %get3A_1646] {strides = array<i32>} : memref<1600x32xf32, #tpu.memory_space<vmem>>, vector<16xf32>,
        %add3A_1648 = arith.addf %add3A_1636, %get3A_1647 : vector<16xf32>
        %add3A_1649 = arith.constant 38 : i32
        %add3A_1650 = arith.addi %mul3A_1192, %add3A_1649 : i32
        %get3A_1651 = arith.index_cast %add3A_1650 : i32 to index
        %get3A_1652 = arith.constant 16 : index
        %get3A_1653 = tpu.vector_load %arg8[%get3A_1651, %get3A_1652] {strides = array<i32>} : memref<1600x32xf32, #tpu.memory_space<vmem>>, vector<16xf32>,
        %add3A_1654 = arith.addf %add3A_1642, %get3A_1653 : vector<16xf32>
        %add3A_1655 = arith.constant 39 : i32
        %add3A_1656 = arith.addi %mul3A_1192, %add3A_1655 : i32
        %get3A_1657 = arith.index_cast %add3A_1656 : i32 to index
        %get3A_1658 = arith.constant 0 : index
        %get3A_1659 = tpu.vector_load %arg8[%get3A_1657, %get3A_1658] {strides = array<i32>} : memref<1600x32xf32, #tpu.memory_space<vmem>>, vector<16xf32>,
        %add3A_1660 = arith.addf %add3A_1648, %get3A_1659 : vector<16xf32>
        %add3A_1661 = arith.constant 39 : i32
        %add3A_1662 = arith.addi %mul3A_1192, %add3A_1661 : i32
        %get3A_1663 = arith.index_cast %add3A_1662 : i32 to index
        %get3A_1664 = arith.constant 16 : index
        %get3A_1665 = tpu.vector_load %arg8[%get3A_1663, %get3A_1664] {strides = array<i32>} : memref<1600x32xf32, #tpu.memory_space<vmem>>, vector<16xf32>,
        %add3A_1666 = arith.addf %add3A_1654, %get3A_1665 : vector<16xf32>
        %add3A_1667 = arith.constant 40 : i32
        %add3A_1668 = arith.addi %mul3A_1192, %add3A_1667 : i32
        %get3A_1669 = arith.index_cast %add3A_1668 : i32 to index
        %get3A_1670 = arith.constant 0 : index
        %get3A_1671 = tpu.vector_load %arg8[%get3A_1669, %get3A_1670] {strides = array<i32>} : memref<1600x32xf32, #tpu.memory_space<vmem>>, vector<16xf32>,
        %add3A_1672 = arith.addf %add3A_1660, %get3A_1671 : vector<16xf32>
        %add3A_1673 = arith.constant 40 : i32
        %add3A_1674 = arith.addi %mul3A_1192, %add3A_1673 : i32
        %get3A_1675 = arith.index_cast %add3A_1674 : i32 to index
        %get3A_1676 = arith.constant 16 : index
        %get3A_1677 = tpu.vector_load %arg8[%get3A_1675, %get3A_1676] {strides = array<i32>} : memref<1600x32xf32, #tpu.memory_space<vmem>>, vector<16xf32>,
        %add3A_1678 = arith.addf %add3A_1666, %get3A_1677 : vector<16xf32>
        %add3A_1679 = arith.constant 41 : i32
        %add3A_1680 = arith.addi %mul3A_1192, %add3A_1679 : i32
        %get3A_1681 = arith.index_cast %add3A_1680 : i32 to index
        %get3A_1682 = arith.constant 0 : index
        %get3A_1683 = tpu.vector_load %arg8[%get3A_1681, %get3A_1682] {strides = array<i32>} : memref<1600x32xf32, #tpu.memory_space<vmem>>, vector<16xf32>,
        %add3A_1684 = arith.addf %add3A_1672, %get3A_1683 : vector<16xf32>
        %add3A_1685 = arith.constant 41 : i32
        %add3A_1686 = arith.addi %mul3A_1192, %add3A_1685 : i32
        %get3A_1687 = arith.index_cast %add3A_1686 : i32 to index
        %get3A_1688 = arith.constant 16 : index
        %get3A_1689 = tpu.vector_load %arg8[%get3A_1687, %get3A_1688] {strides = array<i32>} : memref<1600x32xf32, #tpu.memory_space<vmem>>, vector<16xf32>,
        %add3A_1690 = arith.addf %add3A_1678, %get3A_1689 : vector<16xf32>
        %add3A_1691 = arith.constant 42 : i32
        %add3A_1692 = arith.addi %mul3A_1192, %add3A_1691 : i32
        %get3A_1693 = arith.index_cast %add3A_1692 : i32 to index
        %get3A_1694 = arith.constant 0 : index
        %get3A_1695 = tpu.vector_load %arg8[%get3A_1693, %get3A_1694] {strides = array<i32>} : memref<1600x32xf32, #tpu.memory_space<vmem>>, vector<16xf32>,
        %add3A_1696 = arith.addf %add3A_1684, %get3A_1695 : vector<16xf32>
        %add3A_1697 = arith.constant 42 : i32
        %add3A_1698 = arith.addi %mul3A_1192, %add3A_1697 : i32
        %get3A_1699 = arith.index_cast %add3A_1698 : i32 to index
        %get3A_1700 = arith.constant 16 : index
        %get3A_1701 = tpu.vector_load %arg8[%get3A_1699, %get3A_1700] {strides = array<i32>} : memref<1600x32xf32, #tpu.memory_space<vmem>>, vector<16xf32>,
        %add3A_1702 = arith.addf %add3A_1690, %get3A_1701 : vector<16xf32>
        %add3A_1703 = arith.constant 43 : i32
        %add3A_1704 = arith.addi %mul3A_1192, %add3A_1703 : i32
        %get3A_1705 = arith.index_cast %add3A_1704 : i32 to index
        %get3A_1706 = arith.constant 0 : index
        %get3A_1707 = tpu.vector_load %arg8[%get3A_1705, %get3A_1706] {strides = array<i32>} : memref<1600x32xf32, #tpu.memory_space<vmem>>, vector<16xf32>,
        %add3A_1708 = arith.addf %add3A_1696, %get3A_1707 : vector<16xf32>
        %add3A_1709 = arith.constant 43 : i32
        %add3A_1710 = arith.addi %mul3A_1192, %add3A_1709 : i32
        %get3A_1711 = arith.index_cast %add3A_1710 : i32 to index
        %get3A_1712 = arith.constant 16 : index
        %get3A_1713 = tpu.vector_load %arg8[%get3A_1711, %get3A_1712] {strides = array<i32>} : memref<1600x32xf32, #tpu.memory_space<vmem>>, vector<16xf32>,
        %add3A_1714 = arith.addf %add3A_1702, %get3A_1713 : vector<16xf32>
        %add3A_1715 = arith.constant 44 : i32
        %add3A_1716 = arith.addi %mul3A_1192, %add3A_1715 : i32
        %get3A_1717 = arith.index_cast %add3A_1716 : i32 to index
        %get3A_1718 = arith.constant 0 : index
        %get3A_1719 = tpu.vector_load %arg8[%get3A_1717, %get3A_1718] {strides = array<i32>} : memref<1600x32xf32, #tpu.memory_space<vmem>>, vector<16xf32>,
        %add3A_1720 = arith.addf %add3A_1708, %get3A_1719 : vector<16xf32>
        %add3A_1721 = arith.constant 44 : i32
        %add3A_1722 = arith.addi %mul3A_1192, %add3A_1721 : i32
        %get3A_1723 = arith.index_cast %add3A_1722 : i32 to index
        %get3A_1724 = arith.constant 16 : index
        %get3A_1725 = tpu.vector_load %arg8[%get3A_1723, %get3A_1724] {strides = array<i32>} : memref<1600x32xf32, #tpu.memory_space<vmem>>, vector<16xf32>,
        %add3A_1726 = arith.addf %add3A_1714, %get3A_1725 : vector<16xf32>
        %add3A_1727 = arith.constant 45 : i32
        %add3A_1728 = arith.addi %mul3A_1192, %add3A_1727 : i32
        %get3A_1729 = arith.index_cast %add3A_1728 : i32 to index
        %get3A_1730 = arith.constant 0 : index
        %get3A_1731 = tpu.vector_load %arg8[%get3A_1729, %get3A_1730] {strides = array<i32>} : memref<1600x32xf32, #tpu.memory_space<vmem>>, vector<16xf32>,
        %add3A_1732 = arith.addf %add3A_1720, %get3A_1731 : vector<16xf32>
        %add3A_1733 = arith.constant 45 : i32
        %add3A_1734 = arith.addi %mul3A_1192, %add3A_1733 : i32
        %get3A_1735 = arith.index_cast %add3A_1734 : i32 to index
        %get3A_1736 = arith.constant 16 : index
        %get3A_1737 = tpu.vector_load %arg8[%get3A_1735, %get3A_1736] {strides = array<i32>} : memref<1600x32xf32, #tpu.memory_space<vmem>>, vector<16xf32>,
        %add3A_1738 = arith.addf %add3A_1726, %get3A_1737 : vector<16xf32>
        %add3A_1739 = arith.constant 46 : i32
        %add3A_1740 = arith.addi %mul3A_1192, %add3A_1739 : i32
        %get3A_1741 = arith.index_cast %add3A_1740 : i32 to index
        %get3A_1742 = arith.constant 0 : index
        %get3A_1743 = tpu.vector_load %arg8[%get3A_1741, %get3A_1742] {strides = array<i32>} : memref<1600x32xf32, #tpu.memory_space<vmem>>, vector<16xf32>,
        %add3A_1744 = arith.addf %add3A_1732, %get3A_1743 : vector<16xf32>
        %add3A_1745 = arith.constant 46 : i32
        %add3A_1746 = arith.addi %mul3A_1192, %add3A_1745 : i32
        %get3A_1747 = arith.index_cast %add3A_1746 : i32 to index
        %get3A_1748 = arith.constant 16 : index
        %get3A_1749 = tpu.vector_load %arg8[%get3A_1747, %get3A_1748] {strides = array<i32>} : memref<1600x32xf32, #tpu.memory_space<vmem>>, vector<16xf32>,
        %add3A_1750 = arith.addf %add3A_1738, %get3A_1749 : vector<16xf32>
        %add3A_1751 = arith.constant 47 : i32
        %add3A_1752 = arith.addi %mul3A_1192, %add3A_1751 : i32
        %get3A_1753 = arith.index_cast %add3A_1752 : i32 to index
        %get3A_1754 = arith.constant 0 : index
        %get3A_1755 = tpu.vector_load %arg8[%get3A_1753, %get3A_1754] {strides = array<i32>} : memref<1600x32xf32, #tpu.memory_space<vmem>>, vector<16xf32>,
        %add3A_1756 = arith.addf %add3A_1744, %get3A_1755 : vector<16xf32>
        %add3A_1757 = arith.constant 47 : i32
        %add3A_1758 = arith.addi %mul3A_1192, %add3A_1757 : i32
        %get3A_1759 = arith.index_cast %add3A_1758 : i32 to index
        %get3A_1760 = arith.constant 16 : index
        %get3A_1761 = tpu.vector_load %arg8[%get3A_1759, %get3A_1760] {strides = array<i32>} : memref<1600x32xf32, #tpu.memory_space<vmem>>, vector<16xf32>,
        %add3A_1762 = arith.addf %add3A_1750, %get3A_1761 : vector<16xf32>
        %add3A_1763 = arith.constant 48 : i32
        %add3A_1764 = arith.addi %mul3A_1192, %add3A_1763 : i32
        %get3A_1765 = arith.index_cast %add3A_1764 : i32 to index
        %get3A_1766 = arith.constant 0 : index
        %get3A_1767 = tpu.vector_load %arg8[%get3A_1765, %get3A_1766] {strides = array<i32>} : memref<1600x32xf32, #tpu.memory_space<vmem>>, vector<16xf32>,
        %add3A_1768 = arith.addf %add3A_1756, %get3A_1767 : vector<16xf32>
        %add3A_1769 = arith.constant 48 : i32
        %add3A_1770 = arith.addi %mul3A_1192, %add3A_1769 : i32
        %get3A_1771 = arith.index_cast %add3A_1770 : i32 to index
        %get3A_1772 = arith.constant 16 : index
        %get3A_1773 = tpu.vector_load %arg8[%get3A_1771, %get3A_1772] {strides = array<i32>} : memref<1600x32xf32, #tpu.memory_space<vmem>>, vector<16xf32>,
        %add3A_1774 = arith.addf %add3A_1762, %get3A_1773 : vector<16xf32>
        %add3A_1775 = arith.constant 49 : i32
        %add3A_1776 = arith.addi %mul3A_1192, %add3A_1775 : i32
        %get3A_1777 = arith.index_cast %add3A_1776 : i32 to index
        %get3A_1778 = arith.constant 0 : index
        %get3A_1779 = tpu.vector_load %arg8[%get3A_1777, %get3A_1778] {strides = array<i32>} : memref<1600x32xf32, #tpu.memory_space<vmem>>, vector<16xf32>,
        %add3A_1780 = arith.addf %add3A_1768, %get3A_1779 : vector<16xf32>
        %add3A_1781 = arith.constant 49 : i32
        %add3A_1782 = arith.addi %mul3A_1192, %add3A_1781 : i32
        %get3A_1783 = arith.index_cast %add3A_1782 : i32 to index
        %get3A_1784 = arith.constant 16 : index
        %get3A_1785 = tpu.vector_load %arg8[%get3A_1783, %get3A_1784] {strides = array<i32>} : memref<1600x32xf32, #tpu.memory_space<vmem>>, vector<16xf32>,
        %add3A_1786 = arith.addf %add3A_1774, %get3A_1785 : vector<16xf32>
        %mul3A_1787 = arith.constant 32 : i32
        %mul3A_1788 = arith.muli %mul3A_665, %mul3A_1787 : i32
        %add3A_1789 = arith.addi %mul3A_1788, %scan3A_1190 : i32
        %swap3A = arith.index_cast %add3A_1789 : i32 to index
        %swap3A_1790 = arith.constant 0 : index
        %swap3A_1791 = tpu.vector_load %arg10[%swap3A, %swap3A_1790] {strides = array<i32>} : memref<512x32xf32, #tpu.memory_space<vmem>>, vector<16xf32>,
        tpu.vector_store %arg10[%swap3A, %swap3A_1790], %add3A_1780 {strides = array<i32>} : memref<512x32xf32, #tpu.memory_space<vmem>>, vector<16xf32>,
        %mul3A_1792 = arith.constant 32 : i32
        %mul3A_1793 = arith.muli %mul3A_665, %mul3A_1792 : i32
        %add3A_1794 = arith.addi %mul3A_1793, %scan3A_1190 : i32
        %swap3A_1795 = arith.index_cast %add3A_1794 : i32 to index
        %swap3A_1796 = arith.constant 16 : index
        %swap3A_1797 = tpu.vector_load %arg10[%swap3A_1795, %swap3A_1796] {strides = array<i32>} : memref<512x32xf32, #tpu.memory_space<vmem>>, vector<16xf32>,
        tpu.vector_store %arg10[%swap3A_1795, %swap3A_1796], %add3A_1786 {strides = array<i32>} : memref<512x32xf32, #tpu.memory_space<vmem>>, vector<16xf32>,
      }
      %scan3A_920 = arith.constant 32 : i32
      %add3A_921 = arith.constant 2 : i32
      %add3A_922 = arith.addi %mul3A_665, %add3A_921 : i32
      %lt3A = arith.constant 16 : i32
      %lt3A_923 = arith.cmpi slt, %add3A_922, %lt3A : i32
      %convert_element_type3A = arith.extui %lt3A_923 : i1 to i32
      %cond3A = arith.constant 0 : i32
      %cond3A_924 = arith.cmpi ne, %convert_element_type3A, %cond3A : i32
      scf.if %cond3A_924 {
        %add3A_1190 = arith.constant 2 : i32
        %add3A_1191 = arith.addi %mul3A_665, %add3A_1190 : i32
        %mul3A_1192 = arith.constant 16 : i32
        %mul3A_1193 = arith.muli %add3A, %mul3A_1192 : i32
        %add3A_1194 = arith.addi %mul3A_1193, %add3A_1191 : i32
        "tpu.region"() ({
          %run_scoped3A = tpu.sem_alloc : memref<!tpu.dma_semaphore, #tpu.memory_space<semaphore_mem>>
          %dma_start3A_1445 = arith.constant 0 : i32
          %dma_start3A_1446 = arith.constant 0 : i32
          %dma_start3A_1447 = tpu.memref_slice %arg2[%add3A_1194, %dma_start3A_1445, %dma_start3A_1446] : memref<512x25x64xi32, #tpu.memory_space<hbm>> -> memref<1x25x64xi32, #tpu.memory_space<hbm>>
          %dma_start3A_1448 = tpu.memref_squeeze %dma_start3A_1447 : memref<1x25x64xi32, #tpu.memory_space<hbm>> -> memref<25x64xi32, #tpu.memory_space<hbm>>
          %dma_start3A_1449 = arith.constant 0 : i32
          %dma_start3A_1450 = arith.constant 0 : i32
          %dma_start3A_1451 = tpu.memref_slice %arg2[%add3A_1194, %dma_start3A_1449, %dma_start3A_1450] : memref<512x25x64xi32, #tpu.memory_space<hbm>> -> memref<1x25x64xi32, #tpu.memory_space<hbm>>
          %dma_start3A_1452 = tpu.memref_squeeze %dma_start3A_1451 : memref<1x25x64xi32, #tpu.memory_space<hbm>> -> memref<25x64xi32, #tpu.memory_space<hbm>>
          tpu.enqueue_dma source(%dma_start3A_1452 : memref<25x64xi32, #tpu.memory_space<hbm>>) target(%arg6 : memref<25x64xi32, #tpu.memory_space<vmem>>) target_semaphore(%run_scoped3A : memref<!tpu.dma_semaphore, #tpu.memory_space<semaphore_mem>>)
          %dma_wait3A_1453 = arith.constant 0 : i32
          %dma_wait3A_1454 = arith.constant 0 : i32
          %dma_wait3A_1455 = tpu.memref_slice %arg2[%add3A_1194, %dma_wait3A_1453, %dma_wait3A_1454] : memref<512x25x64xi32, #tpu.memory_space<hbm>> -> memref<1x25x64xi32, #tpu.memory_space<hbm>>
          %dma_wait3A_1456 = tpu.memref_squeeze %dma_wait3A_1455 : memref<1x25x64xi32, #tpu.memory_space<hbm>> -> memref<25x64xi32, #tpu.memory_space<hbm>>
          %dma_wait3A_1457 = arith.constant 0 : i32
          %dma_wait3A_1458 = arith.constant 0 : i32
          %dma_wait3A_1459 = tpu.memref_slice %arg2[%add3A_1194, %dma_wait3A_1457, %dma_wait3A_1458] : memref<512x25x64xi32, #tpu.memory_space<hbm>> -> memref<1x25x64xi32, #tpu.memory_space<hbm>>
          %dma_wait3A_1460 = tpu.memref_squeeze %dma_wait3A_1459 : memref<1x25x64xi32, #tpu.memory_space<hbm>> -> memref<25x64xi32, #tpu.memory_space<hbm>>
          tpu.wait_dma2 semaphore(%run_scoped3A : memref<!tpu.dma_semaphore, #tpu.memory_space<semaphore_mem>>) src(%dma_wait3A_1460 : memref<25x64xi32, #tpu.memory_space<hbm>>) dst(%arg6 : memref<25x64xi32, #tpu.memory_space<vmem>>)
          tpu.yield
        }) : () -> ()
        %dma_start3A_1195 = arith.constant 0 : i32
        %dma_start3A_1196 = arith.constant 0 : i32
        %dma_start3A_1197 = arith.constant 0 : i32
        %dma_start3A_1198 = tpu.memref_slice %arg8[%dma_start3A_1196, %dma_start3A_1197] : memref<1600x32xf32, #tpu.memory_space<vmem>> -> memref<64x32xf32, #tpu.memory_space<vmem>>
        %dma_start3A_1199 = arith.constant 0 : i32
        %dma_start3A_1200 = tpu.memref_slice %arg6[%dma_start3A_1195, %dma_start3A_1199] : memref<25x64xi32, #tpu.memory_space<vmem>> -> memref<1x64xi32, #tpu.memory_space<vmem>>
        %dma_start3A_1201 = tpu.memref_squeeze %dma_start3A_1200 : memref<1x64xi32, #tpu.memory_space<vmem>> -> memref<64xi32, #tpu.memory_space<vmem>>
        %dma_start3A_1202 = arith.constant 0 : i32
        %dma_start3A_1203 = arith.constant 0 : i32
        %dma_start3A_1204 = tpu.memref_slice %arg3[%dma_start3A_1202, %dma_start3A_1203] : memref<1000000x32xf32, #tpu.memory_space<hbm>> -> memref<1000000x32xf32, #tpu.memory_space<hbm>>
        tpu.enqueue_indirect_dma source(%dma_start3A_1204 : memref<1000000x32xf32, #tpu.memory_space<hbm>>) target(%dma_start3A_1198 : memref<64x32xf32, #tpu.memory_space<vmem>>) offsets(%dma_start3A_1201 : memref<64xi32, #tpu.memory_space<vmem>>) semaphore(%arg13 : memref<!tpu.dma_semaphore, #tpu.memory_space<semaphore_mem>>)
        %dma_start3A_1205 = arith.constant 1 : i32
        %dma_start3A_1206 = arith.constant 64 : i32
        %dma_start3A_1207 = arith.constant 0 : i32
        %dma_start3A_1208 = tpu.memref_slice %arg8[%dma_start3A_1206, %dma_start3A_1207] : memref<1600x32xf32, #tpu.memory_space<vmem>> -> memref<64x32xf32, #tpu.memory_space<vmem>>
        %dma_start3A_1209 = arith.constant 0 : i32
        %dma_start3A_1210 = tpu.memref_slice %arg6[%dma_start3A_1205, %dma_start3A_1209] : memref<25x64xi32, #tpu.memory_space<vmem>> -> memref<1x64xi32, #tpu.memory_space<vmem>>
        %dma_start3A_1211 = tpu.memref_squeeze %dma_start3A_1210 : memref<1x64xi32, #tpu.memory_space<vmem>> -> memref<64xi32, #tpu.memory_space<vmem>>
        %dma_start3A_1212 = arith.constant 0 : i32
        %dma_start3A_1213 = arith.constant 0 : i32
        %dma_start3A_1214 = tpu.memref_slice %arg3[%dma_start3A_1212, %dma_start3A_1213] : memref<1000000x32xf32, #tpu.memory_space<hbm>> -> memref<1000000x32xf32, #tpu.memory_space<hbm>>
        tpu.enqueue_indirect_dma source(%dma_start3A_1214 : memref<1000000x32xf32, #tpu.memory_space<hbm>>) target(%dma_start3A_1208 : memref<64x32xf32, #tpu.memory_space<vmem>>) offsets(%dma_start3A_1211 : memref<64xi32, #tpu.memory_space<vmem>>) semaphore(%arg13 : memref<!tpu.dma_semaphore, #tpu.memory_space<semaphore_mem>>)
        %dma_start3A_1215 = arith.constant 2 : i32
        %dma_start3A_1216 = arith.constant 128 : i32
        %dma_start3A_1217 = arith.constant 0 : i32
        %dma_start3A_1218 = tpu.memref_slice %arg8[%dma_start3A_1216, %dma_start3A_1217] : memref<1600x32xf32, #tpu.memory_space<vmem>> -> memref<64x32xf32, #tpu.memory_space<vmem>>
        %dma_start3A_1219 = arith.constant 0 : i32
        %dma_start3A_1220 = tpu.memref_slice %arg6[%dma_start3A_1215, %dma_start3A_1219] : memref<25x64xi32, #tpu.memory_space<vmem>> -> memref<1x64xi32, #tpu.memory_space<vmem>>
        %dma_start3A_1221 = tpu.memref_squeeze %dma_start3A_1220 : memref<1x64xi32, #tpu.memory_space<vmem>> -> memref<64xi32, #tpu.memory_space<vmem>>
        %dma_start3A_1222 = arith.constant 0 : i32
        %dma_start3A_1223 = arith.constant 0 : i32
        %dma_start3A_1224 = tpu.memref_slice %arg3[%dma_start3A_1222, %dma_start3A_1223] : memref<1000000x32xf32, #tpu.memory_space<hbm>> -> memref<1000000x32xf32, #tpu.memory_space<hbm>>
        tpu.enqueue_indirect_dma source(%dma_start3A_1224 : memref<1000000x32xf32, #tpu.memory_space<hbm>>) target(%dma_start3A_1218 : memref<64x32xf32, #tpu.memory_space<vmem>>) offsets(%dma_start3A_1221 : memref<64xi32, #tpu.memory_space<vmem>>) semaphore(%arg13 : memref<!tpu.dma_semaphore, #tpu.memory_space<semaphore_mem>>)
        %dma_start3A_1225 = arith.constant 3 : i32
        %dma_start3A_1226 = arith.constant 192 : i32
        %dma_start3A_1227 = arith.constant 0 : i32
        %dma_start3A_1228 = tpu.memref_slice %arg8[%dma_start3A_1226, %dma_start3A_1227] : memref<1600x32xf32, #tpu.memory_space<vmem>> -> memref<64x32xf32, #tpu.memory_space<vmem>>
        %dma_start3A_1229 = arith.constant 0 : i32
        %dma_start3A_1230 = tpu.memref_slice %arg6[%dma_start3A_1225, %dma_start3A_1229] : memref<25x64xi32, #tpu.memory_space<vmem>> -> memref<1x64xi32, #tpu.memory_space<vmem>>
        %dma_start3A_1231 = tpu.memref_squeeze %dma_start3A_1230 : memref<1x64xi32, #tpu.memory_space<vmem>> -> memref<64xi32, #tpu.memory_space<vmem>>
        %dma_start3A_1232 = arith.constant 0 : i32
        %dma_start3A_1233 = arith.constant 0 : i32
        %dma_start3A_1234 = tpu.memref_slice %arg3[%dma_start3A_1232, %dma_start3A_1233] : memref<1000000x32xf32, #tpu.memory_space<hbm>> -> memref<1000000x32xf32, #tpu.memory_space<hbm>>
        tpu.enqueue_indirect_dma source(%dma_start3A_1234 : memref<1000000x32xf32, #tpu.memory_space<hbm>>) target(%dma_start3A_1228 : memref<64x32xf32, #tpu.memory_space<vmem>>) offsets(%dma_start3A_1231 : memref<64xi32, #tpu.memory_space<vmem>>) semaphore(%arg13 : memref<!tpu.dma_semaphore, #tpu.memory_space<semaphore_mem>>)
        %dma_start3A_1235 = arith.constant 4 : i32
        %dma_start3A_1236 = arith.constant 256 : i32
        %dma_start3A_1237 = arith.constant 0 : i32
        %dma_start3A_1238 = tpu.memref_slice %arg8[%dma_start3A_1236, %dma_start3A_1237] : memref<1600x32xf32, #tpu.memory_space<vmem>> -> memref<64x32xf32, #tpu.memory_space<vmem>>
        %dma_start3A_1239 = arith.constant 0 : i32
        %dma_start3A_1240 = tpu.memref_slice %arg6[%dma_start3A_1235, %dma_start3A_1239] : memref<25x64xi32, #tpu.memory_space<vmem>> -> memref<1x64xi32, #tpu.memory_space<vmem>>
        %dma_start3A_1241 = tpu.memref_squeeze %dma_start3A_1240 : memref<1x64xi32, #tpu.memory_space<vmem>> -> memref<64xi32, #tpu.memory_space<vmem>>
        %dma_start3A_1242 = arith.constant 0 : i32
        %dma_start3A_1243 = arith.constant 0 : i32
        %dma_start3A_1244 = tpu.memref_slice %arg3[%dma_start3A_1242, %dma_start3A_1243] : memref<1000000x32xf32, #tpu.memory_space<hbm>> -> memref<1000000x32xf32, #tpu.memory_space<hbm>>
        tpu.enqueue_indirect_dma source(%dma_start3A_1244 : memref<1000000x32xf32, #tpu.memory_space<hbm>>) target(%dma_start3A_1238 : memref<64x32xf32, #tpu.memory_space<vmem>>) offsets(%dma_start3A_1241 : memref<64xi32, #tpu.memory_space<vmem>>) semaphore(%arg13 : memref<!tpu.dma_semaphore, #tpu.memory_space<semaphore_mem>>)
        %dma_start3A_1245 = arith.constant 5 : i32
        %dma_start3A_1246 = arith.constant 320 : i32
        %dma_start3A_1247 = arith.constant 0 : i32
        %dma_start3A_1248 = tpu.memref_slice %arg8[%dma_start3A_1246, %dma_start3A_1247] : memref<1600x32xf32, #tpu.memory_space<vmem>> -> memref<64x32xf32, #tpu.memory_space<vmem>>
        %dma_start3A_1249 = arith.constant 0 : i32
        %dma_start3A_1250 = tpu.memref_slice %arg6[%dma_start3A_1245, %dma_start3A_1249] : memref<25x64xi32, #tpu.memory_space<vmem>> -> memref<1x64xi32, #tpu.memory_space<vmem>>
        %dma_start3A_1251 = tpu.memref_squeeze %dma_start3A_1250 : memref<1x64xi32, #tpu.memory_space<vmem>> -> memref<64xi32, #tpu.memory_space<vmem>>
        %dma_start3A_1252 = arith.constant 0 : i32
        %dma_start3A_1253 = arith.constant 0 : i32
        %dma_start3A_1254 = tpu.memref_slice %arg3[%dma_start3A_1252, %dma_start3A_1253] : memref<1000000x32xf32, #tpu.memory_space<hbm>> -> memref<1000000x32xf32, #tpu.memory_space<hbm>>
        tpu.enqueue_indirect_dma source(%dma_start3A_1254 : memref<1000000x32xf32, #tpu.memory_space<hbm>>) target(%dma_start3A_1248 : memref<64x32xf32, #tpu.memory_space<vmem>>) offsets(%dma_start3A_1251 : memref<64xi32, #tpu.memory_space<vmem>>) semaphore(%arg13 : memref<!tpu.dma_semaphore, #tpu.memory_space<semaphore_mem>>)
        %dma_start3A_1255 = arith.constant 6 : i32
        %dma_start3A_1256 = arith.constant 384 : i32
        %dma_start3A_1257 = arith.constant 0 : i32
        %dma_start3A_1258 = tpu.memref_slice %arg8[%dma_start3A_1256, %dma_start3A_1257] : memref<1600x32xf32, #tpu.memory_space<vmem>> -> memref<64x32xf32, #tpu.memory_space<vmem>>
        %dma_start3A_1259 = arith.constant 0 : i32
        %dma_start3A_1260 = tpu.memref_slice %arg6[%dma_start3A_1255, %dma_start3A_1259] : memref<25x64xi32, #tpu.memory_space<vmem>> -> memref<1x64xi32, #tpu.memory_space<vmem>>
        %dma_start3A_1261 = tpu.memref_squeeze %dma_start3A_1260 : memref<1x64xi32, #tpu.memory_space<vmem>> -> memref<64xi32, #tpu.memory_space<vmem>>
        %dma_start3A_1262 = arith.constant 0 : i32
        %dma_start3A_1263 = arith.constant 0 : i32
        %dma_start3A_1264 = tpu.memref_slice %arg3[%dma_start3A_1262, %dma_start3A_1263] : memref<1000000x32xf32, #tpu.memory_space<hbm>> -> memref<1000000x32xf32, #tpu.memory_space<hbm>>
        tpu.enqueue_indirect_dma source(%dma_start3A_1264 : memref<1000000x32xf32, #tpu.memory_space<hbm>>) target(%dma_start3A_1258 : memref<64x32xf32, #tpu.memory_space<vmem>>) offsets(%dma_start3A_1261 : memref<64xi32, #tpu.memory_space<vmem>>) semaphore(%arg13 : memref<!tpu.dma_semaphore, #tpu.memory_space<semaphore_mem>>)
        %dma_start3A_1265 = arith.constant 7 : i32
        %dma_start3A_1266 = arith.constant 448 : i32
        %dma_start3A_1267 = arith.constant 0 : i32
        %dma_start3A_1268 = tpu.memref_slice %arg8[%dma_start3A_1266, %dma_start3A_1267] : memref<1600x32xf32, #tpu.memory_space<vmem>> -> memref<64x32xf32, #tpu.memory_space<vmem>>
        %dma_start3A_1269 = arith.constant 0 : i32
        %dma_start3A_1270 = tpu.memref_slice %arg6[%dma_start3A_1265, %dma_start3A_1269] : memref<25x64xi32, #tpu.memory_space<vmem>> -> memref<1x64xi32, #tpu.memory_space<vmem>>
        %dma_start3A_1271 = tpu.memref_squeeze %dma_start3A_1270 : memref<1x64xi32, #tpu.memory_space<vmem>> -> memref<64xi32, #tpu.memory_space<vmem>>
        %dma_start3A_1272 = arith.constant 0 : i32
        %dma_start3A_1273 = arith.constant 0 : i32
        %dma_start3A_1274 = tpu.memref_slice %arg3[%dma_start3A_1272, %dma_start3A_1273] : memref<1000000x32xf32, #tpu.memory_space<hbm>> -> memref<1000000x32xf32, #tpu.memory_space<hbm>>
        tpu.enqueue_indirect_dma source(%dma_start3A_1274 : memref<1000000x32xf32, #tpu.memory_space<hbm>>) target(%dma_start3A_1268 : memref<64x32xf32, #tpu.memory_space<vmem>>) offsets(%dma_start3A_1271 : memref<64xi32, #tpu.memory_space<vmem>>) semaphore(%arg13 : memref<!tpu.dma_semaphore, #tpu.memory_space<semaphore_mem>>)
        %dma_start3A_1275 = arith.constant 8 : i32
        %dma_start3A_1276 = arith.constant 512 : i32
        %dma_start3A_1277 = arith.constant 0 : i32
        %dma_start3A_1278 = tpu.memref_slice %arg8[%dma_start3A_1276, %dma_start3A_1277] : memref<1600x32xf32, #tpu.memory_space<vmem>> -> memref<64x32xf32, #tpu.memory_space<vmem>>
        %dma_start3A_1279 = arith.constant 0 : i32
        %dma_start3A_1280 = tpu.memref_slice %arg6[%dma_start3A_1275, %dma_start3A_1279] : memref<25x64xi32, #tpu.memory_space<vmem>> -> memref<1x64xi32, #tpu.memory_space<vmem>>
        %dma_start3A_1281 = tpu.memref_squeeze %dma_start3A_1280 : memref<1x64xi32, #tpu.memory_space<vmem>> -> memref<64xi32, #tpu.memory_space<vmem>>
        %dma_start3A_1282 = arith.constant 0 : i32
        %dma_start3A_1283 = arith.constant 0 : i32
        %dma_start3A_1284 = tpu.memref_slice %arg3[%dma_start3A_1282, %dma_start3A_1283] : memref<1000000x32xf32, #tpu.memory_space<hbm>> -> memref<1000000x32xf32, #tpu.memory_space<hbm>>
        tpu.enqueue_indirect_dma source(%dma_start3A_1284 : memref<1000000x32xf32, #tpu.memory_space<hbm>>) target(%dma_start3A_1278 : memref<64x32xf32, #tpu.memory_space<vmem>>) offsets(%dma_start3A_1281 : memref<64xi32, #tpu.memory_space<vmem>>) semaphore(%arg13 : memref<!tpu.dma_semaphore, #tpu.memory_space<semaphore_mem>>)
        %dma_start3A_1285 = arith.constant 9 : i32
        %dma_start3A_1286 = arith.constant 576 : i32
        %dma_start3A_1287 = arith.constant 0 : i32
        %dma_start3A_1288 = tpu.memref_slice %arg8[%dma_start3A_1286, %dma_start3A_1287] : memref<1600x32xf32, #tpu.memory_space<vmem>> -> memref<64x32xf32, #tpu.memory_space<vmem>>
        %dma_start3A_1289 = arith.constant 0 : i32
        %dma_start3A_1290 = tpu.memref_slice %arg6[%dma_start3A_1285, %dma_start3A_1289] : memref<25x64xi32, #tpu.memory_space<vmem>> -> memref<1x64xi32, #tpu.memory_space<vmem>>
        %dma_start3A_1291 = tpu.memref_squeeze %dma_start3A_1290 : memref<1x64xi32, #tpu.memory_space<vmem>> -> memref<64xi32, #tpu.memory_space<vmem>>
        %dma_start3A_1292 = arith.constant 0 : i32
        %dma_start3A_1293 = arith.constant 0 : i32
        %dma_start3A_1294 = tpu.memref_slice %arg3[%dma_start3A_1292, %dma_start3A_1293] : memref<1000000x32xf32, #tpu.memory_space<hbm>> -> memref<1000000x32xf32, #tpu.memory_space<hbm>>
        tpu.enqueue_indirect_dma source(%dma_start3A_1294 : memref<1000000x32xf32, #tpu.memory_space<hbm>>) target(%dma_start3A_1288 : memref<64x32xf32, #tpu.memory_space<vmem>>) offsets(%dma_start3A_1291 : memref<64xi32, #tpu.memory_space<vmem>>) semaphore(%arg13 : memref<!tpu.dma_semaphore, #tpu.memory_space<semaphore_mem>>)
        %dma_start3A_1295 = arith.constant 10 : i32
        %dma_start3A_1296 = arith.constant 640 : i32
        %dma_start3A_1297 = arith.constant 0 : i32
        %dma_start3A_1298 = tpu.memref_slice %arg8[%dma_start3A_1296, %dma_start3A_1297] : memref<1600x32xf32, #tpu.memory_space<vmem>> -> memref<64x32xf32, #tpu.memory_space<vmem>>
        %dma_start3A_1299 = arith.constant 0 : i32
        %dma_start3A_1300 = tpu.memref_slice %arg6[%dma_start3A_1295, %dma_start3A_1299] : memref<25x64xi32, #tpu.memory_space<vmem>> -> memref<1x64xi32, #tpu.memory_space<vmem>>
        %dma_start3A_1301 = tpu.memref_squeeze %dma_start3A_1300 : memref<1x64xi32, #tpu.memory_space<vmem>> -> memref<64xi32, #tpu.memory_space<vmem>>
        %dma_start3A_1302 = arith.constant 0 : i32
        %dma_start3A_1303 = arith.constant 0 : i32
        %dma_start3A_1304 = tpu.memref_slice %arg3[%dma_start3A_1302, %dma_start3A_1303] : memref<1000000x32xf32, #tpu.memory_space<hbm>> -> memref<1000000x32xf32, #tpu.memory_space<hbm>>
        tpu.enqueue_indirect_dma source(%dma_start3A_1304 : memref<1000000x32xf32, #tpu.memory_space<hbm>>) target(%dma_start3A_1298 : memref<64x32xf32, #tpu.memory_space<vmem>>) offsets(%dma_start3A_1301 : memref<64xi32, #tpu.memory_space<vmem>>) semaphore(%arg13 : memref<!tpu.dma_semaphore, #tpu.memory_space<semaphore_mem>>)
        %dma_start3A_1305 = arith.constant 11 : i32
        %dma_start3A_1306 = arith.constant 704 : i32
        %dma_start3A_1307 = arith.constant 0 : i32
        %dma_start3A_1308 = tpu.memref_slice %arg8[%dma_start3A_1306, %dma_start3A_1307] : memref<1600x32xf32, #tpu.memory_space<vmem>> -> memref<64x32xf32, #tpu.memory_space<vmem>>
        %dma_start3A_1309 = arith.constant 0 : i32
        %dma_start3A_1310 = tpu.memref_slice %arg6[%dma_start3A_1305, %dma_start3A_1309] : memref<25x64xi32, #tpu.memory_space<vmem>> -> memref<1x64xi32, #tpu.memory_space<vmem>>
        %dma_start3A_1311 = tpu.memref_squeeze %dma_start3A_1310 : memref<1x64xi32, #tpu.memory_space<vmem>> -> memref<64xi32, #tpu.memory_space<vmem>>
        %dma_start3A_1312 = arith.constant 0 : i32
        %dma_start3A_1313 = arith.constant 0 : i32
        %dma_start3A_1314 = tpu.memref_slice %arg3[%dma_start3A_1312, %dma_start3A_1313] : memref<1000000x32xf32, #tpu.memory_space<hbm>> -> memref<1000000x32xf32, #tpu.memory_space<hbm>>
        tpu.enqueue_indirect_dma source(%dma_start3A_1314 : memref<1000000x32xf32, #tpu.memory_space<hbm>>) target(%dma_start3A_1308 : memref<64x32xf32, #tpu.memory_space<vmem>>) offsets(%dma_start3A_1311 : memref<64xi32, #tpu.memory_space<vmem>>) semaphore(%arg13 : memref<!tpu.dma_semaphore, #tpu.memory_space<semaphore_mem>>)
        %dma_start3A_1315 = arith.constant 12 : i32
        %dma_start3A_1316 = arith.constant 768 : i32
        %dma_start3A_1317 = arith.constant 0 : i32
        %dma_start3A_1318 = tpu.memref_slice %arg8[%dma_start3A_1316, %dma_start3A_1317] : memref<1600x32xf32, #tpu.memory_space<vmem>> -> memref<64x32xf32, #tpu.memory_space<vmem>>
        %dma_start3A_1319 = arith.constant 0 : i32
        %dma_start3A_1320 = tpu.memref_slice %arg6[%dma_start3A_1315, %dma_start3A_1319] : memref<25x64xi32, #tpu.memory_space<vmem>> -> memref<1x64xi32, #tpu.memory_space<vmem>>
        %dma_start3A_1321 = tpu.memref_squeeze %dma_start3A_1320 : memref<1x64xi32, #tpu.memory_space<vmem>> -> memref<64xi32, #tpu.memory_space<vmem>>
        %dma_start3A_1322 = arith.constant 0 : i32
        %dma_start3A_1323 = arith.constant 0 : i32
        %dma_start3A_1324 = tpu.memref_slice %arg3[%dma_start3A_1322, %dma_start3A_1323] : memref<1000000x32xf32, #tpu.memory_space<hbm>> -> memref<1000000x32xf32, #tpu.memory_space<hbm>>
        tpu.enqueue_indirect_dma source(%dma_start3A_1324 : memref<1000000x32xf32, #tpu.memory_space<hbm>>) target(%dma_start3A_1318 : memref<64x32xf32, #tpu.memory_space<vmem>>) offsets(%dma_start3A_1321 : memref<64xi32, #tpu.memory_space<vmem>>) semaphore(%arg13 : memref<!tpu.dma_semaphore, #tpu.memory_space<semaphore_mem>>)
        %dma_start3A_1325 = arith.constant 13 : i32
        %dma_start3A_1326 = arith.constant 832 : i32
        %dma_start3A_1327 = arith.constant 0 : i32
        %dma_start3A_1328 = tpu.memref_slice %arg8[%dma_start3A_1326, %dma_start3A_1327] : memref<1600x32xf32, #tpu.memory_space<vmem>> -> memref<64x32xf32, #tpu.memory_space<vmem>>
        %dma_start3A_1329 = arith.constant 0 : i32
        %dma_start3A_1330 = tpu.memref_slice %arg6[%dma_start3A_1325, %dma_start3A_1329] : memref<25x64xi32, #tpu.memory_space<vmem>> -> memref<1x64xi32, #tpu.memory_space<vmem>>
        %dma_start3A_1331 = tpu.memref_squeeze %dma_start3A_1330 : memref<1x64xi32, #tpu.memory_space<vmem>> -> memref<64xi32, #tpu.memory_space<vmem>>
        %dma_start3A_1332 = arith.constant 0 : i32
        %dma_start3A_1333 = arith.constant 0 : i32
        %dma_start3A_1334 = tpu.memref_slice %arg3[%dma_start3A_1332, %dma_start3A_1333] : memref<1000000x32xf32, #tpu.memory_space<hbm>> -> memref<1000000x32xf32, #tpu.memory_space<hbm>>
        tpu.enqueue_indirect_dma source(%dma_start3A_1334 : memref<1000000x32xf32, #tpu.memory_space<hbm>>) target(%dma_start3A_1328 : memref<64x32xf32, #tpu.memory_space<vmem>>) offsets(%dma_start3A_1331 : memref<64xi32, #tpu.memory_space<vmem>>) semaphore(%arg13 : memref<!tpu.dma_semaphore, #tpu.memory_space<semaphore_mem>>)
        %dma_start3A_1335 = arith.constant 14 : i32
        %dma_start3A_1336 = arith.constant 896 : i32
        %dma_start3A_1337 = arith.constant 0 : i32
        %dma_start3A_1338 = tpu.memref_slice %arg8[%dma_start3A_1336, %dma_start3A_1337] : memref<1600x32xf32, #tpu.memory_space<vmem>> -> memref<64x32xf32, #tpu.memory_space<vmem>>
        %dma_start3A_1339 = arith.constant 0 : i32
        %dma_start3A_1340 = tpu.memref_slice %arg6[%dma_start3A_1335, %dma_start3A_1339] : memref<25x64xi32, #tpu.memory_space<vmem>> -> memref<1x64xi32, #tpu.memory_space<vmem>>
        %dma_start3A_1341 = tpu.memref_squeeze %dma_start3A_1340 : memref<1x64xi32, #tpu.memory_space<vmem>> -> memref<64xi32, #tpu.memory_space<vmem>>
        %dma_start3A_1342 = arith.constant 0 : i32
        %dma_start3A_1343 = arith.constant 0 : i32
        %dma_start3A_1344 = tpu.memref_slice %arg3[%dma_start3A_1342, %dma_start3A_1343] : memref<1000000x32xf32, #tpu.memory_space<hbm>> -> memref<1000000x32xf32, #tpu.memory_space<hbm>>
        tpu.enqueue_indirect_dma source(%dma_start3A_1344 : memref<1000000x32xf32, #tpu.memory_space<hbm>>) target(%dma_start3A_1338 : memref<64x32xf32, #tpu.memory_space<vmem>>) offsets(%dma_start3A_1341 : memref<64xi32, #tpu.memory_space<vmem>>) semaphore(%arg13 : memref<!tpu.dma_semaphore, #tpu.memory_space<semaphore_mem>>)
        %dma_start3A_1345 = arith.constant 15 : i32
        %dma_start3A_1346 = arith.constant 960 : i32
        %dma_start3A_1347 = arith.constant 0 : i32
        %dma_start3A_1348 = tpu.memref_slice %arg8[%dma_start3A_1346, %dma_start3A_1347] : memref<1600x32xf32, #tpu.memory_space<vmem>> -> memref<64x32xf32, #tpu.memory_space<vmem>>
        %dma_start3A_1349 = arith.constant 0 : i32
        %dma_start3A_1350 = tpu.memref_slice %arg6[%dma_start3A_1345, %dma_start3A_1349] : memref<25x64xi32, #tpu.memory_space<vmem>> -> memref<1x64xi32, #tpu.memory_space<vmem>>
        %dma_start3A_1351 = tpu.memref_squeeze %dma_start3A_1350 : memref<1x64xi32, #tpu.memory_space<vmem>> -> memref<64xi32, #tpu.memory_space<vmem>>
        %dma_start3A_1352 = arith.constant 0 : i32
        %dma_start3A_1353 = arith.constant 0 : i32
        %dma_start3A_1354 = tpu.memref_slice %arg3[%dma_start3A_1352, %dma_start3A_1353] : memref<1000000x32xf32, #tpu.memory_space<hbm>> -> memref<1000000x32xf32, #tpu.memory_space<hbm>>
        tpu.enqueue_indirect_dma source(%dma_start3A_1354 : memref<1000000x32xf32, #tpu.memory_space<hbm>>) target(%dma_start3A_1348 : memref<64x32xf32, #tpu.memory_space<vmem>>) offsets(%dma_start3A_1351 : memref<64xi32, #tpu.memory_space<vmem>>) semaphore(%arg13 : memref<!tpu.dma_semaphore, #tpu.memory_space<semaphore_mem>>)
        %dma_start3A_1355 = arith.constant 16 : i32
        %dma_start3A_1356 = arith.constant 1024 : i32
        %dma_start3A_1357 = arith.constant 0 : i32
        %dma_start3A_1358 = tpu.memref_slice %arg8[%dma_start3A_1356, %dma_start3A_1357] : memref<1600x32xf32, #tpu.memory_space<vmem>> -> memref<64x32xf32, #tpu.memory_space<vmem>>
        %dma_start3A_1359 = arith.constant 0 : i32
        %dma_start3A_1360 = tpu.memref_slice %arg6[%dma_start3A_1355, %dma_start3A_1359] : memref<25x64xi32, #tpu.memory_space<vmem>> -> memref<1x64xi32, #tpu.memory_space<vmem>>
        %dma_start3A_1361 = tpu.memref_squeeze %dma_start3A_1360 : memref<1x64xi32, #tpu.memory_space<vmem>> -> memref<64xi32, #tpu.memory_space<vmem>>
        %dma_start3A_1362 = arith.constant 0 : i32
        %dma_start3A_1363 = arith.constant 0 : i32
        %dma_start3A_1364 = tpu.memref_slice %arg3[%dma_start3A_1362, %dma_start3A_1363] : memref<1000000x32xf32, #tpu.memory_space<hbm>> -> memref<1000000x32xf32, #tpu.memory_space<hbm>>
        tpu.enqueue_indirect_dma source(%dma_start3A_1364 : memref<1000000x32xf32, #tpu.memory_space<hbm>>) target(%dma_start3A_1358 : memref<64x32xf32, #tpu.memory_space<vmem>>) offsets(%dma_start3A_1361 : memref<64xi32, #tpu.memory_space<vmem>>) semaphore(%arg13 : memref<!tpu.dma_semaphore, #tpu.memory_space<semaphore_mem>>)
        %dma_start3A_1365 = arith.constant 17 : i32
        %dma_start3A_1366 = arith.constant 1088 : i32
        %dma_start3A_1367 = arith.constant 0 : i32
        %dma_start3A_1368 = tpu.memref_slice %arg8[%dma_start3A_1366, %dma_start3A_1367] : memref<1600x32xf32, #tpu.memory_space<vmem>> -> memref<64x32xf32, #tpu.memory_space<vmem>>
        %dma_start3A_1369 = arith.constant 0 : i32
        %dma_start3A_1370 = tpu.memref_slice %arg6[%dma_start3A_1365, %dma_start3A_1369] : memref<25x64xi32, #tpu.memory_space<vmem>> -> memref<1x64xi32, #tpu.memory_space<vmem>>
        %dma_start3A_1371 = tpu.memref_squeeze %dma_start3A_1370 : memref<1x64xi32, #tpu.memory_space<vmem>> -> memref<64xi32, #tpu.memory_space<vmem>>
        %dma_start3A_1372 = arith.constant 0 : i32
        %dma_start3A_1373 = arith.constant 0 : i32
        %dma_start3A_1374 = tpu.memref_slice %arg3[%dma_start3A_1372, %dma_start3A_1373] : memref<1000000x32xf32, #tpu.memory_space<hbm>> -> memref<1000000x32xf32, #tpu.memory_space<hbm>>
        tpu.enqueue_indirect_dma source(%dma_start3A_1374 : memref<1000000x32xf32, #tpu.memory_space<hbm>>) target(%dma_start3A_1368 : memref<64x32xf32, #tpu.memory_space<vmem>>) offsets(%dma_start3A_1371 : memref<64xi32, #tpu.memory_space<vmem>>) semaphore(%arg13 : memref<!tpu.dma_semaphore, #tpu.memory_space<semaphore_mem>>)
        %dma_start3A_1375 = arith.constant 18 : i32
        %dma_start3A_1376 = arith.constant 1152 : i32
        %dma_start3A_1377 = arith.constant 0 : i32
        %dma_start3A_1378 = tpu.memref_slice %arg8[%dma_start3A_1376, %dma_start3A_1377] : memref<1600x32xf32, #tpu.memory_space<vmem>> -> memref<64x32xf32, #tpu.memory_space<vmem>>
        %dma_start3A_1379 = arith.constant 0 : i32
        %dma_start3A_1380 = tpu.memref_slice %arg6[%dma_start3A_1375, %dma_start3A_1379] : memref<25x64xi32, #tpu.memory_space<vmem>> -> memref<1x64xi32, #tpu.memory_space<vmem>>
        %dma_start3A_1381 = tpu.memref_squeeze %dma_start3A_1380 : memref<1x64xi32, #tpu.memory_space<vmem>> -> memref<64xi32, #tpu.memory_space<vmem>>
        %dma_start3A_1382 = arith.constant 0 : i32
        %dma_start3A_1383 = arith.constant 0 : i32
        %dma_start3A_1384 = tpu.memref_slice %arg3[%dma_start3A_1382, %dma_start3A_1383] : memref<1000000x32xf32, #tpu.memory_space<hbm>> -> memref<1000000x32xf32, #tpu.memory_space<hbm>>
        tpu.enqueue_indirect_dma source(%dma_start3A_1384 : memref<1000000x32xf32, #tpu.memory_space<hbm>>) target(%dma_start3A_1378 : memref<64x32xf32, #tpu.memory_space<vmem>>) offsets(%dma_start3A_1381 : memref<64xi32, #tpu.memory_space<vmem>>) semaphore(%arg13 : memref<!tpu.dma_semaphore, #tpu.memory_space<semaphore_mem>>)
        %dma_start3A_1385 = arith.constant 19 : i32
        %dma_start3A_1386 = arith.constant 1216 : i32
        %dma_start3A_1387 = arith.constant 0 : i32
        %dma_start3A_1388 = tpu.memref_slice %arg8[%dma_start3A_1386, %dma_start3A_1387] : memref<1600x32xf32, #tpu.memory_space<vmem>> -> memref<64x32xf32, #tpu.memory_space<vmem>>
        %dma_start3A_1389 = arith.constant 0 : i32
        %dma_start3A_1390 = tpu.memref_slice %arg6[%dma_start3A_1385, %dma_start3A_1389] : memref<25x64xi32, #tpu.memory_space<vmem>> -> memref<1x64xi32, #tpu.memory_space<vmem>>
        %dma_start3A_1391 = tpu.memref_squeeze %dma_start3A_1390 : memref<1x64xi32, #tpu.memory_space<vmem>> -> memref<64xi32, #tpu.memory_space<vmem>>
        %dma_start3A_1392 = arith.constant 0 : i32
        %dma_start3A_1393 = arith.constant 0 : i32
        %dma_start3A_1394 = tpu.memref_slice %arg3[%dma_start3A_1392, %dma_start3A_1393] : memref<1000000x32xf32, #tpu.memory_space<hbm>> -> memref<1000000x32xf32, #tpu.memory_space<hbm>>
        tpu.enqueue_indirect_dma source(%dma_start3A_1394 : memref<1000000x32xf32, #tpu.memory_space<hbm>>) target(%dma_start3A_1388 : memref<64x32xf32, #tpu.memory_space<vmem>>) offsets(%dma_start3A_1391 : memref<64xi32, #tpu.memory_space<vmem>>) semaphore(%arg13 : memref<!tpu.dma_semaphore, #tpu.memory_space<semaphore_mem>>)
        %dma_start3A_1395 = arith.constant 20 : i32
        %dma_start3A_1396 = arith.constant 1280 : i32
        %dma_start3A_1397 = arith.constant 0 : i32
        %dma_start3A_1398 = tpu.memref_slice %arg8[%dma_start3A_1396, %dma_start3A_1397] : memref<1600x32xf32, #tpu.memory_space<vmem>> -> memref<64x32xf32, #tpu.memory_space<vmem>>
        %dma_start3A_1399 = arith.constant 0 : i32
        %dma_start3A_1400 = tpu.memref_slice %arg6[%dma_start3A_1395, %dma_start3A_1399] : memref<25x64xi32, #tpu.memory_space<vmem>> -> memref<1x64xi32, #tpu.memory_space<vmem>>
        %dma_start3A_1401 = tpu.memref_squeeze %dma_start3A_1400 : memref<1x64xi32, #tpu.memory_space<vmem>> -> memref<64xi32, #tpu.memory_space<vmem>>
        %dma_start3A_1402 = arith.constant 0 : i32
        %dma_start3A_1403 = arith.constant 0 : i32
        %dma_start3A_1404 = tpu.memref_slice %arg3[%dma_start3A_1402, %dma_start3A_1403] : memref<1000000x32xf32, #tpu.memory_space<hbm>> -> memref<1000000x32xf32, #tpu.memory_space<hbm>>
        tpu.enqueue_indirect_dma source(%dma_start3A_1404 : memref<1000000x32xf32, #tpu.memory_space<hbm>>) target(%dma_start3A_1398 : memref<64x32xf32, #tpu.memory_space<vmem>>) offsets(%dma_start3A_1401 : memref<64xi32, #tpu.memory_space<vmem>>) semaphore(%arg13 : memref<!tpu.dma_semaphore, #tpu.memory_space<semaphore_mem>>)
        %dma_start3A_1405 = arith.constant 21 : i32
        %dma_start3A_1406 = arith.constant 1344 : i32
        %dma_start3A_1407 = arith.constant 0 : i32
        %dma_start3A_1408 = tpu.memref_slice %arg8[%dma_start3A_1406, %dma_start3A_1407] : memref<1600x32xf32, #tpu.memory_space<vmem>> -> memref<64x32xf32, #tpu.memory_space<vmem>>
        %dma_start3A_1409 = arith.constant 0 : i32
        %dma_start3A_1410 = tpu.memref_slice %arg6[%dma_start3A_1405, %dma_start3A_1409] : memref<25x64xi32, #tpu.memory_space<vmem>> -> memref<1x64xi32, #tpu.memory_space<vmem>>
        %dma_start3A_1411 = tpu.memref_squeeze %dma_start3A_1410 : memref<1x64xi32, #tpu.memory_space<vmem>> -> memref<64xi32, #tpu.memory_space<vmem>>
        %dma_start3A_1412 = arith.constant 0 : i32
        %dma_start3A_1413 = arith.constant 0 : i32
        %dma_start3A_1414 = tpu.memref_slice %arg3[%dma_start3A_1412, %dma_start3A_1413] : memref<1000000x32xf32, #tpu.memory_space<hbm>> -> memref<1000000x32xf32, #tpu.memory_space<hbm>>
        tpu.enqueue_indirect_dma source(%dma_start3A_1414 : memref<1000000x32xf32, #tpu.memory_space<hbm>>) target(%dma_start3A_1408 : memref<64x32xf32, #tpu.memory_space<vmem>>) offsets(%dma_start3A_1411 : memref<64xi32, #tpu.memory_space<vmem>>) semaphore(%arg13 : memref<!tpu.dma_semaphore, #tpu.memory_space<semaphore_mem>>)
        %dma_start3A_1415 = arith.constant 22 : i32
        %dma_start3A_1416 = arith.constant 1408 : i32
        %dma_start3A_1417 = arith.constant 0 : i32
        %dma_start3A_1418 = tpu.memref_slice %arg8[%dma_start3A_1416, %dma_start3A_1417] : memref<1600x32xf32, #tpu.memory_space<vmem>> -> memref<64x32xf32, #tpu.memory_space<vmem>>
        %dma_start3A_1419 = arith.constant 0 : i32
        %dma_start3A_1420 = tpu.memref_slice %arg6[%dma_start3A_1415, %dma_start3A_1419] : memref<25x64xi32, #tpu.memory_space<vmem>> -> memref<1x64xi32, #tpu.memory_space<vmem>>
        %dma_start3A_1421 = tpu.memref_squeeze %dma_start3A_1420 : memref<1x64xi32, #tpu.memory_space<vmem>> -> memref<64xi32, #tpu.memory_space<vmem>>
        %dma_start3A_1422 = arith.constant 0 : i32
        %dma_start3A_1423 = arith.constant 0 : i32
        %dma_start3A_1424 = tpu.memref_slice %arg3[%dma_start3A_1422, %dma_start3A_1423] : memref<1000000x32xf32, #tpu.memory_space<hbm>> -> memref<1000000x32xf32, #tpu.memory_space<hbm>>
        tpu.enqueue_indirect_dma source(%dma_start3A_1424 : memref<1000000x32xf32, #tpu.memory_space<hbm>>) target(%dma_start3A_1418 : memref<64x32xf32, #tpu.memory_space<vmem>>) offsets(%dma_start3A_1421 : memref<64xi32, #tpu.memory_space<vmem>>) semaphore(%arg13 : memref<!tpu.dma_semaphore, #tpu.memory_space<semaphore_mem>>)
        %dma_start3A_1425 = arith.constant 23 : i32
        %dma_start3A_1426 = arith.constant 1472 : i32
        %dma_start3A_1427 = arith.constant 0 : i32
        %dma_start3A_1428 = tpu.memref_slice %arg8[%dma_start3A_1426, %dma_start3A_1427] : memref<1600x32xf32, #tpu.memory_space<vmem>> -> memref<64x32xf32, #tpu.memory_space<vmem>>
        %dma_start3A_1429 = arith.constant 0 : i32
        %dma_start3A_1430 = tpu.memref_slice %arg6[%dma_start3A_1425, %dma_start3A_1429] : memref<25x64xi32, #tpu.memory_space<vmem>> -> memref<1x64xi32, #tpu.memory_space<vmem>>
        %dma_start3A_1431 = tpu.memref_squeeze %dma_start3A_1430 : memref<1x64xi32, #tpu.memory_space<vmem>> -> memref<64xi32, #tpu.memory_space<vmem>>
        %dma_start3A_1432 = arith.constant 0 : i32
        %dma_start3A_1433 = arith.constant 0 : i32
        %dma_start3A_1434 = tpu.memref_slice %arg3[%dma_start3A_1432, %dma_start3A_1433] : memref<1000000x32xf32, #tpu.memory_space<hbm>> -> memref<1000000x32xf32, #tpu.memory_space<hbm>>
        tpu.enqueue_indirect_dma source(%dma_start3A_1434 : memref<1000000x32xf32, #tpu.memory_space<hbm>>) target(%dma_start3A_1428 : memref<64x32xf32, #tpu.memory_space<vmem>>) offsets(%dma_start3A_1431 : memref<64xi32, #tpu.memory_space<vmem>>) semaphore(%arg13 : memref<!tpu.dma_semaphore, #tpu.memory_space<semaphore_mem>>)
        %dma_start3A_1435 = arith.constant 24 : i32
        %dma_start3A_1436 = arith.constant 1536 : i32
        %dma_start3A_1437 = arith.constant 0 : i32
        %dma_start3A_1438 = tpu.memref_slice %arg8[%dma_start3A_1436, %dma_start3A_1437] : memref<1600x32xf32, #tpu.memory_space<vmem>> -> memref<64x32xf32, #tpu.memory_space<vmem>>
        %dma_start3A_1439 = arith.constant 0 : i32
        %dma_start3A_1440 = tpu.memref_slice %arg6[%dma_start3A_1435, %dma_start3A_1439] : memref<25x64xi32, #tpu.memory_space<vmem>> -> memref<1x64xi32, #tpu.memory_space<vmem>>
        %dma_start3A_1441 = tpu.memref_squeeze %dma_start3A_1440 : memref<1x64xi32, #tpu.memory_space<vmem>> -> memref<64xi32, #tpu.memory_space<vmem>>
        %dma_start3A_1442 = arith.constant 0 : i32
        %dma_start3A_1443 = arith.constant 0 : i32
        %dma_start3A_1444 = tpu.memref_slice %arg3[%dma_start3A_1442, %dma_start3A_1443] : memref<1000000x32xf32, #tpu.memory_space<hbm>> -> memref<1000000x32xf32, #tpu.memory_space<hbm>>
        tpu.enqueue_indirect_dma source(%dma_start3A_1444 : memref<1000000x32xf32, #tpu.memory_space<hbm>>) target(%dma_start3A_1438 : memref<64x32xf32, #tpu.memory_space<vmem>>) offsets(%dma_start3A_1441 : memref<64xi32, #tpu.memory_space<vmem>>) semaphore(%arg13 : memref<!tpu.dma_semaphore, #tpu.memory_space<semaphore_mem>>)
      } else {
      }
      %dma_wait3A_925 = arith.constant 0 : i32
      %dma_wait3A_926 = arith.constant 0 : i32
      %dma_wait3A_927 = arith.constant 0 : i32
      %dma_wait3A_928 = tpu.memref_slice %arg9[%dma_wait3A_926, %dma_wait3A_927] : memref<1600x32xf32, #tpu.memory_space<vmem>> -> memref<64x32xf32, #tpu.memory_space<vmem>>
      %dma_wait3A_929 = arith.constant 0 : i32
      %dma_wait3A_930 = tpu.memref_slice %arg6[%dma_wait3A_925, %dma_wait3A_929] : memref<25x64xi32, #tpu.memory_space<vmem>> -> memref<1x64xi32, #tpu.memory_space<vmem>>
      %dma_wait3A_931 = tpu.memref_squeeze %dma_wait3A_930 : memref<1x64xi32, #tpu.memory_space<vmem>> -> memref<64xi32, #tpu.memory_space<vmem>>
      %dma_wait3A_932 = arith.constant 0 : i32
      %dma_wait3A_933 = arith.constant 0 : i32
      %dma_wait3A_934 = tpu.memref_slice %arg3[%dma_wait3A_932, %dma_wait3A_933] : memref<1000000x32xf32, #tpu.memory_space<hbm>> -> memref<1000000x32xf32, #tpu.memory_space<hbm>>
      tpu.wait_indirect_dma semaphore(%arg14 : memref<!tpu.dma_semaphore, #tpu.memory_space<semaphore_mem>>) src(%dma_wait3A_934 : memref<1000000x32xf32, #tpu.memory_space<hbm>>) dst(%dma_wait3A_928 : memref<64x32xf32, #tpu.memory_space<vmem>>)
      %dma_wait3A_935 = arith.constant 0 : i32
      %dma_wait3A_936 = arith.constant 64 : i32
      %dma_wait3A_937 = arith.constant 0 : i32
      %dma_wait3A_938 = tpu.memref_slice %arg9[%dma_wait3A_936, %dma_wait3A_937] : memref<1600x32xf32, #tpu.memory_space<vmem>> -> memref<64x32xf32, #tpu.memory_space<vmem>>
      %dma_wait3A_939 = arith.constant 0 : i32
      %dma_wait3A_940 = tpu.memref_slice %arg6[%dma_wait3A_935, %dma_wait3A_939] : memref<25x64xi32, #tpu.memory_space<vmem>> -> memref<1x64xi32, #tpu.memory_space<vmem>>
      %dma_wait3A_941 = tpu.memref_squeeze %dma_wait3A_940 : memref<1x64xi32, #tpu.memory_space<vmem>> -> memref<64xi32, #tpu.memory_space<vmem>>
      %dma_wait3A_942 = arith.constant 0 : i32
      %dma_wait3A_943 = arith.constant 0 : i32
      %dma_wait3A_944 = tpu.memref_slice %arg3[%dma_wait3A_942, %dma_wait3A_943] : memref<1000000x32xf32, #tpu.memory_space<hbm>> -> memref<1000000x32xf32, #tpu.memory_space<hbm>>
      tpu.wait_indirect_dma semaphore(%arg14 : memref<!tpu.dma_semaphore, #tpu.memory_space<semaphore_mem>>) src(%dma_wait3A_944 : memref<1000000x32xf32, #tpu.memory_space<hbm>>) dst(%dma_wait3A_938 : memref<64x32xf32, #tpu.memory_space<vmem>>)
      %dma_wait3A_945 = arith.constant 0 : i32
      %dma_wait3A_946 = arith.constant 128 : i32
      %dma_wait3A_947 = arith.constant 0 : i32
      %dma_wait3A_948 = tpu.memref_slice %arg9[%dma_wait3A_946, %dma_wait3A_947] : memref<1600x32xf32, #tpu.memory_space<vmem>> -> memref<64x32xf32, #tpu.memory_space<vmem>>
      %dma_wait3A_949 = arith.constant 0 : i32
      %dma_wait3A_950 = tpu.memref_slice %arg6[%dma_wait3A_945, %dma_wait3A_949] : memref<25x64xi32, #tpu.memory_space<vmem>> -> memref<1x64xi32, #tpu.memory_space<vmem>>
      %dma_wait3A_951 = tpu.memref_squeeze %dma_wait3A_950 : memref<1x64xi32, #tpu.memory_space<vmem>> -> memref<64xi32, #tpu.memory_space<vmem>>
      %dma_wait3A_952 = arith.constant 0 : i32
      %dma_wait3A_953 = arith.constant 0 : i32
      %dma_wait3A_954 = tpu.memref_slice %arg3[%dma_wait3A_952, %dma_wait3A_953] : memref<1000000x32xf32, #tpu.memory_space<hbm>> -> memref<1000000x32xf32, #tpu.memory_space<hbm>>
      tpu.wait_indirect_dma semaphore(%arg14 : memref<!tpu.dma_semaphore, #tpu.memory_space<semaphore_mem>>) src(%dma_wait3A_954 : memref<1000000x32xf32, #tpu.memory_space<hbm>>) dst(%dma_wait3A_948 : memref<64x32xf32, #tpu.memory_space<vmem>>)
      %dma_wait3A_955 = arith.constant 0 : i32
      %dma_wait3A_956 = arith.constant 192 : i32
      %dma_wait3A_957 = arith.constant 0 : i32
      %dma_wait3A_958 = tpu.memref_slice %arg9[%dma_wait3A_956, %dma_wait3A_957] : memref<1600x32xf32, #tpu.memory_space<vmem>> -> memref<64x32xf32, #tpu.memory_space<vmem>>
      %dma_wait3A_959 = arith.constant 0 : i32
      %dma_wait3A_960 = tpu.memref_slice %arg6[%dma_wait3A_955, %dma_wait3A_959] : memref<25x64xi32, #tpu.memory_space<vmem>> -> memref<1x64xi32, #tpu.memory_space<vmem>>
      %dma_wait3A_961 = tpu.memref_squeeze %dma_wait3A_960 : memref<1x64xi32, #tpu.memory_space<vmem>> -> memref<64xi32, #tpu.memory_space<vmem>>
      %dma_wait3A_962 = arith.constant 0 : i32
      %dma_wait3A_963 = arith.constant 0 : i32
      %dma_wait3A_964 = tpu.memref_slice %arg3[%dma_wait3A_962, %dma_wait3A_963] : memref<1000000x32xf32, #tpu.memory_space<hbm>> -> memref<1000000x32xf32, #tpu.memory_space<hbm>>
      tpu.wait_indirect_dma semaphore(%arg14 : memref<!tpu.dma_semaphore, #tpu.memory_space<semaphore_mem>>) src(%dma_wait3A_964 : memref<1000000x32xf32, #tpu.memory_space<hbm>>) dst(%dma_wait3A_958 : memref<64x32xf32, #tpu.memory_space<vmem>>)
      %dma_wait3A_965 = arith.constant 0 : i32
      %dma_wait3A_966 = arith.constant 256 : i32
      %dma_wait3A_967 = arith.constant 0 : i32
      %dma_wait3A_968 = tpu.memref_slice %arg9[%dma_wait3A_966, %dma_wait3A_967] : memref<1600x32xf32, #tpu.memory_space<vmem>> -> memref<64x32xf32, #tpu.memory_space<vmem>>
      %dma_wait3A_969 = arith.constant 0 : i32
      %dma_wait3A_970 = tpu.memref_slice %arg6[%dma_wait3A_965, %dma_wait3A_969] : memref<25x64xi32, #tpu.memory_space<vmem>> -> memref<1x64xi32, #tpu.memory_space<vmem>>
      %dma_wait3A_971 = tpu.memref_squeeze %dma_wait3A_970 : memref<1x64xi32, #tpu.memory_space<vmem>> -> memref<64xi32, #tpu.memory_space<vmem>>
      %dma_wait3A_972 = arith.constant 0 : i32
      %dma_wait3A_973 = arith.constant 0 : i32
      %dma_wait3A_974 = tpu.memref_slice %arg3[%dma_wait3A_972, %dma_wait3A_973] : memref<1000000x32xf32, #tpu.memory_space<hbm>> -> memref<1000000x32xf32, #tpu.memory_space<hbm>>
      tpu.wait_indirect_dma semaphore(%arg14 : memref<!tpu.dma_semaphore, #tpu.memory_space<semaphore_mem>>) src(%dma_wait3A_974 : memref<1000000x32xf32, #tpu.memory_space<hbm>>) dst(%dma_wait3A_968 : memref<64x32xf32, #tpu.memory_space<vmem>>)
      %dma_wait3A_975 = arith.constant 0 : i32
      %dma_wait3A_976 = arith.constant 320 : i32
      %dma_wait3A_977 = arith.constant 0 : i32
      %dma_wait3A_978 = tpu.memref_slice %arg9[%dma_wait3A_976, %dma_wait3A_977] : memref<1600x32xf32, #tpu.memory_space<vmem>> -> memref<64x32xf32, #tpu.memory_space<vmem>>
      %dma_wait3A_979 = arith.constant 0 : i32
      %dma_wait3A_980 = tpu.memref_slice %arg6[%dma_wait3A_975, %dma_wait3A_979] : memref<25x64xi32, #tpu.memory_space<vmem>> -> memref<1x64xi32, #tpu.memory_space<vmem>>
      %dma_wait3A_981 = tpu.memref_squeeze %dma_wait3A_980 : memref<1x64xi32, #tpu.memory_space<vmem>> -> memref<64xi32, #tpu.memory_space<vmem>>
      %dma_wait3A_982 = arith.constant 0 : i32
      %dma_wait3A_983 = arith.constant 0 : i32
      %dma_wait3A_984 = tpu.memref_slice %arg3[%dma_wait3A_982, %dma_wait3A_983] : memref<1000000x32xf32, #tpu.memory_space<hbm>> -> memref<1000000x32xf32, #tpu.memory_space<hbm>>
      tpu.wait_indirect_dma semaphore(%arg14 : memref<!tpu.dma_semaphore, #tpu.memory_space<semaphore_mem>>) src(%dma_wait3A_984 : memref<1000000x32xf32, #tpu.memory_space<hbm>>) dst(%dma_wait3A_978 : memref<64x32xf32, #tpu.memory_space<vmem>>)
      %dma_wait3A_985 = arith.constant 0 : i32
      %dma_wait3A_986 = arith.constant 384 : i32
      %dma_wait3A_987 = arith.constant 0 : i32
      %dma_wait3A_988 = tpu.memref_slice %arg9[%dma_wait3A_986, %dma_wait3A_987] : memref<1600x32xf32, #tpu.memory_space<vmem>> -> memref<64x32xf32, #tpu.memory_space<vmem>>
      %dma_wait3A_989 = arith.constant 0 : i32
      %dma_wait3A_990 = tpu.memref_slice %arg6[%dma_wait3A_985, %dma_wait3A_989] : memref<25x64xi32, #tpu.memory_space<vmem>> -> memref<1x64xi32, #tpu.memory_space<vmem>>
      %dma_wait3A_991 = tpu.memref_squeeze %dma_wait3A_990 : memref<1x64xi32, #tpu.memory_space<vmem>> -> memref<64xi32, #tpu.memory_space<vmem>>
      %dma_wait3A_992 = arith.constant 0 : i32
      %dma_wait3A_993 = arith.constant 0 : i32
      %dma_wait3A_994 = tpu.memref_slice %arg3[%dma_wait3A_992, %dma_wait3A_993] : memref<1000000x32xf32, #tpu.memory_space<hbm>> -> memref<1000000x32xf32, #tpu.memory_space<hbm>>
      tpu.wait_indirect_dma semaphore(%arg14 : memref<!tpu.dma_semaphore, #tpu.memory_space<semaphore_mem>>) src(%dma_wait3A_994 : memref<1000000x32xf32, #tpu.memory_space<hbm>>) dst(%dma_wait3A_988 : memref<64x32xf32, #tpu.memory_space<vmem>>)
      %dma_wait3A_995 = arith.constant 0 : i32
      %dma_wait3A_996 = arith.constant 448 : i32
      %dma_wait3A_997 = arith.constant 0 : i32
      %dma_wait3A_998 = tpu.memref_slice %arg9[%dma_wait3A_996, %dma_wait3A_997] : memref<1600x32xf32, #tpu.memory_space<vmem>> -> memref<64x32xf32, #tpu.memory_space<vmem>>
      %dma_wait3A_999 = arith.constant 0 : i32
      %dma_wait3A_1000 = tpu.memref_slice %arg6[%dma_wait3A_995, %dma_wait3A_999] : memref<25x64xi32, #tpu.memory_space<vmem>> -> memref<1x64xi32, #tpu.memory_space<vmem>>
      %dma_wait3A_1001 = tpu.memref_squeeze %dma_wait3A_1000 : memref<1x64xi32, #tpu.memory_space<vmem>> -> memref<64xi32, #tpu.memory_space<vmem>>
      %dma_wait3A_1002 = arith.constant 0 : i32
      %dma_wait3A_1003 = arith.constant 0 : i32
      %dma_wait3A_1004 = tpu.memref_slice %arg3[%dma_wait3A_1002, %dma_wait3A_1003] : memref<1000000x32xf32, #tpu.memory_space<hbm>> -> memref<1000000x32xf32, #tpu.memory_space<hbm>>
      tpu.wait_indirect_dma semaphore(%arg14 : memref<!tpu.dma_semaphore, #tpu.memory_space<semaphore_mem>>) src(%dma_wait3A_1004 : memref<1000000x32xf32, #tpu.memory_space<hbm>>) dst(%dma_wait3A_998 : memref<64x32xf32, #tpu.memory_space<vmem>>)
      %dma_wait3A_1005 = arith.constant 0 : i32
      %dma_wait3A_1006 = arith.constant 512 : i32
      %dma_wait3A_1007 = arith.constant 0 : i32
      %dma_wait3A_1008 = tpu.memref_slice %arg9[%dma_wait3A_1006, %dma_wait3A_1007] : memref<1600x32xf32, #tpu.memory_space<vmem>> -> memref<64x32xf32, #tpu.memory_space<vmem>>
      %dma_wait3A_1009 = arith.constant 0 : i32
      %dma_wait3A_1010 = tpu.memref_slice %arg6[%dma_wait3A_1005, %dma_wait3A_1009] : memref<25x64xi32, #tpu.memory_space<vmem>> -> memref<1x64xi32, #tpu.memory_space<vmem>>
      %dma_wait3A_1011 = tpu.memref_squeeze %dma_wait3A_1010 : memref<1x64xi32, #tpu.memory_space<vmem>> -> memref<64xi32, #tpu.memory_space<vmem>>
      %dma_wait3A_1012 = arith.constant 0 : i32
      %dma_wait3A_1013 = arith.constant 0 : i32
      %dma_wait3A_1014 = tpu.memref_slice %arg3[%dma_wait3A_1012, %dma_wait3A_1013] : memref<1000000x32xf32, #tpu.memory_space<hbm>> -> memref<1000000x32xf32, #tpu.memory_space<hbm>>
      tpu.wait_indirect_dma semaphore(%arg14 : memref<!tpu.dma_semaphore, #tpu.memory_space<semaphore_mem>>) src(%dma_wait3A_1014 : memref<1000000x32xf32, #tpu.memory_space<hbm>>) dst(%dma_wait3A_1008 : memref<64x32xf32, #tpu.memory_space<vmem>>)
      %dma_wait3A_1015 = arith.constant 0 : i32
      %dma_wait3A_1016 = arith.constant 576 : i32
      %dma_wait3A_1017 = arith.constant 0 : i32
      %dma_wait3A_1018 = tpu.memref_slice %arg9[%dma_wait3A_1016, %dma_wait3A_1017] : memref<1600x32xf32, #tpu.memory_space<vmem>> -> memref<64x32xf32, #tpu.memory_space<vmem>>
      %dma_wait3A_1019 = arith.constant 0 : i32
      %dma_wait3A_1020 = tpu.memref_slice %arg6[%dma_wait3A_1015, %dma_wait3A_1019] : memref<25x64xi32, #tpu.memory_space<vmem>> -> memref<1x64xi32, #tpu.memory_space<vmem>>
      %dma_wait3A_1021 = tpu.memref_squeeze %dma_wait3A_1020 : memref<1x64xi32, #tpu.memory_space<vmem>> -> memref<64xi32, #tpu.memory_space<vmem>>
      %dma_wait3A_1022 = arith.constant 0 : i32
      %dma_wait3A_1023 = arith.constant 0 : i32
      %dma_wait3A_1024 = tpu.memref_slice %arg3[%dma_wait3A_1022, %dma_wait3A_1023] : memref<1000000x32xf32, #tpu.memory_space<hbm>> -> memref<1000000x32xf32, #tpu.memory_space<hbm>>
      tpu.wait_indirect_dma semaphore(%arg14 : memref<!tpu.dma_semaphore, #tpu.memory_space<semaphore_mem>>) src(%dma_wait3A_1024 : memref<1000000x32xf32, #tpu.memory_space<hbm>>) dst(%dma_wait3A_1018 : memref<64x32xf32, #tpu.memory_space<vmem>>)
      %dma_wait3A_1025 = arith.constant 0 : i32
      %dma_wait3A_1026 = arith.constant 640 : i32
      %dma_wait3A_1027 = arith.constant 0 : i32
      %dma_wait3A_1028 = tpu.memref_slice %arg9[%dma_wait3A_1026, %dma_wait3A_1027] : memref<1600x32xf32, #tpu.memory_space<vmem>> -> memref<64x32xf32, #tpu.memory_space<vmem>>
      %dma_wait3A_1029 = arith.constant 0 : i32
      %dma_wait3A_1030 = tpu.memref_slice %arg6[%dma_wait3A_1025, %dma_wait3A_1029] : memref<25x64xi32, #tpu.memory_space<vmem>> -> memref<1x64xi32, #tpu.memory_space<vmem>>
      %dma_wait3A_1031 = tpu.memref_squeeze %dma_wait3A_1030 : memref<1x64xi32, #tpu.memory_space<vmem>> -> memref<64xi32, #tpu.memory_space<vmem>>
      %dma_wait3A_1032 = arith.constant 0 : i32
      %dma_wait3A_1033 = arith.constant 0 : i32
      %dma_wait3A_1034 = tpu.memref_slice %arg3[%dma_wait3A_1032, %dma_wait3A_1033] : memref<1000000x32xf32, #tpu.memory_space<hbm>> -> memref<1000000x32xf32, #tpu.memory_space<hbm>>
      tpu.wait_indirect_dma semaphore(%arg14 : memref<!tpu.dma_semaphore, #tpu.memory_space<semaphore_mem>>) src(%dma_wait3A_1034 : memref<1000000x32xf32, #tpu.memory_space<hbm>>) dst(%dma_wait3A_1028 : memref<64x32xf32, #tpu.memory_space<vmem>>)
      %dma_wait3A_1035 = arith.constant 0 : i32
      %dma_wait3A_1036 = arith.constant 704 : i32
      %dma_wait3A_1037 = arith.constant 0 : i32
      %dma_wait3A_1038 = tpu.memref_slice %arg9[%dma_wait3A_1036, %dma_wait3A_1037] : memref<1600x32xf32, #tpu.memory_space<vmem>> -> memref<64x32xf32, #tpu.memory_space<vmem>>
      %dma_wait3A_1039 = arith.constant 0 : i32
      %dma_wait3A_1040 = tpu.memref_slice %arg6[%dma_wait3A_1035, %dma_wait3A_1039] : memref<25x64xi32, #tpu.memory_space<vmem>> -> memref<1x64xi32, #tpu.memory_space<vmem>>
      %dma_wait3A_1041 = tpu.memref_squeeze %dma_wait3A_1040 : memref<1x64xi32, #tpu.memory_space<vmem>> -> memref<64xi32, #tpu.memory_space<vmem>>
      %dma_wait3A_1042 = arith.constant 0 : i32
      %dma_wait3A_1043 = arith.constant 0 : i32
      %dma_wait3A_1044 = tpu.memref_slice %arg3[%dma_wait3A_1042, %dma_wait3A_1043] : memref<1000000x32xf32, #tpu.memory_space<hbm>> -> memref<1000000x32xf32, #tpu.memory_space<hbm>>
      tpu.wait_indirect_dma semaphore(%arg14 : memref<!tpu.dma_semaphore, #tpu.memory_space<semaphore_mem>>) src(%dma_wait3A_1044 : memref<1000000x32xf32, #tpu.memory_space<hbm>>) dst(%dma_wait3A_1038 : memref<64x32xf32, #tpu.memory_space<vmem>>)
      %dma_wait3A_1045 = arith.constant 0 : i32
      %dma_wait3A_1046 = arith.constant 768 : i32
      %dma_wait3A_1047 = arith.constant 0 : i32
      %dma_wait3A_1048 = tpu.memref_slice %arg9[%dma_wait3A_1046, %dma_wait3A_1047] : memref<1600x32xf32, #tpu.memory_space<vmem>> -> memref<64x32xf32, #tpu.memory_space<vmem>>
      %dma_wait3A_1049 = arith.constant 0 : i32
      %dma_wait3A_1050 = tpu.memref_slice %arg6[%dma_wait3A_1045, %dma_wait3A_1049] : memref<25x64xi32, #tpu.memory_space<vmem>> -> memref<1x64xi32, #tpu.memory_space<vmem>>
      %dma_wait3A_1051 = tpu.memref_squeeze %dma_wait3A_1050 : memref<1x64xi32, #tpu.memory_space<vmem>> -> memref<64xi32, #tpu.memory_space<vmem>>
      %dma_wait3A_1052 = arith.constant 0 : i32
      %dma_wait3A_1053 = arith.constant 0 : i32
      %dma_wait3A_1054 = tpu.memref_slice %arg3[%dma_wait3A_1052, %dma_wait3A_1053] : memref<1000000x32xf32, #tpu.memory_space<hbm>> -> memref<1000000x32xf32, #tpu.memory_space<hbm>>
      tpu.wait_indirect_dma semaphore(%arg14 : memref<!tpu.dma_semaphore, #tpu.memory_space<semaphore_mem>>) src(%dma_wait3A_1054 : memref<1000000x32xf32, #tpu.memory_space<hbm>>) dst(%dma_wait3A_1048 : memref<64x32xf32, #tpu.memory_space<vmem>>)
      %dma_wait3A_1055 = arith.constant 0 : i32
      %dma_wait3A_1056 = arith.constant 832 : i32
      %dma_wait3A_1057 = arith.constant 0 : i32
      %dma_wait3A_1058 = tpu.memref_slice %arg9[%dma_wait3A_1056, %dma_wait3A_1057] : memref<1600x32xf32, #tpu.memory_space<vmem>> -> memref<64x32xf32, #tpu.memory_space<vmem>>
      %dma_wait3A_1059 = arith.constant 0 : i32
      %dma_wait3A_1060 = tpu.memref_slice %arg6[%dma_wait3A_1055, %dma_wait3A_1059] : memref<25x64xi32, #tpu.memory_space<vmem>> -> memref<1x64xi32, #tpu.memory_space<vmem>>
      %dma_wait3A_1061 = tpu.memref_squeeze %dma_wait3A_1060 : memref<1x64xi32, #tpu.memory_space<vmem>> -> memref<64xi32, #tpu.memory_space<vmem>>
      %dma_wait3A_1062 = arith.constant 0 : i32
      %dma_wait3A_1063 = arith.constant 0 : i32
      %dma_wait3A_1064 = tpu.memref_slice %arg3[%dma_wait3A_1062, %dma_wait3A_1063] : memref<1000000x32xf32, #tpu.memory_space<hbm>> -> memref<1000000x32xf32, #tpu.memory_space<hbm>>
      tpu.wait_indirect_dma semaphore(%arg14 : memref<!tpu.dma_semaphore, #tpu.memory_space<semaphore_mem>>) src(%dma_wait3A_1064 : memref<1000000x32xf32, #tpu.memory_space<hbm>>) dst(%dma_wait3A_1058 : memref<64x32xf32, #tpu.memory_space<vmem>>)
      %dma_wait3A_1065 = arith.constant 0 : i32
      %dma_wait3A_1066 = arith.constant 896 : i32
      %dma_wait3A_1067 = arith.constant 0 : i32
      %dma_wait3A_1068 = tpu.memref_slice %arg9[%dma_wait3A_1066, %dma_wait3A_1067] : memref<1600x32xf32, #tpu.memory_space<vmem>> -> memref<64x32xf32, #tpu.memory_space<vmem>>
      %dma_wait3A_1069 = arith.constant 0 : i32
      %dma_wait3A_1070 = tpu.memref_slice %arg6[%dma_wait3A_1065, %dma_wait3A_1069] : memref<25x64xi32, #tpu.memory_space<vmem>> -> memref<1x64xi32, #tpu.memory_space<vmem>>
      %dma_wait3A_1071 = tpu.memref_squeeze %dma_wait3A_1070 : memref<1x64xi32, #tpu.memory_space<vmem>> -> memref<64xi32, #tpu.memory_space<vmem>>
      %dma_wait3A_1072 = arith.constant 0 : i32
      %dma_wait3A_1073 = arith.constant 0 : i32
      %dma_wait3A_1074 = tpu.memref_slice %arg3[%dma_wait3A_1072, %dma_wait3A_1073] : memref<1000000x32xf32, #tpu.memory_space<hbm>> -> memref<1000000x32xf32, #tpu.memory_space<hbm>>
      tpu.wait_indirect_dma semaphore(%arg14 : memref<!tpu.dma_semaphore, #tpu.memory_space<semaphore_mem>>) src(%dma_wait3A_1074 : memref<1000000x32xf32, #tpu.memory_space<hbm>>) dst(%dma_wait3A_1068 : memref<64x32xf32, #tpu.memory_space<vmem>>)
      %dma_wait3A_1075 = arith.constant 0 : i32
      %dma_wait3A_1076 = arith.constant 960 : i32
      %dma_wait3A_1077 = arith.constant 0 : i32
      %dma_wait3A_1078 = tpu.memref_slice %arg9[%dma_wait3A_1076, %dma_wait3A_1077] : memref<1600x32xf32, #tpu.memory_space<vmem>> -> memref<64x32xf32, #tpu.memory_space<vmem>>
      %dma_wait3A_1079 = arith.constant 0 : i32
      %dma_wait3A_1080 = tpu.memref_slice %arg6[%dma_wait3A_1075, %dma_wait3A_1079] : memref<25x64xi32, #tpu.memory_space<vmem>> -> memref<1x64xi32, #tpu.memory_space<vmem>>
      %dma_wait3A_1081 = tpu.memref_squeeze %dma_wait3A_1080 : memref<1x64xi32, #tpu.memory_space<vmem>> -> memref<64xi32, #tpu.memory_space<vmem>>
      %dma_wait3A_1082 = arith.constant 0 : i32
      %dma_wait3A_1083 = arith.constant 0 : i32
      %dma_wait3A_1084 = tpu.memref_slice %arg3[%dma_wait3A_1082, %dma_wait3A_1083] : memref<1000000x32xf32, #tpu.memory_space<hbm>> -> memref<1000000x32xf32, #tpu.memory_space<hbm>>
      tpu.wait_indirect_dma semaphore(%arg14 : memref<!tpu.dma_semaphore, #tpu.memory_space<semaphore_mem>>) src(%dma_wait3A_1084 : memref<1000000x32xf32, #tpu.memory_space<hbm>>) dst(%dma_wait3A_1078 : memref<64x32xf32, #tpu.memory_space<vmem>>)
      %dma_wait3A_1085 = arith.constant 0 : i32
      %dma_wait3A_1086 = arith.constant 1024 : i32
      %dma_wait3A_1087 = arith.constant 0 : i32
      %dma_wait3A_1088 = tpu.memref_slice %arg9[%dma_wait3A_1086, %dma_wait3A_1087] : memref<1600x32xf32, #tpu.memory_space<vmem>> -> memref<64x32xf32, #tpu.memory_space<vmem>>
      %dma_wait3A_1089 = arith.constant 0 : i32
      %dma_wait3A_1090 = tpu.memref_slice %arg6[%dma_wait3A_1085, %dma_wait3A_1089] : memref<25x64xi32, #tpu.memory_space<vmem>> -> memref<1x64xi32, #tpu.memory_space<vmem>>
      %dma_wait3A_1091 = tpu.memref_squeeze %dma_wait3A_1090 : memref<1x64xi32, #tpu.memory_space<vmem>> -> memref<64xi32, #tpu.memory_space<vmem>>
      %dma_wait3A_1092 = arith.constant 0 : i32
      %dma_wait3A_1093 = arith.constant 0 : i32
      %dma_wait3A_1094 = tpu.memref_slice %arg3[%dma_wait3A_1092, %dma_wait3A_1093] : memref<1000000x32xf32, #tpu.memory_space<hbm>> -> memref<1000000x32xf32, #tpu.memory_space<hbm>>
      tpu.wait_indirect_dma semaphore(%arg14 : memref<!tpu.dma_semaphore, #tpu.memory_space<semaphore_mem>>) src(%dma_wait3A_1094 : memref<1000000x32xf32, #tpu.memory_space<hbm>>) dst(%dma_wait3A_1088 : memref<64x32xf32, #tpu.memory_space<vmem>>)
      %dma_wait3A_1095 = arith.constant 0 : i32
      %dma_wait3A_1096 = arith.constant 1088 : i32
      %dma_wait3A_1097 = arith.constant 0 : i32
      %dma_wait3A_1098 = tpu.memref_slice %arg9[%dma_wait3A_1096, %dma_wait3A_1097] : memref<1600x32xf32, #tpu.memory_space<vmem>> -> memref<64x32xf32, #tpu.memory_space<vmem>>
      %dma_wait3A_1099 = arith.constant 0 : i32
      %dma_wait3A_1100 = tpu.memref_slice %arg6[%dma_wait3A_1095, %dma_wait3A_1099] : memref<25x64xi32, #tpu.memory_space<vmem>> -> memref<1x64xi32, #tpu.memory_space<vmem>>
      %dma_wait3A_1101 = tpu.memref_squeeze %dma_wait3A_1100 : memref<1x64xi32, #tpu.memory_space<vmem>> -> memref<64xi32, #tpu.memory_space<vmem>>
      %dma_wait3A_1102 = arith.constant 0 : i32
      %dma_wait3A_1103 = arith.constant 0 : i32
      %dma_wait3A_1104 = tpu.memref_slice %arg3[%dma_wait3A_1102, %dma_wait3A_1103] : memref<1000000x32xf32, #tpu.memory_space<hbm>> -> memref<1000000x32xf32, #tpu.memory_space<hbm>>
      tpu.wait_indirect_dma semaphore(%arg14 : memref<!tpu.dma_semaphore, #tpu.memory_space<semaphore_mem>>) src(%dma_wait3A_1104 : memref<1000000x32xf32, #tpu.memory_space<hbm>>) dst(%dma_wait3A_1098 : memref<64x32xf32, #tpu.memory_space<vmem>>)
      %dma_wait3A_1105 = arith.constant 0 : i32
      %dma_wait3A_1106 = arith.constant 1152 : i32
      %dma_wait3A_1107 = arith.constant 0 : i32
      %dma_wait3A_1108 = tpu.memref_slice %arg9[%dma_wait3A_1106, %dma_wait3A_1107] : memref<1600x32xf32, #tpu.memory_space<vmem>> -> memref<64x32xf32, #tpu.memory_space<vmem>>
      %dma_wait3A_1109 = arith.constant 0 : i32
      %dma_wait3A_1110 = tpu.memref_slice %arg6[%dma_wait3A_1105, %dma_wait3A_1109] : memref<25x64xi32, #tpu.memory_space<vmem>> -> memref<1x64xi32, #tpu.memory_space<vmem>>
      %dma_wait3A_1111 = tpu.memref_squeeze %dma_wait3A_1110 : memref<1x64xi32, #tpu.memory_space<vmem>> -> memref<64xi32, #tpu.memory_space<vmem>>
      %dma_wait3A_1112 = arith.constant 0 : i32
      %dma_wait3A_1113 = arith.constant 0 : i32
      %dma_wait3A_1114 = tpu.memref_slice %arg3[%dma_wait3A_1112, %dma_wait3A_1113] : memref<1000000x32xf32, #tpu.memory_space<hbm>> -> memref<1000000x32xf32, #tpu.memory_space<hbm>>
      tpu.wait_indirect_dma semaphore(%arg14 : memref<!tpu.dma_semaphore, #tpu.memory_space<semaphore_mem>>) src(%dma_wait3A_1114 : memref<1000000x32xf32, #tpu.memory_space<hbm>>) dst(%dma_wait3A_1108 : memref<64x32xf32, #tpu.memory_space<vmem>>)
      %dma_wait3A_1115 = arith.constant 0 : i32
      %dma_wait3A_1116 = arith.constant 1216 : i32
      %dma_wait3A_1117 = arith.constant 0 : i32
      %dma_wait3A_1118 = tpu.memref_slice %arg9[%dma_wait3A_1116, %dma_wait3A_1117] : memref<1600x32xf32, #tpu.memory_space<vmem>> -> memref<64x32xf32, #tpu.memory_space<vmem>>
      %dma_wait3A_1119 = arith.constant 0 : i32
      %dma_wait3A_1120 = tpu.memref_slice %arg6[%dma_wait3A_1115, %dma_wait3A_1119] : memref<25x64xi32, #tpu.memory_space<vmem>> -> memref<1x64xi32, #tpu.memory_space<vmem>>
      %dma_wait3A_1121 = tpu.memref_squeeze %dma_wait3A_1120 : memref<1x64xi32, #tpu.memory_space<vmem>> -> memref<64xi32, #tpu.memory_space<vmem>>
      %dma_wait3A_1122 = arith.constant 0 : i32
      %dma_wait3A_1123 = arith.constant 0 : i32
      %dma_wait3A_1124 = tpu.memref_slice %arg3[%dma_wait3A_1122, %dma_wait3A_1123] : memref<1000000x32xf32, #tpu.memory_space<hbm>> -> memref<1000000x32xf32, #tpu.memory_space<hbm>>
      tpu.wait_indirect_dma semaphore(%arg14 : memref<!tpu.dma_semaphore, #tpu.memory_space<semaphore_mem>>) src(%dma_wait3A_1124 : memref<1000000x32xf32, #tpu.memory_space<hbm>>) dst(%dma_wait3A_1118 : memref<64x32xf32, #tpu.memory_space<vmem>>)
      %dma_wait3A_1125 = arith.constant 0 : i32
      %dma_wait3A_1126 = arith.constant 1280 : i32
      %dma_wait3A_1127 = arith.constant 0 : i32
      %dma_wait3A_1128 = tpu.memref_slice %arg9[%dma_wait3A_1126, %dma_wait3A_1127] : memref<1600x32xf32, #tpu.memory_space<vmem>> -> memref<64x32xf32, #tpu.memory_space<vmem>>
      %dma_wait3A_1129 = arith.constant 0 : i32
      %dma_wait3A_1130 = tpu.memref_slice %arg6[%dma_wait3A_1125, %dma_wait3A_1129] : memref<25x64xi32, #tpu.memory_space<vmem>> -> memref<1x64xi32, #tpu.memory_space<vmem>>
      %dma_wait3A_1131 = tpu.memref_squeeze %dma_wait3A_1130 : memref<1x64xi32, #tpu.memory_space<vmem>> -> memref<64xi32, #tpu.memory_space<vmem>>
      %dma_wait3A_1132 = arith.constant 0 : i32
      %dma_wait3A_1133 = arith.constant 0 : i32
      %dma_wait3A_1134 = tpu.memref_slice %arg3[%dma_wait3A_1132, %dma_wait3A_1133] : memref<1000000x32xf32, #tpu.memory_space<hbm>> -> memref<1000000x32xf32, #tpu.memory_space<hbm>>
      tpu.wait_indirect_dma semaphore(%arg14 : memref<!tpu.dma_semaphore, #tpu.memory_space<semaphore_mem>>) src(%dma_wait3A_1134 : memref<1000000x32xf32, #tpu.memory_space<hbm>>) dst(%dma_wait3A_1128 : memref<64x32xf32, #tpu.memory_space<vmem>>)
      %dma_wait3A_1135 = arith.constant 0 : i32
      %dma_wait3A_1136 = arith.constant 1344 : i32
      %dma_wait3A_1137 = arith.constant 0 : i32
      %dma_wait3A_1138 = tpu.memref_slice %arg9[%dma_wait3A_1136, %dma_wait3A_1137] : memref<1600x32xf32, #tpu.memory_space<vmem>> -> memref<64x32xf32, #tpu.memory_space<vmem>>
      %dma_wait3A_1139 = arith.constant 0 : i32
      %dma_wait3A_1140 = tpu.memref_slice %arg6[%dma_wait3A_1135, %dma_wait3A_1139] : memref<25x64xi32, #tpu.memory_space<vmem>> -> memref<1x64xi32, #tpu.memory_space<vmem>>
      %dma_wait3A_1141 = tpu.memref_squeeze %dma_wait3A_1140 : memref<1x64xi32, #tpu.memory_space<vmem>> -> memref<64xi32, #tpu.memory_space<vmem>>
      %dma_wait3A_1142 = arith.constant 0 : i32
      %dma_wait3A_1143 = arith.constant 0 : i32
      %dma_wait3A_1144 = tpu.memref_slice %arg3[%dma_wait3A_1142, %dma_wait3A_1143] : memref<1000000x32xf32, #tpu.memory_space<hbm>> -> memref<1000000x32xf32, #tpu.memory_space<hbm>>
      tpu.wait_indirect_dma semaphore(%arg14 : memref<!tpu.dma_semaphore, #tpu.memory_space<semaphore_mem>>) src(%dma_wait3A_1144 : memref<1000000x32xf32, #tpu.memory_space<hbm>>) dst(%dma_wait3A_1138 : memref<64x32xf32, #tpu.memory_space<vmem>>)
      %dma_wait3A_1145 = arith.constant 0 : i32
      %dma_wait3A_1146 = arith.constant 1408 : i32
      %dma_wait3A_1147 = arith.constant 0 : i32
      %dma_wait3A_1148 = tpu.memref_slice %arg9[%dma_wait3A_1146, %dma_wait3A_1147] : memref<1600x32xf32, #tpu.memory_space<vmem>> -> memref<64x32xf32, #tpu.memory_space<vmem>>
      %dma_wait3A_1149 = arith.constant 0 : i32
      %dma_wait3A_1150 = tpu.memref_slice %arg6[%dma_wait3A_1145, %dma_wait3A_1149] : memref<25x64xi32, #tpu.memory_space<vmem>> -> memref<1x64xi32, #tpu.memory_space<vmem>>
      %dma_wait3A_1151 = tpu.memref_squeeze %dma_wait3A_1150 : memref<1x64xi32, #tpu.memory_space<vmem>> -> memref<64xi32, #tpu.memory_space<vmem>>
      %dma_wait3A_1152 = arith.constant 0 : i32
      %dma_wait3A_1153 = arith.constant 0 : i32
      %dma_wait3A_1154 = tpu.memref_slice %arg3[%dma_wait3A_1152, %dma_wait3A_1153] : memref<1000000x32xf32, #tpu.memory_space<hbm>> -> memref<1000000x32xf32, #tpu.memory_space<hbm>>
      tpu.wait_indirect_dma semaphore(%arg14 : memref<!tpu.dma_semaphore, #tpu.memory_space<semaphore_mem>>) src(%dma_wait3A_1154 : memref<1000000x32xf32, #tpu.memory_space<hbm>>) dst(%dma_wait3A_1148 : memref<64x32xf32, #tpu.memory_space<vmem>>)
      %dma_wait3A_1155 = arith.constant 0 : i32
      %dma_wait3A_1156 = arith.constant 1472 : i32
      %dma_wait3A_1157 = arith.constant 0 : i32
      %dma_wait3A_1158 = tpu.memref_slice %arg9[%dma_wait3A_1156, %dma_wait3A_1157] : memref<1600x32xf32, #tpu.memory_space<vmem>> -> memref<64x32xf32, #tpu.memory_space<vmem>>
      %dma_wait3A_1159 = arith.constant 0 : i32
      %dma_wait3A_1160 = tpu.memref_slice %arg6[%dma_wait3A_1155, %dma_wait3A_1159] : memref<25x64xi32, #tpu.memory_space<vmem>> -> memref<1x64xi32, #tpu.memory_space<vmem>>
      %dma_wait3A_1161 = tpu.memref_squeeze %dma_wait3A_1160 : memref<1x64xi32, #tpu.memory_space<vmem>> -> memref<64xi32, #tpu.memory_space<vmem>>
      %dma_wait3A_1162 = arith.constant 0 : i32
      %dma_wait3A_1163 = arith.constant 0 : i32
      %dma_wait3A_1164 = tpu.memref_slice %arg3[%dma_wait3A_1162, %dma_wait3A_1163] : memref<1000000x32xf32, #tpu.memory_space<hbm>> -> memref<1000000x32xf32, #tpu.memory_space<hbm>>
      tpu.wait_indirect_dma semaphore(%arg14 : memref<!tpu.dma_semaphore, #tpu.memory_space<semaphore_mem>>) src(%dma_wait3A_1164 : memref<1000000x32xf32, #tpu.memory_space<hbm>>) dst(%dma_wait3A_1158 : memref<64x32xf32, #tpu.memory_space<vmem>>)
      %dma_wait3A_1165 = arith.constant 0 : i32
      %dma_wait3A_1166 = arith.constant 1536 : i32
      %dma_wait3A_1167 = arith.constant 0 : i32
      %dma_wait3A_1168 = tpu.memref_slice %arg9[%dma_wait3A_1166, %dma_wait3A_1167] : memref<1600x32xf32, #tpu.memory_space<vmem>> -> memref<64x32xf32, #tpu.memory_space<vmem>>
      %dma_wait3A_1169 = arith.constant 0 : i32
      %dma_wait3A_1170 = tpu.memref_slice %arg6[%dma_wait3A_1165, %dma_wait3A_1169] : memref<25x64xi32, #tpu.memory_space<vmem>> -> memref<1x64xi32, #tpu.memory_space<vmem>>
      %dma_wait3A_1171 = tpu.memref_squeeze %dma_wait3A_1170 : memref<1x64xi32, #tpu.memory_space<vmem>> -> memref<64xi32, #tpu.memory_space<vmem>>
      %dma_wait3A_1172 = arith.constant 0 : i32
      %dma_wait3A_1173 = arith.constant 0 : i32
      %dma_wait3A_1174 = tpu.memref_slice %arg3[%dma_wait3A_1172, %dma_wait3A_1173] : memref<1000000x32xf32, #tpu.memory_space<hbm>> -> memref<1000000x32xf32, #tpu.memory_space<hbm>>
      tpu.wait_indirect_dma semaphore(%arg14 : memref<!tpu.dma_semaphore, #tpu.memory_space<semaphore_mem>>) src(%dma_wait3A_1174 : memref<1000000x32xf32, #tpu.memory_space<hbm>>) dst(%dma_wait3A_1168 : memref<64x32xf32, #tpu.memory_space<vmem>>)
      %add3A_1175 = arith.constant 1 : i32
      %add3A_1176 = arith.addi %mul3A_665, %add3A_1175 : i32
      %scan3A_1177 = arith.constant 0 : i32
      %scan3A_1178 = arith.constant 0 : i32
      %scan3A_1179 = arith.constant 32 : i32
      %scan3A_1180 = arith.addi %scan3A_1178, %scan3A_1179 : i32
      %scan3A_1181 = arith.constant 1 : i32
      scf.for %scan3A_1190 = %scan3A_1178 to %scan3A_1180 step %scan3A_1181  : i32 {
        %mul3A_1191 = arith.constant 50 : i32
        %mul3A_1192 = arith.muli %scan3A_1190, %mul3A_1191 : i32
        %get3A_1193 = arith.index_cast %mul3A_1192 : i32 to index
        %get3A_1194 = arith.constant 0 : index
        %get3A_1195 = tpu.vector_load %arg9[%get3A_1193, %get3A_1194] {strides = array<i32>} : memref<1600x32xf32, #tpu.memory_space<vmem>>, vector<16xf32>,
        %get3A_1196 = arith.index_cast %mul3A_1192 : i32 to index
        %get3A_1197 = arith.constant 16 : index
        %get3A_1198 = tpu.vector_load %arg9[%get3A_1196, %get3A_1197] {strides = array<i32>} : memref<1600x32xf32, #tpu.memory_space<vmem>>, vector<16xf32>,
        %add3A_1199 = arith.constant 1 : i32
        %add3A_1200 = arith.addi %mul3A_1192, %add3A_1199 : i32
        %get3A_1201 = arith.index_cast %add3A_1200 : i32 to index
        %get3A_1202 = arith.constant 0 : index
        %get3A_1203 = tpu.vector_load %arg9[%get3A_1201, %get3A_1202] {strides = array<i32>} : memref<1600x32xf32, #tpu.memory_space<vmem>>, vector<16xf32>,
        %add3A_1204 = arith.addf %get3A_1195, %get3A_1203 : vector<16xf32>
        %add3A_1205 = arith.constant 1 : i32
        %add3A_1206 = arith.addi %mul3A_1192, %add3A_1205 : i32
        %get3A_1207 = arith.index_cast %add3A_1206 : i32 to index
        %get3A_1208 = arith.constant 16 : index
        %get3A_1209 = tpu.vector_load %arg9[%get3A_1207, %get3A_1208] {strides = array<i32>} : memref<1600x32xf32, #tpu.memory_space<vmem>>, vector<16xf32>,
        %add3A_1210 = arith.addf %get3A_1198, %get3A_1209 : vector<16xf32>
        %add3A_1211 = arith.constant 2 : i32
        %add3A_1212 = arith.addi %mul3A_1192, %add3A_1211 : i32
        %get3A_1213 = arith.index_cast %add3A_1212 : i32 to index
        %get3A_1214 = arith.constant 0 : index
        %get3A_1215 = tpu.vector_load %arg9[%get3A_1213, %get3A_1214] {strides = array<i32>} : memref<1600x32xf32, #tpu.memory_space<vmem>>, vector<16xf32>,
        %add3A_1216 = arith.addf %add3A_1204, %get3A_1215 : vector<16xf32>
        %add3A_1217 = arith.constant 2 : i32
        %add3A_1218 = arith.addi %mul3A_1192, %add3A_1217 : i32
        %get3A_1219 = arith.index_cast %add3A_1218 : i32 to index
        %get3A_1220 = arith.constant 16 : index
        %get3A_1221 = tpu.vector_load %arg9[%get3A_1219, %get3A_1220] {strides = array<i32>} : memref<1600x32xf32, #tpu.memory_space<vmem>>, vector<16xf32>,
        %add3A_1222 = arith.addf %add3A_1210, %get3A_1221 : vector<16xf32>
        %add3A_1223 = arith.constant 3 : i32
        %add3A_1224 = arith.addi %mul3A_1192, %add3A_1223 : i32
        %get3A_1225 = arith.index_cast %add3A_1224 : i32 to index
        %get3A_1226 = arith.constant 0 : index
        %get3A_1227 = tpu.vector_load %arg9[%get3A_1225, %get3A_1226] {strides = array<i32>} : memref<1600x32xf32, #tpu.memory_space<vmem>>, vector<16xf32>,
        %add3A_1228 = arith.addf %add3A_1216, %get3A_1227 : vector<16xf32>
        %add3A_1229 = arith.constant 3 : i32
        %add3A_1230 = arith.addi %mul3A_1192, %add3A_1229 : i32
        %get3A_1231 = arith.index_cast %add3A_1230 : i32 to index
        %get3A_1232 = arith.constant 16 : index
        %get3A_1233 = tpu.vector_load %arg9[%get3A_1231, %get3A_1232] {strides = array<i32>} : memref<1600x32xf32, #tpu.memory_space<vmem>>, vector<16xf32>,
        %add3A_1234 = arith.addf %add3A_1222, %get3A_1233 : vector<16xf32>
        %add3A_1235 = arith.constant 4 : i32
        %add3A_1236 = arith.addi %mul3A_1192, %add3A_1235 : i32
        %get3A_1237 = arith.index_cast %add3A_1236 : i32 to index
        %get3A_1238 = arith.constant 0 : index
        %get3A_1239 = tpu.vector_load %arg9[%get3A_1237, %get3A_1238] {strides = array<i32>} : memref<1600x32xf32, #tpu.memory_space<vmem>>, vector<16xf32>,
        %add3A_1240 = arith.addf %add3A_1228, %get3A_1239 : vector<16xf32>
        %add3A_1241 = arith.constant 4 : i32
        %add3A_1242 = arith.addi %mul3A_1192, %add3A_1241 : i32
        %get3A_1243 = arith.index_cast %add3A_1242 : i32 to index
        %get3A_1244 = arith.constant 16 : index
        %get3A_1245 = tpu.vector_load %arg9[%get3A_1243, %get3A_1244] {strides = array<i32>} : memref<1600x32xf32, #tpu.memory_space<vmem>>, vector<16xf32>,
        %add3A_1246 = arith.addf %add3A_1234, %get3A_1245 : vector<16xf32>
        %add3A_1247 = arith.constant 5 : i32
        %add3A_1248 = arith.addi %mul3A_1192, %add3A_1247 : i32
        %get3A_1249 = arith.index_cast %add3A_1248 : i32 to index
        %get3A_1250 = arith.constant 0 : index
        %get3A_1251 = tpu.vector_load %arg9[%get3A_1249, %get3A_1250] {strides = array<i32>} : memref<1600x32xf32, #tpu.memory_space<vmem>>, vector<16xf32>,
        %add3A_1252 = arith.addf %add3A_1240, %get3A_1251 : vector<16xf32>
        %add3A_1253 = arith.constant 5 : i32
        %add3A_1254 = arith.addi %mul3A_1192, %add3A_1253 : i32
        %get3A_1255 = arith.index_cast %add3A_1254 : i32 to index
        %get3A_1256 = arith.constant 16 : index
        %get3A_1257 = tpu.vector_load %arg9[%get3A_1255, %get3A_1256] {strides = array<i32>} : memref<1600x32xf32, #tpu.memory_space<vmem>>, vector<16xf32>,
        %add3A_1258 = arith.addf %add3A_1246, %get3A_1257 : vector<16xf32>
        %add3A_1259 = arith.constant 6 : i32
        %add3A_1260 = arith.addi %mul3A_1192, %add3A_1259 : i32
        %get3A_1261 = arith.index_cast %add3A_1260 : i32 to index
        %get3A_1262 = arith.constant 0 : index
        %get3A_1263 = tpu.vector_load %arg9[%get3A_1261, %get3A_1262] {strides = array<i32>} : memref<1600x32xf32, #tpu.memory_space<vmem>>, vector<16xf32>,
        %add3A_1264 = arith.addf %add3A_1252, %get3A_1263 : vector<16xf32>
        %add3A_1265 = arith.constant 6 : i32
        %add3A_1266 = arith.addi %mul3A_1192, %add3A_1265 : i32
        %get3A_1267 = arith.index_cast %add3A_1266 : i32 to index
        %get3A_1268 = arith.constant 16 : index
        %get3A_1269 = tpu.vector_load %arg9[%get3A_1267, %get3A_1268] {strides = array<i32>} : memref<1600x32xf32, #tpu.memory_space<vmem>>, vector<16xf32>,
        %add3A_1270 = arith.addf %add3A_1258, %get3A_1269 : vector<16xf32>
        %add3A_1271 = arith.constant 7 : i32
        %add3A_1272 = arith.addi %mul3A_1192, %add3A_1271 : i32
        %get3A_1273 = arith.index_cast %add3A_1272 : i32 to index
        %get3A_1274 = arith.constant 0 : index
        %get3A_1275 = tpu.vector_load %arg9[%get3A_1273, %get3A_1274] {strides = array<i32>} : memref<1600x32xf32, #tpu.memory_space<vmem>>, vector<16xf32>,
        %add3A_1276 = arith.addf %add3A_1264, %get3A_1275 : vector<16xf32>
        %add3A_1277 = arith.constant 7 : i32
        %add3A_1278 = arith.addi %mul3A_1192, %add3A_1277 : i32
        %get3A_1279 = arith.index_cast %add3A_1278 : i32 to index
        %get3A_1280 = arith.constant 16 : index
        %get3A_1281 = tpu.vector_load %arg9[%get3A_1279, %get3A_1280] {strides = array<i32>} : memref<1600x32xf32, #tpu.memory_space<vmem>>, vector<16xf32>,
        %add3A_1282 = arith.addf %add3A_1270, %get3A_1281 : vector<16xf32>
        %add3A_1283 = arith.constant 8 : i32
        %add3A_1284 = arith.addi %mul3A_1192, %add3A_1283 : i32
        %get3A_1285 = arith.index_cast %add3A_1284 : i32 to index
        %get3A_1286 = arith.constant 0 : index
        %get3A_1287 = tpu.vector_load %arg9[%get3A_1285, %get3A_1286] {strides = array<i32>} : memref<1600x32xf32, #tpu.memory_space<vmem>>, vector<16xf32>,
        %add3A_1288 = arith.addf %add3A_1276, %get3A_1287 : vector<16xf32>
        %add3A_1289 = arith.constant 8 : i32
        %add3A_1290 = arith.addi %mul3A_1192, %add3A_1289 : i32
        %get3A_1291 = arith.index_cast %add3A_1290 : i32 to index
        %get3A_1292 = arith.constant 16 : index
        %get3A_1293 = tpu.vector_load %arg9[%get3A_1291, %get3A_1292] {strides = array<i32>} : memref<1600x32xf32, #tpu.memory_space<vmem>>, vector<16xf32>,
        %add3A_1294 = arith.addf %add3A_1282, %get3A_1293 : vector<16xf32>
        %add3A_1295 = arith.constant 9 : i32
        %add3A_1296 = arith.addi %mul3A_1192, %add3A_1295 : i32
        %get3A_1297 = arith.index_cast %add3A_1296 : i32 to index
        %get3A_1298 = arith.constant 0 : index
        %get3A_1299 = tpu.vector_load %arg9[%get3A_1297, %get3A_1298] {strides = array<i32>} : memref<1600x32xf32, #tpu.memory_space<vmem>>, vector<16xf32>,
        %add3A_1300 = arith.addf %add3A_1288, %get3A_1299 : vector<16xf32>
        %add3A_1301 = arith.constant 9 : i32
        %add3A_1302 = arith.addi %mul3A_1192, %add3A_1301 : i32
        %get3A_1303 = arith.index_cast %add3A_1302 : i32 to index
        %get3A_1304 = arith.constant 16 : index
        %get3A_1305 = tpu.vector_load %arg9[%get3A_1303, %get3A_1304] {strides = array<i32>} : memref<1600x32xf32, #tpu.memory_space<vmem>>, vector<16xf32>,
        %add3A_1306 = arith.addf %add3A_1294, %get3A_1305 : vector<16xf32>
        %add3A_1307 = arith.constant 10 : i32
        %add3A_1308 = arith.addi %mul3A_1192, %add3A_1307 : i32
        %get3A_1309 = arith.index_cast %add3A_1308 : i32 to index
        %get3A_1310 = arith.constant 0 : index
        %get3A_1311 = tpu.vector_load %arg9[%get3A_1309, %get3A_1310] {strides = array<i32>} : memref<1600x32xf32, #tpu.memory_space<vmem>>, vector<16xf32>,
        %add3A_1312 = arith.addf %add3A_1300, %get3A_1311 : vector<16xf32>
        %add3A_1313 = arith.constant 10 : i32
        %add3A_1314 = arith.addi %mul3A_1192, %add3A_1313 : i32
        %get3A_1315 = arith.index_cast %add3A_1314 : i32 to index
        %get3A_1316 = arith.constant 16 : index
        %get3A_1317 = tpu.vector_load %arg9[%get3A_1315, %get3A_1316] {strides = array<i32>} : memref<1600x32xf32, #tpu.memory_space<vmem>>, vector<16xf32>,
        %add3A_1318 = arith.addf %add3A_1306, %get3A_1317 : vector<16xf32>
        %add3A_1319 = arith.constant 11 : i32
        %add3A_1320 = arith.addi %mul3A_1192, %add3A_1319 : i32
        %get3A_1321 = arith.index_cast %add3A_1320 : i32 to index
        %get3A_1322 = arith.constant 0 : index
        %get3A_1323 = tpu.vector_load %arg9[%get3A_1321, %get3A_1322] {strides = array<i32>} : memref<1600x32xf32, #tpu.memory_space<vmem>>, vector<16xf32>,
        %add3A_1324 = arith.addf %add3A_1312, %get3A_1323 : vector<16xf32>
        %add3A_1325 = arith.constant 11 : i32
        %add3A_1326 = arith.addi %mul3A_1192, %add3A_1325 : i32
        %get3A_1327 = arith.index_cast %add3A_1326 : i32 to index
        %get3A_1328 = arith.constant 16 : index
        %get3A_1329 = tpu.vector_load %arg9[%get3A_1327, %get3A_1328] {strides = array<i32>} : memref<1600x32xf32, #tpu.memory_space<vmem>>, vector<16xf32>,
        %add3A_1330 = arith.addf %add3A_1318, %get3A_1329 : vector<16xf32>
        %add3A_1331 = arith.constant 12 : i32
        %add3A_1332 = arith.addi %mul3A_1192, %add3A_1331 : i32
        %get3A_1333 = arith.index_cast %add3A_1332 : i32 to index
        %get3A_1334 = arith.constant 0 : index
        %get3A_1335 = tpu.vector_load %arg9[%get3A_1333, %get3A_1334] {strides = array<i32>} : memref<1600x32xf32, #tpu.memory_space<vmem>>, vector<16xf32>,
        %add3A_1336 = arith.addf %add3A_1324, %get3A_1335 : vector<16xf32>
        %add3A_1337 = arith.constant 12 : i32
        %add3A_1338 = arith.addi %mul3A_1192, %add3A_1337 : i32
        %get3A_1339 = arith.index_cast %add3A_1338 : i32 to index
        %get3A_1340 = arith.constant 16 : index
        %get3A_1341 = tpu.vector_load %arg9[%get3A_1339, %get3A_1340] {strides = array<i32>} : memref<1600x32xf32, #tpu.memory_space<vmem>>, vector<16xf32>,
        %add3A_1342 = arith.addf %add3A_1330, %get3A_1341 : vector<16xf32>
        %add3A_1343 = arith.constant 13 : i32
        %add3A_1344 = arith.addi %mul3A_1192, %add3A_1343 : i32
        %get3A_1345 = arith.index_cast %add3A_1344 : i32 to index
        %get3A_1346 = arith.constant 0 : index
        %get3A_1347 = tpu.vector_load %arg9[%get3A_1345, %get3A_1346] {strides = array<i32>} : memref<1600x32xf32, #tpu.memory_space<vmem>>, vector<16xf32>,
        %add3A_1348 = arith.addf %add3A_1336, %get3A_1347 : vector<16xf32>
        %add3A_1349 = arith.constant 13 : i32
        %add3A_1350 = arith.addi %mul3A_1192, %add3A_1349 : i32
        %get3A_1351 = arith.index_cast %add3A_1350 : i32 to index
        %get3A_1352 = arith.constant 16 : index
        %get3A_1353 = tpu.vector_load %arg9[%get3A_1351, %get3A_1352] {strides = array<i32>} : memref<1600x32xf32, #tpu.memory_space<vmem>>, vector<16xf32>,
        %add3A_1354 = arith.addf %add3A_1342, %get3A_1353 : vector<16xf32>
        %add3A_1355 = arith.constant 14 : i32
        %add3A_1356 = arith.addi %mul3A_1192, %add3A_1355 : i32
        %get3A_1357 = arith.index_cast %add3A_1356 : i32 to index
        %get3A_1358 = arith.constant 0 : index
        %get3A_1359 = tpu.vector_load %arg9[%get3A_1357, %get3A_1358] {strides = array<i32>} : memref<1600x32xf32, #tpu.memory_space<vmem>>, vector<16xf32>,
        %add3A_1360 = arith.addf %add3A_1348, %get3A_1359 : vector<16xf32>
        %add3A_1361 = arith.constant 14 : i32
        %add3A_1362 = arith.addi %mul3A_1192, %add3A_1361 : i32
        %get3A_1363 = arith.index_cast %add3A_1362 : i32 to index
        %get3A_1364 = arith.constant 16 : index
        %get3A_1365 = tpu.vector_load %arg9[%get3A_1363, %get3A_1364] {strides = array<i32>} : memref<1600x32xf32, #tpu.memory_space<vmem>>, vector<16xf32>,
        %add3A_1366 = arith.addf %add3A_1354, %get3A_1365 : vector<16xf32>
        %add3A_1367 = arith.constant 15 : i32
        %add3A_1368 = arith.addi %mul3A_1192, %add3A_1367 : i32
        %get3A_1369 = arith.index_cast %add3A_1368 : i32 to index
        %get3A_1370 = arith.constant 0 : index
        %get3A_1371 = tpu.vector_load %arg9[%get3A_1369, %get3A_1370] {strides = array<i32>} : memref<1600x32xf32, #tpu.memory_space<vmem>>, vector<16xf32>,
        %add3A_1372 = arith.addf %add3A_1360, %get3A_1371 : vector<16xf32>
        %add3A_1373 = arith.constant 15 : i32
        %add3A_1374 = arith.addi %mul3A_1192, %add3A_1373 : i32
        %get3A_1375 = arith.index_cast %add3A_1374 : i32 to index
        %get3A_1376 = arith.constant 16 : index
        %get3A_1377 = tpu.vector_load %arg9[%get3A_1375, %get3A_1376] {strides = array<i32>} : memref<1600x32xf32, #tpu.memory_space<vmem>>, vector<16xf32>,
        %add3A_1378 = arith.addf %add3A_1366, %get3A_1377 : vector<16xf32>
        %add3A_1379 = arith.constant 16 : i32
        %add3A_1380 = arith.addi %mul3A_1192, %add3A_1379 : i32
        %get3A_1381 = arith.index_cast %add3A_1380 : i32 to index
        %get3A_1382 = arith.constant 0 : index
        %get3A_1383 = tpu.vector_load %arg9[%get3A_1381, %get3A_1382] {strides = array<i32>} : memref<1600x32xf32, #tpu.memory_space<vmem>>, vector<16xf32>,
        %add3A_1384 = arith.addf %add3A_1372, %get3A_1383 : vector<16xf32>
        %add3A_1385 = arith.constant 16 : i32
        %add3A_1386 = arith.addi %mul3A_1192, %add3A_1385 : i32
        %get3A_1387 = arith.index_cast %add3A_1386 : i32 to index
        %get3A_1388 = arith.constant 16 : index
        %get3A_1389 = tpu.vector_load %arg9[%get3A_1387, %get3A_1388] {strides = array<i32>} : memref<1600x32xf32, #tpu.memory_space<vmem>>, vector<16xf32>,
        %add3A_1390 = arith.addf %add3A_1378, %get3A_1389 : vector<16xf32>
        %add3A_1391 = arith.constant 17 : i32
        %add3A_1392 = arith.addi %mul3A_1192, %add3A_1391 : i32
        %get3A_1393 = arith.index_cast %add3A_1392 : i32 to index
        %get3A_1394 = arith.constant 0 : index
        %get3A_1395 = tpu.vector_load %arg9[%get3A_1393, %get3A_1394] {strides = array<i32>} : memref<1600x32xf32, #tpu.memory_space<vmem>>, vector<16xf32>,
        %add3A_1396 = arith.addf %add3A_1384, %get3A_1395 : vector<16xf32>
        %add3A_1397 = arith.constant 17 : i32
        %add3A_1398 = arith.addi %mul3A_1192, %add3A_1397 : i32
        %get3A_1399 = arith.index_cast %add3A_1398 : i32 to index
        %get3A_1400 = arith.constant 16 : index
        %get3A_1401 = tpu.vector_load %arg9[%get3A_1399, %get3A_1400] {strides = array<i32>} : memref<1600x32xf32, #tpu.memory_space<vmem>>, vector<16xf32>,
        %add3A_1402 = arith.addf %add3A_1390, %get3A_1401 : vector<16xf32>
        %add3A_1403 = arith.constant 18 : i32
        %add3A_1404 = arith.addi %mul3A_1192, %add3A_1403 : i32
        %get3A_1405 = arith.index_cast %add3A_1404 : i32 to index
        %get3A_1406 = arith.constant 0 : index
        %get3A_1407 = tpu.vector_load %arg9[%get3A_1405, %get3A_1406] {strides = array<i32>} : memref<1600x32xf32, #tpu.memory_space<vmem>>, vector<16xf32>,
        %add3A_1408 = arith.addf %add3A_1396, %get3A_1407 : vector<16xf32>
        %add3A_1409 = arith.constant 18 : i32
        %add3A_1410 = arith.addi %mul3A_1192, %add3A_1409 : i32
        %get3A_1411 = arith.index_cast %add3A_1410 : i32 to index
        %get3A_1412 = arith.constant 16 : index
        %get3A_1413 = tpu.vector_load %arg9[%get3A_1411, %get3A_1412] {strides = array<i32>} : memref<1600x32xf32, #tpu.memory_space<vmem>>, vector<16xf32>,
        %add3A_1414 = arith.addf %add3A_1402, %get3A_1413 : vector<16xf32>
        %add3A_1415 = arith.constant 19 : i32
        %add3A_1416 = arith.addi %mul3A_1192, %add3A_1415 : i32
        %get3A_1417 = arith.index_cast %add3A_1416 : i32 to index
        %get3A_1418 = arith.constant 0 : index
        %get3A_1419 = tpu.vector_load %arg9[%get3A_1417, %get3A_1418] {strides = array<i32>} : memref<1600x32xf32, #tpu.memory_space<vmem>>, vector<16xf32>,
        %add3A_1420 = arith.addf %add3A_1408, %get3A_1419 : vector<16xf32>
        %add3A_1421 = arith.constant 19 : i32
        %add3A_1422 = arith.addi %mul3A_1192, %add3A_1421 : i32
        %get3A_1423 = arith.index_cast %add3A_1422 : i32 to index
        %get3A_1424 = arith.constant 16 : index
        %get3A_1425 = tpu.vector_load %arg9[%get3A_1423, %get3A_1424] {strides = array<i32>} : memref<1600x32xf32, #tpu.memory_space<vmem>>, vector<16xf32>,
        %add3A_1426 = arith.addf %add3A_1414, %get3A_1425 : vector<16xf32>
        %add3A_1427 = arith.constant 20 : i32
        %add3A_1428 = arith.addi %mul3A_1192, %add3A_1427 : i32
        %get3A_1429 = arith.index_cast %add3A_1428 : i32 to index
        %get3A_1430 = arith.constant 0 : index
        %get3A_1431 = tpu.vector_load %arg9[%get3A_1429, %get3A_1430] {strides = array<i32>} : memref<1600x32xf32, #tpu.memory_space<vmem>>, vector<16xf32>,
        %add3A_1432 = arith.addf %add3A_1420, %get3A_1431 : vector<16xf32>
        %add3A_1433 = arith.constant 20 : i32
        %add3A_1434 = arith.addi %mul3A_1192, %add3A_1433 : i32
        %get3A_1435 = arith.index_cast %add3A_1434 : i32 to index
        %get3A_1436 = arith.constant 16 : index
        %get3A_1437 = tpu.vector_load %arg9[%get3A_1435, %get3A_1436] {strides = array<i32>} : memref<1600x32xf32, #tpu.memory_space<vmem>>, vector<16xf32>,
        %add3A_1438 = arith.addf %add3A_1426, %get3A_1437 : vector<16xf32>
        %add3A_1439 = arith.constant 21 : i32
        %add3A_1440 = arith.addi %mul3A_1192, %add3A_1439 : i32
        %get3A_1441 = arith.index_cast %add3A_1440 : i32 to index
        %get3A_1442 = arith.constant 0 : index
        %get3A_1443 = tpu.vector_load %arg9[%get3A_1441, %get3A_1442] {strides = array<i32>} : memref<1600x32xf32, #tpu.memory_space<vmem>>, vector<16xf32>,
        %add3A_1444 = arith.addf %add3A_1432, %get3A_1443 : vector<16xf32>
        %add3A_1445 = arith.constant 21 : i32
        %add3A_1446 = arith.addi %mul3A_1192, %add3A_1445 : i32
        %get3A_1447 = arith.index_cast %add3A_1446 : i32 to index
        %get3A_1448 = arith.constant 16 : index
        %get3A_1449 = tpu.vector_load %arg9[%get3A_1447, %get3A_1448] {strides = array<i32>} : memref<1600x32xf32, #tpu.memory_space<vmem>>, vector<16xf32>,
        %add3A_1450 = arith.addf %add3A_1438, %get3A_1449 : vector<16xf32>
        %add3A_1451 = arith.constant 22 : i32
        %add3A_1452 = arith.addi %mul3A_1192, %add3A_1451 : i32
        %get3A_1453 = arith.index_cast %add3A_1452 : i32 to index
        %get3A_1454 = arith.constant 0 : index
        %get3A_1455 = tpu.vector_load %arg9[%get3A_1453, %get3A_1454] {strides = array<i32>} : memref<1600x32xf32, #tpu.memory_space<vmem>>, vector<16xf32>,
        %add3A_1456 = arith.addf %add3A_1444, %get3A_1455 : vector<16xf32>
        %add3A_1457 = arith.constant 22 : i32
        %add3A_1458 = arith.addi %mul3A_1192, %add3A_1457 : i32
        %get3A_1459 = arith.index_cast %add3A_1458 : i32 to index
        %get3A_1460 = arith.constant 16 : index
        %get3A_1461 = tpu.vector_load %arg9[%get3A_1459, %get3A_1460] {strides = array<i32>} : memref<1600x32xf32, #tpu.memory_space<vmem>>, vector<16xf32>,
        %add3A_1462 = arith.addf %add3A_1450, %get3A_1461 : vector<16xf32>
        %add3A_1463 = arith.constant 23 : i32
        %add3A_1464 = arith.addi %mul3A_1192, %add3A_1463 : i32
        %get3A_1465 = arith.index_cast %add3A_1464 : i32 to index
        %get3A_1466 = arith.constant 0 : index
        %get3A_1467 = tpu.vector_load %arg9[%get3A_1465, %get3A_1466] {strides = array<i32>} : memref<1600x32xf32, #tpu.memory_space<vmem>>, vector<16xf32>,
        %add3A_1468 = arith.addf %add3A_1456, %get3A_1467 : vector<16xf32>
        %add3A_1469 = arith.constant 23 : i32
        %add3A_1470 = arith.addi %mul3A_1192, %add3A_1469 : i32
        %get3A_1471 = arith.index_cast %add3A_1470 : i32 to index
        %get3A_1472 = arith.constant 16 : index
        %get3A_1473 = tpu.vector_load %arg9[%get3A_1471, %get3A_1472] {strides = array<i32>} : memref<1600x32xf32, #tpu.memory_space<vmem>>, vector<16xf32>,
        %add3A_1474 = arith.addf %add3A_1462, %get3A_1473 : vector<16xf32>
        %add3A_1475 = arith.constant 24 : i32
        %add3A_1476 = arith.addi %mul3A_1192, %add3A_1475 : i32
        %get3A_1477 = arith.index_cast %add3A_1476 : i32 to index
        %get3A_1478 = arith.constant 0 : index
        %get3A_1479 = tpu.vector_load %arg9[%get3A_1477, %get3A_1478] {strides = array<i32>} : memref<1600x32xf32, #tpu.memory_space<vmem>>, vector<16xf32>,
        %add3A_1480 = arith.addf %add3A_1468, %get3A_1479 : vector<16xf32>
        %add3A_1481 = arith.constant 24 : i32
        %add3A_1482 = arith.addi %mul3A_1192, %add3A_1481 : i32
        %get3A_1483 = arith.index_cast %add3A_1482 : i32 to index
        %get3A_1484 = arith.constant 16 : index
        %get3A_1485 = tpu.vector_load %arg9[%get3A_1483, %get3A_1484] {strides = array<i32>} : memref<1600x32xf32, #tpu.memory_space<vmem>>, vector<16xf32>,
        %add3A_1486 = arith.addf %add3A_1474, %get3A_1485 : vector<16xf32>
        %add3A_1487 = arith.constant 25 : i32
        %add3A_1488 = arith.addi %mul3A_1192, %add3A_1487 : i32
        %get3A_1489 = arith.index_cast %add3A_1488 : i32 to index
        %get3A_1490 = arith.constant 0 : index
        %get3A_1491 = tpu.vector_load %arg9[%get3A_1489, %get3A_1490] {strides = array<i32>} : memref<1600x32xf32, #tpu.memory_space<vmem>>, vector<16xf32>,
        %add3A_1492 = arith.addf %add3A_1480, %get3A_1491 : vector<16xf32>
        %add3A_1493 = arith.constant 25 : i32
        %add3A_1494 = arith.addi %mul3A_1192, %add3A_1493 : i32
        %get3A_1495 = arith.index_cast %add3A_1494 : i32 to index
        %get3A_1496 = arith.constant 16 : index
        %get3A_1497 = tpu.vector_load %arg9[%get3A_1495, %get3A_1496] {strides = array<i32>} : memref<1600x32xf32, #tpu.memory_space<vmem>>, vector<16xf32>,
        %add3A_1498 = arith.addf %add3A_1486, %get3A_1497 : vector<16xf32>
        %add3A_1499 = arith.constant 26 : i32
        %add3A_1500 = arith.addi %mul3A_1192, %add3A_1499 : i32
        %get3A_1501 = arith.index_cast %add3A_1500 : i32 to index
        %get3A_1502 = arith.constant 0 : index
        %get3A_1503 = tpu.vector_load %arg9[%get3A_1501, %get3A_1502] {strides = array<i32>} : memref<1600x32xf32, #tpu.memory_space<vmem>>, vector<16xf32>,
        %add3A_1504 = arith.addf %add3A_1492, %get3A_1503 : vector<16xf32>
        %add3A_1505 = arith.constant 26 : i32
        %add3A_1506 = arith.addi %mul3A_1192, %add3A_1505 : i32
        %get3A_1507 = arith.index_cast %add3A_1506 : i32 to index
        %get3A_1508 = arith.constant 16 : index
        %get3A_1509 = tpu.vector_load %arg9[%get3A_1507, %get3A_1508] {strides = array<i32>} : memref<1600x32xf32, #tpu.memory_space<vmem>>, vector<16xf32>,
        %add3A_1510 = arith.addf %add3A_1498, %get3A_1509 : vector<16xf32>
        %add3A_1511 = arith.constant 27 : i32
        %add3A_1512 = arith.addi %mul3A_1192, %add3A_1511 : i32
        %get3A_1513 = arith.index_cast %add3A_1512 : i32 to index
        %get3A_1514 = arith.constant 0 : index
        %get3A_1515 = tpu.vector_load %arg9[%get3A_1513, %get3A_1514] {strides = array<i32>} : memref<1600x32xf32, #tpu.memory_space<vmem>>, vector<16xf32>,
        %add3A_1516 = arith.addf %add3A_1504, %get3A_1515 : vector<16xf32>
        %add3A_1517 = arith.constant 27 : i32
        %add3A_1518 = arith.addi %mul3A_1192, %add3A_1517 : i32
        %get3A_1519 = arith.index_cast %add3A_1518 : i32 to index
        %get3A_1520 = arith.constant 16 : index
        %get3A_1521 = tpu.vector_load %arg9[%get3A_1519, %get3A_1520] {strides = array<i32>} : memref<1600x32xf32, #tpu.memory_space<vmem>>, vector<16xf32>,
        %add3A_1522 = arith.addf %add3A_1510, %get3A_1521 : vector<16xf32>
        %add3A_1523 = arith.constant 28 : i32
        %add3A_1524 = arith.addi %mul3A_1192, %add3A_1523 : i32
        %get3A_1525 = arith.index_cast %add3A_1524 : i32 to index
        %get3A_1526 = arith.constant 0 : index
        %get3A_1527 = tpu.vector_load %arg9[%get3A_1525, %get3A_1526] {strides = array<i32>} : memref<1600x32xf32, #tpu.memory_space<vmem>>, vector<16xf32>,
        %add3A_1528 = arith.addf %add3A_1516, %get3A_1527 : vector<16xf32>
        %add3A_1529 = arith.constant 28 : i32
        %add3A_1530 = arith.addi %mul3A_1192, %add3A_1529 : i32
        %get3A_1531 = arith.index_cast %add3A_1530 : i32 to index
        %get3A_1532 = arith.constant 16 : index
        %get3A_1533 = tpu.vector_load %arg9[%get3A_1531, %get3A_1532] {strides = array<i32>} : memref<1600x32xf32, #tpu.memory_space<vmem>>, vector<16xf32>,
        %add3A_1534 = arith.addf %add3A_1522, %get3A_1533 : vector<16xf32>
        %add3A_1535 = arith.constant 29 : i32
        %add3A_1536 = arith.addi %mul3A_1192, %add3A_1535 : i32
        %get3A_1537 = arith.index_cast %add3A_1536 : i32 to index
        %get3A_1538 = arith.constant 0 : index
        %get3A_1539 = tpu.vector_load %arg9[%get3A_1537, %get3A_1538] {strides = array<i32>} : memref<1600x32xf32, #tpu.memory_space<vmem>>, vector<16xf32>,
        %add3A_1540 = arith.addf %add3A_1528, %get3A_1539 : vector<16xf32>
        %add3A_1541 = arith.constant 29 : i32
        %add3A_1542 = arith.addi %mul3A_1192, %add3A_1541 : i32
        %get3A_1543 = arith.index_cast %add3A_1542 : i32 to index
        %get3A_1544 = arith.constant 16 : index
        %get3A_1545 = tpu.vector_load %arg9[%get3A_1543, %get3A_1544] {strides = array<i32>} : memref<1600x32xf32, #tpu.memory_space<vmem>>, vector<16xf32>,
        %add3A_1546 = arith.addf %add3A_1534, %get3A_1545 : vector<16xf32>
        %add3A_1547 = arith.constant 30 : i32
        %add3A_1548 = arith.addi %mul3A_1192, %add3A_1547 : i32
        %get3A_1549 = arith.index_cast %add3A_1548 : i32 to index
        %get3A_1550 = arith.constant 0 : index
        %get3A_1551 = tpu.vector_load %arg9[%get3A_1549, %get3A_1550] {strides = array<i32>} : memref<1600x32xf32, #tpu.memory_space<vmem>>, vector<16xf32>,
        %add3A_1552 = arith.addf %add3A_1540, %get3A_1551 : vector<16xf32>
        %add3A_1553 = arith.constant 30 : i32
        %add3A_1554 = arith.addi %mul3A_1192, %add3A_1553 : i32
        %get3A_1555 = arith.index_cast %add3A_1554 : i32 to index
        %get3A_1556 = arith.constant 16 : index
        %get3A_1557 = tpu.vector_load %arg9[%get3A_1555, %get3A_1556] {strides = array<i32>} : memref<1600x32xf32, #tpu.memory_space<vmem>>, vector<16xf32>,
        %add3A_1558 = arith.addf %add3A_1546, %get3A_1557 : vector<16xf32>
        %add3A_1559 = arith.constant 31 : i32
        %add3A_1560 = arith.addi %mul3A_1192, %add3A_1559 : i32
        %get3A_1561 = arith.index_cast %add3A_1560 : i32 to index
        %get3A_1562 = arith.constant 0 : index
        %get3A_1563 = tpu.vector_load %arg9[%get3A_1561, %get3A_1562] {strides = array<i32>} : memref<1600x32xf32, #tpu.memory_space<vmem>>, vector<16xf32>,
        %add3A_1564 = arith.addf %add3A_1552, %get3A_1563 : vector<16xf32>
        %add3A_1565 = arith.constant 31 : i32
        %add3A_1566 = arith.addi %mul3A_1192, %add3A_1565 : i32
        %get3A_1567 = arith.index_cast %add3A_1566 : i32 to index
        %get3A_1568 = arith.constant 16 : index
        %get3A_1569 = tpu.vector_load %arg9[%get3A_1567, %get3A_1568] {strides = array<i32>} : memref<1600x32xf32, #tpu.memory_space<vmem>>, vector<16xf32>,
        %add3A_1570 = arith.addf %add3A_1558, %get3A_1569 : vector<16xf32>
        %add3A_1571 = arith.constant 32 : i32
        %add3A_1572 = arith.addi %mul3A_1192, %add3A_1571 : i32
        %get3A_1573 = arith.index_cast %add3A_1572 : i32 to index
        %get3A_1574 = arith.constant 0 : index
        %get3A_1575 = tpu.vector_load %arg9[%get3A_1573, %get3A_1574] {strides = array<i32>} : memref<1600x32xf32, #tpu.memory_space<vmem>>, vector<16xf32>,
        %add3A_1576 = arith.addf %add3A_1564, %get3A_1575 : vector<16xf32>
        %add3A_1577 = arith.constant 32 : i32
        %add3A_1578 = arith.addi %mul3A_1192, %add3A_1577 : i32
        %get3A_1579 = arith.index_cast %add3A_1578 : i32 to index
        %get3A_1580 = arith.constant 16 : index
        %get3A_1581 = tpu.vector_load %arg9[%get3A_1579, %get3A_1580] {strides = array<i32>} : memref<1600x32xf32, #tpu.memory_space<vmem>>, vector<16xf32>,
        %add3A_1582 = arith.addf %add3A_1570, %get3A_1581 : vector<16xf32>
        %add3A_1583 = arith.constant 33 : i32
        %add3A_1584 = arith.addi %mul3A_1192, %add3A_1583 : i32
        %get3A_1585 = arith.index_cast %add3A_1584 : i32 to index
        %get3A_1586 = arith.constant 0 : index
        %get3A_1587 = tpu.vector_load %arg9[%get3A_1585, %get3A_1586] {strides = array<i32>} : memref<1600x32xf32, #tpu.memory_space<vmem>>, vector<16xf32>,
        %add3A_1588 = arith.addf %add3A_1576, %get3A_1587 : vector<16xf32>
        %add3A_1589 = arith.constant 33 : i32
        %add3A_1590 = arith.addi %mul3A_1192, %add3A_1589 : i32
        %get3A_1591 = arith.index_cast %add3A_1590 : i32 to index
        %get3A_1592 = arith.constant 16 : index
        %get3A_1593 = tpu.vector_load %arg9[%get3A_1591, %get3A_1592] {strides = array<i32>} : memref<1600x32xf32, #tpu.memory_space<vmem>>, vector<16xf32>,
        %add3A_1594 = arith.addf %add3A_1582, %get3A_1593 : vector<16xf32>
        %add3A_1595 = arith.constant 34 : i32
        %add3A_1596 = arith.addi %mul3A_1192, %add3A_1595 : i32
        %get3A_1597 = arith.index_cast %add3A_1596 : i32 to index
        %get3A_1598 = arith.constant 0 : index
        %get3A_1599 = tpu.vector_load %arg9[%get3A_1597, %get3A_1598] {strides = array<i32>} : memref<1600x32xf32, #tpu.memory_space<vmem>>, vector<16xf32>,
        %add3A_1600 = arith.addf %add3A_1588, %get3A_1599 : vector<16xf32>
        %add3A_1601 = arith.constant 34 : i32
        %add3A_1602 = arith.addi %mul3A_1192, %add3A_1601 : i32
        %get3A_1603 = arith.index_cast %add3A_1602 : i32 to index
        %get3A_1604 = arith.constant 16 : index
        %get3A_1605 = tpu.vector_load %arg9[%get3A_1603, %get3A_1604] {strides = array<i32>} : memref<1600x32xf32, #tpu.memory_space<vmem>>, vector<16xf32>,
        %add3A_1606 = arith.addf %add3A_1594, %get3A_1605 : vector<16xf32>
        %add3A_1607 = arith.constant 35 : i32
        %add3A_1608 = arith.addi %mul3A_1192, %add3A_1607 : i32
        %get3A_1609 = arith.index_cast %add3A_1608 : i32 to index
        %get3A_1610 = arith.constant 0 : index
        %get3A_1611 = tpu.vector_load %arg9[%get3A_1609, %get3A_1610] {strides = array<i32>} : memref<1600x32xf32, #tpu.memory_space<vmem>>, vector<16xf32>,
        %add3A_1612 = arith.addf %add3A_1600, %get3A_1611 : vector<16xf32>
        %add3A_1613 = arith.constant 35 : i32
        %add3A_1614 = arith.addi %mul3A_1192, %add3A_1613 : i32
        %get3A_1615 = arith.index_cast %add3A_1614 : i32 to index
        %get3A_1616 = arith.constant 16 : index
        %get3A_1617 = tpu.vector_load %arg9[%get3A_1615, %get3A_1616] {strides = array<i32>} : memref<1600x32xf32, #tpu.memory_space<vmem>>, vector<16xf32>,
        %add3A_1618 = arith.addf %add3A_1606, %get3A_1617 : vector<16xf32>
        %add3A_1619 = arith.constant 36 : i32
        %add3A_1620 = arith.addi %mul3A_1192, %add3A_1619 : i32
        %get3A_1621 = arith.index_cast %add3A_1620 : i32 to index
        %get3A_1622 = arith.constant 0 : index
        %get3A_1623 = tpu.vector_load %arg9[%get3A_1621, %get3A_1622] {strides = array<i32>} : memref<1600x32xf32, #tpu.memory_space<vmem>>, vector<16xf32>,
        %add3A_1624 = arith.addf %add3A_1612, %get3A_1623 : vector<16xf32>
        %add3A_1625 = arith.constant 36 : i32
        %add3A_1626 = arith.addi %mul3A_1192, %add3A_1625 : i32
        %get3A_1627 = arith.index_cast %add3A_1626 : i32 to index
        %get3A_1628 = arith.constant 16 : index
        %get3A_1629 = tpu.vector_load %arg9[%get3A_1627, %get3A_1628] {strides = array<i32>} : memref<1600x32xf32, #tpu.memory_space<vmem>>, vector<16xf32>,
        %add3A_1630 = arith.addf %add3A_1618, %get3A_1629 : vector<16xf32>
        %add3A_1631 = arith.constant 37 : i32
        %add3A_1632 = arith.addi %mul3A_1192, %add3A_1631 : i32
        %get3A_1633 = arith.index_cast %add3A_1632 : i32 to index
        %get3A_1634 = arith.constant 0 : index
        %get3A_1635 = tpu.vector_load %arg9[%get3A_1633, %get3A_1634] {strides = array<i32>} : memref<1600x32xf32, #tpu.memory_space<vmem>>, vector<16xf32>,
        %add3A_1636 = arith.addf %add3A_1624, %get3A_1635 : vector<16xf32>
        %add3A_1637 = arith.constant 37 : i32
        %add3A_1638 = arith.addi %mul3A_1192, %add3A_1637 : i32
        %get3A_1639 = arith.index_cast %add3A_1638 : i32 to index
        %get3A_1640 = arith.constant 16 : index
        %get3A_1641 = tpu.vector_load %arg9[%get3A_1639, %get3A_1640] {strides = array<i32>} : memref<1600x32xf32, #tpu.memory_space<vmem>>, vector<16xf32>,
        %add3A_1642 = arith.addf %add3A_1630, %get3A_1641 : vector<16xf32>
        %add3A_1643 = arith.constant 38 : i32
        %add3A_1644 = arith.addi %mul3A_1192, %add3A_1643 : i32
        %get3A_1645 = arith.index_cast %add3A_1644 : i32 to index
        %get3A_1646 = arith.constant 0 : index
        %get3A_1647 = tpu.vector_load %arg9[%get3A_1645, %get3A_1646] {strides = array<i32>} : memref<1600x32xf32, #tpu.memory_space<vmem>>, vector<16xf32>,
        %add3A_1648 = arith.addf %add3A_1636, %get3A_1647 : vector<16xf32>
        %add3A_1649 = arith.constant 38 : i32
        %add3A_1650 = arith.addi %mul3A_1192, %add3A_1649 : i32
        %get3A_1651 = arith.index_cast %add3A_1650 : i32 to index
        %get3A_1652 = arith.constant 16 : index
        %get3A_1653 = tpu.vector_load %arg9[%get3A_1651, %get3A_1652] {strides = array<i32>} : memref<1600x32xf32, #tpu.memory_space<vmem>>, vector<16xf32>,
        %add3A_1654 = arith.addf %add3A_1642, %get3A_1653 : vector<16xf32>
        %add3A_1655 = arith.constant 39 : i32
        %add3A_1656 = arith.addi %mul3A_1192, %add3A_1655 : i32
        %get3A_1657 = arith.index_cast %add3A_1656 : i32 to index
        %get3A_1658 = arith.constant 0 : index
        %get3A_1659 = tpu.vector_load %arg9[%get3A_1657, %get3A_1658] {strides = array<i32>} : memref<1600x32xf32, #tpu.memory_space<vmem>>, vector<16xf32>,
        %add3A_1660 = arith.addf %add3A_1648, %get3A_1659 : vector<16xf32>
        %add3A_1661 = arith.constant 39 : i32
        %add3A_1662 = arith.addi %mul3A_1192, %add3A_1661 : i32
        %get3A_1663 = arith.index_cast %add3A_1662 : i32 to index
        %get3A_1664 = arith.constant 16 : index
        %get3A_1665 = tpu.vector_load %arg9[%get3A_1663, %get3A_1664] {strides = array<i32>} : memref<1600x32xf32, #tpu.memory_space<vmem>>, vector<16xf32>,
        %add3A_1666 = arith.addf %add3A_1654, %get3A_1665 : vector<16xf32>
        %add3A_1667 = arith.constant 40 : i32
        %add3A_1668 = arith.addi %mul3A_1192, %add3A_1667 : i32
        %get3A_1669 = arith.index_cast %add3A_1668 : i32 to index
        %get3A_1670 = arith.constant 0 : index
        %get3A_1671 = tpu.vector_load %arg9[%get3A_1669, %get3A_1670] {strides = array<i32>} : memref<1600x32xf32, #tpu.memory_space<vmem>>, vector<16xf32>,
        %add3A_1672 = arith.addf %add3A_1660, %get3A_1671 : vector<16xf32>
        %add3A_1673 = arith.constant 40 : i32
        %add3A_1674 = arith.addi %mul3A_1192, %add3A_1673 : i32
        %get3A_1675 = arith.index_cast %add3A_1674 : i32 to index
        %get3A_1676 = arith.constant 16 : index
        %get3A_1677 = tpu.vector_load %arg9[%get3A_1675, %get3A_1676] {strides = array<i32>} : memref<1600x32xf32, #tpu.memory_space<vmem>>, vector<16xf32>,
        %add3A_1678 = arith.addf %add3A_1666, %get3A_1677 : vector<16xf32>
        %add3A_1679 = arith.constant 41 : i32
        %add3A_1680 = arith.addi %mul3A_1192, %add3A_1679 : i32
        %get3A_1681 = arith.index_cast %add3A_1680 : i32 to index
        %get3A_1682 = arith.constant 0 : index
        %get3A_1683 = tpu.vector_load %arg9[%get3A_1681, %get3A_1682] {strides = array<i32>} : memref<1600x32xf32, #tpu.memory_space<vmem>>, vector<16xf32>,
        %add3A_1684 = arith.addf %add3A_1672, %get3A_1683 : vector<16xf32>
        %add3A_1685 = arith.constant 41 : i32
        %add3A_1686 = arith.addi %mul3A_1192, %add3A_1685 : i32
        %get3A_1687 = arith.index_cast %add3A_1686 : i32 to index
        %get3A_1688 = arith.constant 16 : index
        %get3A_1689 = tpu.vector_load %arg9[%get3A_1687, %get3A_1688] {strides = array<i32>} : memref<1600x32xf32, #tpu.memory_space<vmem>>, vector<16xf32>,
        %add3A_1690 = arith.addf %add3A_1678, %get3A_1689 : vector<16xf32>
        %add3A_1691 = arith.constant 42 : i32
        %add3A_1692 = arith.addi %mul3A_1192, %add3A_1691 : i32
        %get3A_1693 = arith.index_cast %add3A_1692 : i32 to index
        %get3A_1694 = arith.constant 0 : index
        %get3A_1695 = tpu.vector_load %arg9[%get3A_1693, %get3A_1694] {strides = array<i32>} : memref<1600x32xf32, #tpu.memory_space<vmem>>, vector<16xf32>,
        %add3A_1696 = arith.addf %add3A_1684, %get3A_1695 : vector<16xf32>
        %add3A_1697 = arith.constant 42 : i32
        %add3A_1698 = arith.addi %mul3A_1192, %add3A_1697 : i32
        %get3A_1699 = arith.index_cast %add3A_1698 : i32 to index
        %get3A_1700 = arith.constant 16 : index
        %get3A_1701 = tpu.vector_load %arg9[%get3A_1699, %get3A_1700] {strides = array<i32>} : memref<1600x32xf32, #tpu.memory_space<vmem>>, vector<16xf32>,
        %add3A_1702 = arith.addf %add3A_1690, %get3A_1701 : vector<16xf32>
        %add3A_1703 = arith.constant 43 : i32
        %add3A_1704 = arith.addi %mul3A_1192, %add3A_1703 : i32
        %get3A_1705 = arith.index_cast %add3A_1704 : i32 to index
        %get3A_1706 = arith.constant 0 : index
        %get3A_1707 = tpu.vector_load %arg9[%get3A_1705, %get3A_1706] {strides = array<i32>} : memref<1600x32xf32, #tpu.memory_space<vmem>>, vector<16xf32>,
        %add3A_1708 = arith.addf %add3A_1696, %get3A_1707 : vector<16xf32>
        %add3A_1709 = arith.constant 43 : i32
        %add3A_1710 = arith.addi %mul3A_1192, %add3A_1709 : i32
        %get3A_1711 = arith.index_cast %add3A_1710 : i32 to index
        %get3A_1712 = arith.constant 16 : index
        %get3A_1713 = tpu.vector_load %arg9[%get3A_1711, %get3A_1712] {strides = array<i32>} : memref<1600x32xf32, #tpu.memory_space<vmem>>, vector<16xf32>,
        %add3A_1714 = arith.addf %add3A_1702, %get3A_1713 : vector<16xf32>
        %add3A_1715 = arith.constant 44 : i32
        %add3A_1716 = arith.addi %mul3A_1192, %add3A_1715 : i32
        %get3A_1717 = arith.index_cast %add3A_1716 : i32 to index
        %get3A_1718 = arith.constant 0 : index
        %get3A_1719 = tpu.vector_load %arg9[%get3A_1717, %get3A_1718] {strides = array<i32>} : memref<1600x32xf32, #tpu.memory_space<vmem>>, vector<16xf32>,
        %add3A_1720 = arith.addf %add3A_1708, %get3A_1719 : vector<16xf32>
        %add3A_1721 = arith.constant 44 : i32
        %add3A_1722 = arith.addi %mul3A_1192, %add3A_1721 : i32
        %get3A_1723 = arith.index_cast %add3A_1722 : i32 to index
        %get3A_1724 = arith.constant 16 : index
        %get3A_1725 = tpu.vector_load %arg9[%get3A_1723, %get3A_1724] {strides = array<i32>} : memref<1600x32xf32, #tpu.memory_space<vmem>>, vector<16xf32>,
        %add3A_1726 = arith.addf %add3A_1714, %get3A_1725 : vector<16xf32>
        %add3A_1727 = arith.constant 45 : i32
        %add3A_1728 = arith.addi %mul3A_1192, %add3A_1727 : i32
        %get3A_1729 = arith.index_cast %add3A_1728 : i32 to index
        %get3A_1730 = arith.constant 0 : index
        %get3A_1731 = tpu.vector_load %arg9[%get3A_1729, %get3A_1730] {strides = array<i32>} : memref<1600x32xf32, #tpu.memory_space<vmem>>, vector<16xf32>,
        %add3A_1732 = arith.addf %add3A_1720, %get3A_1731 : vector<16xf32>
        %add3A_1733 = arith.constant 45 : i32
        %add3A_1734 = arith.addi %mul3A_1192, %add3A_1733 : i32
        %get3A_1735 = arith.index_cast %add3A_1734 : i32 to index
        %get3A_1736 = arith.constant 16 : index
        %get3A_1737 = tpu.vector_load %arg9[%get3A_1735, %get3A_1736] {strides = array<i32>} : memref<1600x32xf32, #tpu.memory_space<vmem>>, vector<16xf32>,
        %add3A_1738 = arith.addf %add3A_1726, %get3A_1737 : vector<16xf32>
        %add3A_1739 = arith.constant 46 : i32
        %add3A_1740 = arith.addi %mul3A_1192, %add3A_1739 : i32
        %get3A_1741 = arith.index_cast %add3A_1740 : i32 to index
        %get3A_1742 = arith.constant 0 : index
        %get3A_1743 = tpu.vector_load %arg9[%get3A_1741, %get3A_1742] {strides = array<i32>} : memref<1600x32xf32, #tpu.memory_space<vmem>>, vector<16xf32>,
        %add3A_1744 = arith.addf %add3A_1732, %get3A_1743 : vector<16xf32>
        %add3A_1745 = arith.constant 46 : i32
        %add3A_1746 = arith.addi %mul3A_1192, %add3A_1745 : i32
        %get3A_1747 = arith.index_cast %add3A_1746 : i32 to index
        %get3A_1748 = arith.constant 16 : index
        %get3A_1749 = tpu.vector_load %arg9[%get3A_1747, %get3A_1748] {strides = array<i32>} : memref<1600x32xf32, #tpu.memory_space<vmem>>, vector<16xf32>,
        %add3A_1750 = arith.addf %add3A_1738, %get3A_1749 : vector<16xf32>
        %add3A_1751 = arith.constant 47 : i32
        %add3A_1752 = arith.addi %mul3A_1192, %add3A_1751 : i32
        %get3A_1753 = arith.index_cast %add3A_1752 : i32 to index
        %get3A_1754 = arith.constant 0 : index
        %get3A_1755 = tpu.vector_load %arg9[%get3A_1753, %get3A_1754] {strides = array<i32>} : memref<1600x32xf32, #tpu.memory_space<vmem>>, vector<16xf32>,
        %add3A_1756 = arith.addf %add3A_1744, %get3A_1755 : vector<16xf32>
        %add3A_1757 = arith.constant 47 : i32
        %add3A_1758 = arith.addi %mul3A_1192, %add3A_1757 : i32
        %get3A_1759 = arith.index_cast %add3A_1758 : i32 to index
        %get3A_1760 = arith.constant 16 : index
        %get3A_1761 = tpu.vector_load %arg9[%get3A_1759, %get3A_1760] {strides = array<i32>} : memref<1600x32xf32, #tpu.memory_space<vmem>>, vector<16xf32>,
        %add3A_1762 = arith.addf %add3A_1750, %get3A_1761 : vector<16xf32>
        %add3A_1763 = arith.constant 48 : i32
        %add3A_1764 = arith.addi %mul3A_1192, %add3A_1763 : i32
        %get3A_1765 = arith.index_cast %add3A_1764 : i32 to index
        %get3A_1766 = arith.constant 0 : index
        %get3A_1767 = tpu.vector_load %arg9[%get3A_1765, %get3A_1766] {strides = array<i32>} : memref<1600x32xf32, #tpu.memory_space<vmem>>, vector<16xf32>,
        %add3A_1768 = arith.addf %add3A_1756, %get3A_1767 : vector<16xf32>
        %add3A_1769 = arith.constant 48 : i32
        %add3A_1770 = arith.addi %mul3A_1192, %add3A_1769 : i32
        %get3A_1771 = arith.index_cast %add3A_1770 : i32 to index
        %get3A_1772 = arith.constant 16 : index
        %get3A_1773 = tpu.vector_load %arg9[%get3A_1771, %get3A_1772] {strides = array<i32>} : memref<1600x32xf32, #tpu.memory_space<vmem>>, vector<16xf32>,
        %add3A_1774 = arith.addf %add3A_1762, %get3A_1773 : vector<16xf32>
        %add3A_1775 = arith.constant 49 : i32
        %add3A_1776 = arith.addi %mul3A_1192, %add3A_1775 : i32
        %get3A_1777 = arith.index_cast %add3A_1776 : i32 to index
        %get3A_1778 = arith.constant 0 : index
        %get3A_1779 = tpu.vector_load %arg9[%get3A_1777, %get3A_1778] {strides = array<i32>} : memref<1600x32xf32, #tpu.memory_space<vmem>>, vector<16xf32>,
        %add3A_1780 = arith.addf %add3A_1768, %get3A_1779 : vector<16xf32>
        %add3A_1781 = arith.constant 49 : i32
        %add3A_1782 = arith.addi %mul3A_1192, %add3A_1781 : i32
        %get3A_1783 = arith.index_cast %add3A_1782 : i32 to index
        %get3A_1784 = arith.constant 16 : index
        %get3A_1785 = tpu.vector_load %arg9[%get3A_1783, %get3A_1784] {strides = array<i32>} : memref<1600x32xf32, #tpu.memory_space<vmem>>, vector<16xf32>,
        %add3A_1786 = arith.addf %add3A_1774, %get3A_1785 : vector<16xf32>
        %mul3A_1787 = arith.constant 32 : i32
        %mul3A_1788 = arith.muli %add3A_1176, %mul3A_1787 : i32
        %add3A_1789 = arith.addi %mul3A_1788, %scan3A_1190 : i32
        %swap3A = arith.index_cast %add3A_1789 : i32 to index
        %swap3A_1790 = arith.constant 0 : index
        %swap3A_1791 = tpu.vector_load %arg10[%swap3A, %swap3A_1790] {strides = array<i32>} : memref<512x32xf32, #tpu.memory_space<vmem>>, vector<16xf32>,
        tpu.vector_store %arg10[%swap3A, %swap3A_1790], %add3A_1780 {strides = array<i32>} : memref<512x32xf32, #tpu.memory_space<vmem>>, vector<16xf32>,
        %mul3A_1792 = arith.constant 32 : i32
        %mul3A_1793 = arith.muli %add3A_1176, %mul3A_1792 : i32
        %add3A_1794 = arith.addi %mul3A_1793, %scan3A_1190 : i32
        %swap3A_1795 = arith.index_cast %add3A_1794 : i32 to index
        %swap3A_1796 = arith.constant 16 : index
        %swap3A_1797 = tpu.vector_load %arg10[%swap3A_1795, %swap3A_1796] {strides = array<i32>} : memref<512x32xf32, #tpu.memory_space<vmem>>, vector<16xf32>,
        tpu.vector_store %arg10[%swap3A_1795, %swap3A_1796], %add3A_1786 {strides = array<i32>} : memref<512x32xf32, #tpu.memory_space<vmem>>, vector<16xf32>,
      }
      %scan3A_1182 = arith.constant 32 : i32
      %add3A_1183 = arith.constant 3 : i32
      %add3A_1184 = arith.addi %mul3A_665, %add3A_1183 : i32
      %lt3A_1185 = arith.constant 16 : i32
      %lt3A_1186 = arith.cmpi slt, %add3A_1184, %lt3A_1185 : i32
      %convert_element_type3A_1187 = arith.extui %lt3A_1186 : i1 to i32
      %cond3A_1188 = arith.constant 0 : i32
      %cond3A_1189 = arith.cmpi ne, %convert_element_type3A_1187, %cond3A_1188 : i32
      scf.if %cond3A_1189 {
        %add3A_1190 = arith.constant 3 : i32
        %add3A_1191 = arith.addi %mul3A_665, %add3A_1190 : i32
        %mul3A_1192 = arith.constant 16 : i32
        %mul3A_1193 = arith.muli %add3A, %mul3A_1192 : i32
        %add3A_1194 = arith.addi %mul3A_1193, %add3A_1191 : i32
        "tpu.region"() ({
          %run_scoped3A = tpu.sem_alloc : memref<!tpu.dma_semaphore, #tpu.memory_space<semaphore_mem>>
          %dma_start3A_1445 = arith.constant 0 : i32
          %dma_start3A_1446 = arith.constant 0 : i32
          %dma_start3A_1447 = tpu.memref_slice %arg2[%add3A_1194, %dma_start3A_1445, %dma_start3A_1446] : memref<512x25x64xi32, #tpu.memory_space<hbm>> -> memref<1x25x64xi32, #tpu.memory_space<hbm>>
          %dma_start3A_1448 = tpu.memref_squeeze %dma_start3A_1447 : memref<1x25x64xi32, #tpu.memory_space<hbm>> -> memref<25x64xi32, #tpu.memory_space<hbm>>
          %dma_start3A_1449 = arith.constant 0 : i32
          %dma_start3A_1450 = arith.constant 0 : i32
          %dma_start3A_1451 = tpu.memref_slice %arg2[%add3A_1194, %dma_start3A_1449, %dma_start3A_1450] : memref<512x25x64xi32, #tpu.memory_space<hbm>> -> memref<1x25x64xi32, #tpu.memory_space<hbm>>
          %dma_start3A_1452 = tpu.memref_squeeze %dma_start3A_1451 : memref<1x25x64xi32, #tpu.memory_space<hbm>> -> memref<25x64xi32, #tpu.memory_space<hbm>>
          tpu.enqueue_dma source(%dma_start3A_1452 : memref<25x64xi32, #tpu.memory_space<hbm>>) target(%arg7 : memref<25x64xi32, #tpu.memory_space<vmem>>) target_semaphore(%run_scoped3A : memref<!tpu.dma_semaphore, #tpu.memory_space<semaphore_mem>>)
          %dma_wait3A_1453 = arith.constant 0 : i32
          %dma_wait3A_1454 = arith.constant 0 : i32
          %dma_wait3A_1455 = tpu.memref_slice %arg2[%add3A_1194, %dma_wait3A_1453, %dma_wait3A_1454] : memref<512x25x64xi32, #tpu.memory_space<hbm>> -> memref<1x25x64xi32, #tpu.memory_space<hbm>>
          %dma_wait3A_1456 = tpu.memref_squeeze %dma_wait3A_1455 : memref<1x25x64xi32, #tpu.memory_space<hbm>> -> memref<25x64xi32, #tpu.memory_space<hbm>>
          %dma_wait3A_1457 = arith.constant 0 : i32
          %dma_wait3A_1458 = arith.constant 0 : i32
          %dma_wait3A_1459 = tpu.memref_slice %arg2[%add3A_1194, %dma_wait3A_1457, %dma_wait3A_1458] : memref<512x25x64xi32, #tpu.memory_space<hbm>> -> memref<1x25x64xi32, #tpu.memory_space<hbm>>
          %dma_wait3A_1460 = tpu.memref_squeeze %dma_wait3A_1459 : memref<1x25x64xi32, #tpu.memory_space<hbm>> -> memref<25x64xi32, #tpu.memory_space<hbm>>
          tpu.wait_dma2 semaphore(%run_scoped3A : memref<!tpu.dma_semaphore, #tpu.memory_space<semaphore_mem>>) src(%dma_wait3A_1460 : memref<25x64xi32, #tpu.memory_space<hbm>>) dst(%arg7 : memref<25x64xi32, #tpu.memory_space<vmem>>)
          tpu.yield
        }) : () -> ()
        %dma_start3A_1195 = arith.constant 0 : i32
        %dma_start3A_1196 = arith.constant 0 : i32
        %dma_start3A_1197 = arith.constant 0 : i32
        %dma_start3A_1198 = tpu.memref_slice %arg9[%dma_start3A_1196, %dma_start3A_1197] : memref<1600x32xf32, #tpu.memory_space<vmem>> -> memref<64x32xf32, #tpu.memory_space<vmem>>
        %dma_start3A_1199 = arith.constant 0 : i32
        %dma_start3A_1200 = tpu.memref_slice %arg7[%dma_start3A_1195, %dma_start3A_1199] : memref<25x64xi32, #tpu.memory_space<vmem>> -> memref<1x64xi32, #tpu.memory_space<vmem>>
        %dma_start3A_1201 = tpu.memref_squeeze %dma_start3A_1200 : memref<1x64xi32, #tpu.memory_space<vmem>> -> memref<64xi32, #tpu.memory_space<vmem>>
        %dma_start3A_1202 = arith.constant 0 : i32
        %dma_start3A_1203 = arith.constant 0 : i32
        %dma_start3A_1204 = tpu.memref_slice %arg3[%dma_start3A_1202, %dma_start3A_1203] : memref<1000000x32xf32, #tpu.memory_space<hbm>> -> memref<1000000x32xf32, #tpu.memory_space<hbm>>
        tpu.enqueue_indirect_dma source(%dma_start3A_1204 : memref<1000000x32xf32, #tpu.memory_space<hbm>>) target(%dma_start3A_1198 : memref<64x32xf32, #tpu.memory_space<vmem>>) offsets(%dma_start3A_1201 : memref<64xi32, #tpu.memory_space<vmem>>) semaphore(%arg14 : memref<!tpu.dma_semaphore, #tpu.memory_space<semaphore_mem>>)
        %dma_start3A_1205 = arith.constant 1 : i32
        %dma_start3A_1206 = arith.constant 64 : i32
        %dma_start3A_1207 = arith.constant 0 : i32
        %dma_start3A_1208 = tpu.memref_slice %arg9[%dma_start3A_1206, %dma_start3A_1207] : memref<1600x32xf32, #tpu.memory_space<vmem>> -> memref<64x32xf32, #tpu.memory_space<vmem>>
        %dma_start3A_1209 = arith.constant 0 : i32
        %dma_start3A_1210 = tpu.memref_slice %arg7[%dma_start3A_1205, %dma_start3A_1209] : memref<25x64xi32, #tpu.memory_space<vmem>> -> memref<1x64xi32, #tpu.memory_space<vmem>>
        %dma_start3A_1211 = tpu.memref_squeeze %dma_start3A_1210 : memref<1x64xi32, #tpu.memory_space<vmem>> -> memref<64xi32, #tpu.memory_space<vmem>>
        %dma_start3A_1212 = arith.constant 0 : i32
        %dma_start3A_1213 = arith.constant 0 : i32
        %dma_start3A_1214 = tpu.memref_slice %arg3[%dma_start3A_1212, %dma_start3A_1213] : memref<1000000x32xf32, #tpu.memory_space<hbm>> -> memref<1000000x32xf32, #tpu.memory_space<hbm>>
        tpu.enqueue_indirect_dma source(%dma_start3A_1214 : memref<1000000x32xf32, #tpu.memory_space<hbm>>) target(%dma_start3A_1208 : memref<64x32xf32, #tpu.memory_space<vmem>>) offsets(%dma_start3A_1211 : memref<64xi32, #tpu.memory_space<vmem>>) semaphore(%arg14 : memref<!tpu.dma_semaphore, #tpu.memory_space<semaphore_mem>>)
        %dma_start3A_1215 = arith.constant 2 : i32
        %dma_start3A_1216 = arith.constant 128 : i32
        %dma_start3A_1217 = arith.constant 0 : i32
        %dma_start3A_1218 = tpu.memref_slice %arg9[%dma_start3A_1216, %dma_start3A_1217] : memref<1600x32xf32, #tpu.memory_space<vmem>> -> memref<64x32xf32, #tpu.memory_space<vmem>>
        %dma_start3A_1219 = arith.constant 0 : i32
        %dma_start3A_1220 = tpu.memref_slice %arg7[%dma_start3A_1215, %dma_start3A_1219] : memref<25x64xi32, #tpu.memory_space<vmem>> -> memref<1x64xi32, #tpu.memory_space<vmem>>
        %dma_start3A_1221 = tpu.memref_squeeze %dma_start3A_1220 : memref<1x64xi32, #tpu.memory_space<vmem>> -> memref<64xi32, #tpu.memory_space<vmem>>
        %dma_start3A_1222 = arith.constant 0 : i32
        %dma_start3A_1223 = arith.constant 0 : i32
        %dma_start3A_1224 = tpu.memref_slice %arg3[%dma_start3A_1222, %dma_start3A_1223] : memref<1000000x32xf32, #tpu.memory_space<hbm>> -> memref<1000000x32xf32, #tpu.memory_space<hbm>>
        tpu.enqueue_indirect_dma source(%dma_start3A_1224 : memref<1000000x32xf32, #tpu.memory_space<hbm>>) target(%dma_start3A_1218 : memref<64x32xf32, #tpu.memory_space<vmem>>) offsets(%dma_start3A_1221 : memref<64xi32, #tpu.memory_space<vmem>>) semaphore(%arg14 : memref<!tpu.dma_semaphore, #tpu.memory_space<semaphore_mem>>)
        %dma_start3A_1225 = arith.constant 3 : i32
        %dma_start3A_1226 = arith.constant 192 : i32
        %dma_start3A_1227 = arith.constant 0 : i32
        %dma_start3A_1228 = tpu.memref_slice %arg9[%dma_start3A_1226, %dma_start3A_1227] : memref<1600x32xf32, #tpu.memory_space<vmem>> -> memref<64x32xf32, #tpu.memory_space<vmem>>
        %dma_start3A_1229 = arith.constant 0 : i32
        %dma_start3A_1230 = tpu.memref_slice %arg7[%dma_start3A_1225, %dma_start3A_1229] : memref<25x64xi32, #tpu.memory_space<vmem>> -> memref<1x64xi32, #tpu.memory_space<vmem>>
        %dma_start3A_1231 = tpu.memref_squeeze %dma_start3A_1230 : memref<1x64xi32, #tpu.memory_space<vmem>> -> memref<64xi32, #tpu.memory_space<vmem>>
        %dma_start3A_1232 = arith.constant 0 : i32
        %dma_start3A_1233 = arith.constant 0 : i32
        %dma_start3A_1234 = tpu.memref_slice %arg3[%dma_start3A_1232, %dma_start3A_1233] : memref<1000000x32xf32, #tpu.memory_space<hbm>> -> memref<1000000x32xf32, #tpu.memory_space<hbm>>
        tpu.enqueue_indirect_dma source(%dma_start3A_1234 : memref<1000000x32xf32, #tpu.memory_space<hbm>>) target(%dma_start3A_1228 : memref<64x32xf32, #tpu.memory_space<vmem>>) offsets(%dma_start3A_1231 : memref<64xi32, #tpu.memory_space<vmem>>) semaphore(%arg14 : memref<!tpu.dma_semaphore, #tpu.memory_space<semaphore_mem>>)
        %dma_start3A_1235 = arith.constant 4 : i32
        %dma_start3A_1236 = arith.constant 256 : i32
        %dma_start3A_1237 = arith.constant 0 : i32
        %dma_start3A_1238 = tpu.memref_slice %arg9[%dma_start3A_1236, %dma_start3A_1237] : memref<1600x32xf32, #tpu.memory_space<vmem>> -> memref<64x32xf32, #tpu.memory_space<vmem>>
        %dma_start3A_1239 = arith.constant 0 : i32
        %dma_start3A_1240 = tpu.memref_slice %arg7[%dma_start3A_1235, %dma_start3A_1239] : memref<25x64xi32, #tpu.memory_space<vmem>> -> memref<1x64xi32, #tpu.memory_space<vmem>>
        %dma_start3A_1241 = tpu.memref_squeeze %dma_start3A_1240 : memref<1x64xi32, #tpu.memory_space<vmem>> -> memref<64xi32, #tpu.memory_space<vmem>>
        %dma_start3A_1242 = arith.constant 0 : i32
        %dma_start3A_1243 = arith.constant 0 : i32
        %dma_start3A_1244 = tpu.memref_slice %arg3[%dma_start3A_1242, %dma_start3A_1243] : memref<1000000x32xf32, #tpu.memory_space<hbm>> -> memref<1000000x32xf32, #tpu.memory_space<hbm>>
        tpu.enqueue_indirect_dma source(%dma_start3A_1244 : memref<1000000x32xf32, #tpu.memory_space<hbm>>) target(%dma_start3A_1238 : memref<64x32xf32, #tpu.memory_space<vmem>>) offsets(%dma_start3A_1241 : memref<64xi32, #tpu.memory_space<vmem>>) semaphore(%arg14 : memref<!tpu.dma_semaphore, #tpu.memory_space<semaphore_mem>>)
        %dma_start3A_1245 = arith.constant 5 : i32
        %dma_start3A_1246 = arith.constant 320 : i32
        %dma_start3A_1247 = arith.constant 0 : i32
        %dma_start3A_1248 = tpu.memref_slice %arg9[%dma_start3A_1246, %dma_start3A_1247] : memref<1600x32xf32, #tpu.memory_space<vmem>> -> memref<64x32xf32, #tpu.memory_space<vmem>>
        %dma_start3A_1249 = arith.constant 0 : i32
        %dma_start3A_1250 = tpu.memref_slice %arg7[%dma_start3A_1245, %dma_start3A_1249] : memref<25x64xi32, #tpu.memory_space<vmem>> -> memref<1x64xi32, #tpu.memory_space<vmem>>
        %dma_start3A_1251 = tpu.memref_squeeze %dma_start3A_1250 : memref<1x64xi32, #tpu.memory_space<vmem>> -> memref<64xi32, #tpu.memory_space<vmem>>
        %dma_start3A_1252 = arith.constant 0 : i32
        %dma_start3A_1253 = arith.constant 0 : i32
        %dma_start3A_1254 = tpu.memref_slice %arg3[%dma_start3A_1252, %dma_start3A_1253] : memref<1000000x32xf32, #tpu.memory_space<hbm>> -> memref<1000000x32xf32, #tpu.memory_space<hbm>>
        tpu.enqueue_indirect_dma source(%dma_start3A_1254 : memref<1000000x32xf32, #tpu.memory_space<hbm>>) target(%dma_start3A_1248 : memref<64x32xf32, #tpu.memory_space<vmem>>) offsets(%dma_start3A_1251 : memref<64xi32, #tpu.memory_space<vmem>>) semaphore(%arg14 : memref<!tpu.dma_semaphore, #tpu.memory_space<semaphore_mem>>)
        %dma_start3A_1255 = arith.constant 6 : i32
        %dma_start3A_1256 = arith.constant 384 : i32
        %dma_start3A_1257 = arith.constant 0 : i32
        %dma_start3A_1258 = tpu.memref_slice %arg9[%dma_start3A_1256, %dma_start3A_1257] : memref<1600x32xf32, #tpu.memory_space<vmem>> -> memref<64x32xf32, #tpu.memory_space<vmem>>
        %dma_start3A_1259 = arith.constant 0 : i32
        %dma_start3A_1260 = tpu.memref_slice %arg7[%dma_start3A_1255, %dma_start3A_1259] : memref<25x64xi32, #tpu.memory_space<vmem>> -> memref<1x64xi32, #tpu.memory_space<vmem>>
        %dma_start3A_1261 = tpu.memref_squeeze %dma_start3A_1260 : memref<1x64xi32, #tpu.memory_space<vmem>> -> memref<64xi32, #tpu.memory_space<vmem>>
        %dma_start3A_1262 = arith.constant 0 : i32
        %dma_start3A_1263 = arith.constant 0 : i32
        %dma_start3A_1264 = tpu.memref_slice %arg3[%dma_start3A_1262, %dma_start3A_1263] : memref<1000000x32xf32, #tpu.memory_space<hbm>> -> memref<1000000x32xf32, #tpu.memory_space<hbm>>
        tpu.enqueue_indirect_dma source(%dma_start3A_1264 : memref<1000000x32xf32, #tpu.memory_space<hbm>>) target(%dma_start3A_1258 : memref<64x32xf32, #tpu.memory_space<vmem>>) offsets(%dma_start3A_1261 : memref<64xi32, #tpu.memory_space<vmem>>) semaphore(%arg14 : memref<!tpu.dma_semaphore, #tpu.memory_space<semaphore_mem>>)
        %dma_start3A_1265 = arith.constant 7 : i32
        %dma_start3A_1266 = arith.constant 448 : i32
        %dma_start3A_1267 = arith.constant 0 : i32
        %dma_start3A_1268 = tpu.memref_slice %arg9[%dma_start3A_1266, %dma_start3A_1267] : memref<1600x32xf32, #tpu.memory_space<vmem>> -> memref<64x32xf32, #tpu.memory_space<vmem>>
        %dma_start3A_1269 = arith.constant 0 : i32
        %dma_start3A_1270 = tpu.memref_slice %arg7[%dma_start3A_1265, %dma_start3A_1269] : memref<25x64xi32, #tpu.memory_space<vmem>> -> memref<1x64xi32, #tpu.memory_space<vmem>>
        %dma_start3A_1271 = tpu.memref_squeeze %dma_start3A_1270 : memref<1x64xi32, #tpu.memory_space<vmem>> -> memref<64xi32, #tpu.memory_space<vmem>>
        %dma_start3A_1272 = arith.constant 0 : i32
        %dma_start3A_1273 = arith.constant 0 : i32
        %dma_start3A_1274 = tpu.memref_slice %arg3[%dma_start3A_1272, %dma_start3A_1273] : memref<1000000x32xf32, #tpu.memory_space<hbm>> -> memref<1000000x32xf32, #tpu.memory_space<hbm>>
        tpu.enqueue_indirect_dma source(%dma_start3A_1274 : memref<1000000x32xf32, #tpu.memory_space<hbm>>) target(%dma_start3A_1268 : memref<64x32xf32, #tpu.memory_space<vmem>>) offsets(%dma_start3A_1271 : memref<64xi32, #tpu.memory_space<vmem>>) semaphore(%arg14 : memref<!tpu.dma_semaphore, #tpu.memory_space<semaphore_mem>>)
        %dma_start3A_1275 = arith.constant 8 : i32
        %dma_start3A_1276 = arith.constant 512 : i32
        %dma_start3A_1277 = arith.constant 0 : i32
        %dma_start3A_1278 = tpu.memref_slice %arg9[%dma_start3A_1276, %dma_start3A_1277] : memref<1600x32xf32, #tpu.memory_space<vmem>> -> memref<64x32xf32, #tpu.memory_space<vmem>>
        %dma_start3A_1279 = arith.constant 0 : i32
        %dma_start3A_1280 = tpu.memref_slice %arg7[%dma_start3A_1275, %dma_start3A_1279] : memref<25x64xi32, #tpu.memory_space<vmem>> -> memref<1x64xi32, #tpu.memory_space<vmem>>
        %dma_start3A_1281 = tpu.memref_squeeze %dma_start3A_1280 : memref<1x64xi32, #tpu.memory_space<vmem>> -> memref<64xi32, #tpu.memory_space<vmem>>
        %dma_start3A_1282 = arith.constant 0 : i32
        %dma_start3A_1283 = arith.constant 0 : i32
        %dma_start3A_1284 = tpu.memref_slice %arg3[%dma_start3A_1282, %dma_start3A_1283] : memref<1000000x32xf32, #tpu.memory_space<hbm>> -> memref<1000000x32xf32, #tpu.memory_space<hbm>>
        tpu.enqueue_indirect_dma source(%dma_start3A_1284 : memref<1000000x32xf32, #tpu.memory_space<hbm>>) target(%dma_start3A_1278 : memref<64x32xf32, #tpu.memory_space<vmem>>) offsets(%dma_start3A_1281 : memref<64xi32, #tpu.memory_space<vmem>>) semaphore(%arg14 : memref<!tpu.dma_semaphore, #tpu.memory_space<semaphore_mem>>)
        %dma_start3A_1285 = arith.constant 9 : i32
        %dma_start3A_1286 = arith.constant 576 : i32
        %dma_start3A_1287 = arith.constant 0 : i32
        %dma_start3A_1288 = tpu.memref_slice %arg9[%dma_start3A_1286, %dma_start3A_1287] : memref<1600x32xf32, #tpu.memory_space<vmem>> -> memref<64x32xf32, #tpu.memory_space<vmem>>
        %dma_start3A_1289 = arith.constant 0 : i32
        %dma_start3A_1290 = tpu.memref_slice %arg7[%dma_start3A_1285, %dma_start3A_1289] : memref<25x64xi32, #tpu.memory_space<vmem>> -> memref<1x64xi32, #tpu.memory_space<vmem>>
        %dma_start3A_1291 = tpu.memref_squeeze %dma_start3A_1290 : memref<1x64xi32, #tpu.memory_space<vmem>> -> memref<64xi32, #tpu.memory_space<vmem>>
        %dma_start3A_1292 = arith.constant 0 : i32
        %dma_start3A_1293 = arith.constant 0 : i32
        %dma_start3A_1294 = tpu.memref_slice %arg3[%dma_start3A_1292, %dma_start3A_1293] : memref<1000000x32xf32, #tpu.memory_space<hbm>> -> memref<1000000x32xf32, #tpu.memory_space<hbm>>
        tpu.enqueue_indirect_dma source(%dma_start3A_1294 : memref<1000000x32xf32, #tpu.memory_space<hbm>>) target(%dma_start3A_1288 : memref<64x32xf32, #tpu.memory_space<vmem>>) offsets(%dma_start3A_1291 : memref<64xi32, #tpu.memory_space<vmem>>) semaphore(%arg14 : memref<!tpu.dma_semaphore, #tpu.memory_space<semaphore_mem>>)
        %dma_start3A_1295 = arith.constant 10 : i32
        %dma_start3A_1296 = arith.constant 640 : i32
        %dma_start3A_1297 = arith.constant 0 : i32
        %dma_start3A_1298 = tpu.memref_slice %arg9[%dma_start3A_1296, %dma_start3A_1297] : memref<1600x32xf32, #tpu.memory_space<vmem>> -> memref<64x32xf32, #tpu.memory_space<vmem>>
        %dma_start3A_1299 = arith.constant 0 : i32
        %dma_start3A_1300 = tpu.memref_slice %arg7[%dma_start3A_1295, %dma_start3A_1299] : memref<25x64xi32, #tpu.memory_space<vmem>> -> memref<1x64xi32, #tpu.memory_space<vmem>>
        %dma_start3A_1301 = tpu.memref_squeeze %dma_start3A_1300 : memref<1x64xi32, #tpu.memory_space<vmem>> -> memref<64xi32, #tpu.memory_space<vmem>>
        %dma_start3A_1302 = arith.constant 0 : i32
        %dma_start3A_1303 = arith.constant 0 : i32
        %dma_start3A_1304 = tpu.memref_slice %arg3[%dma_start3A_1302, %dma_start3A_1303] : memref<1000000x32xf32, #tpu.memory_space<hbm>> -> memref<1000000x32xf32, #tpu.memory_space<hbm>>
        tpu.enqueue_indirect_dma source(%dma_start3A_1304 : memref<1000000x32xf32, #tpu.memory_space<hbm>>) target(%dma_start3A_1298 : memref<64x32xf32, #tpu.memory_space<vmem>>) offsets(%dma_start3A_1301 : memref<64xi32, #tpu.memory_space<vmem>>) semaphore(%arg14 : memref<!tpu.dma_semaphore, #tpu.memory_space<semaphore_mem>>)
        %dma_start3A_1305 = arith.constant 11 : i32
        %dma_start3A_1306 = arith.constant 704 : i32
        %dma_start3A_1307 = arith.constant 0 : i32
        %dma_start3A_1308 = tpu.memref_slice %arg9[%dma_start3A_1306, %dma_start3A_1307] : memref<1600x32xf32, #tpu.memory_space<vmem>> -> memref<64x32xf32, #tpu.memory_space<vmem>>
        %dma_start3A_1309 = arith.constant 0 : i32
        %dma_start3A_1310 = tpu.memref_slice %arg7[%dma_start3A_1305, %dma_start3A_1309] : memref<25x64xi32, #tpu.memory_space<vmem>> -> memref<1x64xi32, #tpu.memory_space<vmem>>
        %dma_start3A_1311 = tpu.memref_squeeze %dma_start3A_1310 : memref<1x64xi32, #tpu.memory_space<vmem>> -> memref<64xi32, #tpu.memory_space<vmem>>
        %dma_start3A_1312 = arith.constant 0 : i32
        %dma_start3A_1313 = arith.constant 0 : i32
        %dma_start3A_1314 = tpu.memref_slice %arg3[%dma_start3A_1312, %dma_start3A_1313] : memref<1000000x32xf32, #tpu.memory_space<hbm>> -> memref<1000000x32xf32, #tpu.memory_space<hbm>>
        tpu.enqueue_indirect_dma source(%dma_start3A_1314 : memref<1000000x32xf32, #tpu.memory_space<hbm>>) target(%dma_start3A_1308 : memref<64x32xf32, #tpu.memory_space<vmem>>) offsets(%dma_start3A_1311 : memref<64xi32, #tpu.memory_space<vmem>>) semaphore(%arg14 : memref<!tpu.dma_semaphore, #tpu.memory_space<semaphore_mem>>)
        %dma_start3A_1315 = arith.constant 12 : i32
        %dma_start3A_1316 = arith.constant 768 : i32
        %dma_start3A_1317 = arith.constant 0 : i32
        %dma_start3A_1318 = tpu.memref_slice %arg9[%dma_start3A_1316, %dma_start3A_1317] : memref<1600x32xf32, #tpu.memory_space<vmem>> -> memref<64x32xf32, #tpu.memory_space<vmem>>
        %dma_start3A_1319 = arith.constant 0 : i32
        %dma_start3A_1320 = tpu.memref_slice %arg7[%dma_start3A_1315, %dma_start3A_1319] : memref<25x64xi32, #tpu.memory_space<vmem>> -> memref<1x64xi32, #tpu.memory_space<vmem>>
        %dma_start3A_1321 = tpu.memref_squeeze %dma_start3A_1320 : memref<1x64xi32, #tpu.memory_space<vmem>> -> memref<64xi32, #tpu.memory_space<vmem>>
        %dma_start3A_1322 = arith.constant 0 : i32
        %dma_start3A_1323 = arith.constant 0 : i32
        %dma_start3A_1324 = tpu.memref_slice %arg3[%dma_start3A_1322, %dma_start3A_1323] : memref<1000000x32xf32, #tpu.memory_space<hbm>> -> memref<1000000x32xf32, #tpu.memory_space<hbm>>
        tpu.enqueue_indirect_dma source(%dma_start3A_1324 : memref<1000000x32xf32, #tpu.memory_space<hbm>>) target(%dma_start3A_1318 : memref<64x32xf32, #tpu.memory_space<vmem>>) offsets(%dma_start3A_1321 : memref<64xi32, #tpu.memory_space<vmem>>) semaphore(%arg14 : memref<!tpu.dma_semaphore, #tpu.memory_space<semaphore_mem>>)
        %dma_start3A_1325 = arith.constant 13 : i32
        %dma_start3A_1326 = arith.constant 832 : i32
        %dma_start3A_1327 = arith.constant 0 : i32
        %dma_start3A_1328 = tpu.memref_slice %arg9[%dma_start3A_1326, %dma_start3A_1327] : memref<1600x32xf32, #tpu.memory_space<vmem>> -> memref<64x32xf32, #tpu.memory_space<vmem>>
        %dma_start3A_1329 = arith.constant 0 : i32
        %dma_start3A_1330 = tpu.memref_slice %arg7[%dma_start3A_1325, %dma_start3A_1329] : memref<25x64xi32, #tpu.memory_space<vmem>> -> memref<1x64xi32, #tpu.memory_space<vmem>>
        %dma_start3A_1331 = tpu.memref_squeeze %dma_start3A_1330 : memref<1x64xi32, #tpu.memory_space<vmem>> -> memref<64xi32, #tpu.memory_space<vmem>>
        %dma_start3A_1332 = arith.constant 0 : i32
        %dma_start3A_1333 = arith.constant 0 : i32
        %dma_start3A_1334 = tpu.memref_slice %arg3[%dma_start3A_1332, %dma_start3A_1333] : memref<1000000x32xf32, #tpu.memory_space<hbm>> -> memref<1000000x32xf32, #tpu.memory_space<hbm>>
        tpu.enqueue_indirect_dma source(%dma_start3A_1334 : memref<1000000x32xf32, #tpu.memory_space<hbm>>) target(%dma_start3A_1328 : memref<64x32xf32, #tpu.memory_space<vmem>>) offsets(%dma_start3A_1331 : memref<64xi32, #tpu.memory_space<vmem>>) semaphore(%arg14 : memref<!tpu.dma_semaphore, #tpu.memory_space<semaphore_mem>>)
        %dma_start3A_1335 = arith.constant 14 : i32
        %dma_start3A_1336 = arith.constant 896 : i32
        %dma_start3A_1337 = arith.constant 0 : i32
        %dma_start3A_1338 = tpu.memref_slice %arg9[%dma_start3A_1336, %dma_start3A_1337] : memref<1600x32xf32, #tpu.memory_space<vmem>> -> memref<64x32xf32, #tpu.memory_space<vmem>>
        %dma_start3A_1339 = arith.constant 0 : i32
        %dma_start3A_1340 = tpu.memref_slice %arg7[%dma_start3A_1335, %dma_start3A_1339] : memref<25x64xi32, #tpu.memory_space<vmem>> -> memref<1x64xi32, #tpu.memory_space<vmem>>
        %dma_start3A_1341 = tpu.memref_squeeze %dma_start3A_1340 : memref<1x64xi32, #tpu.memory_space<vmem>> -> memref<64xi32, #tpu.memory_space<vmem>>
        %dma_start3A_1342 = arith.constant 0 : i32
        %dma_start3A_1343 = arith.constant 0 : i32
        %dma_start3A_1344 = tpu.memref_slice %arg3[%dma_start3A_1342, %dma_start3A_1343] : memref<1000000x32xf32, #tpu.memory_space<hbm>> -> memref<1000000x32xf32, #tpu.memory_space<hbm>>
        tpu.enqueue_indirect_dma source(%dma_start3A_1344 : memref<1000000x32xf32, #tpu.memory_space<hbm>>) target(%dma_start3A_1338 : memref<64x32xf32, #tpu.memory_space<vmem>>) offsets(%dma_start3A_1341 : memref<64xi32, #tpu.memory_space<vmem>>) semaphore(%arg14 : memref<!tpu.dma_semaphore, #tpu.memory_space<semaphore_mem>>)
        %dma_start3A_1345 = arith.constant 15 : i32
        %dma_start3A_1346 = arith.constant 960 : i32
        %dma_start3A_1347 = arith.constant 0 : i32
        %dma_start3A_1348 = tpu.memref_slice %arg9[%dma_start3A_1346, %dma_start3A_1347] : memref<1600x32xf32, #tpu.memory_space<vmem>> -> memref<64x32xf32, #tpu.memory_space<vmem>>
        %dma_start3A_1349 = arith.constant 0 : i32
        %dma_start3A_1350 = tpu.memref_slice %arg7[%dma_start3A_1345, %dma_start3A_1349] : memref<25x64xi32, #tpu.memory_space<vmem>> -> memref<1x64xi32, #tpu.memory_space<vmem>>
        %dma_start3A_1351 = tpu.memref_squeeze %dma_start3A_1350 : memref<1x64xi32, #tpu.memory_space<vmem>> -> memref<64xi32, #tpu.memory_space<vmem>>
        %dma_start3A_1352 = arith.constant 0 : i32
        %dma_start3A_1353 = arith.constant 0 : i32
        %dma_start3A_1354 = tpu.memref_slice %arg3[%dma_start3A_1352, %dma_start3A_1353] : memref<1000000x32xf32, #tpu.memory_space<hbm>> -> memref<1000000x32xf32, #tpu.memory_space<hbm>>
        tpu.enqueue_indirect_dma source(%dma_start3A_1354 : memref<1000000x32xf32, #tpu.memory_space<hbm>>) target(%dma_start3A_1348 : memref<64x32xf32, #tpu.memory_space<vmem>>) offsets(%dma_start3A_1351 : memref<64xi32, #tpu.memory_space<vmem>>) semaphore(%arg14 : memref<!tpu.dma_semaphore, #tpu.memory_space<semaphore_mem>>)
        %dma_start3A_1355 = arith.constant 16 : i32
        %dma_start3A_1356 = arith.constant 1024 : i32
        %dma_start3A_1357 = arith.constant 0 : i32
        %dma_start3A_1358 = tpu.memref_slice %arg9[%dma_start3A_1356, %dma_start3A_1357] : memref<1600x32xf32, #tpu.memory_space<vmem>> -> memref<64x32xf32, #tpu.memory_space<vmem>>
        %dma_start3A_1359 = arith.constant 0 : i32
        %dma_start3A_1360 = tpu.memref_slice %arg7[%dma_start3A_1355, %dma_start3A_1359] : memref<25x64xi32, #tpu.memory_space<vmem>> -> memref<1x64xi32, #tpu.memory_space<vmem>>
        %dma_start3A_1361 = tpu.memref_squeeze %dma_start3A_1360 : memref<1x64xi32, #tpu.memory_space<vmem>> -> memref<64xi32, #tpu.memory_space<vmem>>
        %dma_start3A_1362 = arith.constant 0 : i32
        %dma_start3A_1363 = arith.constant 0 : i32
        %dma_start3A_1364 = tpu.memref_slice %arg3[%dma_start3A_1362, %dma_start3A_1363] : memref<1000000x32xf32, #tpu.memory_space<hbm>> -> memref<1000000x32xf32, #tpu.memory_space<hbm>>
        tpu.enqueue_indirect_dma source(%dma_start3A_1364 : memref<1000000x32xf32, #tpu.memory_space<hbm>>) target(%dma_start3A_1358 : memref<64x32xf32, #tpu.memory_space<vmem>>) offsets(%dma_start3A_1361 : memref<64xi32, #tpu.memory_space<vmem>>) semaphore(%arg14 : memref<!tpu.dma_semaphore, #tpu.memory_space<semaphore_mem>>)
        %dma_start3A_1365 = arith.constant 17 : i32
        %dma_start3A_1366 = arith.constant 1088 : i32
        %dma_start3A_1367 = arith.constant 0 : i32
        %dma_start3A_1368 = tpu.memref_slice %arg9[%dma_start3A_1366, %dma_start3A_1367] : memref<1600x32xf32, #tpu.memory_space<vmem>> -> memref<64x32xf32, #tpu.memory_space<vmem>>
        %dma_start3A_1369 = arith.constant 0 : i32
        %dma_start3A_1370 = tpu.memref_slice %arg7[%dma_start3A_1365, %dma_start3A_1369] : memref<25x64xi32, #tpu.memory_space<vmem>> -> memref<1x64xi32, #tpu.memory_space<vmem>>
        %dma_start3A_1371 = tpu.memref_squeeze %dma_start3A_1370 : memref<1x64xi32, #tpu.memory_space<vmem>> -> memref<64xi32, #tpu.memory_space<vmem>>
        %dma_start3A_1372 = arith.constant 0 : i32
        %dma_start3A_1373 = arith.constant 0 : i32
        %dma_start3A_1374 = tpu.memref_slice %arg3[%dma_start3A_1372, %dma_start3A_1373] : memref<1000000x32xf32, #tpu.memory_space<hbm>> -> memref<1000000x32xf32, #tpu.memory_space<hbm>>
        tpu.enqueue_indirect_dma source(%dma_start3A_1374 : memref<1000000x32xf32, #tpu.memory_space<hbm>>) target(%dma_start3A_1368 : memref<64x32xf32, #tpu.memory_space<vmem>>) offsets(%dma_start3A_1371 : memref<64xi32, #tpu.memory_space<vmem>>) semaphore(%arg14 : memref<!tpu.dma_semaphore, #tpu.memory_space<semaphore_mem>>)
        %dma_start3A_1375 = arith.constant 18 : i32
        %dma_start3A_1376 = arith.constant 1152 : i32
        %dma_start3A_1377 = arith.constant 0 : i32
        %dma_start3A_1378 = tpu.memref_slice %arg9[%dma_start3A_1376, %dma_start3A_1377] : memref<1600x32xf32, #tpu.memory_space<vmem>> -> memref<64x32xf32, #tpu.memory_space<vmem>>
        %dma_start3A_1379 = arith.constant 0 : i32
        %dma_start3A_1380 = tpu.memref_slice %arg7[%dma_start3A_1375, %dma_start3A_1379] : memref<25x64xi32, #tpu.memory_space<vmem>> -> memref<1x64xi32, #tpu.memory_space<vmem>>
        %dma_start3A_1381 = tpu.memref_squeeze %dma_start3A_1380 : memref<1x64xi32, #tpu.memory_space<vmem>> -> memref<64xi32, #tpu.memory_space<vmem>>
        %dma_start3A_1382 = arith.constant 0 : i32
        %dma_start3A_1383 = arith.constant 0 : i32
        %dma_start3A_1384 = tpu.memref_slice %arg3[%dma_start3A_1382, %dma_start3A_1383] : memref<1000000x32xf32, #tpu.memory_space<hbm>> -> memref<1000000x32xf32, #tpu.memory_space<hbm>>
        tpu.enqueue_indirect_dma source(%dma_start3A_1384 : memref<1000000x32xf32, #tpu.memory_space<hbm>>) target(%dma_start3A_1378 : memref<64x32xf32, #tpu.memory_space<vmem>>) offsets(%dma_start3A_1381 : memref<64xi32, #tpu.memory_space<vmem>>) semaphore(%arg14 : memref<!tpu.dma_semaphore, #tpu.memory_space<semaphore_mem>>)
        %dma_start3A_1385 = arith.constant 19 : i32
        %dma_start3A_1386 = arith.constant 1216 : i32
        %dma_start3A_1387 = arith.constant 0 : i32
        %dma_start3A_1388 = tpu.memref_slice %arg9[%dma_start3A_1386, %dma_start3A_1387] : memref<1600x32xf32, #tpu.memory_space<vmem>> -> memref<64x32xf32, #tpu.memory_space<vmem>>
        %dma_start3A_1389 = arith.constant 0 : i32
        %dma_start3A_1390 = tpu.memref_slice %arg7[%dma_start3A_1385, %dma_start3A_1389] : memref<25x64xi32, #tpu.memory_space<vmem>> -> memref<1x64xi32, #tpu.memory_space<vmem>>
        %dma_start3A_1391 = tpu.memref_squeeze %dma_start3A_1390 : memref<1x64xi32, #tpu.memory_space<vmem>> -> memref<64xi32, #tpu.memory_space<vmem>>
        %dma_start3A_1392 = arith.constant 0 : i32
        %dma_start3A_1393 = arith.constant 0 : i32
        %dma_start3A_1394 = tpu.memref_slice %arg3[%dma_start3A_1392, %dma_start3A_1393] : memref<1000000x32xf32, #tpu.memory_space<hbm>> -> memref<1000000x32xf32, #tpu.memory_space<hbm>>
        tpu.enqueue_indirect_dma source(%dma_start3A_1394 : memref<1000000x32xf32, #tpu.memory_space<hbm>>) target(%dma_start3A_1388 : memref<64x32xf32, #tpu.memory_space<vmem>>) offsets(%dma_start3A_1391 : memref<64xi32, #tpu.memory_space<vmem>>) semaphore(%arg14 : memref<!tpu.dma_semaphore, #tpu.memory_space<semaphore_mem>>)
        %dma_start3A_1395 = arith.constant 20 : i32
        %dma_start3A_1396 = arith.constant 1280 : i32
        %dma_start3A_1397 = arith.constant 0 : i32
        %dma_start3A_1398 = tpu.memref_slice %arg9[%dma_start3A_1396, %dma_start3A_1397] : memref<1600x32xf32, #tpu.memory_space<vmem>> -> memref<64x32xf32, #tpu.memory_space<vmem>>
        %dma_start3A_1399 = arith.constant 0 : i32
        %dma_start3A_1400 = tpu.memref_slice %arg7[%dma_start3A_1395, %dma_start3A_1399] : memref<25x64xi32, #tpu.memory_space<vmem>> -> memref<1x64xi32, #tpu.memory_space<vmem>>
        %dma_start3A_1401 = tpu.memref_squeeze %dma_start3A_1400 : memref<1x64xi32, #tpu.memory_space<vmem>> -> memref<64xi32, #tpu.memory_space<vmem>>
        %dma_start3A_1402 = arith.constant 0 : i32
        %dma_start3A_1403 = arith.constant 0 : i32
        %dma_start3A_1404 = tpu.memref_slice %arg3[%dma_start3A_1402, %dma_start3A_1403] : memref<1000000x32xf32, #tpu.memory_space<hbm>> -> memref<1000000x32xf32, #tpu.memory_space<hbm>>
        tpu.enqueue_indirect_dma source(%dma_start3A_1404 : memref<1000000x32xf32, #tpu.memory_space<hbm>>) target(%dma_start3A_1398 : memref<64x32xf32, #tpu.memory_space<vmem>>) offsets(%dma_start3A_1401 : memref<64xi32, #tpu.memory_space<vmem>>) semaphore(%arg14 : memref<!tpu.dma_semaphore, #tpu.memory_space<semaphore_mem>>)
        %dma_start3A_1405 = arith.constant 21 : i32
        %dma_start3A_1406 = arith.constant 1344 : i32
        %dma_start3A_1407 = arith.constant 0 : i32
        %dma_start3A_1408 = tpu.memref_slice %arg9[%dma_start3A_1406, %dma_start3A_1407] : memref<1600x32xf32, #tpu.memory_space<vmem>> -> memref<64x32xf32, #tpu.memory_space<vmem>>
        %dma_start3A_1409 = arith.constant 0 : i32
        %dma_start3A_1410 = tpu.memref_slice %arg7[%dma_start3A_1405, %dma_start3A_1409] : memref<25x64xi32, #tpu.memory_space<vmem>> -> memref<1x64xi32, #tpu.memory_space<vmem>>
        %dma_start3A_1411 = tpu.memref_squeeze %dma_start3A_1410 : memref<1x64xi32, #tpu.memory_space<vmem>> -> memref<64xi32, #tpu.memory_space<vmem>>
        %dma_start3A_1412 = arith.constant 0 : i32
        %dma_start3A_1413 = arith.constant 0 : i32
        %dma_start3A_1414 = tpu.memref_slice %arg3[%dma_start3A_1412, %dma_start3A_1413] : memref<1000000x32xf32, #tpu.memory_space<hbm>> -> memref<1000000x32xf32, #tpu.memory_space<hbm>>
        tpu.enqueue_indirect_dma source(%dma_start3A_1414 : memref<1000000x32xf32, #tpu.memory_space<hbm>>) target(%dma_start3A_1408 : memref<64x32xf32, #tpu.memory_space<vmem>>) offsets(%dma_start3A_1411 : memref<64xi32, #tpu.memory_space<vmem>>) semaphore(%arg14 : memref<!tpu.dma_semaphore, #tpu.memory_space<semaphore_mem>>)
        %dma_start3A_1415 = arith.constant 22 : i32
        %dma_start3A_1416 = arith.constant 1408 : i32
        %dma_start3A_1417 = arith.constant 0 : i32
        %dma_start3A_1418 = tpu.memref_slice %arg9[%dma_start3A_1416, %dma_start3A_1417] : memref<1600x32xf32, #tpu.memory_space<vmem>> -> memref<64x32xf32, #tpu.memory_space<vmem>>
        %dma_start3A_1419 = arith.constant 0 : i32
        %dma_start3A_1420 = tpu.memref_slice %arg7[%dma_start3A_1415, %dma_start3A_1419] : memref<25x64xi32, #tpu.memory_space<vmem>> -> memref<1x64xi32, #tpu.memory_space<vmem>>
        %dma_start3A_1421 = tpu.memref_squeeze %dma_start3A_1420 : memref<1x64xi32, #tpu.memory_space<vmem>> -> memref<64xi32, #tpu.memory_space<vmem>>
        %dma_start3A_1422 = arith.constant 0 : i32
        %dma_start3A_1423 = arith.constant 0 : i32
        %dma_start3A_1424 = tpu.memref_slice %arg3[%dma_start3A_1422, %dma_start3A_1423] : memref<1000000x32xf32, #tpu.memory_space<hbm>> -> memref<1000000x32xf32, #tpu.memory_space<hbm>>
        tpu.enqueue_indirect_dma source(%dma_start3A_1424 : memref<1000000x32xf32, #tpu.memory_space<hbm>>) target(%dma_start3A_1418 : memref<64x32xf32, #tpu.memory_space<vmem>>) offsets(%dma_start3A_1421 : memref<64xi32, #tpu.memory_space<vmem>>) semaphore(%arg14 : memref<!tpu.dma_semaphore, #tpu.memory_space<semaphore_mem>>)
        %dma_start3A_1425 = arith.constant 23 : i32
        %dma_start3A_1426 = arith.constant 1472 : i32
        %dma_start3A_1427 = arith.constant 0 : i32
        %dma_start3A_1428 = tpu.memref_slice %arg9[%dma_start3A_1426, %dma_start3A_1427] : memref<1600x32xf32, #tpu.memory_space<vmem>> -> memref<64x32xf32, #tpu.memory_space<vmem>>
        %dma_start3A_1429 = arith.constant 0 : i32
        %dma_start3A_1430 = tpu.memref_slice %arg7[%dma_start3A_1425, %dma_start3A_1429] : memref<25x64xi32, #tpu.memory_space<vmem>> -> memref<1x64xi32, #tpu.memory_space<vmem>>
        %dma_start3A_1431 = tpu.memref_squeeze %dma_start3A_1430 : memref<1x64xi32, #tpu.memory_space<vmem>> -> memref<64xi32, #tpu.memory_space<vmem>>
        %dma_start3A_1432 = arith.constant 0 : i32
        %dma_start3A_1433 = arith.constant 0 : i32
        %dma_start3A_1434 = tpu.memref_slice %arg3[%dma_start3A_1432, %dma_start3A_1433] : memref<1000000x32xf32, #tpu.memory_space<hbm>> -> memref<1000000x32xf32, #tpu.memory_space<hbm>>
        tpu.enqueue_indirect_dma source(%dma_start3A_1434 : memref<1000000x32xf32, #tpu.memory_space<hbm>>) target(%dma_start3A_1428 : memref<64x32xf32, #tpu.memory_space<vmem>>) offsets(%dma_start3A_1431 : memref<64xi32, #tpu.memory_space<vmem>>) semaphore(%arg14 : memref<!tpu.dma_semaphore, #tpu.memory_space<semaphore_mem>>)
        %dma_start3A_1435 = arith.constant 24 : i32
        %dma_start3A_1436 = arith.constant 1536 : i32
        %dma_start3A_1437 = arith.constant 0 : i32
        %dma_start3A_1438 = tpu.memref_slice %arg9[%dma_start3A_1436, %dma_start3A_1437] : memref<1600x32xf32, #tpu.memory_space<vmem>> -> memref<64x32xf32, #tpu.memory_space<vmem>>
        %dma_start3A_1439 = arith.constant 0 : i32
        %dma_start3A_1440 = tpu.memref_slice %arg7[%dma_start3A_1435, %dma_start3A_1439] : memref<25x64xi32, #tpu.memory_space<vmem>> -> memref<1x64xi32, #tpu.memory_space<vmem>>
        %dma_start3A_1441 = tpu.memref_squeeze %dma_start3A_1440 : memref<1x64xi32, #tpu.memory_space<vmem>> -> memref<64xi32, #tpu.memory_space<vmem>>
        %dma_start3A_1442 = arith.constant 0 : i32
        %dma_start3A_1443 = arith.constant 0 : i32
        %dma_start3A_1444 = tpu.memref_slice %arg3[%dma_start3A_1442, %dma_start3A_1443] : memref<1000000x32xf32, #tpu.memory_space<hbm>> -> memref<1000000x32xf32, #tpu.memory_space<hbm>>
        tpu.enqueue_indirect_dma source(%dma_start3A_1444 : memref<1000000x32xf32, #tpu.memory_space<hbm>>) target(%dma_start3A_1438 : memref<64x32xf32, #tpu.memory_space<vmem>>) offsets(%dma_start3A_1441 : memref<64xi32, #tpu.memory_space<vmem>>) semaphore(%arg14 : memref<!tpu.dma_semaphore, #tpu.memory_space<semaphore_mem>>)
      } else {
      }
    }
    %scan3A_512 = arith.constant 8 : i32
    "tpu.region"() ({
      %run_scoped3A = tpu.sem_alloc : memref<!tpu.dma_semaphore, #tpu.memory_space<semaphore_mem>>
      tpu.enqueue_dma source(%arg4 : memref<80xf32, #tpu.memory_space<hbm>>) target(%arg12 : memref<80xf32, #tpu.memory_space<vmem>>) target_semaphore(%run_scoped3A : memref<!tpu.dma_semaphore, #tpu.memory_space<semaphore_mem>>)
      tpu.wait_dma2 semaphore(%run_scoped3A : memref<!tpu.dma_semaphore, #tpu.memory_space<semaphore_mem>>) src(%arg4 : memref<80xf32, #tpu.memory_space<hbm>>) dst(%arg12 : memref<80xf32, #tpu.memory_space<vmem>>)
      tpu.yield
    }) : () -> ()
    %get3A = arith.constant 0 : index
    %get3A_513 = tpu.vector_load %arg12[%get3A] {strides = array<i32>} : memref<80xf32, #tpu.memory_space<vmem>>, vector<16xf32>,
    %get3A_514 = arith.constant 16 : index
    %get3A_515 = tpu.vector_load %arg12[%get3A_514] {strides = array<i32>} : memref<80xf32, #tpu.memory_space<vmem>>, vector<16xf32>,
    %get3A_516 = arith.constant 32 : index
    %get3A_517 = tpu.vector_load %arg12[%get3A_516] {strides = array<i32>} : memref<80xf32, #tpu.memory_space<vmem>>, vector<16xf32>,
    %get3A_518 = arith.constant 48 : index
    %get3A_519 = tpu.vector_load %arg12[%get3A_518] {strides = array<i32>} : memref<80xf32, #tpu.memory_space<vmem>>, vector<16xf32>,
    %get3A_520 = arith.constant 64 : index
    %get3A_521 = tpu.vector_load %arg12[%get3A_520] {strides = array<i32>} : memref<80xf32, #tpu.memory_space<vmem>>, vector<16xf32>,
    %slice3A = vector.extract_strided_slice %get3A_513 {offsets = [0], sizes = [1], strides = [1]} : vector<16xf32> to vector<1xf32>
    %squeeze3A = vector.extract %slice3A[0] : f32 from vector<1xf32>
    %slice3A_522 = vector.extract_strided_slice %get3A_513 {offsets = [1], sizes = [1], strides = [1]} : vector<16xf32> to vector<1xf32>
    %squeeze3A_523 = vector.extract %slice3A_522[0] : f32 from vector<1xf32>
    %slice3A_524 = vector.extract_strided_slice %get3A_513 {offsets = [2], sizes = [1], strides = [1]} : vector<16xf32> to vector<1xf32>
    %squeeze3A_525 = vector.extract %slice3A_524[0] : f32 from vector<1xf32>
    %slice3A_526 = vector.extract_strided_slice %get3A_513 {offsets = [3], sizes = [1], strides = [1]} : vector<16xf32> to vector<1xf32>
    %squeeze3A_527 = vector.extract %slice3A_526[0] : f32 from vector<1xf32>
    %slice3A_528 = vector.extract_strided_slice %get3A_513 {offsets = [4], sizes = [1], strides = [1]} : vector<16xf32> to vector<1xf32>
    %squeeze3A_529 = vector.extract %slice3A_528[0] : f32 from vector<1xf32>
    %slice3A_530 = vector.extract_strided_slice %get3A_513 {offsets = [5], sizes = [1], strides = [1]} : vector<16xf32> to vector<1xf32>
    %squeeze3A_531 = vector.extract %slice3A_530[0] : f32 from vector<1xf32>
    %slice3A_532 = vector.extract_strided_slice %get3A_513 {offsets = [6], sizes = [1], strides = [1]} : vector<16xf32> to vector<1xf32>
    %squeeze3A_533 = vector.extract %slice3A_532[0] : f32 from vector<1xf32>
    %slice3A_534 = vector.extract_strided_slice %get3A_513 {offsets = [7], sizes = [1], strides = [1]} : vector<16xf32> to vector<1xf32>
    %squeeze3A_535 = vector.extract %slice3A_534[0] : f32 from vector<1xf32>
    %slice3A_536 = vector.extract_strided_slice %get3A_513 {offsets = [8], sizes = [1], strides = [1]} : vector<16xf32> to vector<1xf32>
    %squeeze3A_537 = vector.extract %slice3A_536[0] : f32 from vector<1xf32>
    %slice3A_538 = vector.extract_strided_slice %get3A_513 {offsets = [9], sizes = [1], strides = [1]} : vector<16xf32> to vector<1xf32>
    %squeeze3A_539 = vector.extract %slice3A_538[0] : f32 from vector<1xf32>
    %slice3A_540 = vector.extract_strided_slice %get3A_513 {offsets = [10], sizes = [1], strides = [1]} : vector<16xf32> to vector<1xf32>
    %squeeze3A_541 = vector.extract %slice3A_540[0] : f32 from vector<1xf32>
    %slice3A_542 = vector.extract_strided_slice %get3A_513 {offsets = [11], sizes = [1], strides = [1]} : vector<16xf32> to vector<1xf32>
    %squeeze3A_543 = vector.extract %slice3A_542[0] : f32 from vector<1xf32>
    %slice3A_544 = vector.extract_strided_slice %get3A_513 {offsets = [12], sizes = [1], strides = [1]} : vector<16xf32> to vector<1xf32>
    %squeeze3A_545 = vector.extract %slice3A_544[0] : f32 from vector<1xf32>
    %slice3A_546 = vector.extract_strided_slice %get3A_513 {offsets = [13], sizes = [1], strides = [1]} : vector<16xf32> to vector<1xf32>
    %squeeze3A_547 = vector.extract %slice3A_546[0] : f32 from vector<1xf32>
    %slice3A_548 = vector.extract_strided_slice %get3A_513 {offsets = [14], sizes = [1], strides = [1]} : vector<16xf32> to vector<1xf32>
    %squeeze3A_549 = vector.extract %slice3A_548[0] : f32 from vector<1xf32>
    %slice3A_550 = vector.extract_strided_slice %get3A_513 {offsets = [15], sizes = [1], strides = [1]} : vector<16xf32> to vector<1xf32>
    %squeeze3A_551 = vector.extract %slice3A_550[0] : f32 from vector<1xf32>
    %slice3A_552 = vector.extract_strided_slice %get3A_515 {offsets = [0], sizes = [1], strides = [1]} : vector<16xf32> to vector<1xf32>
    %squeeze3A_553 = vector.extract %slice3A_552[0] : f32 from vector<1xf32>
    %slice3A_554 = vector.extract_strided_slice %get3A_515 {offsets = [1], sizes = [1], strides = [1]} : vector<16xf32> to vector<1xf32>
    %squeeze3A_555 = vector.extract %slice3A_554[0] : f32 from vector<1xf32>
    %slice3A_556 = vector.extract_strided_slice %get3A_515 {offsets = [2], sizes = [1], strides = [1]} : vector<16xf32> to vector<1xf32>
    %squeeze3A_557 = vector.extract %slice3A_556[0] : f32 from vector<1xf32>
    %slice3A_558 = vector.extract_strided_slice %get3A_515 {offsets = [3], sizes = [1], strides = [1]} : vector<16xf32> to vector<1xf32>
    %squeeze3A_559 = vector.extract %slice3A_558[0] : f32 from vector<1xf32>
    %slice3A_560 = vector.extract_strided_slice %get3A_515 {offsets = [4], sizes = [1], strides = [1]} : vector<16xf32> to vector<1xf32>
    %squeeze3A_561 = vector.extract %slice3A_560[0] : f32 from vector<1xf32>
    %slice3A_562 = vector.extract_strided_slice %get3A_515 {offsets = [5], sizes = [1], strides = [1]} : vector<16xf32> to vector<1xf32>
    %squeeze3A_563 = vector.extract %slice3A_562[0] : f32 from vector<1xf32>
    %slice3A_564 = vector.extract_strided_slice %get3A_515 {offsets = [6], sizes = [1], strides = [1]} : vector<16xf32> to vector<1xf32>
    %squeeze3A_565 = vector.extract %slice3A_564[0] : f32 from vector<1xf32>
    %slice3A_566 = vector.extract_strided_slice %get3A_515 {offsets = [7], sizes = [1], strides = [1]} : vector<16xf32> to vector<1xf32>
    %squeeze3A_567 = vector.extract %slice3A_566[0] : f32 from vector<1xf32>
    %slice3A_568 = vector.extract_strided_slice %get3A_515 {offsets = [8], sizes = [1], strides = [1]} : vector<16xf32> to vector<1xf32>
    %squeeze3A_569 = vector.extract %slice3A_568[0] : f32 from vector<1xf32>
    %slice3A_570 = vector.extract_strided_slice %get3A_515 {offsets = [9], sizes = [1], strides = [1]} : vector<16xf32> to vector<1xf32>
    %squeeze3A_571 = vector.extract %slice3A_570[0] : f32 from vector<1xf32>
    %slice3A_572 = vector.extract_strided_slice %get3A_515 {offsets = [10], sizes = [1], strides = [1]} : vector<16xf32> to vector<1xf32>
    %squeeze3A_573 = vector.extract %slice3A_572[0] : f32 from vector<1xf32>
    %slice3A_574 = vector.extract_strided_slice %get3A_515 {offsets = [11], sizes = [1], strides = [1]} : vector<16xf32> to vector<1xf32>
    %squeeze3A_575 = vector.extract %slice3A_574[0] : f32 from vector<1xf32>
    %slice3A_576 = vector.extract_strided_slice %get3A_515 {offsets = [12], sizes = [1], strides = [1]} : vector<16xf32> to vector<1xf32>
    %squeeze3A_577 = vector.extract %slice3A_576[0] : f32 from vector<1xf32>
    %slice3A_578 = vector.extract_strided_slice %get3A_515 {offsets = [13], sizes = [1], strides = [1]} : vector<16xf32> to vector<1xf32>
    %squeeze3A_579 = vector.extract %slice3A_578[0] : f32 from vector<1xf32>
    %slice3A_580 = vector.extract_strided_slice %get3A_515 {offsets = [14], sizes = [1], strides = [1]} : vector<16xf32> to vector<1xf32>
    %squeeze3A_581 = vector.extract %slice3A_580[0] : f32 from vector<1xf32>
    %slice3A_582 = vector.extract_strided_slice %get3A_515 {offsets = [15], sizes = [1], strides = [1]} : vector<16xf32> to vector<1xf32>
    %squeeze3A_583 = vector.extract %slice3A_582[0] : f32 from vector<1xf32>
    %slice3A_584 = vector.extract_strided_slice %get3A_517 {offsets = [0], sizes = [1], strides = [1]} : vector<16xf32> to vector<1xf32>
    %squeeze3A_585 = vector.extract %slice3A_584[0] : f32 from vector<1xf32>
    %slice3A_586 = vector.extract_strided_slice %get3A_517 {offsets = [1], sizes = [1], strides = [1]} : vector<16xf32> to vector<1xf32>
    %squeeze3A_587 = vector.extract %slice3A_586[0] : f32 from vector<1xf32>
    %slice3A_588 = vector.extract_strided_slice %get3A_517 {offsets = [2], sizes = [1], strides = [1]} : vector<16xf32> to vector<1xf32>
    %squeeze3A_589 = vector.extract %slice3A_588[0] : f32 from vector<1xf32>
    %slice3A_590 = vector.extract_strided_slice %get3A_517 {offsets = [3], sizes = [1], strides = [1]} : vector<16xf32> to vector<1xf32>
    %squeeze3A_591 = vector.extract %slice3A_590[0] : f32 from vector<1xf32>
    %slice3A_592 = vector.extract_strided_slice %get3A_517 {offsets = [4], sizes = [1], strides = [1]} : vector<16xf32> to vector<1xf32>
    %squeeze3A_593 = vector.extract %slice3A_592[0] : f32 from vector<1xf32>
    %slice3A_594 = vector.extract_strided_slice %get3A_517 {offsets = [5], sizes = [1], strides = [1]} : vector<16xf32> to vector<1xf32>
    %squeeze3A_595 = vector.extract %slice3A_594[0] : f32 from vector<1xf32>
    %slice3A_596 = vector.extract_strided_slice %get3A_517 {offsets = [6], sizes = [1], strides = [1]} : vector<16xf32> to vector<1xf32>
    %squeeze3A_597 = vector.extract %slice3A_596[0] : f32 from vector<1xf32>
    %slice3A_598 = vector.extract_strided_slice %get3A_517 {offsets = [7], sizes = [1], strides = [1]} : vector<16xf32> to vector<1xf32>
    %squeeze3A_599 = vector.extract %slice3A_598[0] : f32 from vector<1xf32>
    %slice3A_600 = vector.extract_strided_slice %get3A_517 {offsets = [8], sizes = [1], strides = [1]} : vector<16xf32> to vector<1xf32>
    %squeeze3A_601 = vector.extract %slice3A_600[0] : f32 from vector<1xf32>
    %slice3A_602 = vector.extract_strided_slice %get3A_517 {offsets = [9], sizes = [1], strides = [1]} : vector<16xf32> to vector<1xf32>
    %squeeze3A_603 = vector.extract %slice3A_602[0] : f32 from vector<1xf32>
    %slice3A_604 = vector.extract_strided_slice %get3A_517 {offsets = [10], sizes = [1], strides = [1]} : vector<16xf32> to vector<1xf32>
    %squeeze3A_605 = vector.extract %slice3A_604[0] : f32 from vector<1xf32>
    %slice3A_606 = vector.extract_strided_slice %get3A_517 {offsets = [11], sizes = [1], strides = [1]} : vector<16xf32> to vector<1xf32>
    %squeeze3A_607 = vector.extract %slice3A_606[0] : f32 from vector<1xf32>
    %slice3A_608 = vector.extract_strided_slice %get3A_517 {offsets = [12], sizes = [1], strides = [1]} : vector<16xf32> to vector<1xf32>
    %squeeze3A_609 = vector.extract %slice3A_608[0] : f32 from vector<1xf32>
    %slice3A_610 = vector.extract_strided_slice %get3A_517 {offsets = [13], sizes = [1], strides = [1]} : vector<16xf32> to vector<1xf32>
    %squeeze3A_611 = vector.extract %slice3A_610[0] : f32 from vector<1xf32>
    %slice3A_612 = vector.extract_strided_slice %get3A_517 {offsets = [14], sizes = [1], strides = [1]} : vector<16xf32> to vector<1xf32>
    %squeeze3A_613 = vector.extract %slice3A_612[0] : f32 from vector<1xf32>
    %slice3A_614 = vector.extract_strided_slice %get3A_517 {offsets = [15], sizes = [1], strides = [1]} : vector<16xf32> to vector<1xf32>
    %squeeze3A_615 = vector.extract %slice3A_614[0] : f32 from vector<1xf32>
    %slice3A_616 = vector.extract_strided_slice %get3A_519 {offsets = [0], sizes = [1], strides = [1]} : vector<16xf32> to vector<1xf32>
    %squeeze3A_617 = vector.extract %slice3A_616[0] : f32 from vector<1xf32>
    %slice3A_618 = vector.extract_strided_slice %get3A_519 {offsets = [1], sizes = [1], strides = [1]} : vector<16xf32> to vector<1xf32>
    %squeeze3A_619 = vector.extract %slice3A_618[0] : f32 from vector<1xf32>
    %slice3A_620 = vector.extract_strided_slice %get3A_519 {offsets = [2], sizes = [1], strides = [1]} : vector<16xf32> to vector<1xf32>
    %squeeze3A_621 = vector.extract %slice3A_620[0] : f32 from vector<1xf32>
    %slice3A_622 = vector.extract_strided_slice %get3A_519 {offsets = [3], sizes = [1], strides = [1]} : vector<16xf32> to vector<1xf32>
    %squeeze3A_623 = vector.extract %slice3A_622[0] : f32 from vector<1xf32>
    %slice3A_624 = vector.extract_strided_slice %get3A_519 {offsets = [4], sizes = [1], strides = [1]} : vector<16xf32> to vector<1xf32>
    %squeeze3A_625 = vector.extract %slice3A_624[0] : f32 from vector<1xf32>
    %slice3A_626 = vector.extract_strided_slice %get3A_519 {offsets = [5], sizes = [1], strides = [1]} : vector<16xf32> to vector<1xf32>
    %squeeze3A_627 = vector.extract %slice3A_626[0] : f32 from vector<1xf32>
    %slice3A_628 = vector.extract_strided_slice %get3A_519 {offsets = [6], sizes = [1], strides = [1]} : vector<16xf32> to vector<1xf32>
    %squeeze3A_629 = vector.extract %slice3A_628[0] : f32 from vector<1xf32>
    %slice3A_630 = vector.extract_strided_slice %get3A_519 {offsets = [7], sizes = [1], strides = [1]} : vector<16xf32> to vector<1xf32>
    %squeeze3A_631 = vector.extract %slice3A_630[0] : f32 from vector<1xf32>
    %slice3A_632 = vector.extract_strided_slice %get3A_519 {offsets = [8], sizes = [1], strides = [1]} : vector<16xf32> to vector<1xf32>
    %squeeze3A_633 = vector.extract %slice3A_632[0] : f32 from vector<1xf32>
    %slice3A_634 = vector.extract_strided_slice %get3A_519 {offsets = [9], sizes = [1], strides = [1]} : vector<16xf32> to vector<1xf32>
    %squeeze3A_635 = vector.extract %slice3A_634[0] : f32 from vector<1xf32>
    %slice3A_636 = vector.extract_strided_slice %get3A_519 {offsets = [10], sizes = [1], strides = [1]} : vector<16xf32> to vector<1xf32>
    %squeeze3A_637 = vector.extract %slice3A_636[0] : f32 from vector<1xf32>
    %slice3A_638 = vector.extract_strided_slice %get3A_519 {offsets = [11], sizes = [1], strides = [1]} : vector<16xf32> to vector<1xf32>
    %squeeze3A_639 = vector.extract %slice3A_638[0] : f32 from vector<1xf32>
    %slice3A_640 = vector.extract_strided_slice %get3A_519 {offsets = [12], sizes = [1], strides = [1]} : vector<16xf32> to vector<1xf32>
    %squeeze3A_641 = vector.extract %slice3A_640[0] : f32 from vector<1xf32>
    %slice3A_642 = vector.extract_strided_slice %get3A_519 {offsets = [13], sizes = [1], strides = [1]} : vector<16xf32> to vector<1xf32>
    %squeeze3A_643 = vector.extract %slice3A_642[0] : f32 from vector<1xf32>
    %slice3A_644 = vector.extract_strided_slice %get3A_519 {offsets = [14], sizes = [1], strides = [1]} : vector<16xf32> to vector<1xf32>
    %squeeze3A_645 = vector.extract %slice3A_644[0] : f32 from vector<1xf32>
    %slice3A_646 = vector.extract_strided_slice %get3A_519 {offsets = [15], sizes = [1], strides = [1]} : vector<16xf32> to vector<1xf32>
    %squeeze3A_647 = vector.extract %slice3A_646[0] : f32 from vector<1xf32>
    %slice3A_648 = vector.extract_strided_slice %get3A_521 {offsets = [0], sizes = [1], strides = [1]} : vector<16xf32> to vector<1xf32>
    %squeeze3A_649 = vector.extract %slice3A_648[0] : f32 from vector<1xf32>
    %slice3A_650 = vector.extract_strided_slice %get3A_521 {offsets = [1], sizes = [1], strides = [1]} : vector<16xf32> to vector<1xf32>
    %squeeze3A_651 = vector.extract %slice3A_650[0] : f32 from vector<1xf32>
    %iota3A = tpu.iota {dimensions = array<i32: 0>} : vector<16xi32>
    %scan3A_652 = arith.constant 0 : i32
    %scan3A_653 = arith.constant 2.000000e-02 : f32
    %scan3A_654 = arith.constant 0 : i32
    %scan3A_655 = arith.constant 32 : i32
    %scan3A_656 = arith.addi %scan3A_654, %scan3A_655 : i32
    %scan3A_657 = arith.constant 1 : i32
    scf.for %scan3A_663 = %scan3A_654 to %scan3A_656 step %scan3A_657  : i32 {
      %mul3A_664 = arith.constant 16 : i32
      %mul3A_665 = arith.muli %scan3A_663, %mul3A_664 : i32
      %add3A_666 = vector.broadcast %mul3A_665 : i32 to vector<16xi32>
      %add3A_667 = arith.addi %add3A_666, %iota3A : vector<16xi32>
      %broadcast_in_dim3A = arith.constant 0.000000e+00 : f32
      %broadcast_in_dim3A_668 = vector.broadcast %broadcast_in_dim3A : f32 to vector<16xf32>
      %broadcast_in_dim3A_669 = arith.constant 0.000000e+00 : f32
      %broadcast_in_dim3A_670 = vector.broadcast %broadcast_in_dim3A_669 : f32 to vector<16xf32>
      %broadcast_in_dim3A_671 = arith.constant 0 : i32
      %broadcast_in_dim3A_672 = vector.broadcast %broadcast_in_dim3A_671 : i32 to vector<16xi32>
      %gather3A = tpu.vector_load_idx %arg10[%add3A_667, %broadcast_in_dim3A_672] : memref<512x32xf32, #tpu.memory_space<vmem>>[vector<16xi32>, vector<16xi32>], vector<16xf32>,
      %mul3A_673 = vector.broadcast %squeeze3A : f32 to vector<16xf32>
      %mul3A_674 = arith.mulf %gather3A, %mul3A_673 : vector<16xf32>
      %add3A_675 = arith.addf %broadcast_in_dim3A_668, %mul3A_674 : vector<16xf32>
      %mul3A_676 = vector.broadcast %squeeze3A_585 : f32 to vector<16xf32>
      %mul3A_677 = arith.mulf %gather3A, %mul3A_676 : vector<16xf32>
      %add3A_678 = arith.addf %broadcast_in_dim3A_670, %mul3A_677 : vector<16xf32>
      %broadcast_in_dim3A_679 = arith.constant 1 : i32
      %broadcast_in_dim3A_680 = vector.broadcast %broadcast_in_dim3A_679 : i32 to vector<16xi32>
      %gather3A_681 = tpu.vector_load_idx %arg10[%add3A_667, %broadcast_in_dim3A_680] : memref<512x32xf32, #tpu.memory_space<vmem>>[vector<16xi32>, vector<16xi32>], vector<16xf32>,
      %mul3A_682 = vector.broadcast %squeeze3A_523 : f32 to vector<16xf32>
      %mul3A_683 = arith.mulf %gather3A_681, %mul3A_682 : vector<16xf32>
      %add3A_684 = arith.addf %add3A_675, %mul3A_683 : vector<16xf32>
      %mul3A_685 = vector.broadcast %squeeze3A_587 : f32 to vector<16xf32>
      %mul3A_686 = arith.mulf %gather3A_681, %mul3A_685 : vector<16xf32>
      %add3A_687 = arith.addf %add3A_678, %mul3A_686 : vector<16xf32>
      %broadcast_in_dim3A_688 = arith.constant 2 : i32
      %broadcast_in_dim3A_689 = vector.broadcast %broadcast_in_dim3A_688 : i32 to vector<16xi32>
      %gather3A_690 = tpu.vector_load_idx %arg10[%add3A_667, %broadcast_in_dim3A_689] : memref<512x32xf32, #tpu.memory_space<vmem>>[vector<16xi32>, vector<16xi32>], vector<16xf32>,
      %mul3A_691 = vector.broadcast %squeeze3A_525 : f32 to vector<16xf32>
      %mul3A_692 = arith.mulf %gather3A_690, %mul3A_691 : vector<16xf32>
      %add3A_693 = arith.addf %add3A_684, %mul3A_692 : vector<16xf32>
      %mul3A_694 = vector.broadcast %squeeze3A_589 : f32 to vector<16xf32>
      %mul3A_695 = arith.mulf %gather3A_690, %mul3A_694 : vector<16xf32>
      %add3A_696 = arith.addf %add3A_687, %mul3A_695 : vector<16xf32>
      %broadcast_in_dim3A_697 = arith.constant 3 : i32
      %broadcast_in_dim3A_698 = vector.broadcast %broadcast_in_dim3A_697 : i32 to vector<16xi32>
      %gather3A_699 = tpu.vector_load_idx %arg10[%add3A_667, %broadcast_in_dim3A_698] : memref<512x32xf32, #tpu.memory_space<vmem>>[vector<16xi32>, vector<16xi32>], vector<16xf32>,
      %mul3A_700 = vector.broadcast %squeeze3A_527 : f32 to vector<16xf32>
      %mul3A_701 = arith.mulf %gather3A_699, %mul3A_700 : vector<16xf32>
      %add3A_702 = arith.addf %add3A_693, %mul3A_701 : vector<16xf32>
      %mul3A_703 = vector.broadcast %squeeze3A_591 : f32 to vector<16xf32>
      %mul3A_704 = arith.mulf %gather3A_699, %mul3A_703 : vector<16xf32>
      %add3A_705 = arith.addf %add3A_696, %mul3A_704 : vector<16xf32>
      %broadcast_in_dim3A_706 = arith.constant 4 : i32
      %broadcast_in_dim3A_707 = vector.broadcast %broadcast_in_dim3A_706 : i32 to vector<16xi32>
      %gather3A_708 = tpu.vector_load_idx %arg10[%add3A_667, %broadcast_in_dim3A_707] : memref<512x32xf32, #tpu.memory_space<vmem>>[vector<16xi32>, vector<16xi32>], vector<16xf32>,
      %mul3A_709 = vector.broadcast %squeeze3A_529 : f32 to vector<16xf32>
      %mul3A_710 = arith.mulf %gather3A_708, %mul3A_709 : vector<16xf32>
      %add3A_711 = arith.addf %add3A_702, %mul3A_710 : vector<16xf32>
      %mul3A_712 = vector.broadcast %squeeze3A_593 : f32 to vector<16xf32>
      %mul3A_713 = arith.mulf %gather3A_708, %mul3A_712 : vector<16xf32>
      %add3A_714 = arith.addf %add3A_705, %mul3A_713 : vector<16xf32>
      %broadcast_in_dim3A_715 = arith.constant 5 : i32
      %broadcast_in_dim3A_716 = vector.broadcast %broadcast_in_dim3A_715 : i32 to vector<16xi32>
      %gather3A_717 = tpu.vector_load_idx %arg10[%add3A_667, %broadcast_in_dim3A_716] : memref<512x32xf32, #tpu.memory_space<vmem>>[vector<16xi32>, vector<16xi32>], vector<16xf32>,
      %mul3A_718 = vector.broadcast %squeeze3A_531 : f32 to vector<16xf32>
      %mul3A_719 = arith.mulf %gather3A_717, %mul3A_718 : vector<16xf32>
      %add3A_720 = arith.addf %add3A_711, %mul3A_719 : vector<16xf32>
      %mul3A_721 = vector.broadcast %squeeze3A_595 : f32 to vector<16xf32>
      %mul3A_722 = arith.mulf %gather3A_717, %mul3A_721 : vector<16xf32>
      %add3A_723 = arith.addf %add3A_714, %mul3A_722 : vector<16xf32>
      %broadcast_in_dim3A_724 = arith.constant 6 : i32
      %broadcast_in_dim3A_725 = vector.broadcast %broadcast_in_dim3A_724 : i32 to vector<16xi32>
      %gather3A_726 = tpu.vector_load_idx %arg10[%add3A_667, %broadcast_in_dim3A_725] : memref<512x32xf32, #tpu.memory_space<vmem>>[vector<16xi32>, vector<16xi32>], vector<16xf32>,
      %mul3A_727 = vector.broadcast %squeeze3A_533 : f32 to vector<16xf32>
      %mul3A_728 = arith.mulf %gather3A_726, %mul3A_727 : vector<16xf32>
      %add3A_729 = arith.addf %add3A_720, %mul3A_728 : vector<16xf32>
      %mul3A_730 = vector.broadcast %squeeze3A_597 : f32 to vector<16xf32>
      %mul3A_731 = arith.mulf %gather3A_726, %mul3A_730 : vector<16xf32>
      %add3A_732 = arith.addf %add3A_723, %mul3A_731 : vector<16xf32>
      %broadcast_in_dim3A_733 = arith.constant 7 : i32
      %broadcast_in_dim3A_734 = vector.broadcast %broadcast_in_dim3A_733 : i32 to vector<16xi32>
      %gather3A_735 = tpu.vector_load_idx %arg10[%add3A_667, %broadcast_in_dim3A_734] : memref<512x32xf32, #tpu.memory_space<vmem>>[vector<16xi32>, vector<16xi32>], vector<16xf32>,
      %mul3A_736 = vector.broadcast %squeeze3A_535 : f32 to vector<16xf32>
      %mul3A_737 = arith.mulf %gather3A_735, %mul3A_736 : vector<16xf32>
      %add3A_738 = arith.addf %add3A_729, %mul3A_737 : vector<16xf32>
      %mul3A_739 = vector.broadcast %squeeze3A_599 : f32 to vector<16xf32>
      %mul3A_740 = arith.mulf %gather3A_735, %mul3A_739 : vector<16xf32>
      %add3A_741 = arith.addf %add3A_732, %mul3A_740 : vector<16xf32>
      %broadcast_in_dim3A_742 = arith.constant 8 : i32
      %broadcast_in_dim3A_743 = vector.broadcast %broadcast_in_dim3A_742 : i32 to vector<16xi32>
      %gather3A_744 = tpu.vector_load_idx %arg10[%add3A_667, %broadcast_in_dim3A_743] : memref<512x32xf32, #tpu.memory_space<vmem>>[vector<16xi32>, vector<16xi32>], vector<16xf32>,
      %mul3A_745 = vector.broadcast %squeeze3A_537 : f32 to vector<16xf32>
      %mul3A_746 = arith.mulf %gather3A_744, %mul3A_745 : vector<16xf32>
      %add3A_747 = arith.addf %add3A_738, %mul3A_746 : vector<16xf32>
      %mul3A_748 = vector.broadcast %squeeze3A_601 : f32 to vector<16xf32>
      %mul3A_749 = arith.mulf %gather3A_744, %mul3A_748 : vector<16xf32>
      %add3A_750 = arith.addf %add3A_741, %mul3A_749 : vector<16xf32>
      %broadcast_in_dim3A_751 = arith.constant 9 : i32
      %broadcast_in_dim3A_752 = vector.broadcast %broadcast_in_dim3A_751 : i32 to vector<16xi32>
      %gather3A_753 = tpu.vector_load_idx %arg10[%add3A_667, %broadcast_in_dim3A_752] : memref<512x32xf32, #tpu.memory_space<vmem>>[vector<16xi32>, vector<16xi32>], vector<16xf32>,
      %mul3A_754 = vector.broadcast %squeeze3A_539 : f32 to vector<16xf32>
      %mul3A_755 = arith.mulf %gather3A_753, %mul3A_754 : vector<16xf32>
      %add3A_756 = arith.addf %add3A_747, %mul3A_755 : vector<16xf32>
      %mul3A_757 = vector.broadcast %squeeze3A_603 : f32 to vector<16xf32>
      %mul3A_758 = arith.mulf %gather3A_753, %mul3A_757 : vector<16xf32>
      %add3A_759 = arith.addf %add3A_750, %mul3A_758 : vector<16xf32>
      %broadcast_in_dim3A_760 = arith.constant 10 : i32
      %broadcast_in_dim3A_761 = vector.broadcast %broadcast_in_dim3A_760 : i32 to vector<16xi32>
      %gather3A_762 = tpu.vector_load_idx %arg10[%add3A_667, %broadcast_in_dim3A_761] : memref<512x32xf32, #tpu.memory_space<vmem>>[vector<16xi32>, vector<16xi32>], vector<16xf32>,
      %mul3A_763 = vector.broadcast %squeeze3A_541 : f32 to vector<16xf32>
      %mul3A_764 = arith.mulf %gather3A_762, %mul3A_763 : vector<16xf32>
      %add3A_765 = arith.addf %add3A_756, %mul3A_764 : vector<16xf32>
      %mul3A_766 = vector.broadcast %squeeze3A_605 : f32 to vector<16xf32>
      %mul3A_767 = arith.mulf %gather3A_762, %mul3A_766 : vector<16xf32>
      %add3A_768 = arith.addf %add3A_759, %mul3A_767 : vector<16xf32>
      %broadcast_in_dim3A_769 = arith.constant 11 : i32
      %broadcast_in_dim3A_770 = vector.broadcast %broadcast_in_dim3A_769 : i32 to vector<16xi32>
      %gather3A_771 = tpu.vector_load_idx %arg10[%add3A_667, %broadcast_in_dim3A_770] : memref<512x32xf32, #tpu.memory_space<vmem>>[vector<16xi32>, vector<16xi32>], vector<16xf32>,
      %mul3A_772 = vector.broadcast %squeeze3A_543 : f32 to vector<16xf32>
      %mul3A_773 = arith.mulf %gather3A_771, %mul3A_772 : vector<16xf32>
      %add3A_774 = arith.addf %add3A_765, %mul3A_773 : vector<16xf32>
      %mul3A_775 = vector.broadcast %squeeze3A_607 : f32 to vector<16xf32>
      %mul3A_776 = arith.mulf %gather3A_771, %mul3A_775 : vector<16xf32>
      %add3A_777 = arith.addf %add3A_768, %mul3A_776 : vector<16xf32>
      %broadcast_in_dim3A_778 = arith.constant 12 : i32
      %broadcast_in_dim3A_779 = vector.broadcast %broadcast_in_dim3A_778 : i32 to vector<16xi32>
      %gather3A_780 = tpu.vector_load_idx %arg10[%add3A_667, %broadcast_in_dim3A_779] : memref<512x32xf32, #tpu.memory_space<vmem>>[vector<16xi32>, vector<16xi32>], vector<16xf32>,
      %mul3A_781 = vector.broadcast %squeeze3A_545 : f32 to vector<16xf32>
      %mul3A_782 = arith.mulf %gather3A_780, %mul3A_781 : vector<16xf32>
      %add3A_783 = arith.addf %add3A_774, %mul3A_782 : vector<16xf32>
      %mul3A_784 = vector.broadcast %squeeze3A_609 : f32 to vector<16xf32>
      %mul3A_785 = arith.mulf %gather3A_780, %mul3A_784 : vector<16xf32>
      %add3A_786 = arith.addf %add3A_777, %mul3A_785 : vector<16xf32>
      %broadcast_in_dim3A_787 = arith.constant 13 : i32
      %broadcast_in_dim3A_788 = vector.broadcast %broadcast_in_dim3A_787 : i32 to vector<16xi32>
      %gather3A_789 = tpu.vector_load_idx %arg10[%add3A_667, %broadcast_in_dim3A_788] : memref<512x32xf32, #tpu.memory_space<vmem>>[vector<16xi32>, vector<16xi32>], vector<16xf32>,
      %mul3A_790 = vector.broadcast %squeeze3A_547 : f32 to vector<16xf32>
      %mul3A_791 = arith.mulf %gather3A_789, %mul3A_790 : vector<16xf32>
      %add3A_792 = arith.addf %add3A_783, %mul3A_791 : vector<16xf32>
      %mul3A_793 = vector.broadcast %squeeze3A_611 : f32 to vector<16xf32>
      %mul3A_794 = arith.mulf %gather3A_789, %mul3A_793 : vector<16xf32>
      %add3A_795 = arith.addf %add3A_786, %mul3A_794 : vector<16xf32>
      %broadcast_in_dim3A_796 = arith.constant 14 : i32
      %broadcast_in_dim3A_797 = vector.broadcast %broadcast_in_dim3A_796 : i32 to vector<16xi32>
      %gather3A_798 = tpu.vector_load_idx %arg10[%add3A_667, %broadcast_in_dim3A_797] : memref<512x32xf32, #tpu.memory_space<vmem>>[vector<16xi32>, vector<16xi32>], vector<16xf32>,
      %mul3A_799 = vector.broadcast %squeeze3A_549 : f32 to vector<16xf32>
      %mul3A_800 = arith.mulf %gather3A_798, %mul3A_799 : vector<16xf32>
      %add3A_801 = arith.addf %add3A_792, %mul3A_800 : vector<16xf32>
      %mul3A_802 = vector.broadcast %squeeze3A_613 : f32 to vector<16xf32>
      %mul3A_803 = arith.mulf %gather3A_798, %mul3A_802 : vector<16xf32>
      %add3A_804 = arith.addf %add3A_795, %mul3A_803 : vector<16xf32>
      %broadcast_in_dim3A_805 = arith.constant 15 : i32
      %broadcast_in_dim3A_806 = vector.broadcast %broadcast_in_dim3A_805 : i32 to vector<16xi32>
      %gather3A_807 = tpu.vector_load_idx %arg10[%add3A_667, %broadcast_in_dim3A_806] : memref<512x32xf32, #tpu.memory_space<vmem>>[vector<16xi32>, vector<16xi32>], vector<16xf32>,
      %mul3A_808 = vector.broadcast %squeeze3A_551 : f32 to vector<16xf32>
      %mul3A_809 = arith.mulf %gather3A_807, %mul3A_808 : vector<16xf32>
      %add3A_810 = arith.addf %add3A_801, %mul3A_809 : vector<16xf32>
      %mul3A_811 = vector.broadcast %squeeze3A_615 : f32 to vector<16xf32>
      %mul3A_812 = arith.mulf %gather3A_807, %mul3A_811 : vector<16xf32>
      %add3A_813 = arith.addf %add3A_804, %mul3A_812 : vector<16xf32>
      %broadcast_in_dim3A_814 = arith.constant 16 : i32
      %broadcast_in_dim3A_815 = vector.broadcast %broadcast_in_dim3A_814 : i32 to vector<16xi32>
      %gather3A_816 = tpu.vector_load_idx %arg10[%add3A_667, %broadcast_in_dim3A_815] : memref<512x32xf32, #tpu.memory_space<vmem>>[vector<16xi32>, vector<16xi32>], vector<16xf32>,
      %mul3A_817 = vector.broadcast %squeeze3A_553 : f32 to vector<16xf32>
      %mul3A_818 = arith.mulf %gather3A_816, %mul3A_817 : vector<16xf32>
      %add3A_819 = arith.addf %add3A_810, %mul3A_818 : vector<16xf32>
      %mul3A_820 = vector.broadcast %squeeze3A_617 : f32 to vector<16xf32>
      %mul3A_821 = arith.mulf %gather3A_816, %mul3A_820 : vector<16xf32>
      %add3A_822 = arith.addf %add3A_813, %mul3A_821 : vector<16xf32>
      %broadcast_in_dim3A_823 = arith.constant 17 : i32
      %broadcast_in_dim3A_824 = vector.broadcast %broadcast_in_dim3A_823 : i32 to vector<16xi32>
      %gather3A_825 = tpu.vector_load_idx %arg10[%add3A_667, %broadcast_in_dim3A_824] : memref<512x32xf32, #tpu.memory_space<vmem>>[vector<16xi32>, vector<16xi32>], vector<16xf32>,
      %mul3A_826 = vector.broadcast %squeeze3A_555 : f32 to vector<16xf32>
      %mul3A_827 = arith.mulf %gather3A_825, %mul3A_826 : vector<16xf32>
      %add3A_828 = arith.addf %add3A_819, %mul3A_827 : vector<16xf32>
      %mul3A_829 = vector.broadcast %squeeze3A_619 : f32 to vector<16xf32>
      %mul3A_830 = arith.mulf %gather3A_825, %mul3A_829 : vector<16xf32>
      %add3A_831 = arith.addf %add3A_822, %mul3A_830 : vector<16xf32>
      %broadcast_in_dim3A_832 = arith.constant 18 : i32
      %broadcast_in_dim3A_833 = vector.broadcast %broadcast_in_dim3A_832 : i32 to vector<16xi32>
      %gather3A_834 = tpu.vector_load_idx %arg10[%add3A_667, %broadcast_in_dim3A_833] : memref<512x32xf32, #tpu.memory_space<vmem>>[vector<16xi32>, vector<16xi32>], vector<16xf32>,
      %mul3A_835 = vector.broadcast %squeeze3A_557 : f32 to vector<16xf32>
      %mul3A_836 = arith.mulf %gather3A_834, %mul3A_835 : vector<16xf32>
      %add3A_837 = arith.addf %add3A_828, %mul3A_836 : vector<16xf32>
      %mul3A_838 = vector.broadcast %squeeze3A_621 : f32 to vector<16xf32>
      %mul3A_839 = arith.mulf %gather3A_834, %mul3A_838 : vector<16xf32>
      %add3A_840 = arith.addf %add3A_831, %mul3A_839 : vector<16xf32>
      %broadcast_in_dim3A_841 = arith.constant 19 : i32
      %broadcast_in_dim3A_842 = vector.broadcast %broadcast_in_dim3A_841 : i32 to vector<16xi32>
      %gather3A_843 = tpu.vector_load_idx %arg10[%add3A_667, %broadcast_in_dim3A_842] : memref<512x32xf32, #tpu.memory_space<vmem>>[vector<16xi32>, vector<16xi32>], vector<16xf32>,
      %mul3A_844 = vector.broadcast %squeeze3A_559 : f32 to vector<16xf32>
      %mul3A_845 = arith.mulf %gather3A_843, %mul3A_844 : vector<16xf32>
      %add3A_846 = arith.addf %add3A_837, %mul3A_845 : vector<16xf32>
      %mul3A_847 = vector.broadcast %squeeze3A_623 : f32 to vector<16xf32>
      %mul3A_848 = arith.mulf %gather3A_843, %mul3A_847 : vector<16xf32>
      %add3A_849 = arith.addf %add3A_840, %mul3A_848 : vector<16xf32>
      %broadcast_in_dim3A_850 = arith.constant 20 : i32
      %broadcast_in_dim3A_851 = vector.broadcast %broadcast_in_dim3A_850 : i32 to vector<16xi32>
      %gather3A_852 = tpu.vector_load_idx %arg10[%add3A_667, %broadcast_in_dim3A_851] : memref<512x32xf32, #tpu.memory_space<vmem>>[vector<16xi32>, vector<16xi32>], vector<16xf32>,
      %mul3A_853 = vector.broadcast %squeeze3A_561 : f32 to vector<16xf32>
      %mul3A_854 = arith.mulf %gather3A_852, %mul3A_853 : vector<16xf32>
      %add3A_855 = arith.addf %add3A_846, %mul3A_854 : vector<16xf32>
      %mul3A_856 = vector.broadcast %squeeze3A_625 : f32 to vector<16xf32>
      %mul3A_857 = arith.mulf %gather3A_852, %mul3A_856 : vector<16xf32>
      %add3A_858 = arith.addf %add3A_849, %mul3A_857 : vector<16xf32>
      %broadcast_in_dim3A_859 = arith.constant 21 : i32
      %broadcast_in_dim3A_860 = vector.broadcast %broadcast_in_dim3A_859 : i32 to vector<16xi32>
      %gather3A_861 = tpu.vector_load_idx %arg10[%add3A_667, %broadcast_in_dim3A_860] : memref<512x32xf32, #tpu.memory_space<vmem>>[vector<16xi32>, vector<16xi32>], vector<16xf32>,
      %mul3A_862 = vector.broadcast %squeeze3A_563 : f32 to vector<16xf32>
      %mul3A_863 = arith.mulf %gather3A_861, %mul3A_862 : vector<16xf32>
      %add3A_864 = arith.addf %add3A_855, %mul3A_863 : vector<16xf32>
      %mul3A_865 = vector.broadcast %squeeze3A_627 : f32 to vector<16xf32>
      %mul3A_866 = arith.mulf %gather3A_861, %mul3A_865 : vector<16xf32>
      %add3A_867 = arith.addf %add3A_858, %mul3A_866 : vector<16xf32>
      %broadcast_in_dim3A_868 = arith.constant 22 : i32
      %broadcast_in_dim3A_869 = vector.broadcast %broadcast_in_dim3A_868 : i32 to vector<16xi32>
      %gather3A_870 = tpu.vector_load_idx %arg10[%add3A_667, %broadcast_in_dim3A_869] : memref<512x32xf32, #tpu.memory_space<vmem>>[vector<16xi32>, vector<16xi32>], vector<16xf32>,
      %mul3A_871 = vector.broadcast %squeeze3A_565 : f32 to vector<16xf32>
      %mul3A_872 = arith.mulf %gather3A_870, %mul3A_871 : vector<16xf32>
      %add3A_873 = arith.addf %add3A_864, %mul3A_872 : vector<16xf32>
      %mul3A_874 = vector.broadcast %squeeze3A_629 : f32 to vector<16xf32>
      %mul3A_875 = arith.mulf %gather3A_870, %mul3A_874 : vector<16xf32>
      %add3A_876 = arith.addf %add3A_867, %mul3A_875 : vector<16xf32>
      %broadcast_in_dim3A_877 = arith.constant 23 : i32
      %broadcast_in_dim3A_878 = vector.broadcast %broadcast_in_dim3A_877 : i32 to vector<16xi32>
      %gather3A_879 = tpu.vector_load_idx %arg10[%add3A_667, %broadcast_in_dim3A_878] : memref<512x32xf32, #tpu.memory_space<vmem>>[vector<16xi32>, vector<16xi32>], vector<16xf32>,
      %mul3A_880 = vector.broadcast %squeeze3A_567 : f32 to vector<16xf32>
      %mul3A_881 = arith.mulf %gather3A_879, %mul3A_880 : vector<16xf32>
      %add3A_882 = arith.addf %add3A_873, %mul3A_881 : vector<16xf32>
      %mul3A_883 = vector.broadcast %squeeze3A_631 : f32 to vector<16xf32>
      %mul3A_884 = arith.mulf %gather3A_879, %mul3A_883 : vector<16xf32>
      %add3A_885 = arith.addf %add3A_876, %mul3A_884 : vector<16xf32>
      %broadcast_in_dim3A_886 = arith.constant 24 : i32
      %broadcast_in_dim3A_887 = vector.broadcast %broadcast_in_dim3A_886 : i32 to vector<16xi32>
      %gather3A_888 = tpu.vector_load_idx %arg10[%add3A_667, %broadcast_in_dim3A_887] : memref<512x32xf32, #tpu.memory_space<vmem>>[vector<16xi32>, vector<16xi32>], vector<16xf32>,
      %mul3A_889 = vector.broadcast %squeeze3A_569 : f32 to vector<16xf32>
      %mul3A_890 = arith.mulf %gather3A_888, %mul3A_889 : vector<16xf32>
      %add3A_891 = arith.addf %add3A_882, %mul3A_890 : vector<16xf32>
      %mul3A_892 = vector.broadcast %squeeze3A_633 : f32 to vector<16xf32>
      %mul3A_893 = arith.mulf %gather3A_888, %mul3A_892 : vector<16xf32>
      %add3A_894 = arith.addf %add3A_885, %mul3A_893 : vector<16xf32>
      %broadcast_in_dim3A_895 = arith.constant 25 : i32
      %broadcast_in_dim3A_896 = vector.broadcast %broadcast_in_dim3A_895 : i32 to vector<16xi32>
      %gather3A_897 = tpu.vector_load_idx %arg10[%add3A_667, %broadcast_in_dim3A_896] : memref<512x32xf32, #tpu.memory_space<vmem>>[vector<16xi32>, vector<16xi32>], vector<16xf32>,
      %mul3A_898 = vector.broadcast %squeeze3A_571 : f32 to vector<16xf32>
      %mul3A_899 = arith.mulf %gather3A_897, %mul3A_898 : vector<16xf32>
      %add3A_900 = arith.addf %add3A_891, %mul3A_899 : vector<16xf32>
      %mul3A_901 = vector.broadcast %squeeze3A_635 : f32 to vector<16xf32>
      %mul3A_902 = arith.mulf %gather3A_897, %mul3A_901 : vector<16xf32>
      %add3A_903 = arith.addf %add3A_894, %mul3A_902 : vector<16xf32>
      %broadcast_in_dim3A_904 = arith.constant 26 : i32
      %broadcast_in_dim3A_905 = vector.broadcast %broadcast_in_dim3A_904 : i32 to vector<16xi32>
      %gather3A_906 = tpu.vector_load_idx %arg10[%add3A_667, %broadcast_in_dim3A_905] : memref<512x32xf32, #tpu.memory_space<vmem>>[vector<16xi32>, vector<16xi32>], vector<16xf32>,
      %mul3A_907 = vector.broadcast %squeeze3A_573 : f32 to vector<16xf32>
      %mul3A_908 = arith.mulf %gather3A_906, %mul3A_907 : vector<16xf32>
      %add3A_909 = arith.addf %add3A_900, %mul3A_908 : vector<16xf32>
      %mul3A_910 = vector.broadcast %squeeze3A_637 : f32 to vector<16xf32>
      %mul3A_911 = arith.mulf %gather3A_906, %mul3A_910 : vector<16xf32>
      %add3A_912 = arith.addf %add3A_903, %mul3A_911 : vector<16xf32>
      %broadcast_in_dim3A_913 = arith.constant 27 : i32
      %broadcast_in_dim3A_914 = vector.broadcast %broadcast_in_dim3A_913 : i32 to vector<16xi32>
      %gather3A_915 = tpu.vector_load_idx %arg10[%add3A_667, %broadcast_in_dim3A_914] : memref<512x32xf32, #tpu.memory_space<vmem>>[vector<16xi32>, vector<16xi32>], vector<16xf32>,
      %mul3A_916 = vector.broadcast %squeeze3A_575 : f32 to vector<16xf32>
      %mul3A_917 = arith.mulf %gather3A_915, %mul3A_916 : vector<16xf32>
      %add3A_918 = arith.addf %add3A_909, %mul3A_917 : vector<16xf32>
      %mul3A_919 = vector.broadcast %squeeze3A_639 : f32 to vector<16xf32>
      %mul3A_920 = arith.mulf %gather3A_915, %mul3A_919 : vector<16xf32>
      %add3A_921 = arith.addf %add3A_912, %mul3A_920 : vector<16xf32>
      %broadcast_in_dim3A_922 = arith.constant 28 : i32
      %broadcast_in_dim3A_923 = vector.broadcast %broadcast_in_dim3A_922 : i32 to vector<16xi32>
      %gather3A_924 = tpu.vector_load_idx %arg10[%add3A_667, %broadcast_in_dim3A_923] : memref<512x32xf32, #tpu.memory_space<vmem>>[vector<16xi32>, vector<16xi32>], vector<16xf32>,
      %mul3A_925 = vector.broadcast %squeeze3A_577 : f32 to vector<16xf32>
      %mul3A_926 = arith.mulf %gather3A_924, %mul3A_925 : vector<16xf32>
      %add3A_927 = arith.addf %add3A_918, %mul3A_926 : vector<16xf32>
      %mul3A_928 = vector.broadcast %squeeze3A_641 : f32 to vector<16xf32>
      %mul3A_929 = arith.mulf %gather3A_924, %mul3A_928 : vector<16xf32>
      %add3A_930 = arith.addf %add3A_921, %mul3A_929 : vector<16xf32>
      %broadcast_in_dim3A_931 = arith.constant 29 : i32
      %broadcast_in_dim3A_932 = vector.broadcast %broadcast_in_dim3A_931 : i32 to vector<16xi32>
      %gather3A_933 = tpu.vector_load_idx %arg10[%add3A_667, %broadcast_in_dim3A_932] : memref<512x32xf32, #tpu.memory_space<vmem>>[vector<16xi32>, vector<16xi32>], vector<16xf32>,
      %mul3A_934 = vector.broadcast %squeeze3A_579 : f32 to vector<16xf32>
      %mul3A_935 = arith.mulf %gather3A_933, %mul3A_934 : vector<16xf32>
      %add3A_936 = arith.addf %add3A_927, %mul3A_935 : vector<16xf32>
      %mul3A_937 = vector.broadcast %squeeze3A_643 : f32 to vector<16xf32>
      %mul3A_938 = arith.mulf %gather3A_933, %mul3A_937 : vector<16xf32>
      %add3A_939 = arith.addf %add3A_930, %mul3A_938 : vector<16xf32>
      %broadcast_in_dim3A_940 = arith.constant 30 : i32
      %broadcast_in_dim3A_941 = vector.broadcast %broadcast_in_dim3A_940 : i32 to vector<16xi32>
      %gather3A_942 = tpu.vector_load_idx %arg10[%add3A_667, %broadcast_in_dim3A_941] : memref<512x32xf32, #tpu.memory_space<vmem>>[vector<16xi32>, vector<16xi32>], vector<16xf32>,
      %mul3A_943 = vector.broadcast %squeeze3A_581 : f32 to vector<16xf32>
      %mul3A_944 = arith.mulf %gather3A_942, %mul3A_943 : vector<16xf32>
      %add3A_945 = arith.addf %add3A_936, %mul3A_944 : vector<16xf32>
      %mul3A_946 = vector.broadcast %squeeze3A_645 : f32 to vector<16xf32>
      %mul3A_947 = arith.mulf %gather3A_942, %mul3A_946 : vector<16xf32>
      %add3A_948 = arith.addf %add3A_939, %mul3A_947 : vector<16xf32>
      %broadcast_in_dim3A_949 = arith.constant 31 : i32
      %broadcast_in_dim3A_950 = vector.broadcast %broadcast_in_dim3A_949 : i32 to vector<16xi32>
      %gather3A_951 = tpu.vector_load_idx %arg10[%add3A_667, %broadcast_in_dim3A_950] : memref<512x32xf32, #tpu.memory_space<vmem>>[vector<16xi32>, vector<16xi32>], vector<16xf32>,
      %mul3A_952 = vector.broadcast %squeeze3A_583 : f32 to vector<16xf32>
      %mul3A_953 = arith.mulf %gather3A_951, %mul3A_952 : vector<16xf32>
      %add3A_954 = arith.addf %add3A_945, %mul3A_953 : vector<16xf32>
      %mul3A_955 = vector.broadcast %squeeze3A_647 : f32 to vector<16xf32>
      %mul3A_956 = arith.mulf %gather3A_951, %mul3A_955 : vector<16xf32>
      %add3A_957 = arith.addf %add3A_948, %mul3A_956 : vector<16xf32>
      %mul3A_958 = vector.broadcast %scan3A_653 : f32 to vector<16xf32>
      %mul3A_959 = arith.mulf %add3A_954, %mul3A_958 : vector<16xf32>
      %add3A_960 = vector.broadcast %squeeze3A_649 : f32 to vector<16xf32>
      %add3A_961 = arith.addf %mul3A_959, %add3A_960 : vector<16xf32>
      %mul3A_962 = vector.broadcast %scan3A_653 : f32 to vector<16xf32>
      %mul3A_963 = arith.mulf %add3A_957, %mul3A_962 : vector<16xf32>
      %add3A_964 = vector.broadcast %squeeze3A_651 : f32 to vector<16xf32>
      %add3A_965 = arith.addf %mul3A_963, %add3A_964 : vector<16xf32>
      %mul3A_966 = arith.constant 2 : i32
      %mul3A_967 = vector.broadcast %mul3A_966 : i32 to vector<16xi32>
      %mul3A_968 = arith.muli %add3A_667, %mul3A_967 : vector<16xi32>
      tpu.vector_store_idx %arg11[%mul3A_968], %add3A_961 : memref<1024xf32, #tpu.memory_space<vmem>>[vector<16xi32>], vector<16xf32>,
      %mul3A_969 = arith.constant 2 : i32
      %mul3A_970 = vector.broadcast %mul3A_969 : i32 to vector<16xi32>
      %mul3A_971 = arith.muli %add3A_667, %mul3A_970 : vector<16xi32>
      %add3A_972 = arith.constant 1 : i32
      %add3A_973 = vector.broadcast %add3A_972 : i32 to vector<16xi32>
      %add3A_974 = arith.addi %mul3A_971, %add3A_973 : vector<16xi32>
      tpu.vector_store_idx %arg11[%add3A_974], %add3A_965 : memref<1024xf32, #tpu.memory_space<vmem>>[vector<16xi32>], vector<16xf32>,
    }
    %scan3A_658 = arith.constant 32 : i32
    %mul3A_659 = arith.constant 512 : i32
    %mul3A_660 = arith.muli %add3A, %mul3A_659 : i32
    %mul3A_661 = arith.constant 2 : i32
    %mul3A_662 = arith.muli %mul3A_660, %mul3A_661 : i32
    "tpu.region"() ({
      %run_scoped3A = tpu.sem_alloc : memref<!tpu.dma_semaphore, #tpu.memory_space<semaphore_mem>>
      %dma_start3A_663 = tpu.memref_slice %arg5[%mul3A_662] : memref<32768xf32, #tpu.memory_space<hbm>> -> memref<1024xf32, #tpu.memory_space<hbm>>
      %dma_start3A_664 = tpu.memref_slice %arg5[%mul3A_662] : memref<32768xf32, #tpu.memory_space<hbm>> -> memref<1024xf32, #tpu.memory_space<hbm>>
      tpu.enqueue_dma source(%arg11 : memref<1024xf32, #tpu.memory_space<vmem>>) target(%dma_start3A_664 : memref<1024xf32, #tpu.memory_space<hbm>>) target_semaphore(%run_scoped3A : memref<!tpu.dma_semaphore, #tpu.memory_space<semaphore_mem>>)
      %dma_wait3A = tpu.memref_slice %arg5[%mul3A_662] : memref<32768xf32, #tpu.memory_space<hbm>> -> memref<1024xf32, #tpu.memory_space<hbm>>
      %dma_wait3A_665 = tpu.memref_slice %arg5[%mul3A_662] : memref<32768xf32, #tpu.memory_space<hbm>> -> memref<1024xf32, #tpu.memory_space<hbm>>
      tpu.wait_dma2 semaphore(%run_scoped3A : memref<!tpu.dma_semaphore, #tpu.memory_space<semaphore_mem>>) src(%arg11 : memref<1024xf32, #tpu.memory_space<vmem>>) dst(%dma_wait3A_665 : memref<1024xf32, #tpu.memory_space<hbm>>)
      tpu.yield
    }) : () -> ()
    return
  }
}

</mosaic_0001>

<sc_bundles>
// kernel: _run.3.cloned.1.call-start
scs
__scs_entry_jumppad:
0x0: {  	(pc) =	sbr.rel $0x88, $3  }
0x1: {  	(tag) =	ssettag $0x0;
	lr =	simm.s32 $0x1  }
0x2: {  	[smem:$0x3F9E] =	sst lr;
	_ =	strace $0xD0000000  }
0x3: {  	_ = 	snop  }
0x4: {  	_ = 	snop  }
0x5: {  	_ = 	snop  }
0x6: {  	_ = 	snop  }
0x7: {  	_ = 	snop  }
__scs_overlays_trampoline_lowered:
0x8: {  	[smem:$0x3FAD] =	sst s0  }
0x9: {  	[smem:$0x3FAE] =	sst s1  }
0xa: {  	[smem:$0x3FAF] =	sst s2  }
0xb: {  	[smem:$0x3FB0] =	sst s3  }
0xc: {  	[smem:$0x3FB1] =	sst s4  }
0xd: {  	[smem:$0x3FB2] =	sst s5  }
0xe: {  	[smem:$0x3FB3] =	sst s6  }
0xf: {  	[smem:$0x3FB4] =	sst s7  }
0x10: {  	[smem:$0x3FB5] =	sst s8  }
0x11: {  	[smem:$0x3FB6] =	sst s9;
	s0 =	simm.s32 @!p0 $0x0  }
0x12: {  	s1 =	sld [smem:$0x3F9C];
	s0 =	simm.s32 @p0 $0x1  }
0x13: {  	[smem:$0x3FB7] =	sst s0;
	s0 =	simm.s32 @!p1 $0x0  }
0x14: {  	s2 =	sld [smem:$0x3F9B];
	s0 =	simm.s32 @p1 $0x1  }
0x15: {  	[smem:$0x3FB8] =	sst s0;
	s0 =	simm.s32 @!p2 $0x0  }
0x16: {  	s3 =	sld [smem:$0x3FDB];
	s0 =	simm.s32 @p2 $0x1  }
0x17: {  	s4 =	simm.s32 $0x1BF5;
	[smem:$0x3FBA] =	sst s0  }
0x18: {  	s0 =	sld [smem:$0x3F9D];
	_ =	swait.ge [sflag:s4], $0x0  }
0x19: {  	s7 =	sld [smem:$0x3F9E]  }
0x1a: {  	s8 =	sadd.s32 $0xFFFFE003, lr  }
0x1b: {  	s9 =	sadd.s32 $0xFFFFFEF7, lr;
	s5 =	simm.s32 $0xFFFFFFFF;
	p2 =	slt.u32 s8, $0xFFFFF086  }
0x1c: {  	p1 =	slt.u32 s9, $0xF7A;
	s5 =	simm.s32 @!p2 $0x0  }
0x1d: {  	s5 =	simm.s32 @p1 $0x1;
	p0 =	seq.s32 s7, s2  }
0x1e: {  	s7 =	smul.u32 @!p0 $0xF7A, s2;
	p2 =	seq.s32 @!p0 s5, $0x0  }
0x1f: {  	s9 =	smul.u32 $0xF7A, s1;
	s8 =	simm.s32 @!p0 $0x1BF5;
	p2 =	por !p2, p0  }
0x20: {  	[sflag:s8] =	ssyncset.s32 @!p0 $0xFFFFF086;
	s6 =	sadd.s32 @!p0 s3, s7;
	s7 =	simm.s32 @!p0 $0x108  }
0x21: {  	s3 =	sadd.s32 s3, s9;
	s6 =	sadd.s32 @!p0 $0x88, s6;
	s7 =	simm.s32 @p2 $0x1082  }
0x22: {  	[simem:s7], [sflag:s8] =	dma.local @!p0 [hbm:s6], $0xF7A  }
0x23: {  	s9 =	sor.u32 $0xD0000000, s2;
	s6 =	simm.s32 $0x108;
	_ =	swait.ge @!p0 [sflag:s8], $0x0  }
0x24: {  	s3 =	sadd.s32 $0x88, s3;
	s6 =	simm.s32 @!p1 $0x1082;
	[sflag:s4] =	ssyncset.s32 $0xFFFFF086  }
0x25: {  	[simem:s6], [sflag:s4] =	dma.local [hbm:s3], $0xF7A  }
0x26: {  	[smem:$0x3F9E] =	sst s1;
	(tag) =	ssettag s2;
	_ =	strace s9  }
0x27: {  	s1 =	sld [smem:$0x3FAE]  }
0x28: {  	s2 =	sld [smem:$0x3FAF]  }
0x29: {  	s4 =	sld [smem:$0x3FB1]  }
0x2a: {  	p0 =	seq.s32 s5, $0x0;
	s5 =	sld [smem:$0x3FB2]  }
0x2b: {  	s6 =	sld [smem:$0x3FB3]  }
0x2c: {  	s7 =	sld [smem:$0x3FB4]  }
0x2d: {  	s3 =	simm.s32 $0x108;
	s8 =	sld [smem:$0x3FB5]  }
0x2e: {  	s3 =	simm.s32 @!p0 $0x1082;
	s9 =	sld [smem:$0x3FB6]  }
0x2f: {  	lr =	sadd.s32 s0, s3;
	s0 =	sld [smem:$0x3FAD]  }
0x30: {  	s3 =	sld [smem:$0x3FB0]  }
0x31: {  	[smem:$0x3FB9] =	sst s10  }
0x32: {  	s10 =	sld [smem:$0x3FB7];
	_ =	sdelay $0x3  }
0x33: {  	p0 =	seq.s32 s10, $0x1;
	s10 =	sld [smem:$0x3FB9];
	_ =	sdelay $0x3  }
0x34: {  	[smem:$0x3FB9] =	sst s10  }
0x35: {  	s10 =	sld [smem:$0x3FB8];
	_ =	sdelay $0x3  }
0x36: {  	p1 =	seq.s32 s10, $0x1;
	s10 =	sld [smem:$0x3FB9];
	_ =	sdelay $0x3  }
0x37: {  	[smem:$0x3FB9] =	sst s10  }
0x38: {  	s10 =	sld [smem:$0x3FBA]  }
0x39: {  	_ = 	snop;
	(pc) =	sbr.ind lr, $3  }
0x3a: {  	_ = 	snop  }
0x3b: {  	_ = 	snop  }
0x3c: {  	p2 =	seq.s32 s10, $0x1;
	s10 =	sld [smem:$0x3FB9]  }
0x3d: {  	_ =	shalt  }
0x3e: {  	_ =	shalt  }
0x3f: {  	_ =	shalt  }
0x40: {  	_ =	shalt  }
0x41: {  	_ =	shalt  }
0x42: {  	_ =	shalt  }
0x43: {  	_ =	shalt  }
0x44: {  	_ =	shalt  }
0x45: {  	_ =	shalt  }
0x46: {  	_ =	shalt  }
0x47: {  	_ =	shalt  }
0x48: {  	_ =	shalt  }
0x49: {  	_ =	shalt  }
0x4a: {  	_ =	shalt  }
0x4b: {  	_ =	shalt  }
0x4c: {  	_ =	shalt  }
0x4d: {  	_ =	shalt  }
0x4e: {  	_ =	shalt  }
0x4f: {  	_ =	shalt  }
0x50: {  	_ =	shalt  }
0x51: {  	_ =	shalt  }
0x52: {  	_ =	shalt  }
0x53: {  	_ =	shalt  }
0x54: {  	_ =	shalt  }
0x55: {  	_ =	shalt  }
0x56: {  	_ =	shalt  }
0x57: {  	_ =	shalt  }
0x58: {  	_ =	shalt  }
0x59: {  	_ =	shalt  }
0x5a: {  	_ =	shalt  }
0x5b: {  	_ =	shalt  }
0x5c: {  	_ =	shalt  }
0x5d: {  	_ =	shalt  }
0x5e: {  	_ =	shalt  }
0x5f: {  	_ =	shalt  }
0x60: {  	_ =	shalt  }
0x61: {  	_ =	shalt  }
0x62: {  	_ =	shalt  }
0x63: {  	_ =	shalt  }
0x64: {  	_ =	shalt  }
0x65: {  	_ =	shalt  }
0x66: {  	_ =	shalt  }
0x67: {  	_ =	shalt  }
0x68: {  	_ =	shalt  }
0x69: {  	_ =	shalt  }
0x6a: {  	_ =	shalt  }
0x6b: {  	_ =	shalt  }
0x6c: {  	_ =	shalt  }
0x6d: {  	_ =	shalt  }
0x6e: {  	_ =	shalt  }
0x6f: {  	_ =	shalt  }
0x70: {  	_ =	shalt  }
0x71: {  	_ =	shalt  }
0x72: {  	_ =	shalt  }
0x73: {  	_ =	shalt  }
0x74: {  	_ =	shalt  }
0x75: {  	_ =	shalt  }
0x76: {  	_ =	shalt  }
0x77: {  	_ =	shalt  }
0x78: {  	_ =	shalt  }
0x79: {  	_ =	shalt  }
0x7a: {  	_ =	shalt  }
0x7b: {  	_ =	shalt  }
0x7c: {  	_ =	shalt  }
0x7d: {  	_ =	shalt  }
0x7e: {  	_ =	shalt  }
0x7f: {  	_ =	shalt  }
0x80: {  	_ =	shalt  }
0x81: {  	_ =	shalt  }
0x82: {  	_ =	shalt  }
0x83: {  	_ =	shalt  }
0x84: {  	_ =	shalt  }
0x85: {  	_ =	shalt  }
0x86: {  	_ =	shalt  }
0x87: {  	_ =	shalt  }
.Lfunc_end0:
.L_simem_size_0:
called_computation_lowered:
.L_overlay_start_0:
0x88: {  	s2 =	sld [smem:$0x3FD9]  }
0x89: {  	s3 =	sld [smem:$0x3FFE];
	_ =	sdelay $0x1  }
0x8a: {  	s1 =	srdreg.scid  }
0x8b: {  	s0 =	sand.u32 $0x1, s1  }
0x8c: {  	s17 =	sshll.u32 s0, $0xA;
	s2 =	sadd.s32 s3, s2  }
0x8d: {  	s2 =	sadd.s32 s2, s17  }
0x8e: {  	[smem:$0x3FC5] =	sst s2  }
0x8f: {  	_ = 	snop  }
0x90: {  	s2 =	sld [smem:$0x3FC7]  }
0x91: {  	s18 =	sld [smem:$0x3FD0];
	(tm) =	ssettm $0x1  }
0x92: {  	s4 =	sld [smem:$0x3FFB];
	_ =	sdelay $0x3  }
0x93: {  	_ =	strace s4  }
0x94: {  	s4 =	sld [smem:$0x3FFC];
	_ =	sdelay $0x3  }
0x95: {  	_ =	strace s4  }
0x96: {  	s4 =	sld [smem:$0x3FFD];
	_ =	sdelay $0x3  }
0x97: {  	_ =	strace s4  }
0x98: {  	_ =	strace $0x8FFFFFFF  }
0x99: {  	s19 =	sld [smem:$0x3FDB];
	_ =	sdelay $0x1  }
0x9a: {  	s5 =	simm.s32 $_scs_section_size  }
0x9b: {  	s6 =	simm.s32 $_size__tile_overlayer_lowered;
	s7 =	simm.s32 $_tile_overlayer_lowered  }
0x9c: {  	s22 =	simm.s32 $0x1BFF;
	s21 =	sshll.u32 s7, $0x1;
	s4 =	sadd.s32 s5, s19  }
0x9d: {  	s8 =	simm.s32 $0x0;
	s20 =	sshll.u32 s6, $0x1;
	s6 =	sadd.s32 s21, s4  }
0x9e: {  	[timem:s8], [sflag:s22] =	dma.local [hbm:s6], s20  }
0x9f: {  	_ =	swait.ge [sflag:s22], s20  }
0xa0: {  	s5 =	ssub.s32 $0x0, s20;
	[sflag:s22] =	ssyncset.done $0x0  }
0xa1: {  	[sflag:s22] =	ssyncadd.s32 s5;
	_ =	sdelay $0x1  }
0xa2: {  	s23 =	simm.s32 $0x1B8B  }
0xa3: {  	_ =	swait.ge [sflag:s23], $0x1  }
0xa4: {  	[sflag:s23] =	ssyncset.done $0x0  }
0xa5: {  	s25 =	simm.s32 $0x1B8E;
	s24 =	sld [smem:$0x3FFE];
	[sflag:s23] =	ssyncadd.s32 $0xFFFFFFFF  }
0xa6: {  	s26 =	simm.s32 $execute0_lowered;
	[smem:$0x3FD2] =	sst s25  }
0xa7: {  	s6 =	sshll.u32 s26, $0x1;
	_ =	strace $0x80000046;
	[dreg:$0x1] =	wrdreg $0xFFFFFFFF  }
0xa8: {  	s28 =	simm.s32 $_size_execute0_lowered;
	s4 =	sadd.s32 s4, s6;
	[dreg:$0x0] =	wrdreg $0x0  }
0xa9: {  	s6 =	sshll.u32 s28, $0x1;
	[dreg:$0x2] =	wrdreg s4  }
0xaa: {  	[dreg:$0x3] =	wrdreg s6  }
0xab: {  	[dreg:$0x4] =	wrdreg $0xC0  }
0xac: {  	_ =	task [dreg:s8], $0x5FFFF  }
0xad: {  	[dreg:$0x1] =	wrdreg $0xFFFFFFFF  }
0xae: {  	[dreg:$0x0] =	wrdreg $0x60  }
0xaf: {  	[dreg:$0x2] =	wrdreg s24  }
0xb0: {  	[dreg:$0x3] =	wrdreg s2  }
0xb1: {  	[dreg:$0x4] =	wrdreg s18  }
0xb2: {  	[dreg:$0x5] =	wrdreg $0x9  }
0xb3: {  	_ =	task.clear_ibuf [dreg:s8], $0x6FFFF;
	_ =	strace $0x90000046  }
0xb4: {  	s29 =	simm.s32 $0x9;
	_ =	strace $0x80000048  }
0xb5: {  	_ =	swait.ge [sflag:s29], $0x1  }
0xb6: {  	[sflag:s29] =	ssyncadd.s32 $0xFFFFFFFF  }
0xb7: {  	_ =	strace $0x90000048  }
0xb8: {  	_ =	sfence  }
0xb9: {  	s30 =	sld [smem:$0x0];
	_ =	sdelay $0x2  }
0xba: {  	s31 =	sshll.u32 s1, $0xD;
	s1 =	sshrl.u32 s1, $0x2  }
0xbb: {  	s3 =	sand.u32 $0x4000, s31;
	s1 =	sadd.s32 s1, s30  }
0xbc: {  	s0 =	sor.u32 s3, s0;
	s1 =	sshll.u32 s1, $0x11  }
0xbd: {  	s0 =	sor.u32 s1, s0  }
0xbe: {  	s0 =	sadd.s32 $0x8F2B, s0  }
0xbf: {  	[sflag:s0] =	ssyncadd.remote.s32 $0x1  }
0xc0: {  	_ =	sfence.sel $0xFFFF  }
0xc1: {  	[dreg:$0x0] =	wrdreg $0xFFFFFFFF;
	(pc) =	sbr.abs _section_cstart, $3  }
0xc2: {  	[dreg:$0x1] =	wrdreg $0xFFFFFFFF  }
0xc3: {  	_ =	task.clear_ibuf [dreg:s8], $0x2FFFF;
	_ =	strace $0x9FFFFFFF  }
0xc4: {  	(tm) =	ssettm $0x7FFFFFFF  }
0xc5: {  	_ =	shalt  }
tec
execute0_lowered:
.L_overlay_start_1:
0x0: {  	(tag) =	ssettag $0x1  }
0x1: {  	s0 =	rddreg [dreg:$0x0];
	s1 =	srdreg.scid  }
0x2: {  	s2 =	rddreg [dreg:$0x2];
	s5 =	stileid.u32  }
0x3: {  	s3 =	simm.s32 $0x0;
	s12 =	simm.s32 $0x3;
	s13 =	simm.s32 $0x40  }
0x4: {  	s14 =	simm.s32 $0x640;
	s29 =	simm.s32 $0xB00;
	s30 =	simm.s32 $0x16C80  }
0x5: {  	s31 =	simm.s32 $0xB40;
	s10 =	simm.s32 $0xC00;
	s11 =	simm.s32 $0x18C80  }
0x6: {  	s15 =	simm.s32 $0x19480;
	s16 =	simm.s32 $0x1;
	s17 =	simm.s32 $0x2  }
0x7: {  	s18 =	simm.s32 $0x19C80;
	s19 =	simm.s32 $0x1DC80;
	s1 =	sand.u32 $0x1, s1  }
0x8: {  	s21 =	simm.s32 $0x0;
	[smem:$0x7FF] =	sst s3;
	s4 =	sshll.u32 s1, $0x4  }
0x9: {  	_ =	strace $0x80000047;
	s1 =	ssub.s32 $0x2, s1;
	s6 =	sor.u32 s5, s4  }
0xa: {  	s4 =	sadd.s32 $0x600, s0;
	s7 =	sshrl.u32 s1, $0x1;
	s5 =	smul.u32 $0x6400, s6  }
0xb: {  	s8 =	smul.u32 $0xC80, s6;
	s23 =	ssub.s32 s1, s7;
	s25 =	sshll.u32 s6, $0x4  }
0xc: {  	s28 =	sshll.u32 s6, $0x7;
	s6 =	simm.s32 $0xBC0;
	s7 =	simm.s32 $0x18480  }
0xd: {  	s26 =	sor.u32 $0x2, s25;
	s9 =	sshrl.u32 s5, $0x3;
	s5 =	sadd.s32 $0xF42A00, s0  }
0xe: {  	s8 =	sadd.s32 s4, s8;
	[dreg:$0x6] =	wrdreg s26;
	s0 =	smax.u32 s23, $0x1  }
0xf: {  	s24 =	sadd.s32 s4, s9;
	[dreg:$0x4] =	wrdreg s8;
	s9 =	sor.u32 $0x3, s25  }
0x10: {  	[dreg:$0x8] =	wrdreg s0;
	s0 =	simm.s32 $0x17480;
	s1 =	sadd.s32 $0xC8, s24  }
0x11: {  	s8 =	simm.s32 $0xC40;
	[dreg:$0x5] =	wrdreg s1;
	s1 =	sadd.s32 s2, s28  }
0x12: {  	v8 =	vlaneseq.u32;
	s2 =	simm.s32 $0x17C80;
	[dreg:$0x7] =	wrdreg s1;
	s1 =	simm.s32 $0xB80  }
.LBB2_1:
0x13: {  	[dreg:$0x9] =	wrdreg s21  }
0x14: {  	s20 =	rddreg [dreg:$0x4]  }
0x15: {  	[tilespmem:s3], [sflag:$0x3] =	stream.linear.gather [hbm4b:s20+s3], $0x640, $0x38;
	[tilespmem:$0x1E0D0] =	vst v63  }
0x16: {  	_ =	swait.ge [sflag:s12], $0x640  }
0x17: {  	[sflag:s12] =	ssyncset.done $0x0  }
0x18: {  	s22 =	simm.s32 $0xC80;
	[sflag:s12] =	ssyncadd.s32 $0xFFFFF9C0  }
0x19: {  	[tilespmem:s22], [sflag:$0x1] =	stream.indirect.gather [hbm4b:s5+s13], $0x20, s3, s13, $0xb8;
	[tilespmem:$0x1E0D0] =	vst v63  }
0x1a: {  	s23 =	simm.s32 $0x1480  }
0x1b: {  	[tilespmem:s23], [sflag:$0x1] =	stream.indirect.gather [hbm4b:s5+s13], $0x20, s13, s13, $0xb8;
	[tilespmem:$0x1E0D0] =	vst v63  }
0x1c: {  	s24 =	simm.s32 $0x80;
	s25 =	simm.s32 $0x1C80  }
0x1d: {  	[tilespmem:s25], [sflag:$0x1] =	stream.indirect.gather [hbm4b:s5+s13], $0x20, s24, s13, $0xb8;
	[tilespmem:$0x1E0D0] =	vst v63  }
0x1e: {  	s26 =	simm.s32 $0xC0;
	s28 =	simm.s32 $0x2480  }
0x1f: {  	[tilespmem:s28], [sflag:$0x1] =	stream.indirect.gather [hbm4b:s5+s13], $0x20, s26, s13, $0xb8;
	[tilespmem:$0x1E0D0] =	vst v63  }
0x20: {  	s22 =	simm.s32 $0x100;
	s23 =	simm.s32 $0x2C80  }
0x21: {  	[tilespmem:s23], [sflag:$0x1] =	stream.indirect.gather [hbm4b:s5+s13], $0x20, s22, s13, $0xb8;
	[tilespmem:$0x1E0D0] =	vst v63  }
0x22: {  	s24 =	simm.s32 $0x140;
	s25 =	simm.s32 $0x3480  }
0x23: {  	[tilespmem:s25], [sflag:$0x1] =	stream.indirect.gather [hbm4b:s5+s13], $0x20, s24, s13, $0xb8;
	[tilespmem:$0x1E0D0] =	vst v63  }
0x24: {  	s26 =	simm.s32 $0x180;
	s28 =	simm.s32 $0x3C80  }
0x25: {  	[tilespmem:s28], [sflag:$0x1] =	stream.indirect.gather [hbm4b:s5+s13], $0x20, s26, s13, $0xb8;
	[tilespmem:$0x1E0D0] =	vst v63  }
0x26: {  	s22 =	simm.s32 $0x1C0;
	s23 =	simm.s32 $0x4480  }
0x27: {  	[tilespmem:s23], [sflag:$0x1] =	stream.indirect.gather [hbm4b:s5+s13], $0x20, s22, s13, $0xb8;
	[tilespmem:$0x1E0D0] =	vst v63  }
0x28: {  	s24 =	simm.s32 $0x200;
	s25 =	simm.s32 $0x4C80  }
0x29: {  	[tilespmem:s25], [sflag:$0x1] =	stream.indirect.gather [hbm4b:s5+s13], $0x20, s24, s13, $0xb8;
	[tilespmem:$0x1E0D0] =	vst v63  }
0x2a: {  	s26 =	simm.s32 $0x240;
	s28 =	simm.s32 $0x5480  }
0x2b: {  	[tilespmem:s28], [sflag:$0x1] =	stream.indirect.gather [hbm4b:s5+s13], $0x20, s26, s13, $0xb8;
	[tilespmem:$0x1E0D0] =	vst v63  }
0x2c: {  	s22 =	simm.s32 $0x280;
	s23 =	simm.s32 $0x5C80  }
0x2d: {  	[tilespmem:s23], [sflag:$0x1] =	stream.indirect.gather [hbm4b:s5+s13], $0x20, s22, s13, $0xb8;
	[tilespmem:$0x1E0D0] =	vst v63  }
0x2e: {  	s24 =	simm.s32 $0x2C0;
	s25 =	simm.s32 $0x6480  }
0x2f: {  	[tilespmem:s25], [sflag:$0x1] =	stream.indirect.gather [hbm4b:s5+s13], $0x20, s24, s13, $0xb8;
	[tilespmem:$0x1E0D0] =	vst v63  }
0x30: {  	s26 =	simm.s32 $0x300;
	s28 =	simm.s32 $0x6C80  }
0x31: {  	[tilespmem:s28], [sflag:$0x1] =	stream.indirect.gather [hbm4b:s5+s13], $0x20, s26, s13, $0xb8;
	[tilespmem:$0x1E0D0] =	vst v63  }
0x32: {  	s22 =	simm.s32 $0x340;
	s23 =	simm.s32 $0x7480  }
0x33: {  	[tilespmem:s23], [sflag:$0x1] =	stream.indirect.gather [hbm4b:s5+s13], $0x20, s22, s13, $0xb8;
	[tilespmem:$0x1E0D0] =	vst v63  }
0x34: {  	s24 =	simm.s32 $0x380;
	s25 =	simm.s32 $0x7C80  }
0x35: {  	[tilespmem:s25], [sflag:$0x1] =	stream.indirect.gather [hbm4b:s5+s13], $0x20, s24, s13, $0xb8;
	[tilespmem:$0x1E0D0] =	vst v63  }
0x36: {  	s26 =	simm.s32 $0x3C0;
	s28 =	simm.s32 $0x8480  }
0x37: {  	[tilespmem:s28], [sflag:$0x1] =	stream.indirect.gather [hbm4b:s5+s13], $0x20, s26, s13, $0xb8;
	[tilespmem:$0x1E0D0] =	vst v63  }
0x38: {  	s22 =	simm.s32 $0x400;
	s23 =	simm.s32 $0x8C80  }
0x39: {  	[tilespmem:s23], [sflag:$0x1] =	stream.indirect.gather [hbm4b:s5+s13], $0x20, s22, s13, $0xb8;
	[tilespmem:$0x1E0D0] =	vst v63  }
0x3a: {  	s24 =	simm.s32 $0x440;
	s25 =	simm.s32 $0x9480  }
0x3b: {  	[tilespmem:s25], [sflag:$0x1] =	stream.indirect.gather [hbm4b:s5+s13], $0x20, s24, s13, $0xb8;
	[tilespmem:$0x1E0D0] =	vst v63  }
0x3c: {  	s26 =	simm.s32 $0x480;
	s28 =	simm.s32 $0x9C80  }
0x3d: {  	[tilespmem:s28], [sflag:$0x1] =	stream.indirect.gather [hbm4b:s5+s13], $0x20, s26, s13, $0xb8;
	[tilespmem:$0x1E0D0] =	vst v63  }
0x3e: {  	s22 =	simm.s32 $0x4C0;
	s23 =	simm.s32 $0xA480  }
0x3f: {  	[tilespmem:s23], [sflag:$0x1] =	stream.indirect.gather [hbm4b:s5+s13], $0x20, s22, s13, $0xb8;
	[tilespmem:$0x1E0D0] =	vst v63  }
0x40: {  	s24 =	simm.s32 $0x500;
	s25 =	simm.s32 $0xAC80  }
0x41: {  	[tilespmem:s25], [sflag:$0x1] =	stream.indirect.gather [hbm4b:s5+s13], $0x20, s24, s13, $0xb8;
	[tilespmem:$0x1E0D0] =	vst v63  }
0x42: {  	s26 =	simm.s32 $0x540;
	s28 =	simm.s32 $0xB480  }
0x43: {  	[tilespmem:s28], [sflag:$0x1] =	stream.indirect.gather [hbm4b:s5+s13], $0x20, s26, s13, $0xb8;
	[tilespmem:$0x1E0D0] =	vst v63  }
0x44: {  	s21 =	simm.s32 $0x580;
	s22 =	simm.s32 $0xBC80  }
0x45: {  	[tilespmem:s22], [sflag:$0x1] =	stream.indirect.gather [hbm4b:s5+s13], $0x20, s21, s13, $0xb8;
	[tilespmem:$0x1E0D0] =	vst v63  }
0x46: {  	s23 =	simm.s32 $0x5C0;
	s24 =	simm.s32 $0xC480  }
0x47: {  	[tilespmem:s24], [sflag:$0x1] =	stream.indirect.gather [hbm4b:s5+s13], $0x20, s23, s13, $0xb8;
	[tilespmem:$0x1E0D0] =	vst v63  }
0x48: {  	s25 =	simm.s32 $0x600;
	s26 =	simm.s32 $0xCC80  }
0x49: {  	[tilespmem:s26], [sflag:$0x1] =	stream.indirect.gather [hbm4b:s5+s13], $0x20, s25, s13, $0xb8;
	[tilespmem:$0x1E0D0] =	vst v63  }
0x4a: {  	s28 =	rddreg [dreg:$0x5]  }
0x4b: {  	[tilespmem:s14], [sflag:$0x3] =	stream.linear.gather [hbm4b:s28+s3], $0x640, $0x38;
	[tilespmem:$0x1E0D0] =	vst v63  }
0x4c: {  	_ =	swait.ge [sflag:s12], $0x640  }
0x4d: {  	[sflag:s12] =	ssyncset.done $0x0  }
0x4e: {  	s21 =	simm.s32 $0xD480;
	[sflag:s12] =	ssyncadd.s32 $0xFFFFF9C0  }
0x4f: {  	[tilespmem:s21], [sflag:$0x2] =	stream.indirect.gather [hbm4b:s5+s13], $0x20, s14, s13, $0xb8;
	[tilespmem:$0x1E0D0] =	vst v63  }
0x50: {  	s22 =	simm.s32 $0x680;
	s23 =	simm.s32 $0xDC80  }
0x51: {  	[tilespmem:s23], [sflag:$0x2] =	stream.indirect.gather [hbm4b:s5+s13], $0x20, s22, s13, $0xb8;
	[tilespmem:$0x1E0D0] =	vst v63  }
0x52: {  	s24 =	simm.s32 $0x6C0;
	s25 =	simm.s32 $0xE480  }
0x53: {  	[tilespmem:s25], [sflag:$0x2] =	stream.indirect.gather [hbm4b:s5+s13], $0x20, s24, s13, $0xb8;
	[tilespmem:$0x1E0D0] =	vst v63  }
0x54: {  	s26 =	simm.s32 $0x700;
	s28 =	simm.s32 $0xEC80  }
0x55: {  	[tilespmem:s28], [sflag:$0x2] =	stream.indirect.gather [hbm4b:s5+s13], $0x20, s26, s13, $0xb8;
	[tilespmem:$0x1E0D0] =	vst v63  }
0x56: {  	s22 =	simm.s32 $0x740;
	s23 =	simm.s32 $0xF480  }
0x57: {  	[tilespmem:s23], [sflag:$0x2] =	stream.indirect.gather [hbm4b:s5+s13], $0x20, s22, s13, $0xb8;
	[tilespmem:$0x1E0D0] =	vst v63  }
0x58: {  	s24 =	simm.s32 $0x780;
	s25 =	simm.s32 $0xFC80  }
0x59: {  	[tilespmem:s25], [sflag:$0x2] =	stream.indirect.gather [hbm4b:s5+s13], $0x20, s24, s13, $0xb8;
	[tilespmem:$0x1E0D0] =	vst v63  }
0x5a: {  	s26 =	simm.s32 $0x7C0;
	s28 =	simm.s32 $0x10480  }
0x5b: {  	[tilespmem:s28], [sflag:$0x2] =	stream.indirect.gather [hbm4b:s5+s13], $0x20, s26, s13, $0xb8;
	[tilespmem:$0x1E0D0] =	vst v63  }
0x5c: {  	s22 =	simm.s32 $0x800;
	s23 =	simm.s32 $0x10C80  }
0x5d: {  	[tilespmem:s23], [sflag:$0x2] =	stream.indirect.gather [hbm4b:s5+s13], $0x20, s22, s13, $0xb8;
	[tilespmem:$0x1E0D0] =	vst v63  }
0x5e: {  	s24 =	simm.s32 $0x840;
	s25 =	simm.s32 $0x11480  }
0x5f: {  	[tilespmem:s25], [sflag:$0x2] =	stream.indirect.gather [hbm4b:s5+s13], $0x20, s24, s13, $0xb8;
	[tilespmem:$0x1E0D0] =	vst v63  }
0x60: {  	s26 =	simm.s32 $0x880;
	s28 =	simm.s32 $0x11C80  }
0x61: {  	[tilespmem:s28], [sflag:$0x2] =	stream.indirect.gather [hbm4b:s5+s13], $0x20, s26, s13, $0xb8;
	[tilespmem:$0x1E0D0] =	vst v63  }
0x62: {  	s22 =	simm.s32 $0x8C0;
	s23 =	simm.s32 $0x12480  }
0x63: {  	[tilespmem:s23], [sflag:$0x2] =	stream.indirect.gather [hbm4b:s5+s13], $0x20, s22, s13, $0xb8;
	[tilespmem:$0x1E0D0] =	vst v63  }
0x64: {  	s24 =	simm.s32 $0x900;
	s25 =	simm.s32 $0x12C80  }
0x65: {  	[tilespmem:s25], [sflag:$0x2] =	stream.indirect.gather [hbm4b:s5+s13], $0x20, s24, s13, $0xb8;
	[tilespmem:$0x1E0D0] =	vst v63  }
0x66: {  	s26 =	simm.s32 $0x940;
	s28 =	simm.s32 $0x13480  }
0x67: {  	[tilespmem:s28], [sflag:$0x2] =	stream.indirect.gather [hbm4b:s5+s13], $0x20, s26, s13, $0xb8;
	[tilespmem:$0x1E0D0] =	vst v63  }
0x68: {  	s22 =	simm.s32 $0x980;
	s23 =	simm.s32 $0x13C80  }
0x69: {  	[tilespmem:s23], [sflag:$0x2] =	stream.indirect.gather [hbm4b:s5+s13], $0x20, s22, s13, $0xb8;
	[tilespmem:$0x1E0D0] =	vst v63  }
0x6a: {  	s24 =	simm.s32 $0x9C0;
	s25 =	simm.s32 $0x14480  }
0x6b: {  	[tilespmem:s25], [sflag:$0x2] =	stream.indirect.gather [hbm4b:s5+s13], $0x20, s24, s13, $0xb8;
	[tilespmem:$0x1E0D0] =	vst v63  }
0x6c: {  	s26 =	simm.s32 $0xA00;
	s28 =	simm.s32 $0x14C80  }
0x6d: {  	[tilespmem:s28], [sflag:$0x2] =	stream.indirect.gather [hbm4b:s5+s13], $0x20, s26, s13, $0xb8;
	[tilespmem:$0x1E0D0] =	vst v63  }
0x6e: {  	s22 =	simm.s32 $0xA40;
	s23 =	simm.s32 $0x15480  }
0x6f: {  	[tilespmem:s23], [sflag:$0x2] =	stream.indirect.gather [hbm4b:s5+s13], $0x20, s22, s13, $0xb8;
	[tilespmem:$0x1E0D0] =	vst v63  }
0x70: {  	s24 =	simm.s32 $0xA80;
	s25 =	simm.s32 $0x15C80  }
0x71: {  	[tilespmem:s25], [sflag:$0x2] =	stream.indirect.gather [hbm4b:s5+s13], $0x20, s24, s13, $0xb8;
	[tilespmem:$0x1E0D0] =	vst v63  }
0x72: {  	s26 =	simm.s32 $0xAC0;
	s28 =	simm.s32 $0x16480  }
0x73: {  	[tilespmem:s28], [sflag:$0x2] =	stream.indirect.gather [hbm4b:s5+s13], $0x20, s26, s13, $0xb8;
	[tilespmem:$0x1E0D0] =	vst v63  }
0x74: {  	_ = 	snop  }
0x75: {  	[tilespmem:s30], [sflag:$0x2] =	stream.indirect.gather [hbm4b:s5+s13], $0x20, s29, s13, $0xb8;
	[tilespmem:$0x1E0D0] =	vst v63  }
0x76: {  	_ = 	snop  }
0x77: {  	[tilespmem:s0], [sflag:$0x2] =	stream.indirect.gather [hbm4b:s5+s13], $0x20, s31, s13, $0xb8;
	[tilespmem:$0x1E0D0] =	vst v63  }
0x78: {  	_ = 	snop  }
0x79: {  	[tilespmem:s2], [sflag:$0x2] =	stream.indirect.gather [hbm4b:s5+s13], $0x20, s1, s13, $0xb8;
	[tilespmem:$0x1E0D0] =	vst v63  }
0x7a: {  	_ = 	snop  }
0x7b: {  	[tilespmem:s7], [sflag:$0x2] =	stream.indirect.gather [hbm4b:s5+s13], $0x20, s6, s13, $0xb8;
	[tilespmem:$0x1E0D0] =	vst v63  }
0x7c: {  	_ = 	snop  }
0x7d: {  	[tilespmem:s11], [sflag:$0x2] =	stream.indirect.gather [hbm4b:s5+s13], $0x20, s10, s13, $0xb8;
	[tilespmem:$0x1E0D0] =	vst v63  }
0x7e: {  	s20 =	simm.s32 $0x19C90;
	s21 =	simm.s32 $0x1A090;
	s22 =	simm.s32 $0x0  }
0x7f: {  	[tilespmem:s15], [sflag:$0x2] =	stream.indirect.gather [hbm4b:s5+s13], $0x20, s8, s13, $0xb8;
	[tilespmem:$0x1E0D0] =	vst v63  }
.LBB2_2:
0x80: {  	_ =	swait.ge [sflag:s16], $0x800  }
0x81: {  	[sflag:s16] =	ssyncset.done $0x0  }
0x82: {  	[sflag:s16] =	ssyncadd.s32 $0xFFFFF800  }
0x83: {  	_ =	swait.ge [sflag:s16], $0x800  }
0x84: {  	[sflag:s16] =	ssyncset.done $0x0  }
0x85: {  	[sflag:s16] =	ssyncadd.s32 $0xFFFFF800  }
0x86: {  	_ =	swait.ge [sflag:s16], $0x800  }
0x87: {  	[sflag:s16] =	ssyncset.done $0x0  }
0x88: {  	[sflag:s16] =	ssyncadd.s32 $0xFFFFF800  }
0x89: {  	_ =	swait.ge [sflag:s16], $0x800  }
0x8a: {  	[sflag:s16] =	ssyncset.done $0x0  }
0x8b: {  	[sflag:s16] =	ssyncadd.s32 $0xFFFFF800  }
0x8c: {  	_ =	swait.ge [sflag:s16], $0x800  }
0x8d: {  	[sflag:s16] =	ssyncset.done $0x0  }
0x8e: {  	[sflag:s16] =	ssyncadd.s32 $0xFFFFF800  }
0x8f: {  	_ =	swait.ge [sflag:s16], $0x800  }
0x90: {  	[sflag:s16] =	ssyncset.done $0x0  }
0x91: {  	[sflag:s16] =	ssyncadd.s32 $0xFFFFF800  }
0x92: {  	_ =	swait.ge [sflag:s16], $0x800  }
0x93: {  	[sflag:s16] =	ssyncset.done $0x0  }
0x94: {  	[sflag:s16] =	ssyncadd.s32 $0xFFFFF800  }
0x95: {  	_ =	swait.ge [sflag:s16], $0x800  }
0x96: {  	[sflag:s16] =	ssyncset.done $0x0  }
0x97: {  	[sflag:s16] =	ssyncadd.s32 $0xFFFFF800  }
0x98: {  	_ =	swait.ge [sflag:s16], $0x800  }
0x99: {  	[sflag:s16] =	ssyncset.done $0x0  }
0x9a: {  	[sflag:s16] =	ssyncadd.s32 $0xFFFFF800  }
0x9b: {  	_ =	swait.ge [sflag:s16], $0x800  }
0x9c: {  	[sflag:s16] =	ssyncset.done $0x0  }
0x9d: {  	[sflag:s16] =	ssyncadd.s32 $0xFFFFF800  }
0x9e: {  	_ =	swait.ge [sflag:s16], $0x800  }
0x9f: {  	[sflag:s16] =	ssyncset.done $0x0  }
0xa0: {  	[sflag:s16] =	ssyncadd.s32 $0xFFFFF800  }
0xa1: {  	_ =	swait.ge [sflag:s16], $0x800  }
0xa2: {  	[sflag:s16] =	ssyncset.done $0x0  }
0xa3: {  	[sflag:s16] =	ssyncadd.s32 $0xFFFFF800  }
0xa4: {  	_ =	swait.ge [sflag:s16], $0x800  }
0xa5: {  	[sflag:s16] =	ssyncset.done $0x0  }
0xa6: {  	[sflag:s16] =	ssyncadd.s32 $0xFFFFF800  }
0xa7: {  	_ =	swait.ge [sflag:s16], $0x800  }
0xa8: {  	[sflag:s16] =	ssyncset.done $0x0  }
0xa9: {  	[sflag:s16] =	ssyncadd.s32 $0xFFFFF800  }
0xaa: {  	_ =	swait.ge [sflag:s16], $0x800  }
0xab: {  	[sflag:s16] =	ssyncset.done $0x0  }
0xac: {  	[sflag:s16] =	ssyncadd.s32 $0xFFFFF800  }
0xad: {  	_ =	swait.ge [sflag:s16], $0x800  }
0xae: {  	[sflag:s16] =	ssyncset.done $0x0  }
0xaf: {  	[sflag:s16] =	ssyncadd.s32 $0xFFFFF800  }
0xb0: {  	_ =	swait.ge [sflag:s16], $0x800  }
0xb1: {  	[sflag:s16] =	ssyncset.done $0x0  }
0xb2: {  	[sflag:s16] =	ssyncadd.s32 $0xFFFFF800  }
0xb3: {  	_ =	swait.ge [sflag:s16], $0x800  }
0xb4: {  	[sflag:s16] =	ssyncset.done $0x0  }
0xb5: {  	[sflag:s16] =	ssyncadd.s32 $0xFFFFF800  }
0xb6: {  	_ =	swait.ge [sflag:s16], $0x800  }
0xb7: {  	[sflag:s16] =	ssyncset.done $0x0  }
0xb8: {  	[sflag:s16] =	ssyncadd.s32 $0xFFFFF800  }
0xb9: {  	_ =	swait.ge [sflag:s16], $0x800  }
0xba: {  	[sflag:s16] =	ssyncset.done $0x0  }
0xbb: {  	[sflag:s16] =	ssyncadd.s32 $0xFFFFF800  }
0xbc: {  	_ =	swait.ge [sflag:s16], $0x800  }
0xbd: {  	[sflag:s16] =	ssyncset.done $0x0  }
0xbe: {  	[sflag:s16] =	ssyncadd.s32 $0xFFFFF800  }
0xbf: {  	_ =	swait.ge [sflag:s16], $0x800  }
0xc0: {  	[sflag:s16] =	ssyncset.done $0x0  }
0xc1: {  	[sflag:s16] =	ssyncadd.s32 $0xFFFFF800  }
0xc2: {  	_ =	swait.ge [sflag:s16], $0x800  }
0xc3: {  	[sflag:s16] =	ssyncset.done $0x0  }
0xc4: {  	[sflag:s16] =	ssyncadd.s32 $0xFFFFF800  }
0xc5: {  	_ =	swait.ge [sflag:s16], $0x800  }
0xc6: {  	[sflag:s16] =	ssyncset.done $0x0  }
0xc7: {  	[sflag:s16] =	ssyncadd.s32 $0xFFFFF800  }
0xc8: {  	_ =	swait.ge [sflag:s16], $0x800  }
0xc9: {  	[sflag:s16] =	ssyncset.done $0x0  }
0xca: {  	s24 =	simm.s32 $0xFA0;
	[sflag:s16] =	ssyncadd.s32 $0xFFFFF800  }
0xcb: {  	v0 =	vld [tilespmem:s24+$0xFFFFFD10]  }
0xcc: {  	v2 =	vld [tilespmem:s24+$0xFFFFFD00]  }
0xcd: {  	v3 =	vld [tilespmem:s24+$0xFFFFFCE0]  }
0xce: {  	s23 =	simm.s32 $0x0;
	v1 =	vmov s20;
	s25 =	simm.s32 $0x80;
	v4 =	vld [tilespmem:s24+$0xFFFFFCF0]  }
.LBB2_3:
0xcf: {  	p0 =	sne.s32 s25, $0xF80;
	v5 =	vld [tilespmem:s24+$0xFFFFFD20]  }
0xd0: {  	v6 =	vld [tilespmem:s24+$0xFFFFFD30]  }
0xd1: {  	v7 =	vld [tilespmem:s24+$0xFFFFFD40]  }
0xd2: {  	v2 =	vadd.f32 v2, v3;
	v3 =	vld [tilespmem:s24+$0xFFFFFD50]  }
0xd3: {  	v0 =	vadd.f32 v0, v4;
	v4 =	vld [tilespmem:s24+$0xFFFFFD60]  }
0xd4: {  	v2 =	vadd.f32 v5, v2;
	v5 =	vld [tilespmem:s24+$0xFFFFFD70]  }
0xd5: {  	v0 =	vadd.f32 v6, v0;
	v6 =	vld [tilespmem:s24+$0xFFFFFD80]  }
0xd6: {  	v2 =	vadd.f32 v7, v2;
	v7 =	vld [tilespmem:s24+$0xFFFFFD90]  }
0xd7: {  	v0 =	vadd.f32 v3, v0;
	v3 =	vld [tilespmem:s24+$0xFFFFFDA0]  }
0xd8: {  	v2 =	vadd.f32 v4, v2;
	v4 =	vld [tilespmem:s24+$0xFFFFFDB0]  }
0xd9: {  	v0 =	vadd.f32 v5, v0;
	v5 =	vld [tilespmem:s24+$0xFFFFFDC0]  }
0xda: {  	v2 =	vadd.f32 v6, v2;
	v6 =	vld [tilespmem:s24+$0xFFFFFDD0]  }
0xdb: {  	v0 =	vadd.f32 v7, v0;
	v7 =	vld [tilespmem:s24+$0xFFFFFDE0]  }
0xdc: {  	v2 =	vadd.f32 v3, v2;
	v3 =	vld [tilespmem:s24+$0xFFFFFDF0]  }
0xdd: {  	v0 =	vadd.f32 v4, v0;
	v4 =	vld [tilespmem:s24+$0xFFFFFE00]  }
0xde: {  	v2 =	vadd.f32 v5, v2;
	v5 =	vld [tilespmem:s24+$0xFFFFFE10]  }
0xdf: {  	v0 =	vadd.f32 v6, v0;
	v6 =	vld [tilespmem:s24+$0xFFFFFE20]  }
0xe0: {  	v2 =	vadd.f32 v7, v2;
	v7 =	vld [tilespmem:s24+$0xFFFFFE30]  }
0xe1: {  	v0 =	vadd.f32 v3, v0;
	v3 =	vld [tilespmem:s24+$0xFFFFFE40]  }
0xe2: {  	v2 =	vadd.f32 v4, v2;
	v4 =	vld [tilespmem:s24+$0xFFFFFE50]  }
0xe3: {  	v0 =	vadd.f32 v5, v0;
	v5 =	vld [tilespmem:s24+$0xFFFFFE60]  }
0xe4: {  	v2 =	vadd.f32 v6, v2;
	v6 =	vld [tilespmem:s24+$0xFFFFFE70]  }
0xe5: {  	v0 =	vadd.f32 v7, v0;
	v7 =	vld [tilespmem:s24+$0xFFFFFE80]  }
0xe6: {  	v2 =	vadd.f32 v3, v2;
	v3 =	vld [tilespmem:s24+$0xFFFFFE90]  }
0xe7: {  	v0 =	vadd.f32 v4, v0;
	v4 =	vld [tilespmem:s24+$0xFFFFFEA0]  }
0xe8: {  	v2 =	vadd.f32 v5, v2;
	v5 =	vld [tilespmem:s24+$0xFFFFFEB0]  }
0xe9: {  	v0 =	vadd.f32 v6, v0;
	v6 =	vld [tilespmem:s24+$0xFFFFFEC0]  }
0xea: {  	v2 =	vadd.f32 v7, v2;
	v7 =	vld [tilespmem:s24+$0xFFFFFED0]  }
0xeb: {  	v0 =	vadd.f32 v3, v0;
	v3 =	vld [tilespmem:s24+$0xFFFFFEE0]  }
0xec: {  	v2 =	vadd.f32 v4, v2;
	v4 =	vld [tilespmem:s24+$0xFFFFFEF0]  }
0xed: {  	v0 =	vadd.f32 v5, v0;
	v5 =	vld [tilespmem:s24+$0xFFFFFF00]  }
0xee: {  	v2 =	vadd.f32 v6, v2;
	v6 =	vld [tilespmem:s24+$0xFFFFFF10]  }
0xef: {  	v0 =	vadd.f32 v7, v0;
	v7 =	vld [tilespmem:s24+$0xFFFFFF20]  }
0xf0: {  	v2 =	vadd.f32 v3, v2;
	v3 =	vld [tilespmem:s24+$0xFFFFFF30]  }
0xf1: {  	v0 =	vadd.f32 v4, v0;
	v4 =	vld [tilespmem:s24+$0xFFFFFF40]  }
0xf2: {  	v2 =	vadd.f32 v5, v2;
	v5 =	vld [tilespmem:s24+$0xFFFFFF50]  }
0xf3: {  	v0 =	vadd.f32 v6, v0;
	v6 =	vld [tilespmem:s24+$0xFFFFFF60]  }
0xf4: {  	v2 =	vadd.f32 v7, v2;
	v7 =	vld [tilespmem:s24+$0xFFFFFF70]  }
0xf5: {  	v0 =	vadd.f32 v3, v0;
	v3 =	vld [tilespmem:s24+$0xFFFFFF80]  }
0xf6: {  	v2 =	vadd.f32 v4, v2;
	v4 =	vld [tilespmem:s24+$0xFFFFFF90]  }
0xf7: {  	v0 =	vadd.f32 v5, v0;
	v5 =	vld [tilespmem:s24+$0xFFFFFFA0]  }
0xf8: {  	v2 =	vadd.f32 v6, v2;
	v6 =	vld [tilespmem:s24+$0xFFFFFFB0]  }
0xf9: {  	v0 =	vadd.f32 v7, v0;
	v7 =	vld [tilespmem:s24+$0xFFFFFFC0]  }
0xfa: {  	v2 =	vadd.f32 v3, v2;
	v3 =	vld [tilespmem:s24+$0xFFFFFFD0]  }
0xfb: {  	v0 =	vadd.f32 v4, v0;
	v4 =	vld [tilespmem:s24+$0xFFFFFFE0]  }
0xfc: {  	v2 =	vadd.f32 v5, v2;
	v5 =	vld [tilespmem:s24+$0xFFFFFFF0]  }
0xfd: {  	v0 =	vadd.f32 v6, v0;
	v6 =	vld [tilespmem:s24+$0x0]  }
0xfe: {  	v2 =	vadd.f32 v7, v2;
	v7 =	vld [tilespmem:s24+$0x10]  }
0xff: {  	v0 =	vadd.f32 v3, v0;
	v3 =	vld [tilespmem:s24+$0x20]  }
0x100: {  	v2 =	vadd.f32 v4, v2;
	v4 =	vld [tilespmem:s24+$0x30]  }
0x101: {  	v0 =	vadd.f32 v5, v0;
	v5 =	vld [tilespmem:s24+$0x40]  }
0x102: {  	v2 =	vadd.f32 v6, v2;
	v6 =	vld [tilespmem:s24+$0x50]  }
0x103: {  	v0 =	vadd.f32 v7, v0;
	v7 =	vld [tilespmem:s24+$0x60]  }
0x104: {  	v2 =	vadd.f32 v3, v2;
	v3 =	vld [tilespmem:s24+$0x70]  }
0x105: {  	v0 =	vadd.f32 v4, v0;
	v4 =	vld [tilespmem:s24+$0x80]  }
0x106: {  	v2 =	vadd.f32 v5, v2;
	v5 =	vld [tilespmem:s24+$0x90]  }
0x107: {  	v0 =	vadd.f32 v6, v0;
	v6 =	vld [tilespmem:s24+$0xA0]  }
0x108: {  	v2 =	vadd.f32 v7, v2;
	v7 =	vld [tilespmem:s24+$0xB0]  }
0x109: {  	v0 =	vadd.f32 v3, v0;
	v3 =	vld [tilespmem:s24+$0xC0]  }
0x10a: {  	v2 =	vadd.f32 v4, v2;
	v4 =	vld [tilespmem:s24+$0xD0]  }
0x10b: {  	v0 =	vadd.f32 v5, v0;
	v5 =	vld [tilespmem:s24+$0xE0]  }
0x10c: {  	v2 =	vadd.f32 v6, v2;
	v6 =	vld [tilespmem:s24+$0xF0]  }
0x10d: {  	v0 =	vadd.f32 v7, v0;
	v7 =	vld [tilespmem:s24+$0x100]  }
0x10e: {  	v2 =	vadd.f32 v3, v2;
	v3 =	vld [tilespmem:s24+$0x110]  }
0x10f: {  	v0 =	vadd.f32 v4, v0;
	v4 =	vld [tilespmem:s24+$0x120]  }
0x110: {  	v2 =	vadd.f32 v5, v2;
	v5 =	vld [tilespmem:s24+$0x130]  }
0x111: {  	v0 =	vadd.f32 v6, v0;
	v6 =	vld [tilespmem:s24+$0x140]  }
0x112: {  	v2 =	vadd.f32 v7, v2;
	v7 =	vld [tilespmem:s24+$0x150]  }
0x113: {  	v0 =	vadd.f32 v3, v0;
	v3 =	vld [tilespmem:s24+$0x160]  }
0x114: {  	v2 =	vadd.f32 v4, v2;
	v4 =	vld [tilespmem:s24+$0x170]  }
0x115: {  	v0 =	vadd.f32 v5, v0;
	v5 =	vld [tilespmem:s24+$0x180]  }
0x116: {  	v2 =	vadd.f32 v6, v2;
	v6 =	vld [tilespmem:s24+$0x190]  }
0x117: {  	v0 =	vadd.f32 v7, v0;
	v7 =	vld [tilespmem:s24+$0x1A0]  }
0x118: {  	v2 =	vadd.f32 v3, v2;
	v3 =	vld [tilespmem:s24+$0x1B0]  }
0x119: {  	v0 =	vadd.f32 v4, v0;
	v4 =	vld [tilespmem:s24+$0x1C0]  }
0x11a: {  	v2 =	vadd.f32 v5, v2;
	v5 =	vld [tilespmem:s24+$0x1D0]  }
0x11b: {  	v0 =	vadd.f32 v6, v0;
	v6 =	vld [tilespmem:s24+$0x1E0]  }
0x11c: {  	v2 =	vadd.f32 v7, v2;
	v7 =	vld [tilespmem:s24+$0x1F0]  }
0x11d: {  	v0 =	vadd.f32 v3, v0;
	v3 =	vld [tilespmem:s24+$0x200]  }
0x11e: {  	v2 =	vadd.f32 v4, v2;
	v4 =	vld [tilespmem:s24+$0x210]  }
0x11f: {  	v0 =	vadd.f32 v5, v0;
	v5 =	vld [tilespmem:s24+$0x220]  }
0x120: {  	v2 =	vadd.f32 v6, v2;
	v6 =	vld [tilespmem:s24+$0x230]  }
0x121: {  	v0 =	vadd.f32 v7, v0;
	v7 =	vld [tilespmem:s24+$0x240]  }
0x122: {  	v2 =	vadd.f32 v3, v2;
	v3 =	vld [tilespmem:s24+$0x250]  }
0x123: {  	v0 =	vadd.f32 v4, v0;
	v4 =	vld [tilespmem:s24+$0x260]  }
0x124: {  	v2 =	vadd.f32 v5, v2;
	v5 =	vld [tilespmem:s24+$0x270]  }
0x125: {  	v0 =	vadd.f32 v6, v0;
	v6 =	vld [tilespmem:s24+$0x280]  }
0x126: {  	v2 =	vadd.f32 v7, v2;
	v7 =	vld [tilespmem:s24+$0x290]  }
0x127: {  	v0 =	vadd.f32 v3, v0;
	v3 =	vld [tilespmem:s24+$0x2A0]  }
0x128: {  	v2 =	vadd.f32 v4, v2;
	v4 =	vld [tilespmem:s24+$0x2B0]  }
0x129: {  	v0 =	vadd.f32 v5, v0;
	v5 =	vld [tilespmem:s24+$0x2C0]  }
0x12a: {  	v2 =	vadd.f32 v6, v2;
	v6 =	vld [tilespmem:s24+$0x2D0]  }
0x12b: {  	v0 =	vadd.f32 v7, v0;
	v7 =	vld [tilespmem:s24+$0x2E0]  }
0x12c: {  	v2 =	vadd.f32 v3, v2;
	v3 =	vld [tilespmem:s24+$0x2F0]  }
0x12d: {  	v0 =	vadd.f32 v4, v0;
	v4 =	vld [tilespmem:s24+$0x300]  }
0x12e: {  	v2 =	vadd.f32 v5, v2;
	v5 =	vld [tilespmem:s24+$0x310]  }
0x12f: {  	v0 =	vadd.f32 v6, v0  }
0x130: {  	v2 =	vadd.f32 v7, v2  }
0x131: {  	v0 =	vadd.f32 v3, v0  }
0x132: {  	v2 =	vadd.f32 v4, v2  }
0x133: {  	s26 =	sshra.s32 s23, $0x2;
	s23 =	smov.u32 s25;
	v0 =	vadd.f32 v5, v0  }
0x134: {  	[tilespmem:v1+s26+$0xFFFFFFF0 ss:$0x1] =	vst.idx.msk $0xffff, v2  }
.Ltmp0:
0x135: {  	s24 =	sadd.s32 $0x640, s24;
	[tilespmem:v1+s26+$0x0 ss:$0x1] =	vst.idx.msk $0xffff, v0;
	(pc) =	sbr.rel @p0 .LBB2_3-.Ltmp0, $4  }
0x136: {  	v0 =	vld [tilespmem:s24+$0xFFFFFD10]  }
0x137: {  	v2 =	vld [tilespmem:s24+$0xFFFFFD00]  }
0x138: {  	v3 =	vld [tilespmem:s24+$0xFFFFFCE0]  }
0x139: {  	s25 =	sadd.s32 $0x80, s25;
	v4 =	vld [tilespmem:s24+$0xFFFFFCF0]  }
0x13a: {  	v5 =	vld [tilespmem:s24+$0xFFFFFD20]  }
0x13b: {  	v6 =	vld [tilespmem:s24+$0xFFFFFD30]  }
0x13c: {  	v7 =	vld [tilespmem:s24+$0xFFFFFD40]  }
0x13d: {  	v59 =	vld [tilespmem:s24+$0xFFFFFD50];
	v2 =	vadd.f32 v2, v3  }
0x13e: {  	v60 =	vld [tilespmem:s24+$0xFFFFFD60];
	v0 =	vadd.f32 v0, v4  }
0x13f: {  	v61 =	vld [tilespmem:s24+$0xFFFFFD70];
	v2 =	vadd.f32 v5, v2  }
0x140: {  	v0 =	vadd.f32 v6, v0;
	v6 =	vld [tilespmem:s24+$0xFFFFFD80]  }
0x141: {  	v2 =	vadd.f32 v7, v2;
	v7 =	vld [tilespmem:s24+$0xFFFFFD90]  }
0x142: {  	v62 =	vld [tilespmem:s24+$0xFFFFFDA0];
	v0 =	vadd.f32 v59, v0  }
0x143: {  	v63 =	vld [tilespmem:s24+$0xFFFFFDB0];
	v2 =	vadd.f32 v60, v2  }
0x144: {  	v12 =	vld [tilespmem:s24+$0xFFFFFDC0];
	v0 =	vadd.f32 v61, v0  }
0x145: {  	v2 =	vadd.f32 v6, v2;
	v6 =	vld [tilespmem:s24+$0xFFFFFDD0]  }
0x146: {  	v0 =	vadd.f32 v7, v0;
	v7 =	vld [tilespmem:s24+$0xFFFFFDE0]  }
0x147: {  	v13 =	vld [tilespmem:s24+$0xFFFFFDF0];
	v2 =	vadd.f32 v62, v2  }
0x148: {  	v14 =	vld [tilespmem:s24+$0xFFFFFE00];
	v0 =	vadd.f32 v63, v0  }
0x149: {  	v15 =	vld [tilespmem:s24+$0xFFFFFE10];
	v2 =	vadd.f32 v12, v2  }
0x14a: {  	v0 =	vadd.f32 v6, v0;
	v6 =	vld [tilespmem:s24+$0xFFFFFE20]  }
0x14b: {  	v2 =	vadd.f32 v7, v2;
	v7 =	vld [tilespmem:s24+$0xFFFFFE30]  }
0x14c: {  	v16 =	vld [tilespmem:s24+$0xFFFFFE40];
	v0 =	vadd.f32 v13, v0  }
0x14d: {  	v17 =	vld [tilespmem:s24+$0xFFFFFE50];
	v2 =	vadd.f32 v14, v2  }
0x14e: {  	v18 =	vld [tilespmem:s24+$0xFFFFFE60];
	v0 =	vadd.f32 v15, v0  }
0x14f: {  	v2 =	vadd.f32 v6, v2;
	v6 =	vld [tilespmem:s24+$0xFFFFFE70]  }
0x150: {  	v0 =	vadd.f32 v7, v0;
	v7 =	vld [tilespmem:s24+$0xFFFFFE80]  }
0x151: {  	v19 =	vld [tilespmem:s24+$0xFFFFFE90];
	v2 =	vadd.f32 v16, v2  }
0x152: {  	v20 =	vld [tilespmem:s24+$0xFFFFFEA0];
	v0 =	vadd.f32 v17, v0  }
0x153: {  	v21 =	vld [tilespmem:s24+$0xFFFFFEB0];
	v2 =	vadd.f32 v18, v2  }
0x154: {  	v0 =	vadd.f32 v6, v0;
	v6 =	vld [tilespmem:s24+$0xFFFFFEC0]  }
0x155: {  	v2 =	vadd.f32 v7, v2;
	v7 =	vld [tilespmem:s24+$0xFFFFFED0]  }
0x156: {  	v22 =	vld [tilespmem:s24+$0xFFFFFEE0];
	v0 =	vadd.f32 v19, v0  }
0x157: {  	v23 =	vld [tilespmem:s24+$0xFFFFFEF0];
	v2 =	vadd.f32 v20, v2  }
0x158: {  	v24 =	vld [tilespmem:s24+$0xFFFFFF00];
	v0 =	vadd.f32 v21, v0  }
0x159: {  	v2 =	vadd.f32 v6, v2;
	v6 =	vld [tilespmem:s24+$0xFFFFFF10]  }
0x15a: {  	v0 =	vadd.f32 v7, v0;
	v7 =	vld [tilespmem:s24+$0xFFFFFF20]  }
0x15b: {  	v25 =	vld [tilespmem:s24+$0xFFFFFF30];
	v2 =	vadd.f32 v22, v2  }
0x15c: {  	v26 =	vld [tilespmem:s24+$0xFFFFFF40];
	v0 =	vadd.f32 v23, v0  }
0x15d: {  	v27 =	vld [tilespmem:s24+$0xFFFFFF50];
	v2 =	vadd.f32 v24, v2  }
0x15e: {  	v0 =	vadd.f32 v6, v0;
	v6 =	vld [tilespmem:s24+$0xFFFFFF60]  }
0x15f: {  	v2 =	vadd.f32 v7, v2;
	v7 =	vld [tilespmem:s24+$0xFFFFFF70]  }
0x160: {  	v28 =	vld [tilespmem:s24+$0xFFFFFF80];
	v0 =	vadd.f32 v25, v0  }
0x161: {  	v29 =	vld [tilespmem:s24+$0xFFFFFF90];
	v2 =	vadd.f32 v26, v2  }
0x162: {  	v30 =	vld [tilespmem:s24+$0xFFFFFFA0];
	v0 =	vadd.f32 v27, v0  }
0x163: {  	v2 =	vadd.f32 v6, v2;
	v6 =	vld [tilespmem:s24+$0xFFFFFFB0]  }
0x164: {  	v0 =	vadd.f32 v7, v0;
	v7 =	vld [tilespmem:s24+$0xFFFFFFC0]  }
0x165: {  	v31 =	vld [tilespmem:s24+$0xFFFFFFD0];
	v2 =	vadd.f32 v28, v2  }
0x166: {  	v32 =	vld [tilespmem:s24+$0xFFFFFFE0];
	v0 =	vadd.f32 v29, v0  }
0x167: {  	v33 =	vld [tilespmem:s24+$0xFFFFFFF0];
	v2 =	vadd.f32 v30, v2  }
0x168: {  	v0 =	vadd.f32 v6, v0;
	v6 =	vld [tilespmem:s24+$0x0]  }
0x169: {  	v2 =	vadd.f32 v7, v2;
	v7 =	vld [tilespmem:s24+$0x10]  }
0x16a: {  	v34 =	vld [tilespmem:s24+$0x20];
	v0 =	vadd.f32 v31, v0  }
0x16b: {  	v35 =	vld [tilespmem:s24+$0x30];
	v2 =	vadd.f32 v32, v2  }
0x16c: {  	v36 =	vld [tilespmem:s24+$0x40];
	v0 =	vadd.f32 v33, v0  }
0x16d: {  	v2 =	vadd.f32 v6, v2;
	v6 =	vld [tilespmem:s24+$0x50]  }
0x16e: {  	v0 =	vadd.f32 v7, v0;
	v7 =	vld [tilespmem:s24+$0x60]  }
0x16f: {  	v37 =	vld [tilespmem:s24+$0x70];
	v2 =	vadd.f32 v34, v2  }
0x170: {  	v38 =	vld [tilespmem:s24+$0x80];
	v0 =	vadd.f32 v35, v0  }
0x171: {  	v39 =	vld [tilespmem:s24+$0x90];
	v2 =	vadd.f32 v36, v2  }
0x172: {  	v0 =	vadd.f32 v6, v0;
	v6 =	vld [tilespmem:s24+$0xA0]  }
0x173: {  	v2 =	vadd.f32 v7, v2;
	v7 =	vld [tilespmem:s24+$0xB0]  }
0x174: {  	v40 =	vld [tilespmem:s24+$0xC0];
	v0 =	vadd.f32 v37, v0  }
0x175: {  	v41 =	vld [tilespmem:s24+$0xD0];
	v2 =	vadd.f32 v38, v2  }
0x176: {  	v42 =	vld [tilespmem:s24+$0xE0];
	v0 =	vadd.f32 v39, v0  }
0x177: {  	v2 =	vadd.f32 v6, v2;
	v6 =	vld [tilespmem:s24+$0xF0]  }
0x178: {  	v0 =	vadd.f32 v7, v0;
	v7 =	vld [tilespmem:s24+$0x100]  }
0x179: {  	v43 =	vld [tilespmem:s24+$0x110];
	v2 =	vadd.f32 v40, v2  }
0x17a: {  	v44 =	vld [tilespmem:s24+$0x120];
	v0 =	vadd.f32 v41, v0  }
0x17b: {  	v45 =	vld [tilespmem:s24+$0x130];
	v2 =	vadd.f32 v42, v2  }
0x17c: {  	v0 =	vadd.f32 v6, v0;
	v6 =	vld [tilespmem:s24+$0x140]  }
0x17d: {  	v2 =	vadd.f32 v7, v2;
	v7 =	vld [tilespmem:s24+$0x150]  }
0x17e: {  	v46 =	vld [tilespmem:s24+$0x160];
	v0 =	vadd.f32 v43, v0  }
0x17f: {  	v47 =	vld [tilespmem:s24+$0x170];
	v2 =	vadd.f32 v44, v2  }
0x180: {  	v48 =	vld [tilespmem:s24+$0x180];
	v0 =	vadd.f32 v45, v0  }
0x181: {  	v2 =	vadd.f32 v6, v2;
	v6 =	vld [tilespmem:s24+$0x190]  }
0x182: {  	v0 =	vadd.f32 v7, v0;
	v7 =	vld [tilespmem:s24+$0x1A0]  }
0x183: {  	v49 =	vld [tilespmem:s24+$0x1B0];
	v2 =	vadd.f32 v46, v2  }
0x184: {  	v50 =	vld [tilespmem:s24+$0x1C0];
	v0 =	vadd.f32 v47, v0  }
0x185: {  	v51 =	vld [tilespmem:s24+$0x1D0];
	v2 =	vadd.f32 v48, v2  }
0x186: {  	v0 =	vadd.f32 v6, v0;
	v6 =	vld [tilespmem:s24+$0x1E0]  }
0x187: {  	v2 =	vadd.f32 v7, v2;
	v7 =	vld [tilespmem:s24+$0x1F0]  }
0x188: {  	v52 =	vld [tilespmem:s24+$0x200];
	v0 =	vadd.f32 v49, v0  }
0x189: {  	v53 =	vld [tilespmem:s24+$0x210];
	v2 =	vadd.f32 v50, v2  }
0x18a: {  	v54 =	vld [tilespmem:s24+$0x220];
	v0 =	vadd.f32 v51, v0  }
0x18b: {  	v2 =	vadd.f32 v6, v2;
	v6 =	vld [tilespmem:s24+$0x230]  }
0x18c: {  	v0 =	vadd.f32 v7, v0;
	v7 =	vld [tilespmem:s24+$0x240]  }
0x18d: {  	v55 =	vld [tilespmem:s24+$0x250];
	v2 =	vadd.f32 v52, v2  }
0x18e: {  	v56 =	vld [tilespmem:s24+$0x260];
	v0 =	vadd.f32 v53, v0  }
0x18f: {  	v57 =	vld [tilespmem:s24+$0x270];
	v2 =	vadd.f32 v54, v2  }
0x190: {  	v0 =	vadd.f32 v6, v0;
	v6 =	vld [tilespmem:s24+$0x280]  }
0x191: {  	v2 =	vadd.f32 v7, v2;
	v7 =	vld [tilespmem:s24+$0x290]  }
0x192: {  	v58 =	vld [tilespmem:s24+$0x2A0];
	v0 =	vadd.f32 v55, v0  }
0x193: {  	v59 =	vld [tilespmem:s24+$0x2B0];
	v2 =	vadd.f32 v56, v2  }
0x194: {  	v60 =	vld [tilespmem:s24+$0x2C0];
	v0 =	vadd.f32 v57, v0  }
0x195: {  	v2 =	vadd.f32 v6, v2;
	v6 =	vld [tilespmem:s24+$0x2D0]  }
0x196: {  	v0 =	vadd.f32 v7, v0;
	v7 =	vld [tilespmem:s24+$0x2E0]  }
0x197: {  	v61 =	vld [tilespmem:s24+$0x2F0];
	v2 =	vadd.f32 v58, v2  }
0x198: {  	v62 =	vld [tilespmem:s24+$0x300];
	v0 =	vadd.f32 v59, v0  }
0x199: {  	v63 =	vld [tilespmem:s24+$0x310];
	v2 =	vadd.f32 v60, v2  }
0x19a: {  	v0 =	vadd.f32 v6, v0  }
0x19b: {  	p0 =	seq.s32 s22, $0x7;
	v2 =	vadd.f32 v7, v2  }
.Ltmp1:
0x19c: {  	v0 =	vadd.f32 v61, v0;
	(pc) =	sbr.rel @p0 .LBB2_6-.Ltmp1, $4  }
0x19d: {  	v2 =	vadd.f32 v62, v2  }
0x19e: {  	s23 =	sshra.s32 s23, $0x2;
	v0 =	vadd.f32 v63, v0  }
0x19f: {  	[tilespmem:v1+s23+$0xFFFFFFF0 ss:$0x1] =	vst.idx.msk $0xffff, v2  }
0x1a0: {  	[tilespmem:v1+s23+$0x0 ss:$0x1] =	vst.idx.msk $0xffff, v0;
	s23 =	sshll.u32 s22, $0x1  }
0x1a1: {  	s24 =	rddreg [dreg:$0x6]  }
0x1a2: {  	s24 =	sadd.s32 s23, s24  }
0x1a3: {  	s24 =	smul.u32 $0xC8, s24;
	_ =	sdelay $0x1  }
0x1a4: {  	s24 =	sadd.s32 s4, s24  }
0x1a5: {  	[tilespmem:s3], [sflag:$0x3] =	stream.linear.gather [hbm4b:s24+s3], $0x640, $0x38;
	[tilespmem:$0x1E0D0] =	vst v63  }
0x1a6: {  	_ =	swait.ge [sflag:s12], $0x640  }
0x1a7: {  	[sflag:s12] =	ssyncset.done $0x0  }
0x1a8: {  	s25 =	simm.s32 $0xC80;
	[sflag:s12] =	ssyncadd.s32 $0xFFFFF9C0  }
0x1a9: {  	[tilespmem:s25], [sflag:$0x1] =	stream.indirect.gather [hbm4b:s5+s13], $0x20, s3, s13, $0xb8;
	[tilespmem:$0x1E0D0] =	vst v63  }
0x1aa: {  	s26 =	simm.s32 $0x1480  }
0x1ab: {  	[tilespmem:s26], [sflag:$0x1] =	stream.indirect.gather [hbm4b:s5+s13], $0x20, s13, s13, $0xb8;
	[tilespmem:$0x1E0D0] =	vst v63  }
0x1ac: {  	s28 =	simm.s32 $0x80;
	s25 =	simm.s32 $0x1C80  }
0x1ad: {  	[tilespmem:s25], [sflag:$0x1] =	stream.indirect.gather [hbm4b:s5+s13], $0x20, s28, s13, $0xb8;
	[tilespmem:$0x1E0D0] =	vst v63  }
0x1ae: {  	s26 =	simm.s32 $0xC0;
	s28 =	simm.s32 $0x2480  }
0x1af: {  	[tilespmem:s28], [sflag:$0x1] =	stream.indirect.gather [hbm4b:s5+s13], $0x20, s26, s13, $0xb8;
	[tilespmem:$0x1E0D0] =	vst v63  }
0x1b0: {  	s26 =	simm.s32 $0x100;
	s28 =	simm.s32 $0x2C80  }
0x1b1: {  	[tilespmem:s28], [sflag:$0x1] =	stream.indirect.gather [hbm4b:s5+s13], $0x20, s26, s13, $0xb8;
	[tilespmem:$0x1E0D0] =	vst v63  }
0x1b2: {  	s26 =	simm.s32 $0x140;
	s28 =	simm.s32 $0x3480  }
0x1b3: {  	[tilespmem:s28], [sflag:$0x1] =	stream.indirect.gather [hbm4b:s5+s13], $0x20, s26, s13, $0xb8;
	[tilespmem:$0x1E0D0] =	vst v63  }
0x1b4: {  	s26 =	simm.s32 $0x180;
	s28 =	simm.s32 $0x3C80  }
0x1b5: {  	[tilespmem:s28], [sflag:$0x1] =	stream.indirect.gather [hbm4b:s5+s13], $0x20, s26, s13, $0xb8;
	[tilespmem:$0x1E0D0] =	vst v63  }
0x1b6: {  	s26 =	simm.s32 $0x1C0;
	s28 =	simm.s32 $0x4480  }
0x1b7: {  	[tilespmem:s28], [sflag:$0x1] =	stream.indirect.gather [hbm4b:s5+s13], $0x20, s26, s13, $0xb8;
	[tilespmem:$0x1E0D0] =	vst v63  }
0x1b8: {  	s26 =	simm.s32 $0x200;
	s28 =	simm.s32 $0x4C80  }
0x1b9: {  	[tilespmem:s28], [sflag:$0x1] =	stream.indirect.gather [hbm4b:s5+s13], $0x20, s26, s13, $0xb8;
	[tilespmem:$0x1E0D0] =	vst v63  }
0x1ba: {  	s26 =	simm.s32 $0x240;
	s28 =	simm.s32 $0x5480  }
0x1bb: {  	[tilespmem:s28], [sflag:$0x1] =	stream.indirect.gather [hbm4b:s5+s13], $0x20, s26, s13, $0xb8;
	[tilespmem:$0x1E0D0] =	vst v63  }
0x1bc: {  	s26 =	simm.s32 $0x280;
	s28 =	simm.s32 $0x5C80  }
0x1bd: {  	[tilespmem:s28], [sflag:$0x1] =	stream.indirect.gather [hbm4b:s5+s13], $0x20, s26, s13, $0xb8;
	[tilespmem:$0x1E0D0] =	vst v63  }
0x1be: {  	s26 =	simm.s32 $0x2C0;
	s28 =	simm.s32 $0x6480  }
0x1bf: {  	[tilespmem:s28], [sflag:$0x1] =	stream.indirect.gather [hbm4b:s5+s13], $0x20, s26, s13, $0xb8;
	[tilespmem:$0x1E0D0] =	vst v63  }
0x1c0: {  	s26 =	simm.s32 $0x300;
	s28 =	simm.s32 $0x6C80  }
0x1c1: {  	[tilespmem:s28], [sflag:$0x1] =	stream.indirect.gather [hbm4b:s5+s13], $0x20, s26, s13, $0xb8;
	[tilespmem:$0x1E0D0] =	vst v63  }
0x1c2: {  	s26 =	simm.s32 $0x340;
	s28 =	simm.s32 $0x7480  }
0x1c3: {  	[tilespmem:s28], [sflag:$0x1] =	stream.indirect.gather [hbm4b:s5+s13], $0x20, s26, s13, $0xb8;
	[tilespmem:$0x1E0D0] =	vst v63  }
0x1c4: {  	s26 =	simm.s32 $0x380;
	s28 =	simm.s32 $0x7C80  }
0x1c5: {  	[tilespmem:s28], [sflag:$0x1] =	stream.indirect.gather [hbm4b:s5+s13], $0x20, s26, s13, $0xb8;
	[tilespmem:$0x1E0D0] =	vst v63  }
0x1c6: {  	s26 =	simm.s32 $0x3C0;
	s28 =	simm.s32 $0x8480  }
0x1c7: {  	[tilespmem:s28], [sflag:$0x1] =	stream.indirect.gather [hbm4b:s5+s13], $0x20, s26, s13, $0xb8;
	[tilespmem:$0x1E0D0] =	vst v63  }
0x1c8: {  	s26 =	simm.s32 $0x400;
	s28 =	simm.s32 $0x8C80  }
0x1c9: {  	[tilespmem:s28], [sflag:$0x1] =	stream.indirect.gather [hbm4b:s5+s13], $0x20, s26, s13, $0xb8;
	[tilespmem:$0x1E0D0] =	vst v63  }
0x1ca: {  	s26 =	simm.s32 $0x440;
	s28 =	simm.s32 $0x9480  }
0x1cb: {  	[tilespmem:s28], [sflag:$0x1] =	stream.indirect.gather [hbm4b:s5+s13], $0x20, s26, s13, $0xb8;
	[tilespmem:$0x1E0D0] =	vst v63  }
0x1cc: {  	s26 =	simm.s32 $0x480;
	s28 =	simm.s32 $0x9C80  }
0x1cd: {  	[tilespmem:s28], [sflag:$0x1] =	stream.indirect.gather [hbm4b:s5+s13], $0x20, s26, s13, $0xb8;
	[tilespmem:$0x1E0D0] =	vst v63  }
0x1ce: {  	s26 =	simm.s32 $0x4C0;
	s28 =	simm.s32 $0xA480  }
0x1cf: {  	[tilespmem:s28], [sflag:$0x1] =	stream.indirect.gather [hbm4b:s5+s13], $0x20, s26, s13, $0xb8;
	[tilespmem:$0x1E0D0] =	vst v63  }
0x1d0: {  	s26 =	simm.s32 $0x500;
	s28 =	simm.s32 $0xAC80  }
0x1d1: {  	[tilespmem:s28], [sflag:$0x1] =	stream.indirect.gather [hbm4b:s5+s13], $0x20, s26, s13, $0xb8;
	[tilespmem:$0x1E0D0] =	vst v63  }
0x1d2: {  	s26 =	simm.s32 $0x540;
	s28 =	simm.s32 $0xB480  }
0x1d3: {  	[tilespmem:s28], [sflag:$0x1] =	stream.indirect.gather [hbm4b:s5+s13], $0x20, s26, s13, $0xb8;
	[tilespmem:$0x1E0D0] =	vst v63  }
0x1d4: {  	s26 =	simm.s32 $0x580;
	s28 =	simm.s32 $0xBC80  }
0x1d5: {  	[tilespmem:s28], [sflag:$0x1] =	stream.indirect.gather [hbm4b:s5+s13], $0x20, s26, s13, $0xb8;
	[tilespmem:$0x1E0D0] =	vst v63  }
0x1d6: {  	s26 =	simm.s32 $0x5C0;
	s28 =	simm.s32 $0xC480  }
0x1d7: {  	[tilespmem:s28], [sflag:$0x1] =	stream.indirect.gather [hbm4b:s5+s13], $0x20, s26, s13, $0xb8;
	[tilespmem:$0x1E0D0] =	vst v63  }
0x1d8: {  	s26 =	simm.s32 $0x600;
	s28 =	simm.s32 $0xCC80  }
0x1d9: {  	[tilespmem:s28], [sflag:$0x1] =	stream.indirect.gather [hbm4b:s5+s13], $0x20, s26, s13, $0xb8;
	[tilespmem:$0x1E0D0] =	vst v63  }
.LBB2_6:
0x1da: {  	_ =	swait.ge [sflag:s17], $0x800  }
0x1db: {  	[sflag:s17] =	ssyncset.done $0x0  }
0x1dc: {  	[sflag:s17] =	ssyncadd.s32 $0xFFFFF800  }
0x1dd: {  	_ =	swait.ge [sflag:s17], $0x800  }
0x1de: {  	[sflag:s17] =	ssyncset.done $0x0  }
0x1df: {  	[sflag:s17] =	ssyncadd.s32 $0xFFFFF800  }
0x1e0: {  	_ =	swait.ge [sflag:s17], $0x800  }
0x1e1: {  	[sflag:s17] =	ssyncset.done $0x0  }
0x1e2: {  	[sflag:s17] =	ssyncadd.s32 $0xFFFFF800  }
0x1e3: {  	_ =	swait.ge [sflag:s17], $0x800  }
0x1e4: {  	[sflag:s17] =	ssyncset.done $0x0  }
0x1e5: {  	[sflag:s17] =	ssyncadd.s32 $0xFFFFF800  }
0x1e6: {  	_ =	swait.ge [sflag:s17], $0x800  }
0x1e7: {  	[sflag:s17] =	ssyncset.done $0x0  }
0x1e8: {  	[sflag:s17] =	ssyncadd.s32 $0xFFFFF800  }
0x1e9: {  	_ =	swait.ge [sflag:s17], $0x800  }
0x1ea: {  	[sflag:s17] =	ssyncset.done $0x0  }
0x1eb: {  	[sflag:s17] =	ssyncadd.s32 $0xFFFFF800  }
0x1ec: {  	_ =	swait.ge [sflag:s17], $0x800  }
0x1ed: {  	[sflag:s17] =	ssyncset.done $0x0  }
0x1ee: {  	[sflag:s17] =	ssyncadd.s32 $0xFFFFF800  }
0x1ef: {  	_ =	swait.ge [sflag:s17], $0x800  }
0x1f0: {  	[sflag:s17] =	ssyncset.done $0x0  }
0x1f1: {  	[sflag:s17] =	ssyncadd.s32 $0xFFFFF800  }
0x1f2: {  	_ =	swait.ge [sflag:s17], $0x800  }
0x1f3: {  	[sflag:s17] =	ssyncset.done $0x0  }
0x1f4: {  	[sflag:s17] =	ssyncadd.s32 $0xFFFFF800  }
0x1f5: {  	_ =	swait.ge [sflag:s17], $0x800  }
0x1f6: {  	[sflag:s17] =	ssyncset.done $0x0  }
0x1f7: {  	[sflag:s17] =	ssyncadd.s32 $0xFFFFF800  }
0x1f8: {  	_ =	swait.ge [sflag:s17], $0x800  }
0x1f9: {  	[sflag:s17] =	ssyncset.done $0x0  }
0x1fa: {  	[sflag:s17] =	ssyncadd.s32 $0xFFFFF800  }
0x1fb: {  	_ =	swait.ge [sflag:s17], $0x800  }
0x1fc: {  	[sflag:s17] =	ssyncset.done $0x0  }
0x1fd: {  	[sflag:s17] =	ssyncadd.s32 $0xFFFFF800  }
0x1fe: {  	_ =	swait.ge [sflag:s17], $0x800  }
0x1ff: {  	[sflag:s17] =	ssyncset.done $0x0  }
0x200: {  	[sflag:s17] =	ssyncadd.s32 $0xFFFFF800  }
0x201: {  	_ =	swait.ge [sflag:s17], $0x800  }
0x202: {  	[sflag:s17] =	ssyncset.done $0x0  }
0x203: {  	[sflag:s17] =	ssyncadd.s32 $0xFFFFF800  }
0x204: {  	_ =	swait.ge [sflag:s17], $0x800  }
0x205: {  	[sflag:s17] =	ssyncset.done $0x0  }
0x206: {  	[sflag:s17] =	ssyncadd.s32 $0xFFFFF800  }
0x207: {  	_ =	swait.ge [sflag:s17], $0x800  }
0x208: {  	[sflag:s17] =	ssyncset.done $0x0  }
0x209: {  	[sflag:s17] =	ssyncadd.s32 $0xFFFFF800  }
0x20a: {  	_ =	swait.ge [sflag:s17], $0x800  }
0x20b: {  	[sflag:s17] =	ssyncset.done $0x0  }
0x20c: {  	[sflag:s17] =	ssyncadd.s32 $0xFFFFF800  }
0x20d: {  	_ =	swait.ge [sflag:s17], $0x800  }
0x20e: {  	[sflag:s17] =	ssyncset.done $0x0  }
0x20f: {  	[sflag:s17] =	ssyncadd.s32 $0xFFFFF800  }
0x210: {  	_ =	swait.ge [sflag:s17], $0x800  }
0x211: {  	[sflag:s17] =	ssyncset.done $0x0  }
0x212: {  	[sflag:s17] =	ssyncadd.s32 $0xFFFFF800  }
0x213: {  	_ =	swait.ge [sflag:s17], $0x800  }
0x214: {  	[sflag:s17] =	ssyncset.done $0x0  }
0x215: {  	[sflag:s17] =	ssyncadd.s32 $0xFFFFF800  }
0x216: {  	_ =	swait.ge [sflag:s17], $0x800  }
0x217: {  	[sflag:s17] =	ssyncset.done $0x0  }
0x218: {  	[sflag:s17] =	ssyncadd.s32 $0xFFFFF800  }
0x219: {  	_ =	swait.ge [sflag:s17], $0x800  }
0x21a: {  	[sflag:s17] =	ssyncset.done $0x0  }
0x21b: {  	[sflag:s17] =	ssyncadd.s32 $0xFFFFF800  }
0x21c: {  	_ =	swait.ge [sflag:s17], $0x800  }
0x21d: {  	[sflag:s17] =	ssyncset.done $0x0  }
0x21e: {  	[sflag:s17] =	ssyncadd.s32 $0xFFFFF800  }
0x21f: {  	_ =	swait.ge [sflag:s17], $0x800  }
0x220: {  	[sflag:s17] =	ssyncset.done $0x0  }
0x221: {  	[sflag:s17] =	ssyncadd.s32 $0xFFFFF800  }
0x222: {  	_ =	swait.ge [sflag:s17], $0x800  }
0x223: {  	[sflag:s17] =	ssyncset.done $0x0  }
0x224: {  	s25 =	simm.s32 $0xD7A0;
	[sflag:s17] =	ssyncadd.s32 $0xFFFFF800  }
0x225: {  	v0 =	vld [tilespmem:s25+$0xFFFFFD10]  }
0x226: {  	v2 =	vld [tilespmem:s25+$0xFFFFFD00]  }
0x227: {  	v3 =	vld [tilespmem:s25+$0xFFFFFCE0]  }
0x228: {  	s24 =	simm.s32 $0x0;
	v1 =	vmov s21;
	s26 =	simm.s32 $0x80;
	v4 =	vld [tilespmem:s25+$0xFFFFFCF0]  }
.LBB2_7:
0x229: {  	p1 =	sne.s32 s26, $0xF80;
	v5 =	vld [tilespmem:s25+$0xFFFFFD20]  }
0x22a: {  	v6 =	vld [tilespmem:s25+$0xFFFFFD30]  }
0x22b: {  	v7 =	vld [tilespmem:s25+$0xFFFFFD40]  }
0x22c: {  	v2 =	vadd.f32 v2, v3;
	v3 =	vld [tilespmem:s25+$0xFFFFFD50]  }
0x22d: {  	v0 =	vadd.f32 v0, v4;
	v4 =	vld [tilespmem:s25+$0xFFFFFD60]  }
0x22e: {  	v2 =	vadd.f32 v5, v2;
	v5 =	vld [tilespmem:s25+$0xFFFFFD70]  }
0x22f: {  	v0 =	vadd.f32 v6, v0;
	v6 =	vld [tilespmem:s25+$0xFFFFFD80]  }
0x230: {  	v2 =	vadd.f32 v7, v2;
	v7 =	vld [tilespmem:s25+$0xFFFFFD90]  }
0x231: {  	v0 =	vadd.f32 v3, v0;
	v3 =	vld [tilespmem:s25+$0xFFFFFDA0]  }
0x232: {  	v2 =	vadd.f32 v4, v2;
	v4 =	vld [tilespmem:s25+$0xFFFFFDB0]  }
0x233: {  	v0 =	vadd.f32 v5, v0;
	v5 =	vld [tilespmem:s25+$0xFFFFFDC0]  }
0x234: {  	v2 =	vadd.f32 v6, v2;
	v6 =	vld [tilespmem:s25+$0xFFFFFDD0]  }
0x235: {  	v0 =	vadd.f32 v7, v0;
	v7 =	vld [tilespmem:s25+$0xFFFFFDE0]  }
0x236: {  	v2 =	vadd.f32 v3, v2;
	v3 =	vld [tilespmem:s25+$0xFFFFFDF0]  }
0x237: {  	v0 =	vadd.f32 v4, v0;
	v4 =	vld [tilespmem:s25+$0xFFFFFE00]  }
0x238: {  	v2 =	vadd.f32 v5, v2;
	v5 =	vld [tilespmem:s25+$0xFFFFFE10]  }
0x239: {  	v0 =	vadd.f32 v6, v0;
	v6 =	vld [tilespmem:s25+$0xFFFFFE20]  }
0x23a: {  	v2 =	vadd.f32 v7, v2;
	v7 =	vld [tilespmem:s25+$0xFFFFFE30]  }
0x23b: {  	v0 =	vadd.f32 v3, v0;
	v3 =	vld [tilespmem:s25+$0xFFFFFE40]  }
0x23c: {  	v2 =	vadd.f32 v4, v2;
	v4 =	vld [tilespmem:s25+$0xFFFFFE50]  }
0x23d: {  	v0 =	vadd.f32 v5, v0;
	v5 =	vld [tilespmem:s25+$0xFFFFFE60]  }
0x23e: {  	v2 =	vadd.f32 v6, v2;
	v6 =	vld [tilespmem:s25+$0xFFFFFE70]  }
0x23f: {  	v0 =	vadd.f32 v7, v0;
	v7 =	vld [tilespmem:s25+$0xFFFFFE80]  }
0x240: {  	v2 =	vadd.f32 v3, v2;
	v3 =	vld [tilespmem:s25+$0xFFFFFE90]  }
0x241: {  	v0 =	vadd.f32 v4, v0;
	v4 =	vld [tilespmem:s25+$0xFFFFFEA0]  }
0x242: {  	v2 =	vadd.f32 v5, v2;
	v5 =	vld [tilespmem:s25+$0xFFFFFEB0]  }
0x243: {  	v0 =	vadd.f32 v6, v0;
	v6 =	vld [tilespmem:s25+$0xFFFFFEC0]  }
0x244: {  	v2 =	vadd.f32 v7, v2;
	v7 =	vld [tilespmem:s25+$0xFFFFFED0]  }
0x245: {  	v0 =	vadd.f32 v3, v0;
	v3 =	vld [tilespmem:s25+$0xFFFFFEE0]  }
0x246: {  	v2 =	vadd.f32 v4, v2;
	v4 =	vld [tilespmem:s25+$0xFFFFFEF0]  }
0x247: {  	v0 =	vadd.f32 v5, v0;
	v5 =	vld [tilespmem:s25+$0xFFFFFF00]  }
0x248: {  	v2 =	vadd.f32 v6, v2;
	v6 =	vld [tilespmem:s25+$0xFFFFFF10]  }
0x249: {  	v0 =	vadd.f32 v7, v0;
	v7 =	vld [tilespmem:s25+$0xFFFFFF20]  }
0x24a: {  	v2 =	vadd.f32 v3, v2;
	v3 =	vld [tilespmem:s25+$0xFFFFFF30]  }
0x24b: {  	v0 =	vadd.f32 v4, v0;
	v4 =	vld [tilespmem:s25+$0xFFFFFF40]  }
0x24c: {  	v2 =	vadd.f32 v5, v2;
	v5 =	vld [tilespmem:s25+$0xFFFFFF50]  }
0x24d: {  	v0 =	vadd.f32 v6, v0;
	v6 =	vld [tilespmem:s25+$0xFFFFFF60]  }
0x24e: {  	v2 =	vadd.f32 v7, v2;
	v7 =	vld [tilespmem:s25+$0xFFFFFF70]  }
0x24f: {  	v0 =	vadd.f32 v3, v0;
	v3 =	vld [tilespmem:s25+$0xFFFFFF80]  }
0x250: {  	v2 =	vadd.f32 v4, v2;
	v4 =	vld [tilespmem:s25+$0xFFFFFF90]  }
0x251: {  	v0 =	vadd.f32 v5, v0;
	v5 =	vld [tilespmem:s25+$0xFFFFFFA0]  }
0x252: {  	v2 =	vadd.f32 v6, v2;
	v6 =	vld [tilespmem:s25+$0xFFFFFFB0]  }
0x253: {  	v0 =	vadd.f32 v7, v0;
	v7 =	vld [tilespmem:s25+$0xFFFFFFC0]  }
0x254: {  	v2 =	vadd.f32 v3, v2;
	v3 =	vld [tilespmem:s25+$0xFFFFFFD0]  }
0x255: {  	v0 =	vadd.f32 v4, v0;
	v4 =	vld [tilespmem:s25+$0xFFFFFFE0]  }
0x256: {  	v2 =	vadd.f32 v5, v2;
	v5 =	vld [tilespmem:s25+$0xFFFFFFF0]  }
0x257: {  	v0 =	vadd.f32 v6, v0;
	v6 =	vld [tilespmem:s25+$0x0]  }
0x258: {  	v2 =	vadd.f32 v7, v2;
	v7 =	vld [tilespmem:s25+$0x10]  }
0x259: {  	v0 =	vadd.f32 v3, v0;
	v3 =	vld [tilespmem:s25+$0x20]  }
0x25a: {  	v2 =	vadd.f32 v4, v2;
	v4 =	vld [tilespmem:s25+$0x30]  }
0x25b: {  	v0 =	vadd.f32 v5, v0;
	v5 =	vld [tilespmem:s25+$0x40]  }
0x25c: {  	v2 =	vadd.f32 v6, v2;
	v6 =	vld [tilespmem:s25+$0x50]  }
0x25d: {  	v0 =	vadd.f32 v7, v0;
	v7 =	vld [tilespmem:s25+$0x60]  }
0x25e: {  	v2 =	vadd.f32 v3, v2;
	v3 =	vld [tilespmem:s25+$0x70]  }
0x25f: {  	v0 =	vadd.f32 v4, v0;
	v4 =	vld [tilespmem:s25+$0x80]  }
0x260: {  	v2 =	vadd.f32 v5, v2;
	v5 =	vld [tilespmem:s25+$0x90]  }
0x261: {  	v0 =	vadd.f32 v6, v0;
	v6 =	vld [tilespmem:s25+$0xA0]  }
0x262: {  	v2 =	vadd.f32 v7, v2;
	v7 =	vld [tilespmem:s25+$0xB0]  }
0x263: {  	v0 =	vadd.f32 v3, v0;
	v3 =	vld [tilespmem:s25+$0xC0]  }
0x264: {  	v2 =	vadd.f32 v4, v2;
	v4 =	vld [tilespmem:s25+$0xD0]  }
0x265: {  	v0 =	vadd.f32 v5, v0;
	v5 =	vld [tilespmem:s25+$0xE0]  }
0x266: {  	v2 =	vadd.f32 v6, v2;
	v6 =	vld [tilespmem:s25+$0xF0]  }
0x267: {  	v0 =	vadd.f32 v7, v0;
	v7 =	vld [tilespmem:s25+$0x100]  }
0x268: {  	v2 =	vadd.f32 v3, v2;
	v3 =	vld [tilespmem:s25+$0x110]  }
0x269: {  	v0 =	vadd.f32 v4, v0;
	v4 =	vld [tilespmem:s25+$0x120]  }
0x26a: {  	v2 =	vadd.f32 v5, v2;
	v5 =	vld [tilespmem:s25+$0x130]  }
0x26b: {  	v0 =	vadd.f32 v6, v0;
	v6 =	vld [tilespmem:s25+$0x140]  }
0x26c: {  	v2 =	vadd.f32 v7, v2;
	v7 =	vld [tilespmem:s25+$0x150]  }
0x26d: {  	v0 =	vadd.f32 v3, v0;
	v3 =	vld [tilespmem:s25+$0x160]  }
0x26e: {  	v2 =	vadd.f32 v4, v2;
	v4 =	vld [tilespmem:s25+$0x170]  }
0x26f: {  	v0 =	vadd.f32 v5, v0;
	v5 =	vld [tilespmem:s25+$0x180]  }
0x270: {  	v2 =	vadd.f32 v6, v2;
	v6 =	vld [tilespmem:s25+$0x190]  }
0x271: {  	v0 =	vadd.f32 v7, v0;
	v7 =	vld [tilespmem:s25+$0x1A0]  }
0x272: {  	v2 =	vadd.f32 v3, v2;
	v3 =	vld [tilespmem:s25+$0x1B0]  }
0x273: {  	v0 =	vadd.f32 v4, v0;
	v4 =	vld [tilespmem:s25+$0x1C0]  }
0x274: {  	v2 =	vadd.f32 v5, v2;
	v5 =	vld [tilespmem:s25+$0x1D0]  }
0x275: {  	v0 =	vadd.f32 v6, v0;
	v6 =	vld [tilespmem:s25+$0x1E0]  }
0x276: {  	v2 =	vadd.f32 v7, v2;
	v7 =	vld [tilespmem:s25+$0x1F0]  }
0x277: {  	v0 =	vadd.f32 v3, v0;
	v3 =	vld [tilespmem:s25+$0x200]  }
0x278: {  	v2 =	vadd.f32 v4, v2;
	v4 =	vld [tilespmem:s25+$0x210]  }
0x279: {  	v0 =	vadd.f32 v5, v0;
	v5 =	vld [tilespmem:s25+$0x220]  }
0x27a: {  	v2 =	vadd.f32 v6, v2;
	v6 =	vld [tilespmem:s25+$0x230]  }
0x27b: {  	v0 =	vadd.f32 v7, v0;
	v7 =	vld [tilespmem:s25+$0x240]  }
0x27c: {  	v2 =	vadd.f32 v3, v2;
	v3 =	vld [tilespmem:s25+$0x250]  }
0x27d: {  	v0 =	vadd.f32 v4, v0;
	v4 =	vld [tilespmem:s25+$0x260]  }
0x27e: {  	v2 =	vadd.f32 v5, v2;
	v5 =	vld [tilespmem:s25+$0x270]  }
0x27f: {  	v0 =	vadd.f32 v6, v0;
	v6 =	vld [tilespmem:s25+$0x280]  }
0x280: {  	v2 =	vadd.f32 v7, v2;
	v7 =	vld [tilespmem:s25+$0x290]  }
0x281: {  	v0 =	vadd.f32 v3, v0;
	v3 =	vld [tilespmem:s25+$0x2A0]  }
0x282: {  	v2 =	vadd.f32 v4, v2;
	v4 =	vld [tilespmem:s25+$0x2B0]  }
0x283: {  	v0 =	vadd.f32 v5, v0;
	v5 =	vld [tilespmem:s25+$0x2C0]  }
0x284: {  	v2 =	vadd.f32 v6, v2;
	v6 =	vld [tilespmem:s25+$0x2D0]  }
0x285: {  	v0 =	vadd.f32 v7, v0;
	v7 =	vld [tilespmem:s25+$0x2E0]  }
0x286: {  	v2 =	vadd.f32 v3, v2;
	v3 =	vld [tilespmem:s25+$0x2F0]  }
0x287: {  	v0 =	vadd.f32 v4, v0;
	v4 =	vld [tilespmem:s25+$0x300]  }
0x288: {  	v2 =	vadd.f32 v5, v2;
	v5 =	vld [tilespmem:s25+$0x310]  }
0x289: {  	v0 =	vadd.f32 v6, v0  }
0x28a: {  	v2 =	vadd.f32 v7, v2  }
0x28b: {  	v0 =	vadd.f32 v3, v0  }
0x28c: {  	v2 =	vadd.f32 v4, v2  }
0x28d: {  	s28 =	sshra.s32 s24, $0x2;
	s24 =	smov.u32 s26;
	v0 =	vadd.f32 v5, v0  }
0x28e: {  	[tilespmem:v1+s28+$0xFFFFFFF0 ss:$0x1] =	vst.idx.msk $0xffff, v2  }
.Ltmp2:
0x28f: {  	s25 =	sadd.s32 $0x640, s25;
	[tilespmem:v1+s28+$0x0 ss:$0x1] =	vst.idx.msk $0xffff, v0;
	(pc) =	sbr.rel @p1 .LBB2_7-.Ltmp2, $4  }
0x290: {  	v0 =	vld [tilespmem:s25+$0xFFFFFD10]  }
0x291: {  	v2 =	vld [tilespmem:s25+$0xFFFFFD00]  }
0x292: {  	v3 =	vld [tilespmem:s25+$0xFFFFFCE0]  }
0x293: {  	s26 =	sadd.s32 $0x80, s26;
	v4 =	vld [tilespmem:s25+$0xFFFFFCF0]  }
0x294: {  	v5 =	vld [tilespmem:s25+$0xFFFFFD20]  }
0x295: {  	v6 =	vld [tilespmem:s25+$0xFFFFFD30]  }
0x296: {  	v7 =	vld [tilespmem:s25+$0xFFFFFD40]  }
0x297: {  	v59 =	vld [tilespmem:s25+$0xFFFFFD50];
	v2 =	vadd.f32 v2, v3  }
0x298: {  	v60 =	vld [tilespmem:s25+$0xFFFFFD60];
	v0 =	vadd.f32 v0, v4  }
0x299: {  	v61 =	vld [tilespmem:s25+$0xFFFFFD70];
	v2 =	vadd.f32 v5, v2  }
0x29a: {  	v0 =	vadd.f32 v6, v0;
	v6 =	vld [tilespmem:s25+$0xFFFFFD80]  }
0x29b: {  	v2 =	vadd.f32 v7, v2;
	v7 =	vld [tilespmem:s25+$0xFFFFFD90]  }
0x29c: {  	v62 =	vld [tilespmem:s25+$0xFFFFFDA0];
	v0 =	vadd.f32 v59, v0  }
0x29d: {  	v63 =	vld [tilespmem:s25+$0xFFFFFDB0];
	v2 =	vadd.f32 v60, v2  }
0x29e: {  	v12 =	vld [tilespmem:s25+$0xFFFFFDC0];
	v0 =	vadd.f32 v61, v0  }
0x29f: {  	v2 =	vadd.f32 v6, v2;
	v6 =	vld [tilespmem:s25+$0xFFFFFDD0]  }
0x2a0: {  	v0 =	vadd.f32 v7, v0;
	v7 =	vld [tilespmem:s25+$0xFFFFFDE0]  }
0x2a1: {  	v13 =	vld [tilespmem:s25+$0xFFFFFDF0];
	v2 =	vadd.f32 v62, v2  }
0x2a2: {  	v14 =	vld [tilespmem:s25+$0xFFFFFE00];
	v0 =	vadd.f32 v63, v0  }
0x2a3: {  	v15 =	vld [tilespmem:s25+$0xFFFFFE10];
	v2 =	vadd.f32 v12, v2  }
0x2a4: {  	v0 =	vadd.f32 v6, v0;
	v6 =	vld [tilespmem:s25+$0xFFFFFE20]  }
0x2a5: {  	v2 =	vadd.f32 v7, v2;
	v7 =	vld [tilespmem:s25+$0xFFFFFE30]  }
0x2a6: {  	v16 =	vld [tilespmem:s25+$0xFFFFFE40];
	v0 =	vadd.f32 v13, v0  }
0x2a7: {  	v17 =	vld [tilespmem:s25+$0xFFFFFE50];
	v2 =	vadd.f32 v14, v2  }
0x2a8: {  	v18 =	vld [tilespmem:s25+$0xFFFFFE60];
	v0 =	vadd.f32 v15, v0  }
0x2a9: {  	v2 =	vadd.f32 v6, v2;
	v6 =	vld [tilespmem:s25+$0xFFFFFE70]  }
0x2aa: {  	v0 =	vadd.f32 v7, v0;
	v7 =	vld [tilespmem:s25+$0xFFFFFE80]  }
0x2ab: {  	v19 =	vld [tilespmem:s25+$0xFFFFFE90];
	v2 =	vadd.f32 v16, v2  }
0x2ac: {  	v20 =	vld [tilespmem:s25+$0xFFFFFEA0];
	v0 =	vadd.f32 v17, v0  }
0x2ad: {  	v21 =	vld [tilespmem:s25+$0xFFFFFEB0];
	v2 =	vadd.f32 v18, v2  }
0x2ae: {  	v0 =	vadd.f32 v6, v0;
	v6 =	vld [tilespmem:s25+$0xFFFFFEC0]  }
0x2af: {  	v2 =	vadd.f32 v7, v2;
	v7 =	vld [tilespmem:s25+$0xFFFFFED0]  }
0x2b0: {  	v22 =	vld [tilespmem:s25+$0xFFFFFEE0];
	v0 =	vadd.f32 v19, v0  }
0x2b1: {  	v23 =	vld [tilespmem:s25+$0xFFFFFEF0];
	v2 =	vadd.f32 v20, v2  }
0x2b2: {  	v24 =	vld [tilespmem:s25+$0xFFFFFF00];
	v0 =	vadd.f32 v21, v0  }
0x2b3: {  	v2 =	vadd.f32 v6, v2;
	v6 =	vld [tilespmem:s25+$0xFFFFFF10]  }
0x2b4: {  	v0 =	vadd.f32 v7, v0;
	v7 =	vld [tilespmem:s25+$0xFFFFFF20]  }
0x2b5: {  	v25 =	vld [tilespmem:s25+$0xFFFFFF30];
	v2 =	vadd.f32 v22, v2  }
0x2b6: {  	v26 =	vld [tilespmem:s25+$0xFFFFFF40];
	v0 =	vadd.f32 v23, v0  }
0x2b7: {  	v27 =	vld [tilespmem:s25+$0xFFFFFF50];
	v2 =	vadd.f32 v24, v2  }
0x2b8: {  	v0 =	vadd.f32 v6, v0;
	v6 =	vld [tilespmem:s25+$0xFFFFFF60]  }
0x2b9: {  	v2 =	vadd.f32 v7, v2;
	v7 =	vld [tilespmem:s25+$0xFFFFFF70]  }
0x2ba: {  	v28 =	vld [tilespmem:s25+$0xFFFFFF80];
	v0 =	vadd.f32 v25, v0  }
0x2bb: {  	v29 =	vld [tilespmem:s25+$0xFFFFFF90];
	v2 =	vadd.f32 v26, v2  }
0x2bc: {  	v30 =	vld [tilespmem:s25+$0xFFFFFFA0];
	v0 =	vadd.f32 v27, v0  }
0x2bd: {  	v2 =	vadd.f32 v6, v2;
	v6 =	vld [tilespmem:s25+$0xFFFFFFB0]  }
0x2be: {  	v0 =	vadd.f32 v7, v0;
	v7 =	vld [tilespmem:s25+$0xFFFFFFC0]  }
0x2bf: {  	v31 =	vld [tilespmem:s25+$0xFFFFFFD0];
	v2 =	vadd.f32 v28, v2  }
0x2c0: {  	v32 =	vld [tilespmem:s25+$0xFFFFFFE0];
	v0 =	vadd.f32 v29, v0  }
0x2c1: {  	v33 =	vld [tilespmem:s25+$0xFFFFFFF0];
	v2 =	vadd.f32 v30, v2  }
0x2c2: {  	v0 =	vadd.f32 v6, v0;
	v6 =	vld [tilespmem:s25+$0x0]  }
0x2c3: {  	v2 =	vadd.f32 v7, v2;
	v7 =	vld [tilespmem:s25+$0x10]  }
0x2c4: {  	v34 =	vld [tilespmem:s25+$0x20];
	v0 =	vadd.f32 v31, v0  }
0x2c5: {  	v35 =	vld [tilespmem:s25+$0x30];
	v2 =	vadd.f32 v32, v2  }
0x2c6: {  	v36 =	vld [tilespmem:s25+$0x40];
	v0 =	vadd.f32 v33, v0  }
0x2c7: {  	v2 =	vadd.f32 v6, v2;
	v6 =	vld [tilespmem:s25+$0x50]  }
0x2c8: {  	v0 =	vadd.f32 v7, v0;
	v7 =	vld [tilespmem:s25+$0x60]  }
0x2c9: {  	v37 =	vld [tilespmem:s25+$0x70];
	v2 =	vadd.f32 v34, v2  }
0x2ca: {  	v38 =	vld [tilespmem:s25+$0x80];
	v0 =	vadd.f32 v35, v0  }
0x2cb: {  	v39 =	vld [tilespmem:s25+$0x90];
	v2 =	vadd.f32 v36, v2  }
0x2cc: {  	v0 =	vadd.f32 v6, v0;
	v6 =	vld [tilespmem:s25+$0xA0]  }
0x2cd: {  	v2 =	vadd.f32 v7, v2;
	v7 =	vld [tilespmem:s25+$0xB0]  }
0x2ce: {  	v40 =	vld [tilespmem:s25+$0xC0];
	v0 =	vadd.f32 v37, v0  }
0x2cf: {  	v41 =	vld [tilespmem:s25+$0xD0];
	v2 =	vadd.f32 v38, v2  }
0x2d0: {  	v42 =	vld [tilespmem:s25+$0xE0];
	v0 =	vadd.f32 v39, v0  }
0x2d1: {  	v2 =	vadd.f32 v6, v2;
	v6 =	vld [tilespmem:s25+$0xF0]  }
0x2d2: {  	v0 =	vadd.f32 v7, v0;
	v7 =	vld [tilespmem:s25+$0x100]  }
0x2d3: {  	v43 =	vld [tilespmem:s25+$0x110];
	v2 =	vadd.f32 v40, v2  }
0x2d4: {  	v44 =	vld [tilespmem:s25+$0x120];
	v0 =	vadd.f32 v41, v0  }
0x2d5: {  	v45 =	vld [tilespmem:s25+$0x130];
	v2 =	vadd.f32 v42, v2  }
0x2d6: {  	v0 =	vadd.f32 v6, v0;
	v6 =	vld [tilespmem:s25+$0x140]  }
0x2d7: {  	v2 =	vadd.f32 v7, v2;
	v7 =	vld [tilespmem:s25+$0x150]  }
0x2d8: {  	v46 =	vld [tilespmem:s25+$0x160];
	v0 =	vadd.f32 v43, v0  }
0x2d9: {  	v47 =	vld [tilespmem:s25+$0x170];
	v2 =	vadd.f32 v44, v2  }
0x2da: {  	v48 =	vld [tilespmem:s25+$0x180];
	v0 =	vadd.f32 v45, v0  }
0x2db: {  	v2 =	vadd.f32 v6, v2;
	v6 =	vld [tilespmem:s25+$0x190]  }
0x2dc: {  	v0 =	vadd.f32 v7, v0;
	v7 =	vld [tilespmem:s25+$0x1A0]  }
0x2dd: {  	v49 =	vld [tilespmem:s25+$0x1B0];
	v2 =	vadd.f32 v46, v2  }
0x2de: {  	v50 =	vld [tilespmem:s25+$0x1C0];
	v0 =	vadd.f32 v47, v0  }
0x2df: {  	v51 =	vld [tilespmem:s25+$0x1D0];
	v2 =	vadd.f32 v48, v2  }
0x2e0: {  	v0 =	vadd.f32 v6, v0;
	v6 =	vld [tilespmem:s25+$0x1E0]  }
0x2e1: {  	v2 =	vadd.f32 v7, v2;
	v7 =	vld [tilespmem:s25+$0x1F0]  }
0x2e2: {  	v52 =	vld [tilespmem:s25+$0x200];
	v0 =	vadd.f32 v49, v0  }
0x2e3: {  	v53 =	vld [tilespmem:s25+$0x210];
	v2 =	vadd.f32 v50, v2  }
0x2e4: {  	v54 =	vld [tilespmem:s25+$0x220];
	v0 =	vadd.f32 v51, v0  }
0x2e5: {  	v2 =	vadd.f32 v6, v2;
	v6 =	vld [tilespmem:s25+$0x230]  }
0x2e6: {  	v0 =	vadd.f32 v7, v0;
	v7 =	vld [tilespmem:s25+$0x240]  }
0x2e7: {  	v55 =	vld [tilespmem:s25+$0x250];
	v2 =	vadd.f32 v52, v2  }
0x2e8: {  	v56 =	vld [tilespmem:s25+$0x260];
	v0 =	vadd.f32 v53, v0  }
0x2e9: {  	v57 =	vld [tilespmem:s25+$0x270];
	v2 =	vadd.f32 v54, v2  }
0x2ea: {  	v0 =	vadd.f32 v6, v0;
	v6 =	vld [tilespmem:s25+$0x280]  }
0x2eb: {  	v2 =	vadd.f32 v7, v2;
	v7 =	vld [tilespmem:s25+$0x290]  }
0x2ec: {  	v58 =	vld [tilespmem:s25+$0x2A0];
	v0 =	vadd.f32 v55, v0  }
0x2ed: {  	v59 =	vld [tilespmem:s25+$0x2B0];
	v2 =	vadd.f32 v56, v2  }
0x2ee: {  	v60 =	vld [tilespmem:s25+$0x2C0];
	v0 =	vadd.f32 v57, v0  }
0x2ef: {  	v2 =	vadd.f32 v6, v2;
	v6 =	vld [tilespmem:s25+$0x2D0]  }
0x2f0: {  	v0 =	vadd.f32 v7, v0;
	v7 =	vld [tilespmem:s25+$0x2E0]  }
0x2f1: {  	v61 =	vld [tilespmem:s25+$0x2F0];
	v2 =	vadd.f32 v58, v2  }
0x2f2: {  	v62 =	vld [tilespmem:s25+$0x300];
	v0 =	vadd.f32 v59, v0  }
0x2f3: {  	v63 =	vld [tilespmem:s25+$0x310];
	v2 =	vadd.f32 v60, v2  }
0x2f4: {  	v0 =	vadd.f32 v6, v0  }
0x2f5: {  	v2 =	vadd.f32 v7, v2  }
.Ltmp3:
0x2f6: {  	v0 =	vadd.f32 v61, v0;
	(pc) =	sbr.rel @p0 .LBB2_10-.Ltmp3, $4  }
0x2f7: {  	v2 =	vadd.f32 v62, v2  }
0x2f8: {  	s24 =	sshra.s32 s24, $0x2;
	v0 =	vadd.f32 v63, v0  }
0x2f9: {  	[tilespmem:v1+s24+$0xFFFFFFF0 ss:$0x1] =	vst.idx.msk $0xffff, v2  }
0x2fa: {  	[tilespmem:v1+s24+$0x0 ss:$0x1] =	vst.idx.msk $0xffff, v0  }
0x2fb: {  	s23 =	sadd.s32 s23, s9  }
0x2fc: {  	s23 =	smul.u32 $0xC8, s23;
	_ =	sdelay $0x1  }
0x2fd: {  	s23 =	sadd.s32 s4, s23  }
0x2fe: {  	[tilespmem:s14], [sflag:$0x3] =	stream.linear.gather [hbm4b:s23+s3], $0x640, $0x38;
	[tilespmem:$0x1E0D0] =	vst v63  }
0x2ff: {  	_ =	swait.ge [sflag:s12], $0x640  }
0x300: {  	[sflag:s12] =	ssyncset.done $0x0  }
0x301: {  	s24 =	simm.s32 $0xD480;
	[sflag:s12] =	ssyncadd.s32 $0xFFFFF9C0  }
0x302: {  	[tilespmem:s24], [sflag:$0x2] =	stream.indirect.gather [hbm4b:s5+s13], $0x20, s14, s13, $0xb8;
	[tilespmem:$0x1E0D0] =	vst v63  }
0x303: {  	s25 =	simm.s32 $0x680;
	s24 =	simm.s32 $0xDC80  }
0x304: {  	[tilespmem:s24], [sflag:$0x2] =	stream.indirect.gather [hbm4b:s5+s13], $0x20, s25, s13, $0xb8;
	[tilespmem:$0x1E0D0] =	vst v63  }
0x305: {  	s26 =	simm.s32 $0x6C0;
	s28 =	simm.s32 $0xE480  }
0x306: {  	[tilespmem:s28], [sflag:$0x2] =	stream.indirect.gather [hbm4b:s5+s13], $0x20, s26, s13, $0xb8;
	[tilespmem:$0x1E0D0] =	vst v63  }
0x307: {  	s24 =	simm.s32 $0x700;
	s25 =	simm.s32 $0xEC80  }
0x308: {  	[tilespmem:s25], [sflag:$0x2] =	stream.indirect.gather [hbm4b:s5+s13], $0x20, s24, s13, $0xb8;
	[tilespmem:$0x1E0D0] =	vst v63  }
0x309: {  	s26 =	simm.s32 $0x740;
	s28 =	simm.s32 $0xF480  }
0x30a: {  	[tilespmem:s28], [sflag:$0x2] =	stream.indirect.gather [hbm4b:s5+s13], $0x20, s26, s13, $0xb8;
	[tilespmem:$0x1E0D0] =	vst v63  }
0x30b: {  	s24 =	simm.s32 $0x780;
	s25 =	simm.s32 $0xFC80  }
0x30c: {  	[tilespmem:s25], [sflag:$0x2] =	stream.indirect.gather [hbm4b:s5+s13], $0x20, s24, s13, $0xb8;
	[tilespmem:$0x1E0D0] =	vst v63  }
0x30d: {  	s26 =	simm.s32 $0x7C0;
	s28 =	simm.s32 $0x10480  }
0x30e: {  	[tilespmem:s28], [sflag:$0x2] =	stream.indirect.gather [hbm4b:s5+s13], $0x20, s26, s13, $0xb8;
	[tilespmem:$0x1E0D0] =	vst v63  }
0x30f: {  	s24 =	simm.s32 $0x800;
	s25 =	simm.s32 $0x10C80  }
0x310: {  	[tilespmem:s25], [sflag:$0x2] =	stream.indirect.gather [hbm4b:s5+s13], $0x20, s24, s13, $0xb8;
	[tilespmem:$0x1E0D0] =	vst v63  }
0x311: {  	s26 =	simm.s32 $0x840;
	s28 =	simm.s32 $0x11480  }
0x312: {  	[tilespmem:s28], [sflag:$0x2] =	stream.indirect.gather [hbm4b:s5+s13], $0x20, s26, s13, $0xb8;
	[tilespmem:$0x1E0D0] =	vst v63  }
0x313: {  	s24 =	simm.s32 $0x880;
	s25 =	simm.s32 $0x11C80  }
0x314: {  	[tilespmem:s25], [sflag:$0x2] =	stream.indirect.gather [hbm4b:s5+s13], $0x20, s24, s13, $0xb8;
	[tilespmem:$0x1E0D0] =	vst v63  }
0x315: {  	s26 =	simm.s32 $0x8C0;
	s28 =	simm.s32 $0x12480  }
0x316: {  	[tilespmem:s28], [sflag:$0x2] =	stream.indirect.gather [hbm4b:s5+s13], $0x20, s26, s13, $0xb8;
	[tilespmem:$0x1E0D0] =	vst v63  }
0x317: {  	s24 =	simm.s32 $0x900;
	s25 =	simm.s32 $0x12C80  }
0x318: {  	[tilespmem:s25], [sflag:$0x2] =	stream.indirect.gather [hbm4b:s5+s13], $0x20, s24, s13, $0xb8;
	[tilespmem:$0x1E0D0] =	vst v63  }
0x319: {  	s26 =	simm.s32 $0x940;
	s28 =	simm.s32 $0x13480  }
0x31a: {  	[tilespmem:s28], [sflag:$0x2] =	stream.indirect.gather [hbm4b:s5+s13], $0x20, s26, s13, $0xb8;
	[tilespmem:$0x1E0D0] =	vst v63  }
0x31b: {  	s24 =	simm.s32 $0x980;
	s25 =	simm.s32 $0x13C80  }
0x31c: {  	[tilespmem:s25], [sflag:$0x2] =	stream.indirect.gather [hbm4b:s5+s13], $0x20, s24, s13, $0xb8;
	[tilespmem:$0x1E0D0] =	vst v63  }
0x31d: {  	s26 =	simm.s32 $0x9C0;
	s28 =	simm.s32 $0x14480  }
0x31e: {  	[tilespmem:s28], [sflag:$0x2] =	stream.indirect.gather [hbm4b:s5+s13], $0x20, s26, s13, $0xb8;
	[tilespmem:$0x1E0D0] =	vst v63  }
0x31f: {  	s24 =	simm.s32 $0xA00;
	s25 =	simm.s32 $0x14C80  }
0x320: {  	[tilespmem:s25], [sflag:$0x2] =	stream.indirect.gather [hbm4b:s5+s13], $0x20, s24, s13, $0xb8;
	[tilespmem:$0x1E0D0] =	vst v63  }
0x321: {  	s26 =	simm.s32 $0xA40;
	s28 =	simm.s32 $0x15480  }
0x322: {  	[tilespmem:s28], [sflag:$0x2] =	stream.indirect.gather [hbm4b:s5+s13], $0x20, s26, s13, $0xb8;
	[tilespmem:$0x1E0D0] =	vst v63  }
0x323: {  	s24 =	simm.s32 $0xA80;
	s25 =	simm.s32 $0x15C80  }
0x324: {  	[tilespmem:s25], [sflag:$0x2] =	stream.indirect.gather [hbm4b:s5+s13], $0x20, s24, s13, $0xb8;
	[tilespmem:$0x1E0D0] =	vst v63  }
0x325: {  	s26 =	simm.s32 $0xAC0;
	s28 =	simm.s32 $0x16480  }
0x326: {  	[tilespmem:s28], [sflag:$0x2] =	stream.indirect.gather [hbm4b:s5+s13], $0x20, s26, s13, $0xb8;
	[tilespmem:$0x1E0D0] =	vst v63  }
0x327: {  	_ = 	snop  }
0x328: {  	[tilespmem:s30], [sflag:$0x2] =	stream.indirect.gather [hbm4b:s5+s13], $0x20, s29, s13, $0xb8;
	[tilespmem:$0x1E0D0] =	vst v63  }
0x329: {  	_ = 	snop  }
0x32a: {  	[tilespmem:s0], [sflag:$0x2] =	stream.indirect.gather [hbm4b:s5+s13], $0x20, s31, s13, $0xb8;
	[tilespmem:$0x1E0D0] =	vst v63  }
0x32b: {  	_ = 	snop  }
0x32c: {  	[tilespmem:s2], [sflag:$0x2] =	stream.indirect.gather [hbm4b:s5+s13], $0x20, s1, s13, $0xb8;
	[tilespmem:$0x1E0D0] =	vst v63  }
0x32d: {  	_ = 	snop  }
0x32e: {  	[tilespmem:s7], [sflag:$0x2] =	stream.indirect.gather [hbm4b:s5+s13], $0x20, s6, s13, $0xb8;
	[tilespmem:$0x1E0D0] =	vst v63  }
.Ltmp4:
0x32f: {  	_ = 	snop;
	(pc) =	sbr.rel .LBB2_2-.Ltmp4, $4  }
0x330: {  	_ = 	snop  }
0x331: {  	[tilespmem:s11], [sflag:$0x2] =	stream.indirect.gather [hbm4b:s5+s13], $0x20, s10, s13, $0xb8;
	[tilespmem:$0x1E0D0] =	vst v63  }
0x332: {  	s22 =	sadd.s32 $0x1, s22;
	s20 =	sadd.s32 $0x800, s20;
	s21 =	sadd.s32 $0x800, s21  }
0x333: {  	[tilespmem:s15], [sflag:$0x2] =	stream.indirect.gather [hbm4b:s5+s13], $0x20, s8, s13, $0xb8;
	[tilespmem:$0x1E0D0] =	vst v63  }
.LBB2_10:
0x334: {  	s20 =	simm.s32 $0x0;
	s21 =	rddreg [dreg:$0x1];
	s22 =	simm.s32 $0x1E080  }
0x335: {  	[tilespmem:s22], [sflag:$0x3] =	stream.linear.gather [hbm4b:s21+s20], $0x50, $0x38;
	[tilespmem:$0x1E0D0] =	vst v63  }
0x336: {  	_ =	swait.ge [sflag:s12], $0x50  }
0x337: {  	[sflag:s12] =	ssyncset.done $0x0  }
0x338: {  	[sflag:s12] =	ssyncadd.s32 $0xFFFFFFB0  }
0x339: {  	v2 =	vld [tilespmem:$0x1E080]  }
0x33a: {  	v4 =	vld [tilespmem:$0x1E0A0];
	_ =	sdelay $0x3  }
0x33b: {  	v3 =	vbroadcast v2, $0x0  }
0x33c: {  	v20 =	vbroadcast v4, $0x0;
	v23 =	vbroadcast v2, $0x1  }
0x33d: {  	v9 =	vor.u32 s20, v8;
	v28 =	vbroadcast v4, $0x1;
	v29 =	vbroadcast v2, $0x2  }
0x33e: {  	v0 =	vshll.u32 v9, $0x5;
	v36 =	vbroadcast v4, $0x2;
	v34 =	vbroadcast v2, $0x3  }
0x33f: {  	v35 =	vbroadcast v4, $0x3;
	v33 =	vbroadcast v2, $0x4  }
0x340: {  	v1 =	vor.u32 $0x1, v0;
	v32 =	vbroadcast v4, $0x4;
	v30 =	vbroadcast v2, $0x5  }
0x341: {  	v31 =	vbroadcast v4, $0x5;
	v27 =	vbroadcast v2, $0x6  }
0x342: {  	v5 =	vor.u32 $0x2, v0;
	v26 =	vbroadcast v4, $0x6;
	v24 =	vbroadcast v2, $0x7  }
0x343: {  	v6 =	vld.idx.msk [tilespmem:v0+s18+$0x0], $0xffff;
	v25 =	vbroadcast v4, $0x7;
	v21 =	vbroadcast v2, $0x8  }
0x344: {  	v7 =	vor.u32 $0x3, v0;
	v22 =	vbroadcast v4, $0x8;
	v18 =	vbroadcast v2, $0x9  }
0x345: {  	v1 =	vld.idx.msk [tilespmem:v1+s18+$0x0], $0xffff;
	v19 =	vbroadcast v4, $0x9;
	v15 =	vbroadcast v2, $0xA  }
0x346: {  	v8 =	vor.u32 $0x4, v0;
	v17 =	vbroadcast v4, $0xA;
	v12 =	vbroadcast v2, $0xB  }
0x347: {  	v37 =	vor.u32 $0x9, v0;
	v5 =	vld.idx.msk [tilespmem:v5+s18+$0x0], $0xffff;
	v14 =	vbroadcast v4, $0xB;
	v10 =	vbroadcast v2, $0xC  }
0x348: {  	v13 =	vor.u32 $0x5, v0;
	v11 =	vbroadcast v4, $0xC;
	v16 =	vmul.f32 v6, v3  }
0x349: {  	v60 =	vor.u32 $0x10, v0;
	v7 =	vld.idx.msk [tilespmem:v7+s18+$0x0], $0xffff;
	v53 =	vbroadcast v4, $0xD;
	[tilespmem:$0x1FF20] =	vst v20;
	v6 =	vmul.f32 v6, v20  }
0x34a: {  	v20 =	vor.u32 $0x6, v0;
	[tilespmem:$0x1FF30] =	vst v23;
	v23 =	vmul.f32 v1, v23;
	v16 =	vadd.f32 $0.0e+00, v16  }
0x34b: {  	v8 =	vld.idx.msk [tilespmem:v8+s18+$0x0], $0xffff;
	v54 =	vbroadcast v2, $0xE;
	v1 =	vmul.f32 v1, v28;
	v6 =	vadd.f32 $0.0e+00, v6  }
0x34c: {  	v37 =	vld.idx.msk [tilespmem:v37+s18+$0x0], $0xffff;
	[tilespmem:$0x1FF40] =	vst v28;
	v28 =	vor.u32 $0x7, v0;
	v16 =	vadd.f32 v23, v16;
	v23 =	vmul.f32 v5, v29  }
0x34d: {  	v48 =	vbroadcast v2, $0xF;
	[tilespmem:$0x1FF50] =	vst v29;
	v5 =	vmul.f32 v5, v36;
	v29 =	vld.idx.msk [tilespmem:v13+s18+$0x0], $0xffff;
	v1 =	vadd.f32 v1, v6  }
0x34e: {  	v6 =	vor.u32 $0x8, v0;
	v16 =	vadd.f32 v23, v16;
	v23 =	vmul.f32 v7, v34  }
0x34f: {  	v49 =	vbroadcast v4, $0xF;
	v45 =	vld.idx.msk [tilespmem:v20+s18+$0x0], $0xffff;
	v7 =	vmul.f32 v7, v35;
	v5 =	vadd.f32 v5, v1  }
0x350: {  	[tilespmem:$0x1FF10] =	vst v3;
	v3 =	vbroadcast v2, $0xD;
	v2 =	vld [tilespmem:$0x1E0B0];
	v20 =	vadd.f32 v23, v16;
	v23 =	vmul.f32 v8, v33  }
0x351: {  	v47 =	vmul.f32 v37, v19;
	v42 =	vld.idx.msk [tilespmem:v28+s18+$0x0], $0xffff;
	v8 =	vmul.f32 v8, v32;
	v5 =	vadd.f32 v7, v5  }
0x352: {  	v7 =	vor.u32 $0xA, v0;
	v28 =	vmul.f32 v29, v30;
	v23 =	vadd.f32 v23, v20  }
0x353: {  	v13 =	vbroadcast v4, $0xE;
	v4 =	vmul.f32 v29, v31;
	v6 =	vld.idx.msk [tilespmem:v6+s18+$0x0], $0xffff;
	v5 =	vadd.f32 v8, v5  }
0x354: {  	v8 =	vor.u32 $0xB, v0;
	v29 =	vmul.f32 v45, v27;
	v28 =	vadd.f32 v28, v23  }
0x355: {  	[tilespmem:$0x1FF70] =	vst v34;
	v51 =	vbroadcast v2, $0x0;
	v34 =	vmul.f32 v45, v26;
	v4 =	vadd.f32 v4, v5  }
0x356: {  	v5 =	vor.u32 $0xC, v0;
	v23 =	vmul.f32 v42, v24;
	v16 =	vadd.f32 v29, v28  }
0x357: {  	v55 =	vbroadcast v2, $0x1;
	v20 =	vmul.f32 v42, v25;
	v7 =	vld.idx.msk [tilespmem:v7+s18+$0x0], $0xffff;
	v4 =	vadd.f32 v34, v4  }
0x358: {  	v39 =	vmovc v33;
	v1 =	vld [tilespmem:$0x1E090];
	v33 =	vmovc v27;
	v27 =	vor.u32 $0xD, v0;
	v46 =	vadd.f32 v23, v16;
	v16 =	vmul.f32 v6, v21  }
0x359: {  	v57 =	vbroadcast v2, $0x2;
	v8 =	vld.idx.msk [tilespmem:v8+s18+$0x0], $0xffff;
	v6 =	vmul.f32 v6, v22;
	v4 =	vadd.f32 v20, v4  }
0x35a: {  	[tilespmem:$0x1FFD0] =	vst v24;
	v24 =	vmovc v18;
	v18 =	vmul.f32 v37, v18;
	v20 =	vor.u32 $0xE, v0;
	v16 =	vadd.f32 v16, v46  }
0x35b: {  	[tilespmem:$0x1FF90] =	vst v32;
	v59 =	vbroadcast v2, $0x3;
	v32 =	vor.u32 $0x15, v0;
	v5 =	vld.idx.msk [tilespmem:v5+s18+$0x0], $0xffff;
	v4 =	vadd.f32 v6, v4  }
0x35c: {  	[tilespmem:$0x1FFF0] =	vst v21;
	v21 =	vmovc v15;
	v6 =	vor.u32 $0xF, v0;
	v15 =	vmul.f32 v7, v15;
	v16 =	vadd.f32 v18, v16  }
0x35d: {  	[tilespmem:$0x1FFE0] =	vst v25;
	v50 =	vbroadcast v1, $0x0;
	v43 =	vld.idx.msk [tilespmem:v27+s18+$0x0], $0xffff;
	v7 =	vmul.f32 v7, v17;
	v4 =	vadd.f32 v47, v4  }
0x35e: {  	v52 =	vbroadcast v1, $0x1;
	v25 =	vmovc v19;
	v18 =	vmovc v12;
	v12 =	vmul.f32 v8, v12;
	v15 =	vadd.f32 v15, v16  }
0x35f: {  	v56 =	vbroadcast v1, $0x2;
	v19 =	vmovc v14;
	v8 =	vmul.f32 v8, v14;
	v14 =	vld.idx.msk [tilespmem:v20+s18+$0x0], $0xffff;
	v4 =	vadd.f32 v7, v4  }
0x360: {  	v7 =	vor.u32 $0x11, v0;
	v12 =	vadd.f32 v12, v15;
	v16 =	vmovc v10;
	v10 =	vmul.f32 v5, v10  }
0x361: {  	v58 =	vbroadcast v1, $0x3;
	v6 =	vld.idx.msk [tilespmem:v6+s18+$0x0], $0xffff;
	v5 =	vmul.f32 v5, v11;
	v4 =	vadd.f32 v8, v4  }
0x362: {  	v8 =	vor.u32 $0x12, v0;
	v10 =	vadd.f32 v10, v12;
	v15 =	vmovc v3;
	v3 =	vmul.f32 v43, v3  }
0x363: {  	v23 =	vmovc v17;
	v43 =	vmul.f32 v43, v53;
	v4 =	vadd.f32 v5, v4;
	v12 =	vor.u32 $0x14, v0  }
0x364: {  	v17 =	vmovc v11;
	v11 =	vld.idx.msk [tilespmem:v60+s18+$0x0], $0xffff;
	v5 =	vor.u32 $0x13, v0;
	v61 =	vadd.f32 v3, v10;
	v10 =	vmul.f32 v14, v54  }
0x365: {  	v62 =	vbroadcast v1, $0x4;
	v7 =	vld.idx.msk [tilespmem:v7+s18+$0x0], $0xffff;
	v3 =	vmul.f32 v14, v13;
	v4 =	vadd.f32 v43, v4  }
0x366: {  	v27 =	vmovc v13;
	v13 =	vbroadcast v2, $0x4;
	v63 =	vadd.f32 v10, v61;
	v10 =	vmul.f32 v6, v48  }
0x367: {  	[tilespmem:$0x1FF60] =	vst v36;
	v14 =	vbroadcast v1, $0x5;
	v8 =	vld.idx.msk [tilespmem:v8+s18+$0x0], $0xffff;
	v6 =	vmul.f32 v6, v49;
	v4 =	vadd.f32 v3, v4  }
0x368: {  	v28 =	vmovc v22;
	v22 =	vmovc v54;
	v54 =	vbroadcast v2, $0x5;
	v36 =	vld.idx.msk [tilespmem:v12+s18+$0x0], $0xffff;
	v12 =	vbroadcast v1, $0x6;
	v3 =	vadd.f32 v10, v63  }
0x369: {  	v5 =	vld.idx.msk [tilespmem:v5+s18+$0x0], $0xffff;
	v10 =	vmul.f32 v11, v50;
	v11 =	vmul.f32 v11, v51;
	v4 =	vadd.f32 v6, v4  }
0x36a: {  	[tilespmem:$0x1FF80] =	vst v35;
	v6 =	vor.u32 $0x16, v0;
	v35 =	vmul.f32 v7, v52;
	v7 =	vmul.f32 v7, v55  }
0x36b: {  	v43 =	vmovc v52;
	v52 =	vbroadcast v1, $0xA;
	v3 =	vadd.f32 v10, v3;
	v4 =	vadd.f32 v11, v4  }
0x36c: {  	v38 =	vor.u32 $0x17, v0;
	v10 =	vmul.f32 v8, v56;
	v8 =	vmul.f32 v8, v57  }
0x36d: {  	v44 =	vmovc v57;
	v11 =	vld.idx.msk [tilespmem:v32+s18+$0x0], $0xffff;
	v57 =	vbroadcast v2, $0xB;
	v3 =	vadd.f32 v35, v3;
	v4 =	vadd.f32 v7, v4  }
0x36e: {  	v37 =	vmovc v50;
	v20 =	vmovc v53;
	v7 =	vor.u32 $0x18, v0;
	v60 =	vmul.f32 v5, v58;
	v5 =	vmul.f32 v5, v59  }
0x36f: {  	v53 =	vmul.f32 v36, v62;
	v6 =	vld.idx.msk [tilespmem:v6+s18+$0x0], $0xffff;
	v3 =	vadd.f32 v10, v3;
	v4 =	vadd.f32 v8, v4  }
0x370: {  	v34 =	vmovc v49;
	v49 =	vmovc v13;
	v50 =	vmul.f32 v36, v13;
	v13 =	vbroadcast v2, $0x7;
	v8 =	vor.u32 $0x19, v0  }
0x371: {  	v42 =	vmovc v51;
	v51 =	vld.idx.msk [tilespmem:v38+s18+$0x0], $0xffff;
	v10 =	vbroadcast v2, $0x6;
	v61 =	vadd.f32 v60, v3;
	v4 =	vadd.f32 v5, v4  }
0x372: {  	v41 =	vmovc v62;
	v63 =	vor.u32 $0x1A, v0;
	v35 =	vmovc v54;
	v62 =	vmul.f32 v11, v14;
	v54 =	vmul.f32 v11, v54  }
0x373: {  	v11 =	vbroadcast v1, $0x8;
	v7 =	vld.idx.msk [tilespmem:v7+s18+$0x0], $0xffff;
	v5 =	vadd.f32 v53, v61;
	v4 =	vadd.f32 v50, v4  }
0x374: {  	v40 =	vmovc v59;
	v46 =	vmovc v55;
	v55 =	vor.u32 $0x1B, v0;
	v3 =	vbroadcast v1, $0x7;
	v59 =	vmul.f32 v6, v12  }
0x375: {  	v6 =	vmul.f32 v6, v10;
	v8 =	vld.idx.msk [tilespmem:v8+s18+$0x0], $0xffff;
	v5 =	vadd.f32 v62, v5;
	v4 =	vadd.f32 v54, v4  }
0x376: {  	v50 =	vbroadcast v2, $0x8;
	v60 =	vmul.f32 v51, v3;
	v61 =	vor.u32 $0x1C, v0  }
0x377: {  	v62 =	vmul.f32 v51, v13;
	v5 =	vadd.f32 v59, v5;
	v4 =	vadd.f32 v6, v4  }
0x378: {  	v47 =	vmovc v56;
	v56 =	vor.u32 $0x1D, v0;
	v51 =	vbroadcast v1, $0x9;
	v6 =	vld.idx.msk [tilespmem:v63+s18+$0x0], $0xffff;
	v63 =	vmul.f32 v7, v11  }
0x379: {  	v7 =	vmul.f32 v7, v50;
	v5 =	vadd.f32 v60, v5;
	v4 =	vadd.f32 v62, v4  }
0x37a: {  	[tilespmem:$0x1FFA0] =	vst v30;
	v30 =	vmov v48;
	v48 =	vld.idx.msk [tilespmem:v55+s18+$0x0], $0xffff;
	v53 =	vbroadcast v2, $0x9;
	v62 =	vmul.f32 v8, v51  }
0x37b: {  	v5 =	vadd.f32 v63, v5;
	v4 =	vadd.f32 v7, v4;
	v7 =	vor.u32 $0x1E, v0  }
0x37c: {  	v55 =	vbroadcast v2, $0xA;
	v8 =	vmul.f32 v8, v53;
	v60 =	vld.idx.msk [tilespmem:v61+s18+$0x0], $0xffff  }
0x37d: {  	v54 =	vbroadcast v1, $0xB;
	v63 =	vmul.f32 v6, v52;
	v5 =	vadd.f32 v62, v5  }
0x37e: {  	v0 =	vor.u32 $0x1F, v0;
	v6 =	vmul.f32 v6, v55;
	v4 =	vadd.f32 v8, v4;
	v8 =	vld.idx.msk [tilespmem:v56+s18+$0x0], $0xffff  }
0x37f: {  	v61 =	vmul.f32 v48, v54;
	v56 =	vbroadcast v1, $0xC;
	v5 =	vadd.f32 v63, v5  }
0x380: {  	v59 =	vbroadcast v2, $0xC;
	v4 =	vadd.f32 v6, v4;
	v6 =	vmul.f32 v48, v57;
	v7 =	vld.idx.msk [tilespmem:v7+s18+$0x0], $0xffff  }
0x381: {  	v45 =	vmovc v58;
	v58 =	vbroadcast v1, $0xD;
	v62 =	vmul.f32 v60, v56;
	v5 =	vadd.f32 v61, v5  }
0x382: {  	v4 =	vadd.f32 v6, v4;
	v6 =	vmul.f32 v60, v59;
	v61 =	vbroadcast v2, $0xD  }
0x383: {  	v32 =	vmovc v3;
	v3 =	vld.idx.msk [tilespmem:v0+s18+$0x0], $0xffff;
	v60 =	vbroadcast v1, $0xE;
	v0 =	vadd.f32 v62, v5;
	v5 =	vmul.f32 v8, v58  }
0x384: {  	v63 =	vbroadcast v2, $0xE;
	v4 =	vadd.f32 v6, v4;
	v6 =	vmul.f32 v8, v61  }
0x385: {  	v62 =	vbroadcast v1, $0xF;
	v5 =	vadd.f32 v5, v0;
	v1 =	vmul.f32 v7, v60  }
0x386: {  	v8 =	vld [tilespmem:$0x1E0C0];
	v4 =	vadd.f32 v6, v4;
	v0 =	vbroadcast v2, $0xF;
	v2 =	vmul.f32 v7, v63  }
0x387: {  	v1 =	vadd.f32 v1, v5  }
0x388: {  	v5 =	vmul.f32 v3, v62;
	v2 =	vadd.f32 v2, v4;
	v3 =	vmul.f32 v3, v0;
	_ =	sdelay $0x1  }
0x389: {  	v4 =	vadd.f32 v5, v1;
	v6 =	vadd.f32 v3, v2  }
0x38a: {  	s28 =	simm.s32 $0x10;
	v38 =	vmovc v14;
	v1 =	vbroadcast v8, $0x0;
	v2 =	vbroadcast v8, $0x1;
	v3 =	vlaneseq.u32  }
0x38b: {  	[tilespmem:$0x1FFC0] =	vst v26;
	v36 =	vmovc v12;
	v26 =	vmovc v13;
	v5 =	vshll.u32 v9, $0x1;
	v3 =	vor.u32 s28, v3;
	v7 =	vmul.f32 $1.999999960e-02, v4  }
0x38c: {  	s20 =	simm.s32 $0x20;
	[tilespmem:$0x1FFB0] =	vst v31;
	v29 =	vmovc v10;
	v31 =	vmovc v11;
	v8 =	vmul.f32 $1.999999960e-02, v6;
	v6 =	vor.u32 $0x1, v5;
	v4 =	vshll.u32 v3, $0x5  }
.LBB2_11:
0x38d: {  	_ = 	snop  }
0x38e: {  	v7 =	vadd.f32 v7, v1  }
0x38f: {  	v9 =	vor.u32 $0x1, v4;
	v8 =	vadd.f32 v8, v2  }
0x390: {  	[tilespmem:v5+s19+$0x0] =	vst.idx.msk $0xffff, v7  }
0x391: {  	v11 =	vld [tilespmem:$0x1FF10];
	[tilespmem:v6+s19+$0x0] =	vst.idx.msk $0xffff, v8  }
0x392: {  	v6 =	vld.idx.msk [tilespmem:v4+s18+$0x0], $0xffff  }
0x393: {  	v13 =	vld [tilespmem:$0x1FF30]  }
0x394: {  	v8 =	vld.idx.msk [tilespmem:v9+s18+$0x0], $0xffff  }
0x395: {  	v5 =	vor.u32 $0x2, v4;
	_ =	sdelay $0x1  }
0x396: {  	v11 =	vmul.f32 v6, v11;
	_ =	sdelay $0x1  }
0x397: {  	v13 =	vmul.f32 v8, v13;
	v11 =	vadd.f32 $0.0e+00, v11  }
0x398: {  	v5 =	vld.idx.msk [tilespmem:v5+s18+$0x0], $0xffff  }
0x399: {  	v11 =	vadd.f32 v13, v11;
	v13 =	vld [tilespmem:$0x1FF50]  }
0x39a: {  	v7 =	vor.u32 $0x3, v4;
	_ =	sdelay $0x2  }
0x39b: {  	v9 =	vor.u32 $0x4, v4  }
0x39c: {  	v48 =	vld [tilespmem:$0x1FF60];
	v13 =	vmul.f32 v5, v13  }
0x39d: {  	v7 =	vld.idx.msk [tilespmem:v7+s18+$0x0], $0xffff  }
0x39e: {  	v11 =	vadd.f32 v13, v11;
	v13 =	vld [tilespmem:$0x1FF70]  }
0x39f: {  	v12 =	vld [tilespmem:$0x1FF20]  }
0x3a0: {  	v10 =	vor.u32 $0x5, v4;
	v9 =	vld.idx.msk [tilespmem:v9+s18+$0x0], $0xffff  }
0x3a1: {  	v5 =	vmul.f32 v5, v48;
	v48 =	vld [tilespmem:$0x1FF80];
	_ =	sdelay $0x1  }
0x3a2: {  	v13 =	vmul.f32 v7, v13  }
0x3a3: {  	v14 =	vld [tilespmem:$0x1FF40];
	v6 =	vmul.f32 v6, v12;
	v12 =	vor.u32 $0x6, v4  }
0x3a4: {  	v10 =	vld.idx.msk [tilespmem:v10+s18+$0x0], $0xffff;
	v11 =	vadd.f32 v13, v11;
	v13 =	vmul.f32 v9, v39  }
0x3a5: {  	v7 =	vmul.f32 v7, v48;
	v48 =	vld [tilespmem:$0x1FF90]  }
0x3a6: {  	v11 =	vadd.f32 v13, v11;
	v13 =	vld [tilespmem:$0x1FFA0];
	_ =	sdelay $0x1  }
0x3a7: {  	v12 =	vld.idx.msk [tilespmem:v12+s18+$0x0], $0xffff  }
0x3a8: {  	v8 =	vmul.f32 v8, v14;
	v14 =	vor.u32 $0x7, v4;
	_ =	sdelay $0x1  }
0x3a9: {  	v9 =	vmul.f32 v9, v48;
	v48 =	vld [tilespmem:$0x1FFB0];
	v13 =	vmul.f32 v10, v13;
	_ =	sdelay $0x1  }
0x3aa: {  	v6 =	vadd.f32 $0.0e+00, v6;
	v11 =	vadd.f32 v13, v11;
	v13 =	vmul.f32 v12, v33  }
0x3ab: {  	v14 =	vld.idx.msk [tilespmem:v14+s18+$0x0], $0xffff  }
0x3ac: {  	v6 =	vadd.f32 v8, v6;
	v8 =	vor.u32 $0x8, v4;
	v11 =	vadd.f32 v13, v11;
	v13 =	vld [tilespmem:$0x1FFD0]  }
0x3ad: {  	v10 =	vmul.f32 v10, v48;
	v48 =	vld [tilespmem:$0x1FFC0];
	_ =	sdelay $0x1  }
0x3ae: {  	v5 =	vadd.f32 v5, v6  }
0x3af: {  	v6 =	vor.u32 $0x9, v4  }
0x3b0: {  	v8 =	vld.idx.msk [tilespmem:v8+s18+$0x0], $0xffff;
	v5 =	vadd.f32 v7, v5;
	v13 =	vmul.f32 v14, v13  }
0x3b1: {  	v7 =	vor.u32 $0xA, v4;
	v12 =	vmul.f32 v12, v48;
	v48 =	vld [tilespmem:$0x1FFE0]  }
0x3b2: {  	v5 =	vadd.f32 v9, v5;
	v11 =	vadd.f32 v13, v11;
	v13 =	vld [tilespmem:$0x1FFF0]  }
0x3b3: {  	v9 =	vor.u32 $0xB, v4  }
0x3b4: {  	v6 =	vld.idx.msk [tilespmem:v6+s18+$0x0], $0xffff;
	v5 =	vadd.f32 v10, v5  }
0x3b5: {  	v10 =	vor.u32 $0xC, v4  }
0x3b6: {  	v7 =	vld.idx.msk [tilespmem:v7+s18+$0x0], $0xffff;
	v5 =	vadd.f32 v12, v5;
	v14 =	vmul.f32 v14, v48  }
0x3b7: {  	v12 =	vor.u32 $0xD, v4;
	v13 =	vmul.f32 v8, v13  }
0x3b8: {  	v9 =	vld.idx.msk [tilespmem:v9+s18+$0x0], $0xffff;
	v5 =	vadd.f32 v14, v5;
	v8 =	vmul.f32 v8, v28  }
0x3b9: {  	v14 =	vor.u32 $0xE, v4;
	v11 =	vadd.f32 v13, v11;
	v13 =	vmul.f32 v6, v24  }
0x3ba: {  	v10 =	vld.idx.msk [tilespmem:v10+s18+$0x0], $0xffff;
	v6 =	vmul.f32 v6, v25;
	v5 =	vadd.f32 v8, v5  }
0x3bb: {  	v8 =	vor.u32 $0xF, v4;
	v11 =	vadd.f32 v13, v11;
	v13 =	vmul.f32 v7, v21  }
0x3bc: {  	v12 =	vld.idx.msk [tilespmem:v12+s18+$0x0], $0xffff;
	v7 =	vmul.f32 v7, v23;
	v5 =	vadd.f32 v6, v5  }
0x3bd: {  	v6 =	vor.u32 $0x10, v4;
	v11 =	vadd.f32 v13, v11;
	v13 =	vmul.f32 v9, v18  }
0x3be: {  	v14 =	vld.idx.msk [tilespmem:v14+s18+$0x0], $0xffff;
	v9 =	vmul.f32 v9, v19;
	v5 =	vadd.f32 v7, v5  }
0x3bf: {  	v7 =	vor.u32 $0x11, v4;
	v11 =	vadd.f32 v13, v11;
	v13 =	vmul.f32 v10, v16  }
0x3c0: {  	v8 =	vld.idx.msk [tilespmem:v8+s18+$0x0], $0xffff;
	v10 =	vmul.f32 v10, v17;
	v5 =	vadd.f32 v9, v5  }
0x3c1: {  	v9 =	vor.u32 $0x12, v4;
	v11 =	vadd.f32 v13, v11;
	v13 =	vmul.f32 v12, v15  }
0x3c2: {  	v6 =	vld.idx.msk [tilespmem:v6+s18+$0x0], $0xffff;
	v12 =	vmul.f32 v12, v20;
	v5 =	vadd.f32 v10, v5  }
0x3c3: {  	v10 =	vor.u32 $0x13, v4;
	v11 =	vadd.f32 v13, v11;
	v13 =	vmul.f32 v14, v22  }
0x3c4: {  	v7 =	vld.idx.msk [tilespmem:v7+s18+$0x0], $0xffff;
	v14 =	vmul.f32 v14, v27;
	v5 =	vadd.f32 v12, v5  }
0x3c5: {  	v12 =	vor.u32 $0x14, v4;
	v11 =	vadd.f32 v13, v11;
	v13 =	vmul.f32 v8, v30  }
0x3c6: {  	v9 =	vld.idx.msk [tilespmem:v9+s18+$0x0], $0xffff;
	v8 =	vmul.f32 v8, v34;
	v5 =	vadd.f32 v14, v5  }
0x3c7: {  	v14 =	vor.u32 $0x15, v4;
	v11 =	vadd.f32 v13, v11;
	v13 =	vmul.f32 v6, v37  }
0x3c8: {  	v10 =	vld.idx.msk [tilespmem:v10+s18+$0x0], $0xffff;
	v6 =	vmul.f32 v6, v42;
	v5 =	vadd.f32 v8, v5  }
0x3c9: {  	v8 =	vor.u32 $0x16, v4;
	v11 =	vadd.f32 v13, v11;
	v13 =	vmul.f32 v7, v43  }
0x3ca: {  	v12 =	vld.idx.msk [tilespmem:v12+s18+$0x0], $0xffff;
	v7 =	vmul.f32 v7, v46;
	v5 =	vadd.f32 v6, v5  }
0x3cb: {  	v6 =	vor.u32 $0x17, v4;
	v11 =	vadd.f32 v13, v11;
	v13 =	vmul.f32 v9, v47  }
0x3cc: {  	v14 =	vld.idx.msk [tilespmem:v14+s18+$0x0], $0xffff;
	v9 =	vmul.f32 v9, v44;
	v5 =	vadd.f32 v7, v5  }
0x3cd: {  	v7 =	vor.u32 $0x18, v4;
	v11 =	vadd.f32 v13, v11;
	v13 =	vmul.f32 v10, v45  }
0x3ce: {  	v8 =	vld.idx.msk [tilespmem:v8+s18+$0x0], $0xffff;
	v10 =	vmul.f32 v10, v40;
	v5 =	vadd.f32 v9, v5  }
0x3cf: {  	v9 =	vor.u32 $0x19, v4;
	v11 =	vadd.f32 v13, v11;
	v13 =	vmul.f32 v12, v41  }
0x3d0: {  	v6 =	vld.idx.msk [tilespmem:v6+s18+$0x0], $0xffff;
	v12 =	vmul.f32 v12, v49;
	v5 =	vadd.f32 v10, v5  }
0x3d1: {  	v10 =	vor.u32 $0x1A, v4;
	v11 =	vadd.f32 v13, v11;
	v13 =	vmul.f32 v14, v38  }
0x3d2: {  	v7 =	vld.idx.msk [tilespmem:v7+s18+$0x0], $0xffff;
	v14 =	vmul.f32 v14, v35;
	v5 =	vadd.f32 v12, v5  }
0x3d3: {  	v12 =	vor.u32 $0x1B, v4;
	v11 =	vadd.f32 v13, v11;
	v13 =	vmul.f32 v8, v36  }
0x3d4: {  	v9 =	vld.idx.msk [tilespmem:v9+s18+$0x0], $0xffff;
	v8 =	vmul.f32 v8, v29;
	v5 =	vadd.f32 v14, v5  }
0x3d5: {  	v14 =	vor.u32 $0x1C, v4;
	v11 =	vadd.f32 v13, v11;
	v13 =	vmul.f32 v6, v32  }
0x3d6: {  	v10 =	vld.idx.msk [tilespmem:v10+s18+$0x0], $0xffff;
	v6 =	vmul.f32 v6, v26;
	v5 =	vadd.f32 v8, v5  }
0x3d7: {  	v8 =	vor.u32 $0x1D, v4;
	v11 =	vadd.f32 v13, v11;
	v13 =	vmul.f32 v7, v31  }
0x3d8: {  	v12 =	vld.idx.msk [tilespmem:v12+s18+$0x0], $0xffff;
	v7 =	vmul.f32 v7, v50;
	v5 =	vadd.f32 v6, v5  }
0x3d9: {  	v6 =	vor.u32 $0x1E, v4;
	v11 =	vadd.f32 v13, v11;
	v13 =	vmul.f32 v9, v51  }
0x3da: {  	v14 =	vld.idx.msk [tilespmem:v14+s18+$0x0], $0xffff;
	v9 =	vmul.f32 v9, v53;
	v5 =	vadd.f32 v7, v5  }
0x3db: {  	v4 =	vor.u32 $0x1F, v4;
	v7 =	vadd.f32 v13, v11;
	v11 =	vmul.f32 v10, v52  }
0x3dc: {  	v8 =	vld.idx.msk [tilespmem:v8+s18+$0x0], $0xffff;
	v10 =	vmul.f32 v10, v55;
	v5 =	vadd.f32 v9, v5  }
0x3dd: {  	v9 =	vmul.f32 v12, v54;
	v7 =	vadd.f32 v11, v7  }
0x3de: {  	v6 =	vld.idx.msk [tilespmem:v6+s18+$0x0], $0xffff;
	v11 =	vmul.f32 v12, v57;
	v5 =	vadd.f32 v10, v5  }
0x3df: {  	v7 =	vadd.f32 v9, v7;
	v9 =	vmul.f32 v14, v56  }
0x3e0: {  	v4 =	vld.idx.msk [tilespmem:v4+s18+$0x0], $0xffff;
	v10 =	vmul.f32 v14, v59;
	v5 =	vadd.f32 v11, v5  }
0x3e1: {  	v7 =	vadd.f32 v9, v7;
	v9 =	vmul.f32 v8, v58  }
0x3e2: {  	v8 =	vmul.f32 v8, v61;
	v5 =	vadd.f32 v10, v5  }
0x3e3: {  	v7 =	vadd.f32 v9, v7;
	v9 =	vmul.f32 v6, v60  }
0x3e4: {  	v6 =	vmul.f32 v6, v63;
	v5 =	vadd.f32 v8, v5  }
0x3e5: {  	p0 =	sne.s32 s20, $0x1F0;
	v8 =	vmul.f32 v4, v62;
	v7 =	vadd.f32 v9, v7  }
.Ltmp5:
0x3e6: {  	v4 =	vmul.f32 v4, v0;
	v5 =	vadd.f32 v6, v5;
	(pc) =	sbr.rel @p0 .LBB2_11-.Ltmp5, $4  }
0x3e7: {  	v6 =	vadd.f32 v8, v7  }
0x3e8: {  	v8 =	vadd.f32 v4, v5;
	v5 =	vshll.u32 v3, $0x1;
	v3 =	vlaneseq.u32  }
0x3e9: {  	v3 =	vor.u32 s20, v3;
	v7 =	vmul.f32 $1.999999960e-02, v6  }
0x3ea: {  	s20 =	sadd.s32 $0x10, s20;
	v6 =	vor.u32 $0x1, v5;
	v4 =	vshll.u32 v3, $0x5;
	v8 =	vmul.f32 $1.999999960e-02, v8  }
0x3eb: {  	_ =	sdelay $0x1  }
0x3ec: {  	v7 =	vadd.f32 v7, v1;
	v9 =	vor.u32 $0x1, v4  }
0x3ed: {  	v10 =	vld [tilespmem:$0x1FF10];
	v8 =	vadd.f32 v8, v2  }
0x3ee: {  	v12 =	vld [tilespmem:$0x1FF20];
	[tilespmem:v5+s19+$0x0] =	vst.idx.msk $0xffff, v7  }
0x3ef: {  	v48 =	vld [tilespmem:$0x1FF30];
	[tilespmem:v6+s19+$0x0] =	vst.idx.msk $0xffff, v8  }
0x3f0: {  	v14 =	vor.u32 $0x2, v4;
	v6 =	vld.idx.msk [tilespmem:v4+s18+$0x0], $0xffff  }
0x3f1: {  	v8 =	vld.idx.msk [tilespmem:v9+s18+$0x0], $0xffff;
	_ =	sdelay $0x3  }
0x3f2: {  	v5 =	vld.idx.msk [tilespmem:v14+s18+$0x0], $0xffff;
	v10 =	vmul.f32 v6, v10  }
0x3f3: {  	v6 =	vmul.f32 v6, v12;
	v12 =	vmul.f32 v8, v48;
	v48 =	vld [tilespmem:$0x1FF50]  }
0x3f4: {  	v14 =	vld [tilespmem:$0x1FF40]  }
0x3f5: {  	v7 =	vor.u32 $0x3, v4  }
0x3f6: {  	v11 =	vor.u32 $0x5, v4;
	v10 =	vadd.f32 $0.0e+00, v10;
	_ =	sdelay $0x1  }
0x3f7: {  	v10 =	vadd.f32 v12, v10;
	v12 =	vmul.f32 v5, v48;
	v48 =	vld [tilespmem:$0x1FF60]  }
0x3f8: {  	v8 =	vmul.f32 v8, v14;
	v6 =	vadd.f32 $0.0e+00, v6  }
0x3f9: {  	v9 =	vor.u32 $0x4, v4;
	v7 =	vld.idx.msk [tilespmem:v7+s18+$0x0], $0xffff  }
0x3fa: {  	v6 =	vadd.f32 v8, v6;
	v8 =	vld.idx.msk [tilespmem:v11+s18+$0x0], $0xffff  }
0x3fb: {  	v11 =	vld [tilespmem:$0x1FF70]  }
0x3fc: {  	v5 =	vmul.f32 v5, v48;
	v48 =	vld [tilespmem:$0x1FF80];
	_ =	sdelay $0x1  }
0x3fd: {  	v9 =	vld.idx.msk [tilespmem:v9+s18+$0x0], $0xffff;
	_ =	sdelay $0x2  }
0x3fe: {  	v10 =	vadd.f32 v12, v10;
	v11 =	vmul.f32 v7, v11;
	v7 =	vmul.f32 v7, v48;
	v48 =	vld [tilespmem:$0x1FF90];
	_ =	sdelay $0x1  }
0x3ff: {  	v10 =	vadd.f32 v11, v10;
	v11 =	vmul.f32 v9, v39;
	_ =	sdelay $0x1  }
0x400: {  	v13 =	vor.u32 $0x6, v4;
	v10 =	vadd.f32 v11, v10;
	v11 =	vld [tilespmem:$0x1FFA0]  }
0x401: {  	v9 =	vmul.f32 v9, v48;
	v48 =	vld [tilespmem:$0x1FFB0];
	_ =	sdelay $0x3  }
0x402: {  	v14 =	vor.u32 $0x7, v4;
	v5 =	vadd.f32 v5, v6;
	v6 =	vld.idx.msk [tilespmem:v13+s18+$0x0], $0xffff  }
0x403: {  	v11 =	vmul.f32 v8, v11;
	v8 =	vmul.f32 v8, v48;
	v48 =	vld [tilespmem:$0x1FFC0];
	_ =	sdelay $0x2  }
0x404: {  	v12 =	vor.u32 $0x8, v4;
	v39 =	vld [tilespmem:$0x1FFD0]  }
0x405: {  	v13 =	vor.u32 $0x9, v4;
	v5 =	vadd.f32 v7, v5;
	v7 =	vld.idx.msk [tilespmem:v14+s18+$0x0], $0xffff  }
0x406: {  	v10 =	vadd.f32 v11, v10;
	v11 =	vmul.f32 v6, v33;
	v6 =	vmul.f32 v6, v48;
	v48 =	vld [tilespmem:$0x1FFE0];
	_ =	sdelay $0x1  }
0x407: {  	v5 =	vadd.f32 v9, v5  }
0x408: {  	v9 =	vld.idx.msk [tilespmem:v12+s18+$0x0], $0xffff  }
0x409: {  	v14 =	vor.u32 $0xA, v4;
	v5 =	vadd.f32 v8, v5;
	v8 =	vld.idx.msk [tilespmem:v13+s18+$0x0], $0xffff  }
0x40a: {  	v13 =	vmul.f32 v7, v39;
	v7 =	vmul.f32 v7, v48;
	v48 =	vld [tilespmem:$0x1FFF0]  }
0x40b: {  	v12 =	vor.u32 $0xB, v4;
	_ =	sdelay $0x1  }
0x40c: {  	v10 =	vadd.f32 v11, v10;
	v11 =	vor.u32 $0xC, v4  }
0x40d: {  	v5 =	vadd.f32 v6, v5;
	v6 =	vld.idx.msk [tilespmem:v14+s18+$0x0], $0xffff  }
0x40e: {  	v39 =	vor.u32 $0xD, v4;
	v10 =	vadd.f32 v13, v10;
	v14 =	vmul.f32 v9, v48  }
0x40f: {  	v5 =	vadd.f32 v7, v5;
	v7 =	vld.idx.msk [tilespmem:v12+s18+$0x0], $0xffff;
	v9 =	vmul.f32 v9, v28  }
0x410: {  	v12 =	vor.u32 $0xE, v4;
	v28 =	vmul.f32 v8, v24;
	v10 =	vadd.f32 v14, v10  }
0x411: {  	v8 =	vmul.f32 v8, v25;
	v5 =	vadd.f32 v9, v5;
	v9 =	vld.idx.msk [tilespmem:v11+s18+$0x0], $0xffff  }
0x412: {  	v33 =	vmul.f32 v6, v21;
	v11 =	vor.u32 $0xF, v4;
	v10 =	vadd.f32 v28, v10  }
0x413: {  	v6 =	vmul.f32 v6, v23;
	v5 =	vadd.f32 v8, v5;
	v8 =	vld.idx.msk [tilespmem:v39+s18+$0x0], $0xffff  }
0x414: {  	v48 =	vmul.f32 v7, v18;
	v39 =	vor.u32 $0x10, v4;
	v10 =	vadd.f32 v33, v10  }
0x415: {  	v7 =	vmul.f32 v7, v19;
	v5 =	vadd.f32 v6, v5;
	v6 =	vld.idx.msk [tilespmem:v12+s18+$0x0], $0xffff  }
0x416: {  	v18 =	vor.u32 $0x11, v4;
	v19 =	vmul.f32 v9, v16;
	v10 =	vadd.f32 v48, v10  }
0x417: {  	v9 =	vmul.f32 v9, v17;
	v5 =	vadd.f32 v7, v5;
	v7 =	vld.idx.msk [tilespmem:v11+s18+$0x0], $0xffff  }
0x418: {  	v11 =	vor.u32 $0x12, v4;
	v21 =	vmul.f32 v8, v15;
	v10 =	vadd.f32 v19, v10  }
0x419: {  	v8 =	vmul.f32 v8, v20;
	v5 =	vadd.f32 v9, v5;
	v9 =	vld.idx.msk [tilespmem:v39+s18+$0x0], $0xffff  }
0x41a: {  	v23 =	vor.u32 $0x13, v4;
	v24 =	vmul.f32 v6, v22;
	v10 =	vadd.f32 v21, v10  }
0x41b: {  	v6 =	vmul.f32 v6, v27;
	v5 =	vadd.f32 v8, v5;
	v8 =	vld.idx.msk [tilespmem:v18+s18+$0x0], $0xffff  }
0x41c: {  	v25 =	vor.u32 $0x14, v4;
	v27 =	vmul.f32 v7, v30;
	v10 =	vadd.f32 v24, v10  }
0x41d: {  	v7 =	vmul.f32 v7, v34;
	v5 =	vadd.f32 v6, v5;
	v6 =	vld.idx.msk [tilespmem:v11+s18+$0x0], $0xffff  }
0x41e: {  	v11 =	vor.u32 $0x15, v4;
	v28 =	vmul.f32 v9, v37;
	v10 =	vadd.f32 v27, v10  }
0x41f: {  	v9 =	vmul.f32 v9, v42;
	v5 =	vadd.f32 v7, v5;
	v7 =	vld.idx.msk [tilespmem:v23+s18+$0x0], $0xffff  }
0x420: {  	v30 =	vor.u32 $0x16, v4;
	v33 =	vmul.f32 v8, v43;
	v10 =	vadd.f32 v28, v10  }
0x421: {  	v8 =	vmul.f32 v8, v46;
	v5 =	vadd.f32 v9, v5;
	v9 =	vld.idx.msk [tilespmem:v25+s18+$0x0], $0xffff  }
0x422: {  	v34 =	vor.u32 $0x17, v4;
	v37 =	vmul.f32 v6, v47;
	v10 =	vadd.f32 v33, v10  }
0x423: {  	v6 =	vmul.f32 v6, v44;
	v5 =	vadd.f32 v8, v5;
	v8 =	vld.idx.msk [tilespmem:v11+s18+$0x0], $0xffff  }
0x424: {  	v11 =	vor.u32 $0x18, v4;
	v39 =	vmul.f32 v7, v45;
	v10 =	vadd.f32 v37, v10  }
0x425: {  	v7 =	vmul.f32 v7, v40;
	v5 =	vadd.f32 v6, v5;
	v6 =	vld.idx.msk [tilespmem:v30+s18+$0x0], $0xffff  }
0x426: {  	v40 =	vor.u32 $0x19, v4;
	v42 =	vmul.f32 v9, v41;
	v10 =	vadd.f32 v39, v10  }
0x427: {  	v9 =	vmul.f32 v9, v49;
	v5 =	vadd.f32 v7, v5;
	v7 =	vld.idx.msk [tilespmem:v34+s18+$0x0], $0xffff  }
0x428: {  	v43 =	vor.u32 $0x1A, v4;
	v44 =	vmul.f32 v8, v38;
	v10 =	vadd.f32 v42, v10  }
0x429: {  	v8 =	vmul.f32 v8, v35;
	v5 =	vadd.f32 v9, v5;
	v9 =	vld.idx.msk [tilespmem:v11+s18+$0x0], $0xffff  }
0x42a: {  	v11 =	vor.u32 $0x1B, v4;
	v45 =	vmul.f32 v6, v36;
	v10 =	vadd.f32 v44, v10  }
0x42b: {  	v6 =	vmul.f32 v6, v29;
	v5 =	vadd.f32 v8, v5;
	v8 =	vld.idx.msk [tilespmem:v40+s18+$0x0], $0xffff  }
0x42c: {  	v46 =	vor.u32 $0x1C, v4;
	v47 =	vmul.f32 v7, v32;
	v10 =	vadd.f32 v45, v10  }
0x42d: {  	v7 =	vmul.f32 v7, v26;
	v5 =	vadd.f32 v6, v5;
	v6 =	vld.idx.msk [tilespmem:v43+s18+$0x0], $0xffff  }
0x42e: {  	v48 =	vor.u32 $0x1D, v4;
	v49 =	vmul.f32 v9, v31;
	v10 =	vadd.f32 v47, v10  }
0x42f: {  	v9 =	vmul.f32 v9, v50;
	v5 =	vadd.f32 v7, v5;
	v7 =	vld.idx.msk [tilespmem:v11+s18+$0x0], $0xffff  }
0x430: {  	v11 =	vor.u32 $0x1E, v4;
	v50 =	vmul.f32 v8, v51;
	v10 =	vadd.f32 v49, v10  }
0x431: {  	v8 =	vmul.f32 v8, v53;
	v5 =	vadd.f32 v9, v5;
	v9 =	vld.idx.msk [tilespmem:v46+s18+$0x0], $0xffff  }
0x432: {  	v51 =	vor.u32 $0x1F, v4;
	v53 =	vmul.f32 v6, v52;
	v10 =	vadd.f32 v50, v10  }
0x433: {  	v6 =	vmul.f32 v6, v55;
	v5 =	vadd.f32 v8, v5;
	v8 =	vld.idx.msk [tilespmem:v48+s18+$0x0], $0xffff  }
0x434: {  	v55 =	vmul.f32 v7, v54;
	v10 =	vadd.f32 v53, v10  }
0x435: {  	v7 =	vmul.f32 v7, v57;
	v5 =	vadd.f32 v6, v5;
	v6 =	vld.idx.msk [tilespmem:v11+s18+$0x0], $0xffff  }
0x436: {  	v11 =	vmul.f32 v9, v56;
	v10 =	vadd.f32 v55, v10  }
0x437: {  	v4 =	vld.idx.msk [tilespmem:v51+s18+$0x0], $0xffff;
	v9 =	vmul.f32 v9, v59;
	v5 =	vadd.f32 v7, v5  }
0x438: {  	v7 =	vadd.f32 v11, v10;
	v10 =	vmul.f32 v8, v58  }
0x439: {  	v8 =	vmul.f32 v8, v61;
	v5 =	vadd.f32 v9, v5  }
0x43a: {  	v9 =	vmul.f32 v6, v60;
	v7 =	vadd.f32 v10, v7  }
0x43b: {  	v6 =	vmul.f32 v6, v63;
	v5 =	vadd.f32 v8, v5  }
0x43c: {  	v8 =	vmul.f32 v4, v62;
	v7 =	vadd.f32 v9, v7  }
0x43d: {  	v0 =	vmul.f32 v4, v0;
	v59 =	vadd.f32 v6, v5  }
0x43e: {  	v60 =	vadd.f32 v8, v7  }
0x43f: {  	v3 =	vshll.u32 v3, $0x1;
	v0 =	vadd.f32 v0, v59  }
0x440: {  	v62 =	vor.u32 $0x1, v3;
	v61 =	vmul.f32 $1.999999960e-02, v60  }
0x441: {  	v0 =	vmul.f32 $1.999999960e-02, v0  }
0x442: {  	v63 =	vadd.f32 v61, v1  }
0x443: {  	v0 =	vadd.f32 v0, v2  }
0x444: {  	[tilespmem:v3+s19+$0x0] =	vst.idx.msk $0xffff, v63  }
0x445: {  	s20 =	rddreg [dreg:$0x7];
	[tilespmem:v62+s19+$0x0] =	vst.idx.msk $0xffff, v0  }
0x446: {  	[hbm4b:s20+s3] =	stream.linear.scatter [tilespmem:s19], [sflag:$0x3], $0x400, $0x38;
	[tilespmem:$0x1E0D0] =	vst v63  }
0x447: {  	_ =	swait.ge [sflag:s12], $0x400  }
0x448: {  	s21 =	rddreg [dreg:$0x9]  }
0x449: {  	s28 =	rddreg [dreg:$0x8];
	s21 =	sadd.s32 $0x1, s21  }
0x44a: {  	p0 =	sne.s32 s21, s28  }
.Ltmp6:
0x44b: {  	_ = 	snop;
	(pc) =	sbr.rel @p0 .LBB2_1-.Ltmp6, $3  }
0x44c: {  	_ =	sdelay $0x1  }
0x44d: {  	[sflag:s12] =	ssyncset.done $0x0  }
0x44e: {  	v8 =	vlaneseq.u32;
	[sflag:s12] =	ssyncadd.s32 $0xFFFFFC00  }
0x44f: {  	_ =	sfence.sel $0x180000  }
0x450: {  	[bflag:$0x0] =	sbarrier.arrive $0xFFFF  }
0x451: {  	_ =	strace $0x90000047  }
0x452: {  	s0 =	stileid.u32;
	[bflag:$0x2] =	sbarrier.arrive $0xFFFF  }
0x453: {  	p0 =	sne.s32 s0, $0x0;
	s0 =	rddreg [dreg:$0x3]  }
0x454: {  	s0 =	sadd.s32 @!p0 $0x100000, s0  }
0x455: {  	[sflag:s0] =	ssyncadd.tile.s32 @!p0 $0x1;
	_ =	shalt  }
.Lfunc_end2:
_tile_overlayer_lowered:
.L_overlay_start_2:
0x456: {  	(tag) =	ssettag $0x2  }
0x457: {  	s0 =	rddreg [dreg:$0x0];
	s2 =	stileid.u32  }
0x458: {  	s1 =	rddreg [dreg:$0x1];
	p0 =	sne.s32 s2, $0x0  }
0x459: {  	s3 =	rddreg [dreg:$0x2];
	[bflag:$0x3] =	sbarrier.arrive $0xFFFF;
	s2 =	simm.s32 @!p0 $0x1C03  }
0x45a: {  	[timem:s3], [sflag:s2] =	dma.local @!p0 [hbm:s0], s1  }
0x45b: {  	s0 =	simm.s32 @!p0 $0x3  }
0x45c: {  	_ =	swait.ge @!p0 [sflag:s0], s1  }
0x45d: {  	s1 =	ssub.s32 @!p0 $0x0, s1;
	[sflag:s0] =	ssyncset.done @!p0 $0x0  }
0x45e: {  	[sflag:s0] =	ssyncadd.s32 @!p0 s1  }
0x45f: {  	[bflag:$0x3] =	sbarrier.arrive $0xFFFF  }
0x460: {  	_ =	shalt  }

</sc_bundles>
